<compile_context>
chip_gen: v7x
topology: tpu7x:2x2x1
jax: 0.10.2.dev20260603
libtpu: 0.0.44.dev20260713+nightly
codegen_flags: <defaults>
</compile_context>

<pallas_src>
import functools

import jax
import jax.numpy as jnp
from jax import lax
from jax.experimental import pallas as pl
from jax.experimental.pallas import tpu as pltpu
from jax.experimental.pallas import tpu_sc as plsc

B, N, DIM, K = 4, 1024, 256, 16
BN = B * N
BNK = BN * K
PPAD = 16



ROW = DIM + 128


def _prep_body(x_ref, pos_ref, wkv_ref, out_ref):
    y = jax.lax.dot_general(
        x_ref[...].astype(jnp.bfloat16), wkv_ref[...],
        (((1,), (0,)), ((), ())), preferred_element_type=jnp.float32)
    yk = jax.lax.bitcast_convert_type(y[:, :DIM], jnp.int32)
    yv = jax.lax.bitcast_convert_type(y[:, DIM:], jnp.int32)
    blk = y.shape[0]
    out_ref[:, :DIM] = (yv & jnp.int32(-65536)) | jax.lax.shift_right_logical(
        yk, 16)
    posw = jax.lax.bitcast_convert_type(pos_ref[...], jnp.int32)
    out_ref[:, DIM:] = jnp.pad(posw, ((0, 0), (0, 128 - PPAD)))


def _prep(x_f, pos_flat, wkv):
    blk = 1024
    return pl.pallas_call(
        _prep_body,
        grid=(BN // blk,),
        in_specs=[
            pl.BlockSpec((blk, DIM), lambda i: (i, 0)),
            pl.BlockSpec((blk, PPAD), lambda i: (i, 0)),
            pl.BlockSpec((DIM, 2 * DIM), lambda i: (0, 0)),
        ],
        out_specs=pl.BlockSpec((blk, ROW), lambda i: (i, 0)),
        out_shape=jax.ShapeDtypeStruct((BN, ROW), jnp.int32),
    )(x_f, pos_flat, wkv.astype(jnp.bfloat16))



QB = 256


def _knn_body(pos_ref, post_ref, idx_ref, *, boff):
    b = pl.program_id(0) + boff
    p = pos_ref[0]
    pt = post_ref[0]
    g = jax.lax.dot_general(p, pt, (((1,), (0,)), ((), ())),
                            preferred_element_type=jnp.float32,
                            precision=jax.lax.Precision.HIGHEST)
    n2 = jnp.sum(pt * pt, axis=0, keepdims=True)
    iota = lax.broadcasted_iota(jnp.int32, (QB, N), 1)
    nrow = n2 * 131072.0 + 393344.0
    key = (jax.lax.shift_left(
        (g * -262144.0 + nrow).astype(jnp.int32), 10) | iota)
    cols = []
    for t in range(K):
        m = jnp.min(key, axis=1, keepdims=True)
        key = jnp.where(key == m, jnp.int32(0x7FFFFFFF), key)
        cols.append(m & 1023)
    idx_ref[0] = jnp.concatenate(cols, axis=1) + b * N


def _knn(pospad, post, boff, hb):
    return pl.pallas_call(
        functools.partial(_knn_body, boff=boff),
        grid=(hb, N // QB),
        in_specs=[
            pl.BlockSpec((1, QB, PPAD), lambda b, q: (b, q, 0)),
            pl.BlockSpec((1, PPAD, N), lambda b, q: (b, 0, 0)),
        ],
        out_specs=pl.BlockSpec((1, QB, K), lambda b, q: (b, q, 0)),
        out_shape=jax.ShapeDtypeStruct((hb, N, K), jnp.int32),
    )(pospad, post)



NC, NS = 2, 16
NW = NC * NS
CH = 128


def _gather_body(kv_hbm, idx_hbm, kv_out, idx_v, kv_buf0, kv_buf1,
                 sem_g0, sem_g1, sem_o0, sem_o1, *, per_w):
    wid = lax.axis_index("s") * NC + lax.axis_index("c")
    base = wid * per_w
    pltpu.sync_copy(idx_hbm.at[pl.ds(base, per_w)], idx_v)

    bufs = (kv_buf0, kv_buf1)
    sems_g = (sem_g0, sem_g1)
    sems_o = (sem_o0, sem_o1)
    nch = per_w // CH
    outs = [None, None]
    for c in range(nch):
        i = c % 2
        if outs[i] is not None:
            outs[i].wait()
        pltpu.async_copy(kv_hbm.at[idx_v.at[pl.ds(c * CH, CH)]], bufs[i],
                         sems_g[i]).wait()
        outs[i] = pltpu.async_copy(bufs[i],
                                   kv_out.at[pl.ds(base + c * CH, CH)],
                                   sems_o[i])
    outs[0].wait()
    outs[1].wait()


def _gather(kv_i32, idx_flat):
    ni = idx_flat.shape[0]
    per_w = ni // NW
    mesh = plsc.VectorSubcoreMesh(core_axis_name="c", subcore_axis_name="s")
    f = functools.partial(
        pl.kernel,
        out_type=jax.ShapeDtypeStruct((ni, ROW), jnp.int32),
        mesh=mesh,
        scratch_types=[
            pltpu.VMEM((per_w,), jnp.int32),
            pltpu.VMEM((CH, ROW), jnp.int32),
            pltpu.VMEM((CH, ROW), jnp.int32),
            pltpu.SemaphoreType.DMA,
            pltpu.SemaphoreType.DMA,
            pltpu.SemaphoreType.DMA,
            pltpu.SemaphoreType.DMA,
        ],
    )(functools.partial(_gather_body, per_w=per_w))
    return f(kv_i32, idx_flat)



QD = 128


def _dense_body(x_ref, pos_ref, kvg_ref, wq_ref, w1p_ref, b1_ref,
                w2_ref, b2_ref, aw1_ref, ab1_ref, aw2_ref, ab2_ref,
                fw_ref, fb_ref, out_ref):
    f32 = jnp.float32
    bf16 = jnp.bfloat16
    mm = lambda a, b: jax.lax.dot_general(
        a.astype(bf16), b, (((1,), (0,)), ((), ())),
        preferred_element_type=f32)

    xq = x_ref[...]
    q = mm(xq, wq_ref[...])
    kvg = kvg_ref[:, :DIM]
    k_g = jax.lax.bitcast_convert_type(
        jax.lax.shift_left(kvg, 16), f32)
    v_g = jax.lax.bitcast_convert_type(kvg & jnp.int32(-65536), f32)

    pg = jax.lax.bitcast_convert_type(
        kvg_ref[:, DIM:DIM + PPAD], f32)
    pi = pos_ref[...]
    pib = jnp.broadcast_to(pi[:, None, :], (QD, K, PPAD)).reshape(QD * K, PPAD)
    rel = pib - pg

    r = jax.nn.relu(mm(rel, w1p_ref[...]) + b1_ref[...])
    pe = mm(r, w2_ref[...]) + b2_ref[...]
    h3 = q[:, None, :] - k_g.reshape(QD, K, DIM) + pe.reshape(QD, K, DIM)
    a1 = jax.nn.relu(mm(h3.reshape(QD * K, DIM), aw1_ref[...]) + ab1_ref[...])
    logits = mm(a1, aw2_ref[...]) + ab2_ref[...]

    e = jnp.exp(logits.reshape(QD, K, DIM))
    sm = jnp.sum(e, axis=1)
    vpe = (v_g + pe).reshape(QD, K, DIM)
    agg = jnp.sum(e * vpe, axis=1) / sm
    out_ref[...] = mm(agg, fw_ref[...]) + fb_ref[...] + xq


def _dense(x_f, pos_f, kv_g, wq, w1p, b1, w2, b2, aw1, ab1, aw2,
           ab2, fw, fb):
    nr = x_f.shape[0]
    full = lambda r, c: pl.BlockSpec((r, c), lambda i: (0, 0))
    return pl.pallas_call(
        _dense_body,
        grid=(nr // QD,),
        in_specs=[
            pl.BlockSpec((QD, DIM), lambda i: (i, 0)),
            pl.BlockSpec((QD, PPAD), lambda i: (i, 0)),
            pl.BlockSpec((QD * K, ROW), lambda i: (i, 0)),
            full(DIM, DIM),
            full(PPAD, DIM),
            full(1, DIM),
            full(DIM, DIM),
            full(1, DIM),
            full(DIM, DIM),
            full(1, DIM),
            full(DIM, DIM),
            full(1, DIM),
            full(DIM, DIM),
            full(1, DIM),
        ],
        out_specs=pl.BlockSpec((QD, DIM), lambda i: (i, 0)),
        out_shape=jax.ShapeDtypeStruct((nr, DIM), jnp.float32),
    )(x_f, pos_f, kv_g, wq, w1p, b1, w2, b2, aw1, ab1, aw2, ab2,
      fw, fb)




def kernel(x, pos, Wq, Wk, Wv, pos_w1, pos_b1, pos_w2, pos_b2,
           attn_w1, attn_b1, attn_w2, attn_b2, fin_w, fin_b):
    x_f = x.reshape(BN, DIM)
    pospad = jnp.pad(pos, ((0, 0), (0, 0), (0, PPAD - 3)))
    post = jnp.transpose(pospad, (0, 2, 1))
    wkv = jnp.concatenate([Wk, Wv], axis=1)
    w1p = jnp.pad(pos_w1, ((0, PPAD - 3), (0, 0)))
    row = lambda v: v.reshape(1, DIM)

    bf16 = jnp.bfloat16
    pos_flat = pospad.reshape(BN, PPAD)
    kv_i32 = _prep(x_f, pos_flat, wkv)
    halves = 2
    hb = B // halves
    gathered = []
    for h in range(halves):
        pp = pospad[h * hb:(h + 1) * hb]
        pt = post[h * hb:(h + 1) * hb]
        idx = _knn(pp, pt, h * hb, hb)
        kv_g = _gather(kv_i32, idx.reshape(hb * N * K))
        gathered.append(kv_g)
    outs = []
    for h in range(halves):
        o = _dense(x_f[h * hb * N:(h + 1) * hb * N],
                   pos_flat[h * hb * N:(h + 1) * hb * N],
                   gathered[h], Wq.astype(bf16),
                   w1p.astype(bf16), row(pos_b1), pos_w2.astype(bf16),
                   row(pos_b2), attn_w1.astype(bf16), row(attn_b1),
                   (attn_w2 * 0.0625).astype(bf16), row(attn_b2) * 0.0625,
                   fin_w.astype(bf16), row(fin_b))
        outs.append(o)
    return jnp.concatenate(outs, axis=0).reshape(B, N, DIM)

# --- scband reference (transcript-rebuilt; emitter-appended) ---
"""Pipeline reference for scband-point-transformer-block-661424963758 (READ-ONLY COPY).

The authoritative reference and input builder live on the scoring server;
editing this copy changes nothing except your own understanding.
"""

import jax, jax.numpy as jnp
import numpy as np

B, N, DIM, K = 4, 1024, 256, 16


def setup_inputs(seed: int = 0) -> dict:
    key = jax.random.key(seed)
    ks = jax.random.split(key, 16)
    def w(k, shape):
        return jax.random.normal(k, shape, dtype=jnp.float32) * 0.02
    return {
        "x": jax.random.normal(ks[0], (B, N, DIM), dtype=jnp.float32),
        "pos": jax.random.uniform(ks[1], (B, N, 3), dtype=jnp.float32),
        "Wq": w(ks[2], (DIM, DIM)),
        "Wk": w(ks[3], (DIM, DIM)),
        "Wv": w(ks[4], (DIM, DIM)),
        "pos_w1": w(ks[5], (3, DIM)),
        "pos_b1": jnp.zeros((DIM,), jnp.float32),
        "pos_w2": w(ks[6], (DIM, DIM)),
        "pos_b2": jnp.zeros((DIM,), jnp.float32),
        "attn_w1": w(ks[7], (DIM, DIM)),
        "attn_b1": jnp.zeros((DIM,), jnp.float32),
        "attn_w2": w(ks[8], (DIM, DIM)),
        "attn_b2": jnp.zeros((DIM,), jnp.float32),
        "fin_w": w(ks[9], (DIM, DIM)),
        "fin_b": jnp.zeros((DIM,), jnp.float32),
    }


def reference(x, pos, Wq, Wk, Wv, pos_w1, pos_b1, pos_w2, pos_b2,
              attn_w1, attn_b1, attn_w2, attn_b2, fin_w, fin_b):
    x_pre = x
    # kNN: full pairwise squared distances, then argsort and take first K
    dists = jnp.sum((pos[:, :, None, :] - pos[:, None, :, :]) ** 2, axis=-1)  # [B,N,N]
    knn_idx = jnp.argsort(dists, axis=-1)[:, :, :K]  # [B,N,K]
    bidx = jnp.arange(B)[:, None, None]
    knn_xyz = pos[bidx, knn_idx]  # [B,N,K,3]

    q = x @ Wq              # [B,N,DIM]
    k_full = x @ Wk
    v_full = x @ Wv
    k_nb = k_full[bidx, knn_idx]  # [B,N,K,DIM] gather
    v_nb = v_full[bidx, knn_idx]  # [B,N,K,DIM] gather

    rel = pos[:, :, None, :] - knn_xyz  # [B,N,K,3]
    pos_enc = jax.nn.relu(rel @ pos_w1 + pos_b1) @ pos_w2 + pos_b2  # [B,N,K,DIM]

    h = q[:, :, None, :] - k_nb + pos_enc
    attn = jax.nn.relu(h @ attn_w1 + attn_b1) @ attn_w2 + attn_b2  # [B,N,K,DIM]
    attn = jax.nn.softmax(attn / np.sqrt(DIM), axis=-2)  # softmax over neighbor axis

    agg = jnp.sum(attn * (v_nb + pos_enc), axis=2)  # einsum 'bijd,bijd->bid'
    out = agg @ fin_w + fin_b + x_pre
    return out

if __name__ == "__main__":
    import jax
    _d = setup_inputs()
    print(jax.jit(kernel)(*tuple(_d.values())))

</pallas_src>

<mosaic_0001>
#map = affine_map<(d0, d1) -> (0, 0)>
#map1 = affine_map<(d0, d1) -> (0)>
module attributes {stable_mosaic.version = 14 : i64} {
  func.func @_gather_body(%arg0: i32, %arg1: i32, %arg2: memref<4096x384xi32, #tpu.memory_space<hbm>>, %arg3: memref<32768xi32, #tpu.memory_space<hbm>>, %arg4: memref<32768x384xi32, #tpu.memory_space<hbm>>, %arg5: memref<1024xi32, #tpu.memory_space<vmem>>, %arg6: memref<128x384xi32, #tpu.memory_space<vmem>>, %arg7: memref<128x384xi32, #tpu.memory_space<vmem>>, %arg8: memref<!tpu.dma_semaphore, #tpu.memory_space<semaphore_mem>>, %arg9: memref<!tpu.dma_semaphore, #tpu.memory_space<semaphore_mem>>, %arg10: memref<!tpu.dma_semaphore, #tpu.memory_space<semaphore_mem>>, %arg11: memref<!tpu.dma_semaphore, #tpu.memory_space<semaphore_mem>>) attributes {dimension_semantics = [#tpu.dimension_semantics<core_parallel>, #tpu.dimension_semantics<subcore_parallel>], iteration_bounds = array<i64: 2, 16>, scalar_prefetch = 0 : i64, scratch_operands = 7 : i64, tpu.core_type = #tpu.core_type<sc_vector_subcore>, window_params = [{transform_indices = #map}, {transform_indices = #map1}, {transform_indices = #map}]} {
    %mul3A = arith.constant 2 : i32
    %mul3A_0 = arith.muli %arg1, %mul3A : i32
    %add3A = arith.addi %mul3A_0, %arg0 : i32
    %mul3A_1 = arith.constant 1024 : i32
    %mul3A_2 = arith.muli %add3A, %mul3A_1 : i32
    "tpu.region"() ({
      %run_scoped3A = tpu.sem_alloc : memref<!tpu.dma_semaphore, #tpu.memory_space<semaphore_mem>>
      %dma_start3A_161 = tpu.memref_slice %arg3[%mul3A_2] : memref<32768xi32, #tpu.memory_space<hbm>> -> memref<1024xi32, #tpu.memory_space<hbm>>
      %dma_start3A_162 = tpu.memref_slice %arg3[%mul3A_2] : memref<32768xi32, #tpu.memory_space<hbm>> -> memref<1024xi32, #tpu.memory_space<hbm>>
      tpu.enqueue_dma source(%dma_start3A_162 : memref<1024xi32, #tpu.memory_space<hbm>>) target(%arg5 : memref<1024xi32, #tpu.memory_space<vmem>>) target_semaphore(%run_scoped3A : memref<!tpu.dma_semaphore, #tpu.memory_space<semaphore_mem>>)
      %dma_wait3A_163 = tpu.memref_slice %arg3[%mul3A_2] : memref<32768xi32, #tpu.memory_space<hbm>> -> memref<1024xi32, #tpu.memory_space<hbm>>
      %dma_wait3A_164 = tpu.memref_slice %arg3[%mul3A_2] : memref<32768xi32, #tpu.memory_space<hbm>> -> memref<1024xi32, #tpu.memory_space<hbm>>
      tpu.wait_dma2 semaphore(%run_scoped3A : memref<!tpu.dma_semaphore, #tpu.memory_space<semaphore_mem>>) src(%dma_wait3A_164 : memref<1024xi32, #tpu.memory_space<hbm>>) dst(%arg5 : memref<1024xi32, #tpu.memory_space<vmem>>)
      tpu.yield
    }) : () -> ()
    %dma_start3A = arith.constant 0 : i32
    %dma_start3A_3 = tpu.memref_slice %arg5[%dma_start3A] : memref<1024xi32, #tpu.memory_space<vmem>> -> memref<128xi32, #tpu.memory_space<vmem>>
    %dma_start3A_4 = arith.constant 0 : i32
    %dma_start3A_5 = arith.constant 0 : i32
    %dma_start3A_6 = tpu.memref_slice %arg2[%dma_start3A_4, %dma_start3A_5] : memref<4096x384xi32, #tpu.memory_space<hbm>> -> memref<4096x384xi32, #tpu.memory_space<hbm>>
    tpu.enqueue_indirect_dma source(%dma_start3A_6 : memref<4096x384xi32, #tpu.memory_space<hbm>>) target(%arg6 : memref<128x384xi32, #tpu.memory_space<vmem>>) offsets(%dma_start3A_3 : memref<128xi32, #tpu.memory_space<vmem>>) semaphore(%arg8 : memref<!tpu.dma_semaphore, #tpu.memory_space<semaphore_mem>>)
    %dma_wait3A = arith.constant 0 : i32
    %dma_wait3A_7 = tpu.memref_slice %arg5[%dma_wait3A] : memref<1024xi32, #tpu.memory_space<vmem>> -> memref<128xi32, #tpu.memory_space<vmem>>
    %dma_wait3A_8 = arith.constant 0 : i32
    %dma_wait3A_9 = arith.constant 0 : i32
    %dma_wait3A_10 = tpu.memref_slice %arg2[%dma_wait3A_8, %dma_wait3A_9] : memref<4096x384xi32, #tpu.memory_space<hbm>> -> memref<4096x384xi32, #tpu.memory_space<hbm>>
    tpu.wait_indirect_dma semaphore(%arg8 : memref<!tpu.dma_semaphore, #tpu.memory_space<semaphore_mem>>) src(%dma_wait3A_10 : memref<4096x384xi32, #tpu.memory_space<hbm>>) dst(%arg6 : memref<128x384xi32, #tpu.memory_space<vmem>>)
    %add3A_11 = arith.constant 0 : i32
    %add3A_12 = arith.addi %mul3A_2, %add3A_11 : i32
    %dma_start3A_13 = arith.constant 0 : i32
    %dma_start3A_14 = tpu.memref_slice %arg4[%add3A_12, %dma_start3A_13] : memref<32768x384xi32, #tpu.memory_space<hbm>> -> memref<128x384xi32, #tpu.memory_space<hbm>>
    %dma_start3A_15 = arith.constant 0 : i32
    %dma_start3A_16 = tpu.memref_slice %arg4[%add3A_12, %dma_start3A_15] : memref<32768x384xi32, #tpu.memory_space<hbm>> -> memref<128x384xi32, #tpu.memory_space<hbm>>
    tpu.enqueue_dma source(%arg6 : memref<128x384xi32, #tpu.memory_space<vmem>>) target(%dma_start3A_16 : memref<128x384xi32, #tpu.memory_space<hbm>>) target_semaphore(%arg10 : memref<!tpu.dma_semaphore, #tpu.memory_space<semaphore_mem>>)
    %dma_start3A_17 = arith.constant 128 : i32
    %dma_start3A_18 = tpu.memref_slice %arg5[%dma_start3A_17] : memref<1024xi32, #tpu.memory_space<vmem>> -> memref<128xi32, #tpu.memory_space<vmem>>
    %dma_start3A_19 = arith.constant 0 : i32
    %dma_start3A_20 = arith.constant 0 : i32
    %dma_start3A_21 = tpu.memref_slice %arg2[%dma_start3A_19, %dma_start3A_20] : memref<4096x384xi32, #tpu.memory_space<hbm>> -> memref<4096x384xi32, #tpu.memory_space<hbm>>
    tpu.enqueue_indirect_dma source(%dma_start3A_21 : memref<4096x384xi32, #tpu.memory_space<hbm>>) target(%arg7 : memref<128x384xi32, #tpu.memory_space<vmem>>) offsets(%dma_start3A_18 : memref<128xi32, #tpu.memory_space<vmem>>) semaphore(%arg9 : memref<!tpu.dma_semaphore, #tpu.memory_space<semaphore_mem>>)
    %dma_wait3A_22 = arith.constant 128 : i32
    %dma_wait3A_23 = tpu.memref_slice %arg5[%dma_wait3A_22] : memref<1024xi32, #tpu.memory_space<vmem>> -> memref<128xi32, #tpu.memory_space<vmem>>
    %dma_wait3A_24 = arith.constant 0 : i32
    %dma_wait3A_25 = arith.constant 0 : i32
    %dma_wait3A_26 = tpu.memref_slice %arg2[%dma_wait3A_24, %dma_wait3A_25] : memref<4096x384xi32, #tpu.memory_space<hbm>> -> memref<4096x384xi32, #tpu.memory_space<hbm>>
    tpu.wait_indirect_dma semaphore(%arg9 : memref<!tpu.dma_semaphore, #tpu.memory_space<semaphore_mem>>) src(%dma_wait3A_26 : memref<4096x384xi32, #tpu.memory_space<hbm>>) dst(%arg7 : memref<128x384xi32, #tpu.memory_space<vmem>>)
    %add3A_27 = arith.constant 128 : i32
    %add3A_28 = arith.addi %mul3A_2, %add3A_27 : i32
    %dma_start3A_29 = arith.constant 0 : i32
    %dma_start3A_30 = tpu.memref_slice %arg4[%add3A_28, %dma_start3A_29] : memref<32768x384xi32, #tpu.memory_space<hbm>> -> memref<128x384xi32, #tpu.memory_space<hbm>>
    %dma_start3A_31 = arith.constant 0 : i32
    %dma_start3A_32 = tpu.memref_slice %arg4[%add3A_28, %dma_start3A_31] : memref<32768x384xi32, #tpu.memory_space<hbm>> -> memref<128x384xi32, #tpu.memory_space<hbm>>
    tpu.enqueue_dma source(%arg7 : memref<128x384xi32, #tpu.memory_space<vmem>>) target(%dma_start3A_32 : memref<128x384xi32, #tpu.memory_space<hbm>>) target_semaphore(%arg11 : memref<!tpu.dma_semaphore, #tpu.memory_space<semaphore_mem>>)
    %dma_wait3A_33 = arith.constant 0 : i32
    %dma_wait3A_34 = tpu.memref_slice %arg4[%add3A_12, %dma_wait3A_33] : memref<32768x384xi32, #tpu.memory_space<hbm>> -> memref<128x384xi32, #tpu.memory_space<hbm>>
    %dma_wait3A_35 = arith.constant 0 : i32
    %dma_wait3A_36 = tpu.memref_slice %arg4[%add3A_12, %dma_wait3A_35] : memref<32768x384xi32, #tpu.memory_space<hbm>> -> memref<128x384xi32, #tpu.memory_space<hbm>>
    tpu.wait_dma2 semaphore(%arg10 : memref<!tpu.dma_semaphore, #tpu.memory_space<semaphore_mem>>) src(%arg6 : memref<128x384xi32, #tpu.memory_space<vmem>>) dst(%dma_wait3A_36 : memref<128x384xi32, #tpu.memory_space<hbm>>)
    %dma_start3A_37 = arith.constant 256 : i32
    %dma_start3A_38 = tpu.memref_slice %arg5[%dma_start3A_37] : memref<1024xi32, #tpu.memory_space<vmem>> -> memref<128xi32, #tpu.memory_space<vmem>>
    %dma_start3A_39 = arith.constant 0 : i32
    %dma_start3A_40 = arith.constant 0 : i32
    %dma_start3A_41 = tpu.memref_slice %arg2[%dma_start3A_39, %dma_start3A_40] : memref<4096x384xi32, #tpu.memory_space<hbm>> -> memref<4096x384xi32, #tpu.memory_space<hbm>>
    tpu.enqueue_indirect_dma source(%dma_start3A_41 : memref<4096x384xi32, #tpu.memory_space<hbm>>) target(%arg6 : memref<128x384xi32, #tpu.memory_space<vmem>>) offsets(%dma_start3A_38 : memref<128xi32, #tpu.memory_space<vmem>>) semaphore(%arg8 : memref<!tpu.dma_semaphore, #tpu.memory_space<semaphore_mem>>)
    %dma_wait3A_42 = arith.constant 256 : i32
    %dma_wait3A_43 = tpu.memref_slice %arg5[%dma_wait3A_42] : memref<1024xi32, #tpu.memory_space<vmem>> -> memref<128xi32, #tpu.memory_space<vmem>>
    %dma_wait3A_44 = arith.constant 0 : i32
    %dma_wait3A_45 = arith.constant 0 : i32
    %dma_wait3A_46 = tpu.memref_slice %arg2[%dma_wait3A_44, %dma_wait3A_45] : memref<4096x384xi32, #tpu.memory_space<hbm>> -> memref<4096x384xi32, #tpu.memory_space<hbm>>
    tpu.wait_indirect_dma semaphore(%arg8 : memref<!tpu.dma_semaphore, #tpu.memory_space<semaphore_mem>>) src(%dma_wait3A_46 : memref<4096x384xi32, #tpu.memory_space<hbm>>) dst(%arg6 : memref<128x384xi32, #tpu.memory_space<vmem>>)
    %add3A_47 = arith.constant 256 : i32
    %add3A_48 = arith.addi %mul3A_2, %add3A_47 : i32
    %dma_start3A_49 = arith.constant 0 : i32
    %dma_start3A_50 = tpu.memref_slice %arg4[%add3A_48, %dma_start3A_49] : memref<32768x384xi32, #tpu.memory_space<hbm>> -> memref<128x384xi32, #tpu.memory_space<hbm>>
    %dma_start3A_51 = arith.constant 0 : i32
    %dma_start3A_52 = tpu.memref_slice %arg4[%add3A_48, %dma_start3A_51] : memref<32768x384xi32, #tpu.memory_space<hbm>> -> memref<128x384xi32, #tpu.memory_space<hbm>>
    tpu.enqueue_dma source(%arg6 : memref<128x384xi32, #tpu.memory_space<vmem>>) target(%dma_start3A_52 : memref<128x384xi32, #tpu.memory_space<hbm>>) target_semaphore(%arg10 : memref<!tpu.dma_semaphore, #tpu.memory_space<semaphore_mem>>)
    %dma_wait3A_53 = arith.constant 0 : i32
    %dma_wait3A_54 = tpu.memref_slice %arg4[%add3A_28, %dma_wait3A_53] : memref<32768x384xi32, #tpu.memory_space<hbm>> -> memref<128x384xi32, #tpu.memory_space<hbm>>
    %dma_wait3A_55 = arith.constant 0 : i32
    %dma_wait3A_56 = tpu.memref_slice %arg4[%add3A_28, %dma_wait3A_55] : memref<32768x384xi32, #tpu.memory_space<hbm>> -> memref<128x384xi32, #tpu.memory_space<hbm>>
    tpu.wait_dma2 semaphore(%arg11 : memref<!tpu.dma_semaphore, #tpu.memory_space<semaphore_mem>>) src(%arg7 : memref<128x384xi32, #tpu.memory_space<vmem>>) dst(%dma_wait3A_56 : memref<128x384xi32, #tpu.memory_space<hbm>>)
    %dma_start3A_57 = arith.constant 384 : i32
    %dma_start3A_58 = tpu.memref_slice %arg5[%dma_start3A_57] : memref<1024xi32, #tpu.memory_space<vmem>> -> memref<128xi32, #tpu.memory_space<vmem>>
    %dma_start3A_59 = arith.constant 0 : i32
    %dma_start3A_60 = arith.constant 0 : i32
    %dma_start3A_61 = tpu.memref_slice %arg2[%dma_start3A_59, %dma_start3A_60] : memref<4096x384xi32, #tpu.memory_space<hbm>> -> memref<4096x384xi32, #tpu.memory_space<hbm>>
    tpu.enqueue_indirect_dma source(%dma_start3A_61 : memref<4096x384xi32, #tpu.memory_space<hbm>>) target(%arg7 : memref<128x384xi32, #tpu.memory_space<vmem>>) offsets(%dma_start3A_58 : memref<128xi32, #tpu.memory_space<vmem>>) semaphore(%arg9 : memref<!tpu.dma_semaphore, #tpu.memory_space<semaphore_mem>>)
    %dma_wait3A_62 = arith.constant 384 : i32
    %dma_wait3A_63 = tpu.memref_slice %arg5[%dma_wait3A_62] : memref<1024xi32, #tpu.memory_space<vmem>> -> memref<128xi32, #tpu.memory_space<vmem>>
    %dma_wait3A_64 = arith.constant 0 : i32
    %dma_wait3A_65 = arith.constant 0 : i32
    %dma_wait3A_66 = tpu.memref_slice %arg2[%dma_wait3A_64, %dma_wait3A_65] : memref<4096x384xi32, #tpu.memory_space<hbm>> -> memref<4096x384xi32, #tpu.memory_space<hbm>>
    tpu.wait_indirect_dma semaphore(%arg9 : memref<!tpu.dma_semaphore, #tpu.memory_space<semaphore_mem>>) src(%dma_wait3A_66 : memref<4096x384xi32, #tpu.memory_space<hbm>>) dst(%arg7 : memref<128x384xi32, #tpu.memory_space<vmem>>)
    %add3A_67 = arith.constant 384 : i32
    %add3A_68 = arith.addi %mul3A_2, %add3A_67 : i32
    %dma_start3A_69 = arith.constant 0 : i32
    %dma_start3A_70 = tpu.memref_slice %arg4[%add3A_68, %dma_start3A_69] : memref<32768x384xi32, #tpu.memory_space<hbm>> -> memref<128x384xi32, #tpu.memory_space<hbm>>
    %dma_start3A_71 = arith.constant 0 : i32
    %dma_start3A_72 = tpu.memref_slice %arg4[%add3A_68, %dma_start3A_71] : memref<32768x384xi32, #tpu.memory_space<hbm>> -> memref<128x384xi32, #tpu.memory_space<hbm>>
    tpu.enqueue_dma source(%arg7 : memref<128x384xi32, #tpu.memory_space<vmem>>) target(%dma_start3A_72 : memref<128x384xi32, #tpu.memory_space<hbm>>) target_semaphore(%arg11 : memref<!tpu.dma_semaphore, #tpu.memory_space<semaphore_mem>>)
    %dma_wait3A_73 = arith.constant 0 : i32
    %dma_wait3A_74 = tpu.memref_slice %arg4[%add3A_48, %dma_wait3A_73] : memref<32768x384xi32, #tpu.memory_space<hbm>> -> memref<128x384xi32, #tpu.memory_space<hbm>>
    %dma_wait3A_75 = arith.constant 0 : i32
    %dma_wait3A_76 = tpu.memref_slice %arg4[%add3A_48, %dma_wait3A_75] : memref<32768x384xi32, #tpu.memory_space<hbm>> -> memref<128x384xi32, #tpu.memory_space<hbm>>
    tpu.wait_dma2 semaphore(%arg10 : memref<!tpu.dma_semaphore, #tpu.memory_space<semaphore_mem>>) src(%arg6 : memref<128x384xi32, #tpu.memory_space<vmem>>) dst(%dma_wait3A_76 : memref<128x384xi32, #tpu.memory_space<hbm>>)
    %dma_start3A_77 = arith.constant 512 : i32
    %dma_start3A_78 = tpu.memref_slice %arg5[%dma_start3A_77] : memref<1024xi32, #tpu.memory_space<vmem>> -> memref<128xi32, #tpu.memory_space<vmem>>
    %dma_start3A_79 = arith.constant 0 : i32
    %dma_start3A_80 = arith.constant 0 : i32
    %dma_start3A_81 = tpu.memref_slice %arg2[%dma_start3A_79, %dma_start3A_80] : memref<4096x384xi32, #tpu.memory_space<hbm>> -> memref<4096x384xi32, #tpu.memory_space<hbm>>
    tpu.enqueue_indirect_dma source(%dma_start3A_81 : memref<4096x384xi32, #tpu.memory_space<hbm>>) target(%arg6 : memref<128x384xi32, #tpu.memory_space<vmem>>) offsets(%dma_start3A_78 : memref<128xi32, #tpu.memory_space<vmem>>) semaphore(%arg8 : memref<!tpu.dma_semaphore, #tpu.memory_space<semaphore_mem>>)
    %dma_wait3A_82 = arith.constant 512 : i32
    %dma_wait3A_83 = tpu.memref_slice %arg5[%dma_wait3A_82] : memref<1024xi32, #tpu.memory_space<vmem>> -> memref<128xi32, #tpu.memory_space<vmem>>
    %dma_wait3A_84 = arith.constant 0 : i32
    %dma_wait3A_85 = arith.constant 0 : i32
    %dma_wait3A_86 = tpu.memref_slice %arg2[%dma_wait3A_84, %dma_wait3A_85] : memref<4096x384xi32, #tpu.memory_space<hbm>> -> memref<4096x384xi32, #tpu.memory_space<hbm>>
    tpu.wait_indirect_dma semaphore(%arg8 : memref<!tpu.dma_semaphore, #tpu.memory_space<semaphore_mem>>) src(%dma_wait3A_86 : memref<4096x384xi32, #tpu.memory_space<hbm>>) dst(%arg6 : memref<128x384xi32, #tpu.memory_space<vmem>>)
    %add3A_87 = arith.constant 512 : i32
    %add3A_88 = arith.addi %mul3A_2, %add3A_87 : i32
    %dma_start3A_89 = arith.constant 0 : i32
    %dma_start3A_90 = tpu.memref_slice %arg4[%add3A_88, %dma_start3A_89] : memref<32768x384xi32, #tpu.memory_space<hbm>> -> memref<128x384xi32, #tpu.memory_space<hbm>>
    %dma_start3A_91 = arith.constant 0 : i32
    %dma_start3A_92 = tpu.memref_slice %arg4[%add3A_88, %dma_start3A_91] : memref<32768x384xi32, #tpu.memory_space<hbm>> -> memref<128x384xi32, #tpu.memory_space<hbm>>
    tpu.enqueue_dma source(%arg6 : memref<128x384xi32, #tpu.memory_space<vmem>>) target(%dma_start3A_92 : memref<128x384xi32, #tpu.memory_space<hbm>>) target_semaphore(%arg10 : memref<!tpu.dma_semaphore, #tpu.memory_space<semaphore_mem>>)
    %dma_wait3A_93 = arith.constant 0 : i32
    %dma_wait3A_94 = tpu.memref_slice %arg4[%add3A_68, %dma_wait3A_93] : memref<32768x384xi32, #tpu.memory_space<hbm>> -> memref<128x384xi32, #tpu.memory_space<hbm>>
    %dma_wait3A_95 = arith.constant 0 : i32
    %dma_wait3A_96 = tpu.memref_slice %arg4[%add3A_68, %dma_wait3A_95] : memref<32768x384xi32, #tpu.memory_space<hbm>> -> memref<128x384xi32, #tpu.memory_space<hbm>>
    tpu.wait_dma2 semaphore(%arg11 : memref<!tpu.dma_semaphore, #tpu.memory_space<semaphore_mem>>) src(%arg7 : memref<128x384xi32, #tpu.memory_space<vmem>>) dst(%dma_wait3A_96 : memref<128x384xi32, #tpu.memory_space<hbm>>)
    %dma_start3A_97 = arith.constant 640 : i32
    %dma_start3A_98 = tpu.memref_slice %arg5[%dma_start3A_97] : memref<1024xi32, #tpu.memory_space<vmem>> -> memref<128xi32, #tpu.memory_space<vmem>>
    %dma_start3A_99 = arith.constant 0 : i32
    %dma_start3A_100 = arith.constant 0 : i32
    %dma_start3A_101 = tpu.memref_slice %arg2[%dma_start3A_99, %dma_start3A_100] : memref<4096x384xi32, #tpu.memory_space<hbm>> -> memref<4096x384xi32, #tpu.memory_space<hbm>>
    tpu.enqueue_indirect_dma source(%dma_start3A_101 : memref<4096x384xi32, #tpu.memory_space<hbm>>) target(%arg7 : memref<128x384xi32, #tpu.memory_space<vmem>>) offsets(%dma_start3A_98 : memref<128xi32, #tpu.memory_space<vmem>>) semaphore(%arg9 : memref<!tpu.dma_semaphore, #tpu.memory_space<semaphore_mem>>)
    %dma_wait3A_102 = arith.constant 640 : i32
    %dma_wait3A_103 = tpu.memref_slice %arg5[%dma_wait3A_102] : memref<1024xi32, #tpu.memory_space<vmem>> -> memref<128xi32, #tpu.memory_space<vmem>>
    %dma_wait3A_104 = arith.constant 0 : i32
    %dma_wait3A_105 = arith.constant 0 : i32
    %dma_wait3A_106 = tpu.memref_slice %arg2[%dma_wait3A_104, %dma_wait3A_105] : memref<4096x384xi32, #tpu.memory_space<hbm>> -> memref<4096x384xi32, #tpu.memory_space<hbm>>
    tpu.wait_indirect_dma semaphore(%arg9 : memref<!tpu.dma_semaphore, #tpu.memory_space<semaphore_mem>>) src(%dma_wait3A_106 : memref<4096x384xi32, #tpu.memory_space<hbm>>) dst(%arg7 : memref<128x384xi32, #tpu.memory_space<vmem>>)
    %add3A_107 = arith.constant 640 : i32
    %add3A_108 = arith.addi %mul3A_2, %add3A_107 : i32
    %dma_start3A_109 = arith.constant 0 : i32
    %dma_start3A_110 = tpu.memref_slice %arg4[%add3A_108, %dma_start3A_109] : memref<32768x384xi32, #tpu.memory_space<hbm>> -> memref<128x384xi32, #tpu.memory_space<hbm>>
    %dma_start3A_111 = arith.constant 0 : i32
    %dma_start3A_112 = tpu.memref_slice %arg4[%add3A_108, %dma_start3A_111] : memref<32768x384xi32, #tpu.memory_space<hbm>> -> memref<128x384xi32, #tpu.memory_space<hbm>>
    tpu.enqueue_dma source(%arg7 : memref<128x384xi32, #tpu.memory_space<vmem>>) target(%dma_start3A_112 : memref<128x384xi32, #tpu.memory_space<hbm>>) target_semaphore(%arg11 : memref<!tpu.dma_semaphore, #tpu.memory_space<semaphore_mem>>)
    %dma_wait3A_113 = arith.constant 0 : i32
    %dma_wait3A_114 = tpu.memref_slice %arg4[%add3A_88, %dma_wait3A_113] : memref<32768x384xi32, #tpu.memory_space<hbm>> -> memref<128x384xi32, #tpu.memory_space<hbm>>
    %dma_wait3A_115 = arith.constant 0 : i32
    %dma_wait3A_116 = tpu.memref_slice %arg4[%add3A_88, %dma_wait3A_115] : memref<32768x384xi32, #tpu.memory_space<hbm>> -> memref<128x384xi32, #tpu.memory_space<hbm>>
    tpu.wait_dma2 semaphore(%arg10 : memref<!tpu.dma_semaphore, #tpu.memory_space<semaphore_mem>>) src(%arg6 : memref<128x384xi32, #tpu.memory_space<vmem>>) dst(%dma_wait3A_116 : memref<128x384xi32, #tpu.memory_space<hbm>>)
    %dma_start3A_117 = arith.constant 768 : i32
    %dma_start3A_118 = tpu.memref_slice %arg5[%dma_start3A_117] : memref<1024xi32, #tpu.memory_space<vmem>> -> memref<128xi32, #tpu.memory_space<vmem>>
    %dma_start3A_119 = arith.constant 0 : i32
    %dma_start3A_120 = arith.constant 0 : i32
    %dma_start3A_121 = tpu.memref_slice %arg2[%dma_start3A_119, %dma_start3A_120] : memref<4096x384xi32, #tpu.memory_space<hbm>> -> memref<4096x384xi32, #tpu.memory_space<hbm>>
    tpu.enqueue_indirect_dma source(%dma_start3A_121 : memref<4096x384xi32, #tpu.memory_space<hbm>>) target(%arg6 : memref<128x384xi32, #tpu.memory_space<vmem>>) offsets(%dma_start3A_118 : memref<128xi32, #tpu.memory_space<vmem>>) semaphore(%arg8 : memref<!tpu.dma_semaphore, #tpu.memory_space<semaphore_mem>>)
    %dma_wait3A_122 = arith.constant 768 : i32
    %dma_wait3A_123 = tpu.memref_slice %arg5[%dma_wait3A_122] : memref<1024xi32, #tpu.memory_space<vmem>> -> memref<128xi32, #tpu.memory_space<vmem>>
    %dma_wait3A_124 = arith.constant 0 : i32
    %dma_wait3A_125 = arith.constant 0 : i32
    %dma_wait3A_126 = tpu.memref_slice %arg2[%dma_wait3A_124, %dma_wait3A_125] : memref<4096x384xi32, #tpu.memory_space<hbm>> -> memref<4096x384xi32, #tpu.memory_space<hbm>>
    tpu.wait_indirect_dma semaphore(%arg8 : memref<!tpu.dma_semaphore, #tpu.memory_space<semaphore_mem>>) src(%dma_wait3A_126 : memref<4096x384xi32, #tpu.memory_space<hbm>>) dst(%arg6 : memref<128x384xi32, #tpu.memory_space<vmem>>)
    %add3A_127 = arith.constant 768 : i32
    %add3A_128 = arith.addi %mul3A_2, %add3A_127 : i32
    %dma_start3A_129 = arith.constant 0 : i32
    %dma_start3A_130 = tpu.memref_slice %arg4[%add3A_128, %dma_start3A_129] : memref<32768x384xi32, #tpu.memory_space<hbm>> -> memref<128x384xi32, #tpu.memory_space<hbm>>
    %dma_start3A_131 = arith.constant 0 : i32
    %dma_start3A_132 = tpu.memref_slice %arg4[%add3A_128, %dma_start3A_131] : memref<32768x384xi32, #tpu.memory_space<hbm>> -> memref<128x384xi32, #tpu.memory_space<hbm>>
    tpu.enqueue_dma source(%arg6 : memref<128x384xi32, #tpu.memory_space<vmem>>) target(%dma_start3A_132 : memref<128x384xi32, #tpu.memory_space<hbm>>) target_semaphore(%arg10 : memref<!tpu.dma_semaphore, #tpu.memory_space<semaphore_mem>>)
    %dma_wait3A_133 = arith.constant 0 : i32
    %dma_wait3A_134 = tpu.memref_slice %arg4[%add3A_108, %dma_wait3A_133] : memref<32768x384xi32, #tpu.memory_space<hbm>> -> memref<128x384xi32, #tpu.memory_space<hbm>>
    %dma_wait3A_135 = arith.constant 0 : i32
    %dma_wait3A_136 = tpu.memref_slice %arg4[%add3A_108, %dma_wait3A_135] : memref<32768x384xi32, #tpu.memory_space<hbm>> -> memref<128x384xi32, #tpu.memory_space<hbm>>
    tpu.wait_dma2 semaphore(%arg11 : memref<!tpu.dma_semaphore, #tpu.memory_space<semaphore_mem>>) src(%arg7 : memref<128x384xi32, #tpu.memory_space<vmem>>) dst(%dma_wait3A_136 : memref<128x384xi32, #tpu.memory_space<hbm>>)
    %dma_start3A_137 = arith.constant 896 : i32
    %dma_start3A_138 = tpu.memref_slice %arg5[%dma_start3A_137] : memref<1024xi32, #tpu.memory_space<vmem>> -> memref<128xi32, #tpu.memory_space<vmem>>
    %dma_start3A_139 = arith.constant 0 : i32
    %dma_start3A_140 = arith.constant 0 : i32
    %dma_start3A_141 = tpu.memref_slice %arg2[%dma_start3A_139, %dma_start3A_140] : memref<4096x384xi32, #tpu.memory_space<hbm>> -> memref<4096x384xi32, #tpu.memory_space<hbm>>
    tpu.enqueue_indirect_dma source(%dma_start3A_141 : memref<4096x384xi32, #tpu.memory_space<hbm>>) target(%arg7 : memref<128x384xi32, #tpu.memory_space<vmem>>) offsets(%dma_start3A_138 : memref<128xi32, #tpu.memory_space<vmem>>) semaphore(%arg9 : memref<!tpu.dma_semaphore, #tpu.memory_space<semaphore_mem>>)
    %dma_wait3A_142 = arith.constant 896 : i32
    %dma_wait3A_143 = tpu.memref_slice %arg5[%dma_wait3A_142] : memref<1024xi32, #tpu.memory_space<vmem>> -> memref<128xi32, #tpu.memory_space<vmem>>
    %dma_wait3A_144 = arith.constant 0 : i32
    %dma_wait3A_145 = arith.constant 0 : i32
    %dma_wait3A_146 = tpu.memref_slice %arg2[%dma_wait3A_144, %dma_wait3A_145] : memref<4096x384xi32, #tpu.memory_space<hbm>> -> memref<4096x384xi32, #tpu.memory_space<hbm>>
    tpu.wait_indirect_dma semaphore(%arg9 : memref<!tpu.dma_semaphore, #tpu.memory_space<semaphore_mem>>) src(%dma_wait3A_146 : memref<4096x384xi32, #tpu.memory_space<hbm>>) dst(%arg7 : memref<128x384xi32, #tpu.memory_space<vmem>>)
    %add3A_147 = arith.constant 896 : i32
    %add3A_148 = arith.addi %mul3A_2, %add3A_147 : i32
    %dma_start3A_149 = arith.constant 0 : i32
    %dma_start3A_150 = tpu.memref_slice %arg4[%add3A_148, %dma_start3A_149] : memref<32768x384xi32, #tpu.memory_space<hbm>> -> memref<128x384xi32, #tpu.memory_space<hbm>>
    %dma_start3A_151 = arith.constant 0 : i32
    %dma_start3A_152 = tpu.memref_slice %arg4[%add3A_148, %dma_start3A_151] : memref<32768x384xi32, #tpu.memory_space<hbm>> -> memref<128x384xi32, #tpu.memory_space<hbm>>
    tpu.enqueue_dma source(%arg7 : memref<128x384xi32, #tpu.memory_space<vmem>>) target(%dma_start3A_152 : memref<128x384xi32, #tpu.memory_space<hbm>>) target_semaphore(%arg11 : memref<!tpu.dma_semaphore, #tpu.memory_space<semaphore_mem>>)
    %dma_wait3A_153 = arith.constant 0 : i32
    %dma_wait3A_154 = tpu.memref_slice %arg4[%add3A_128, %dma_wait3A_153] : memref<32768x384xi32, #tpu.memory_space<hbm>> -> memref<128x384xi32, #tpu.memory_space<hbm>>
    %dma_wait3A_155 = arith.constant 0 : i32
    %dma_wait3A_156 = tpu.memref_slice %arg4[%add3A_128, %dma_wait3A_155] : memref<32768x384xi32, #tpu.memory_space<hbm>> -> memref<128x384xi32, #tpu.memory_space<hbm>>
    tpu.wait_dma2 semaphore(%arg10 : memref<!tpu.dma_semaphore, #tpu.memory_space<semaphore_mem>>) src(%arg6 : memref<128x384xi32, #tpu.memory_space<vmem>>) dst(%dma_wait3A_156 : memref<128x384xi32, #tpu.memory_space<hbm>>)
    %dma_wait3A_157 = arith.constant 0 : i32
    %dma_wait3A_158 = tpu.memref_slice %arg4[%add3A_148, %dma_wait3A_157] : memref<32768x384xi32, #tpu.memory_space<hbm>> -> memref<128x384xi32, #tpu.memory_space<hbm>>
    %dma_wait3A_159 = arith.constant 0 : i32
    %dma_wait3A_160 = tpu.memref_slice %arg4[%add3A_148, %dma_wait3A_159] : memref<32768x384xi32, #tpu.memory_space<hbm>> -> memref<128x384xi32, #tpu.memory_space<hbm>>
    tpu.wait_dma2 semaphore(%arg11 : memref<!tpu.dma_semaphore, #tpu.memory_space<semaphore_mem>>) src(%arg7 : memref<128x384xi32, #tpu.memory_space<vmem>>) dst(%dma_wait3A_160 : memref<128x384xi32, #tpu.memory_space<hbm>>)
    return
  }
}

#map = affine_map<(d0, d1) -> (0, 0)>
#map1 = affine_map<(d0, d1) -> (0)>
module attributes {stable_mosaic.version = 14 : i64} {
  func.func @_gather_body(%arg0: i32, %arg1: i32, %arg2: memref<4096x384xi32, #tpu.memory_space<hbm>>, %arg3: memref<32768xi32, #tpu.memory_space<hbm>>, %arg4: memref<32768x384xi32, #tpu.memory_space<hbm>>, %arg5: memref<1024xi32, #tpu.memory_space<vmem>>, %arg6: memref<128x384xi32, #tpu.memory_space<vmem>>, %arg7: memref<128x384xi32, #tpu.memory_space<vmem>>, %arg8: memref<!tpu.dma_semaphore, #tpu.memory_space<semaphore_mem>>, %arg9: memref<!tpu.dma_semaphore, #tpu.memory_space<semaphore_mem>>, %arg10: memref<!tpu.dma_semaphore, #tpu.memory_space<semaphore_mem>>, %arg11: memref<!tpu.dma_semaphore, #tpu.memory_space<semaphore_mem>>) attributes {dimension_semantics = [#tpu.dimension_semantics<core_parallel>, #tpu.dimension_semantics<subcore_parallel>], iteration_bounds = array<i64: 2, 16>, scalar_prefetch = 0 : i64, scratch_operands = 7 : i64, tpu.core_type = #tpu.core_type<sc_vector_subcore>, window_params = [{transform_indices = #map}, {transform_indices = #map1}, {transform_indices = #map}]} {
    %mul3A = arith.constant 2 : i32
    %mul3A_0 = arith.muli %arg1, %mul3A : i32
    %add3A = arith.addi %mul3A_0, %arg0 : i32
    %mul3A_1 = arith.constant 1024 : i32
    %mul3A_2 = arith.muli %add3A, %mul3A_1 : i32
    "tpu.region"() ({
      %run_scoped3A = tpu.sem_alloc : memref<!tpu.dma_semaphore, #tpu.memory_space<semaphore_mem>>
      %dma_start3A_161 = tpu.memref_slice %arg3[%mul3A_2] : memref<32768xi32, #tpu.memory_space<hbm>> -> memref<1024xi32, #tpu.memory_space<hbm>>
      %dma_start3A_162 = tpu.memref_slice %arg3[%mul3A_2] : memref<32768xi32, #tpu.memory_space<hbm>> -> memref<1024xi32, #tpu.memory_space<hbm>>
      tpu.enqueue_dma source(%dma_start3A_162 : memref<1024xi32, #tpu.memory_space<hbm>>) target(%arg5 : memref<1024xi32, #tpu.memory_space<vmem>>) target_semaphore(%run_scoped3A : memref<!tpu.dma_semaphore, #tpu.memory_space<semaphore_mem>>)
      %dma_wait3A_163 = tpu.memref_slice %arg3[%mul3A_2] : memref<32768xi32, #tpu.memory_space<hbm>> -> memref<1024xi32, #tpu.memory_space<hbm>>
      %dma_wait3A_164 = tpu.memref_slice %arg3[%mul3A_2] : memref<32768xi32, #tpu.memory_space<hbm>> -> memref<1024xi32, #tpu.memory_space<hbm>>
      tpu.wait_dma2 semaphore(%run_scoped3A : memref<!tpu.dma_semaphore, #tpu.memory_space<semaphore_mem>>) src(%dma_wait3A_164 : memref<1024xi32, #tpu.memory_space<hbm>>) dst(%arg5 : memref<1024xi32, #tpu.memory_space<vmem>>)
      tpu.yield
    }) : () -> ()
    %dma_start3A = arith.constant 0 : i32
    %dma_start3A_3 = tpu.memref_slice %arg5[%dma_start3A] : memref<1024xi32, #tpu.memory_space<vmem>> -> memref<128xi32, #tpu.memory_space<vmem>>
    %dma_start3A_4 = arith.constant 0 : i32
    %dma_start3A_5 = arith.constant 0 : i32
    %dma_start3A_6 = tpu.memref_slice %arg2[%dma_start3A_4, %dma_start3A_5] : memref<4096x384xi32, #tpu.memory_space<hbm>> -> memref<4096x384xi32, #tpu.memory_space<hbm>>
    tpu.enqueue_indirect_dma source(%dma_start3A_6 : memref<4096x384xi32, #tpu.memory_space<hbm>>) target(%arg6 : memref<128x384xi32, #tpu.memory_space<vmem>>) offsets(%dma_start3A_3 : memref<128xi32, #tpu.memory_space<vmem>>) semaphore(%arg8 : memref<!tpu.dma_semaphore, #tpu.memory_space<semaphore_mem>>)
    %dma_wait3A = arith.constant 0 : i32
    %dma_wait3A_7 = tpu.memref_slice %arg5[%dma_wait3A] : memref<1024xi32, #tpu.memory_space<vmem>> -> memref<128xi32, #tpu.memory_space<vmem>>
    %dma_wait3A_8 = arith.constant 0 : i32
    %dma_wait3A_9 = arith.constant 0 : i32
    %dma_wait3A_10 = tpu.memref_slice %arg2[%dma_wait3A_8, %dma_wait3A_9] : memref<4096x384xi32, #tpu.memory_space<hbm>> -> memref<4096x384xi32, #tpu.memory_space<hbm>>
    tpu.wait_indirect_dma semaphore(%arg8 : memref<!tpu.dma_semaphore, #tpu.memory_space<semaphore_mem>>) src(%dma_wait3A_10 : memref<4096x384xi32, #tpu.memory_space<hbm>>) dst(%arg6 : memref<128x384xi32, #tpu.memory_space<vmem>>)
    %add3A_11 = arith.constant 0 : i32
    %add3A_12 = arith.addi %mul3A_2, %add3A_11 : i32
    %dma_start3A_13 = arith.constant 0 : i32
    %dma_start3A_14 = tpu.memref_slice %arg4[%add3A_12, %dma_start3A_13] : memref<32768x384xi32, #tpu.memory_space<hbm>> -> memref<128x384xi32, #tpu.memory_space<hbm>>
    %dma_start3A_15 = arith.constant 0 : i32
    %dma_start3A_16 = tpu.memref_slice %arg4[%add3A_12, %dma_start3A_15] : memref<32768x384xi32, #tpu.memory_space<hbm>> -> memref<128x384xi32, #tpu.memory_space<hbm>>
    tpu.enqueue_dma source(%arg6 : memref<128x384xi32, #tpu.memory_space<vmem>>) target(%dma_start3A_16 : memref<128x384xi32, #tpu.memory_space<hbm>>) target_semaphore(%arg10 : memref<!tpu.dma_semaphore, #tpu.memory_space<semaphore_mem>>)
    %dma_start3A_17 = arith.constant 128 : i32
    %dma_start3A_18 = tpu.memref_slice %arg5[%dma_start3A_17] : memref<1024xi32, #tpu.memory_space<vmem>> -> memref<128xi32, #tpu.memory_space<vmem>>
    %dma_start3A_19 = arith.constant 0 : i32
    %dma_start3A_20 = arith.constant 0 : i32
    %dma_start3A_21 = tpu.memref_slice %arg2[%dma_start3A_19, %dma_start3A_20] : memref<4096x384xi32, #tpu.memory_space<hbm>> -> memref<4096x384xi32, #tpu.memory_space<hbm>>
    tpu.enqueue_indirect_dma source(%dma_start3A_21 : memref<4096x384xi32, #tpu.memory_space<hbm>>) target(%arg7 : memref<128x384xi32, #tpu.memory_space<vmem>>) offsets(%dma_start3A_18 : memref<128xi32, #tpu.memory_space<vmem>>) semaphore(%arg9 : memref<!tpu.dma_semaphore, #tpu.memory_space<semaphore_mem>>)
    %dma_wait3A_22 = arith.constant 128 : i32
    %dma_wait3A_23 = tpu.memref_slice %arg5[%dma_wait3A_22] : memref<1024xi32, #tpu.memory_space<vmem>> -> memref<128xi32, #tpu.memory_space<vmem>>
    %dma_wait3A_24 = arith.constant 0 : i32
    %dma_wait3A_25 = arith.constant 0 : i32
    %dma_wait3A_26 = tpu.memref_slice %arg2[%dma_wait3A_24, %dma_wait3A_25] : memref<4096x384xi32, #tpu.memory_space<hbm>> -> memref<4096x384xi32, #tpu.memory_space<hbm>>
    tpu.wait_indirect_dma semaphore(%arg9 : memref<!tpu.dma_semaphore, #tpu.memory_space<semaphore_mem>>) src(%dma_wait3A_26 : memref<4096x384xi32, #tpu.memory_space<hbm>>) dst(%arg7 : memref<128x384xi32, #tpu.memory_space<vmem>>)
    %add3A_27 = arith.constant 128 : i32
    %add3A_28 = arith.addi %mul3A_2, %add3A_27 : i32
    %dma_start3A_29 = arith.constant 0 : i32
    %dma_start3A_30 = tpu.memref_slice %arg4[%add3A_28, %dma_start3A_29] : memref<32768x384xi32, #tpu.memory_space<hbm>> -> memref<128x384xi32, #tpu.memory_space<hbm>>
    %dma_start3A_31 = arith.constant 0 : i32
    %dma_start3A_32 = tpu.memref_slice %arg4[%add3A_28, %dma_start3A_31] : memref<32768x384xi32, #tpu.memory_space<hbm>> -> memref<128x384xi32, #tpu.memory_space<hbm>>
    tpu.enqueue_dma source(%arg7 : memref<128x384xi32, #tpu.memory_space<vmem>>) target(%dma_start3A_32 : memref<128x384xi32, #tpu.memory_space<hbm>>) target_semaphore(%arg11 : memref<!tpu.dma_semaphore, #tpu.memory_space<semaphore_mem>>)
    %dma_wait3A_33 = arith.constant 0 : i32
    %dma_wait3A_34 = tpu.memref_slice %arg4[%add3A_12, %dma_wait3A_33] : memref<32768x384xi32, #tpu.memory_space<hbm>> -> memref<128x384xi32, #tpu.memory_space<hbm>>
    %dma_wait3A_35 = arith.constant 0 : i32
    %dma_wait3A_36 = tpu.memref_slice %arg4[%add3A_12, %dma_wait3A_35] : memref<32768x384xi32, #tpu.memory_space<hbm>> -> memref<128x384xi32, #tpu.memory_space<hbm>>
    tpu.wait_dma2 semaphore(%arg10 : memref<!tpu.dma_semaphore, #tpu.memory_space<semaphore_mem>>) src(%arg6 : memref<128x384xi32, #tpu.memory_space<vmem>>) dst(%dma_wait3A_36 : memref<128x384xi32, #tpu.memory_space<hbm>>)
    %dma_start3A_37 = arith.constant 256 : i32
    %dma_start3A_38 = tpu.memref_slice %arg5[%dma_start3A_37] : memref<1024xi32, #tpu.memory_space<vmem>> -> memref<128xi32, #tpu.memory_space<vmem>>
    %dma_start3A_39 = arith.constant 0 : i32
    %dma_start3A_40 = arith.constant 0 : i32
    %dma_start3A_41 = tpu.memref_slice %arg2[%dma_start3A_39, %dma_start3A_40] : memref<4096x384xi32, #tpu.memory_space<hbm>> -> memref<4096x384xi32, #tpu.memory_space<hbm>>
    tpu.enqueue_indirect_dma source(%dma_start3A_41 : memref<4096x384xi32, #tpu.memory_space<hbm>>) target(%arg6 : memref<128x384xi32, #tpu.memory_space<vmem>>) offsets(%dma_start3A_38 : memref<128xi32, #tpu.memory_space<vmem>>) semaphore(%arg8 : memref<!tpu.dma_semaphore, #tpu.memory_space<semaphore_mem>>)
    %dma_wait3A_42 = arith.constant 256 : i32
    %dma_wait3A_43 = tpu.memref_slice %arg5[%dma_wait3A_42] : memref<1024xi32, #tpu.memory_space<vmem>> -> memref<128xi32, #tpu.memory_space<vmem>>
    %dma_wait3A_44 = arith.constant 0 : i32
    %dma_wait3A_45 = arith.constant 0 : i32
    %dma_wait3A_46 = tpu.memref_slice %arg2[%dma_wait3A_44, %dma_wait3A_45] : memref<4096x384xi32, #tpu.memory_space<hbm>> -> memref<4096x384xi32, #tpu.memory_space<hbm>>
    tpu.wait_indirect_dma semaphore(%arg8 : memref<!tpu.dma_semaphore, #tpu.memory_space<semaphore_mem>>) src(%dma_wait3A_46 : memref<4096x384xi32, #tpu.memory_space<hbm>>) dst(%arg6 : memref<128x384xi32, #tpu.memory_space<vmem>>)
    %add3A_47 = arith.constant 256 : i32
    %add3A_48 = arith.addi %mul3A_2, %add3A_47 : i32
    %dma_start3A_49 = arith.constant 0 : i32
    %dma_start3A_50 = tpu.memref_slice %arg4[%add3A_48, %dma_start3A_49] : memref<32768x384xi32, #tpu.memory_space<hbm>> -> memref<128x384xi32, #tpu.memory_space<hbm>>
    %dma_start3A_51 = arith.constant 0 : i32
    %dma_start3A_52 = tpu.memref_slice %arg4[%add3A_48, %dma_start3A_51] : memref<32768x384xi32, #tpu.memory_space<hbm>> -> memref<128x384xi32, #tpu.memory_space<hbm>>
    tpu.enqueue_dma source(%arg6 : memref<128x384xi32, #tpu.memory_space<vmem>>) target(%dma_start3A_52 : memref<128x384xi32, #tpu.memory_space<hbm>>) target_semaphore(%arg10 : memref<!tpu.dma_semaphore, #tpu.memory_space<semaphore_mem>>)
    %dma_wait3A_53 = arith.constant 0 : i32
    %dma_wait3A_54 = tpu.memref_slice %arg4[%add3A_28, %dma_wait3A_53] : memref<32768x384xi32, #tpu.memory_space<hbm>> -> memref<128x384xi32, #tpu.memory_space<hbm>>
    %dma_wait3A_55 = arith.constant 0 : i32
    %dma_wait3A_56 = tpu.memref_slice %arg4[%add3A_28, %dma_wait3A_55] : memref<32768x384xi32, #tpu.memory_space<hbm>> -> memref<128x384xi32, #tpu.memory_space<hbm>>
    tpu.wait_dma2 semaphore(%arg11 : memref<!tpu.dma_semaphore, #tpu.memory_space<semaphore_mem>>) src(%arg7 : memref<128x384xi32, #tpu.memory_space<vmem>>) dst(%dma_wait3A_56 : memref<128x384xi32, #tpu.memory_space<hbm>>)
    %dma_start3A_57 = arith.constant 384 : i32
    %dma_start3A_58 = tpu.memref_slice %arg5[%dma_start3A_57] : memref<1024xi32, #tpu.memory_space<vmem>> -> memref<128xi32, #tpu.memory_space<vmem>>
    %dma_start3A_59 = arith.constant 0 : i32
    %dma_start3A_60 = arith.constant 0 : i32
    %dma_start3A_61 = tpu.memref_slice %arg2[%dma_start3A_59, %dma_start3A_60] : memref<4096x384xi32, #tpu.memory_space<hbm>> -> memref<4096x384xi32, #tpu.memory_space<hbm>>
    tpu.enqueue_indirect_dma source(%dma_start3A_61 : memref<4096x384xi32, #tpu.memory_space<hbm>>) target(%arg7 : memref<128x384xi32, #tpu.memory_space<vmem>>) offsets(%dma_start3A_58 : memref<128xi32, #tpu.memory_space<vmem>>) semaphore(%arg9 : memref<!tpu.dma_semaphore, #tpu.memory_space<semaphore_mem>>)
    %dma_wait3A_62 = arith.constant 384 : i32
    %dma_wait3A_63 = tpu.memref_slice %arg5[%dma_wait3A_62] : memref<1024xi32, #tpu.memory_space<vmem>> -> memref<128xi32, #tpu.memory_space<vmem>>
    %dma_wait3A_64 = arith.constant 0 : i32
    %dma_wait3A_65 = arith.constant 0 : i32
    %dma_wait3A_66 = tpu.memref_slice %arg2[%dma_wait3A_64, %dma_wait3A_65] : memref<4096x384xi32, #tpu.memory_space<hbm>> -> memref<4096x384xi32, #tpu.memory_space<hbm>>
    tpu.wait_indirect_dma semaphore(%arg9 : memref<!tpu.dma_semaphore, #tpu.memory_space<semaphore_mem>>) src(%dma_wait3A_66 : memref<4096x384xi32, #tpu.memory_space<hbm>>) dst(%arg7 : memref<128x384xi32, #tpu.memory_space<vmem>>)
    %add3A_67 = arith.constant 384 : i32
    %add3A_68 = arith.addi %mul3A_2, %add3A_67 : i32
    %dma_start3A_69 = arith.constant 0 : i32
    %dma_start3A_70 = tpu.memref_slice %arg4[%add3A_68, %dma_start3A_69] : memref<32768x384xi32, #tpu.memory_space<hbm>> -> memref<128x384xi32, #tpu.memory_space<hbm>>
    %dma_start3A_71 = arith.constant 0 : i32
    %dma_start3A_72 = tpu.memref_slice %arg4[%add3A_68, %dma_start3A_71] : memref<32768x384xi32, #tpu.memory_space<hbm>> -> memref<128x384xi32, #tpu.memory_space<hbm>>
    tpu.enqueue_dma source(%arg7 : memref<128x384xi32, #tpu.memory_space<vmem>>) target(%dma_start3A_72 : memref<128x384xi32, #tpu.memory_space<hbm>>) target_semaphore(%arg11 : memref<!tpu.dma_semaphore, #tpu.memory_space<semaphore_mem>>)
    %dma_wait3A_73 = arith.constant 0 : i32
    %dma_wait3A_74 = tpu.memref_slice %arg4[%add3A_48, %dma_wait3A_73] : memref<32768x384xi32, #tpu.memory_space<hbm>> -> memref<128x384xi32, #tpu.memory_space<hbm>>
    %dma_wait3A_75 = arith.constant 0 : i32
    %dma_wait3A_76 = tpu.memref_slice %arg4[%add3A_48, %dma_wait3A_75] : memref<32768x384xi32, #tpu.memory_space<hbm>> -> memref<128x384xi32, #tpu.memory_space<hbm>>
    tpu.wait_dma2 semaphore(%arg10 : memref<!tpu.dma_semaphore, #tpu.memory_space<semaphore_mem>>) src(%arg6 : memref<128x384xi32, #tpu.memory_space<vmem>>) dst(%dma_wait3A_76 : memref<128x384xi32, #tpu.memory_space<hbm>>)
    %dma_start3A_77 = arith.constant 512 : i32
    %dma_start3A_78 = tpu.memref_slice %arg5[%dma_start3A_77] : memref<1024xi32, #tpu.memory_space<vmem>> -> memref<128xi32, #tpu.memory_space<vmem>>
    %dma_start3A_79 = arith.constant 0 : i32
    %dma_start3A_80 = arith.constant 0 : i32
    %dma_start3A_81 = tpu.memref_slice %arg2[%dma_start3A_79, %dma_start3A_80] : memref<4096x384xi32, #tpu.memory_space<hbm>> -> memref<4096x384xi32, #tpu.memory_space<hbm>>
    tpu.enqueue_indirect_dma source(%dma_start3A_81 : memref<4096x384xi32, #tpu.memory_space<hbm>>) target(%arg6 : memref<128x384xi32, #tpu.memory_space<vmem>>) offsets(%dma_start3A_78 : memref<128xi32, #tpu.memory_space<vmem>>) semaphore(%arg8 : memref<!tpu.dma_semaphore, #tpu.memory_space<semaphore_mem>>)
    %dma_wait3A_82 = arith.constant 512 : i32
    %dma_wait3A_83 = tpu.memref_slice %arg5[%dma_wait3A_82] : memref<1024xi32, #tpu.memory_space<vmem>> -> memref<128xi32, #tpu.memory_space<vmem>>
    %dma_wait3A_84 = arith.constant 0 : i32
    %dma_wait3A_85 = arith.constant 0 : i32
    %dma_wait3A_86 = tpu.memref_slice %arg2[%dma_wait3A_84, %dma_wait3A_85] : memref<4096x384xi32, #tpu.memory_space<hbm>> -> memref<4096x384xi32, #tpu.memory_space<hbm>>
    tpu.wait_indirect_dma semaphore(%arg8 : memref<!tpu.dma_semaphore, #tpu.memory_space<semaphore_mem>>) src(%dma_wait3A_86 : memref<4096x384xi32, #tpu.memory_space<hbm>>) dst(%arg6 : memref<128x384xi32, #tpu.memory_space<vmem>>)
    %add3A_87 = arith.constant 512 : i32
    %add3A_88 = arith.addi %mul3A_2, %add3A_87 : i32
    %dma_start3A_89 = arith.constant 0 : i32
    %dma_start3A_90 = tpu.memref_slice %arg4[%add3A_88, %dma_start3A_89] : memref<32768x384xi32, #tpu.memory_space<hbm>> -> memref<128x384xi32, #tpu.memory_space<hbm>>
    %dma_start3A_91 = arith.constant 0 : i32
    %dma_start3A_92 = tpu.memref_slice %arg4[%add3A_88, %dma_start3A_91] : memref<32768x384xi32, #tpu.memory_space<hbm>> -> memref<128x384xi32, #tpu.memory_space<hbm>>
    tpu.enqueue_dma source(%arg6 : memref<128x384xi32, #tpu.memory_space<vmem>>) target(%dma_start3A_92 : memref<128x384xi32, #tpu.memory_space<hbm>>) target_semaphore(%arg10 : memref<!tpu.dma_semaphore, #tpu.memory_space<semaphore_mem>>)
    %dma_wait3A_93 = arith.constant 0 : i32
    %dma_wait3A_94 = tpu.memref_slice %arg4[%add3A_68, %dma_wait3A_93] : memref<32768x384xi32, #tpu.memory_space<hbm>> -> memref<128x384xi32, #tpu.memory_space<hbm>>
    %dma_wait3A_95 = arith.constant 0 : i32
    %dma_wait3A_96 = tpu.memref_slice %arg4[%add3A_68, %dma_wait3A_95] : memref<32768x384xi32, #tpu.memory_space<hbm>> -> memref<128x384xi32, #tpu.memory_space<hbm>>
    tpu.wait_dma2 semaphore(%arg11 : memref<!tpu.dma_semaphore, #tpu.memory_space<semaphore_mem>>) src(%arg7 : memref<128x384xi32, #tpu.memory_space<vmem>>) dst(%dma_wait3A_96 : memref<128x384xi32, #tpu.memory_space<hbm>>)
    %dma_start3A_97 = arith.constant 640 : i32
    %dma_start3A_98 = tpu.memref_slice %arg5[%dma_start3A_97] : memref<1024xi32, #tpu.memory_space<vmem>> -> memref<128xi32, #tpu.memory_space<vmem>>
    %dma_start3A_99 = arith.constant 0 : i32
    %dma_start3A_100 = arith.constant 0 : i32
    %dma_start3A_101 = tpu.memref_slice %arg2[%dma_start3A_99, %dma_start3A_100] : memref<4096x384xi32, #tpu.memory_space<hbm>> -> memref<4096x384xi32, #tpu.memory_space<hbm>>
    tpu.enqueue_indirect_dma source(%dma_start3A_101 : memref<4096x384xi32, #tpu.memory_space<hbm>>) target(%arg7 : memref<128x384xi32, #tpu.memory_space<vmem>>) offsets(%dma_start3A_98 : memref<128xi32, #tpu.memory_space<vmem>>) semaphore(%arg9 : memref<!tpu.dma_semaphore, #tpu.memory_space<semaphore_mem>>)
    %dma_wait3A_102 = arith.constant 640 : i32
    %dma_wait3A_103 = tpu.memref_slice %arg5[%dma_wait3A_102] : memref<1024xi32, #tpu.memory_space<vmem>> -> memref<128xi32, #tpu.memory_space<vmem>>
    %dma_wait3A_104 = arith.constant 0 : i32
    %dma_wait3A_105 = arith.constant 0 : i32
    %dma_wait3A_106 = tpu.memref_slice %arg2[%dma_wait3A_104, %dma_wait3A_105] : memref<4096x384xi32, #tpu.memory_space<hbm>> -> memref<4096x384xi32, #tpu.memory_space<hbm>>
    tpu.wait_indirect_dma semaphore(%arg9 : memref<!tpu.dma_semaphore, #tpu.memory_space<semaphore_mem>>) src(%dma_wait3A_106 : memref<4096x384xi32, #tpu.memory_space<hbm>>) dst(%arg7 : memref<128x384xi32, #tpu.memory_space<vmem>>)
    %add3A_107 = arith.constant 640 : i32
    %add3A_108 = arith.addi %mul3A_2, %add3A_107 : i32
    %dma_start3A_109 = arith.constant 0 : i32
    %dma_start3A_110 = tpu.memref_slice %arg4[%add3A_108, %dma_start3A_109] : memref<32768x384xi32, #tpu.memory_space<hbm>> -> memref<128x384xi32, #tpu.memory_space<hbm>>
    %dma_start3A_111 = arith.constant 0 : i32
    %dma_start3A_112 = tpu.memref_slice %arg4[%add3A_108, %dma_start3A_111] : memref<32768x384xi32, #tpu.memory_space<hbm>> -> memref<128x384xi32, #tpu.memory_space<hbm>>
    tpu.enqueue_dma source(%arg7 : memref<128x384xi32, #tpu.memory_space<vmem>>) target(%dma_start3A_112 : memref<128x384xi32, #tpu.memory_space<hbm>>) target_semaphore(%arg11 : memref<!tpu.dma_semaphore, #tpu.memory_space<semaphore_mem>>)
    %dma_wait3A_113 = arith.constant 0 : i32
    %dma_wait3A_114 = tpu.memref_slice %arg4[%add3A_88, %dma_wait3A_113] : memref<32768x384xi32, #tpu.memory_space<hbm>> -> memref<128x384xi32, #tpu.memory_space<hbm>>
    %dma_wait3A_115 = arith.constant 0 : i32
    %dma_wait3A_116 = tpu.memref_slice %arg4[%add3A_88, %dma_wait3A_115] : memref<32768x384xi32, #tpu.memory_space<hbm>> -> memref<128x384xi32, #tpu.memory_space<hbm>>
    tpu.wait_dma2 semaphore(%arg10 : memref<!tpu.dma_semaphore, #tpu.memory_space<semaphore_mem>>) src(%arg6 : memref<128x384xi32, #tpu.memory_space<vmem>>) dst(%dma_wait3A_116 : memref<128x384xi32, #tpu.memory_space<hbm>>)
    %dma_start3A_117 = arith.constant 768 : i32
    %dma_start3A_118 = tpu.memref_slice %arg5[%dma_start3A_117] : memref<1024xi32, #tpu.memory_space<vmem>> -> memref<128xi32, #tpu.memory_space<vmem>>
    %dma_start3A_119 = arith.constant 0 : i32
    %dma_start3A_120 = arith.constant 0 : i32
    %dma_start3A_121 = tpu.memref_slice %arg2[%dma_start3A_119, %dma_start3A_120] : memref<4096x384xi32, #tpu.memory_space<hbm>> -> memref<4096x384xi32, #tpu.memory_space<hbm>>
    tpu.enqueue_indirect_dma source(%dma_start3A_121 : memref<4096x384xi32, #tpu.memory_space<hbm>>) target(%arg6 : memref<128x384xi32, #tpu.memory_space<vmem>>) offsets(%dma_start3A_118 : memref<128xi32, #tpu.memory_space<vmem>>) semaphore(%arg8 : memref<!tpu.dma_semaphore, #tpu.memory_space<semaphore_mem>>)
    %dma_wait3A_122 = arith.constant 768 : i32
    %dma_wait3A_123 = tpu.memref_slice %arg5[%dma_wait3A_122] : memref<1024xi32, #tpu.memory_space<vmem>> -> memref<128xi32, #tpu.memory_space<vmem>>
    %dma_wait3A_124 = arith.constant 0 : i32
    %dma_wait3A_125 = arith.constant 0 : i32
    %dma_wait3A_126 = tpu.memref_slice %arg2[%dma_wait3A_124, %dma_wait3A_125] : memref<4096x384xi32, #tpu.memory_space<hbm>> -> memref<4096x384xi32, #tpu.memory_space<hbm>>
    tpu.wait_indirect_dma semaphore(%arg8 : memref<!tpu.dma_semaphore, #tpu.memory_space<semaphore_mem>>) src(%dma_wait3A_126 : memref<4096x384xi32, #tpu.memory_space<hbm>>) dst(%arg6 : memref<128x384xi32, #tpu.memory_space<vmem>>)
    %add3A_127 = arith.constant 768 : i32
    %add3A_128 = arith.addi %mul3A_2, %add3A_127 : i32
    %dma_start3A_129 = arith.constant 0 : i32
    %dma_start3A_130 = tpu.memref_slice %arg4[%add3A_128, %dma_start3A_129] : memref<32768x384xi32, #tpu.memory_space<hbm>> -> memref<128x384xi32, #tpu.memory_space<hbm>>
    %dma_start3A_131 = arith.constant 0 : i32
    %dma_start3A_132 = tpu.memref_slice %arg4[%add3A_128, %dma_start3A_131] : memref<32768x384xi32, #tpu.memory_space<hbm>> -> memref<128x384xi32, #tpu.memory_space<hbm>>
    tpu.enqueue_dma source(%arg6 : memref<128x384xi32, #tpu.memory_space<vmem>>) target(%dma_start3A_132 : memref<128x384xi32, #tpu.memory_space<hbm>>) target_semaphore(%arg10 : memref<!tpu.dma_semaphore, #tpu.memory_space<semaphore_mem>>)
    %dma_wait3A_133 = arith.constant 0 : i32
    %dma_wait3A_134 = tpu.memref_slice %arg4[%add3A_108, %dma_wait3A_133] : memref<32768x384xi32, #tpu.memory_space<hbm>> -> memref<128x384xi32, #tpu.memory_space<hbm>>
    %dma_wait3A_135 = arith.constant 0 : i32
    %dma_wait3A_136 = tpu.memref_slice %arg4[%add3A_108, %dma_wait3A_135] : memref<32768x384xi32, #tpu.memory_space<hbm>> -> memref<128x384xi32, #tpu.memory_space<hbm>>
    tpu.wait_dma2 semaphore(%arg11 : memref<!tpu.dma_semaphore, #tpu.memory_space<semaphore_mem>>) src(%arg7 : memref<128x384xi32, #tpu.memory_space<vmem>>) dst(%dma_wait3A_136 : memref<128x384xi32, #tpu.memory_space<hbm>>)
    %dma_start3A_137 = arith.constant 896 : i32
    %dma_start3A_138 = tpu.memref_slice %arg5[%dma_start3A_137] : memref<1024xi32, #tpu.memory_space<vmem>> -> memref<128xi32, #tpu.memory_space<vmem>>
    %dma_start3A_139 = arith.constant 0 : i32
    %dma_start3A_140 = arith.constant 0 : i32
    %dma_start3A_141 = tpu.memref_slice %arg2[%dma_start3A_139, %dma_start3A_140] : memref<4096x384xi32, #tpu.memory_space<hbm>> -> memref<4096x384xi32, #tpu.memory_space<hbm>>
    tpu.enqueue_indirect_dma source(%dma_start3A_141 : memref<4096x384xi32, #tpu.memory_space<hbm>>) target(%arg7 : memref<128x384xi32, #tpu.memory_space<vmem>>) offsets(%dma_start3A_138 : memref<128xi32, #tpu.memory_space<vmem>>) semaphore(%arg9 : memref<!tpu.dma_semaphore, #tpu.memory_space<semaphore_mem>>)
    %dma_wait3A_142 = arith.constant 896 : i32
    %dma_wait3A_143 = tpu.memref_slice %arg5[%dma_wait3A_142] : memref<1024xi32, #tpu.memory_space<vmem>> -> memref<128xi32, #tpu.memory_space<vmem>>
    %dma_wait3A_144 = arith.constant 0 : i32
    %dma_wait3A_145 = arith.constant 0 : i32
    %dma_wait3A_146 = tpu.memref_slice %arg2[%dma_wait3A_144, %dma_wait3A_145] : memref<4096x384xi32, #tpu.memory_space<hbm>> -> memref<4096x384xi32, #tpu.memory_space<hbm>>
    tpu.wait_indirect_dma semaphore(%arg9 : memref<!tpu.dma_semaphore, #tpu.memory_space<semaphore_mem>>) src(%dma_wait3A_146 : memref<4096x384xi32, #tpu.memory_space<hbm>>) dst(%arg7 : memref<128x384xi32, #tpu.memory_space<vmem>>)
    %add3A_147 = arith.constant 896 : i32
    %add3A_148 = arith.addi %mul3A_2, %add3A_147 : i32
    %dma_start3A_149 = arith.constant 0 : i32
    %dma_start3A_150 = tpu.memref_slice %arg4[%add3A_148, %dma_start3A_149] : memref<32768x384xi32, #tpu.memory_space<hbm>> -> memref<128x384xi32, #tpu.memory_space<hbm>>
    %dma_start3A_151 = arith.constant 0 : i32
    %dma_start3A_152 = tpu.memref_slice %arg4[%add3A_148, %dma_start3A_151] : memref<32768x384xi32, #tpu.memory_space<hbm>> -> memref<128x384xi32, #tpu.memory_space<hbm>>
    tpu.enqueue_dma source(%arg7 : memref<128x384xi32, #tpu.memory_space<vmem>>) target(%dma_start3A_152 : memref<128x384xi32, #tpu.memory_space<hbm>>) target_semaphore(%arg11 : memref<!tpu.dma_semaphore, #tpu.memory_space<semaphore_mem>>)
    %dma_wait3A_153 = arith.constant 0 : i32
    %dma_wait3A_154 = tpu.memref_slice %arg4[%add3A_128, %dma_wait3A_153] : memref<32768x384xi32, #tpu.memory_space<hbm>> -> memref<128x384xi32, #tpu.memory_space<hbm>>
    %dma_wait3A_155 = arith.constant 0 : i32
    %dma_wait3A_156 = tpu.memref_slice %arg4[%add3A_128, %dma_wait3A_155] : memref<32768x384xi32, #tpu.memory_space<hbm>> -> memref<128x384xi32, #tpu.memory_space<hbm>>
    tpu.wait_dma2 semaphore(%arg10 : memref<!tpu.dma_semaphore, #tpu.memory_space<semaphore_mem>>) src(%arg6 : memref<128x384xi32, #tpu.memory_space<vmem>>) dst(%dma_wait3A_156 : memref<128x384xi32, #tpu.memory_space<hbm>>)
    %dma_wait3A_157 = arith.constant 0 : i32
    %dma_wait3A_158 = tpu.memref_slice %arg4[%add3A_148, %dma_wait3A_157] : memref<32768x384xi32, #tpu.memory_space<hbm>> -> memref<128x384xi32, #tpu.memory_space<hbm>>
    %dma_wait3A_159 = arith.constant 0 : i32
    %dma_wait3A_160 = tpu.memref_slice %arg4[%add3A_148, %dma_wait3A_159] : memref<32768x384xi32, #tpu.memory_space<hbm>> -> memref<128x384xi32, #tpu.memory_space<hbm>>
    tpu.wait_dma2 semaphore(%arg11 : memref<!tpu.dma_semaphore, #tpu.memory_space<semaphore_mem>>) src(%arg7 : memref<128x384xi32, #tpu.memory_space<vmem>>) dst(%dma_wait3A_160 : memref<128x384xi32, #tpu.memory_space<hbm>>)
    return
  }
}

module attributes {stable_mosaic.version = 14 : i64} {
  func.func @_knn_body(%arg0: i32, %arg1: i32, %arg2: memref<1x256x16xf32, #tpu.memory_space<vmem>>, %arg3: memref<1x16x1024xf32, #tpu.memory_space<vmem>>, %arg4: memref<1x256x16xi32, #tpu.memory_space<vmem>>) attributes {dimension_semantics = [#tpu.dimension_semantics<arbitrary>, #tpu.dimension_semantics<arbitrary>], iteration_bounds = array<i64: 2, 4>, scalar_prefetch = 0 : i64, scratch_operands = 0 : i64, tpu.core_type = #tpu.core_type<tc>, window_params = [{transform_indices = @transform_0, window_bounds = array<i64: 1, 256, 16>}, {transform_indices = @transform_1, window_bounds = array<i64: 1, 16, 1024>}, {transform_indices = @transform_2, window_bounds = array<i64: 1, 256, 16>}]} {
    %add3A = arith.constant 2 : i32
    %add3A_0 = arith.addi %arg0, %add3A : i32
    %get3A = arith.constant 0 : index
    %get3A_1 = arith.constant 0 : index
    %get3A_2 = arith.constant 0 : index
    %get3A_3 = vector.load %arg2[%get3A, %get3A_1, %get3A_2] : memref<1x256x16xf32, #tpu.memory_space<vmem>>, vector<1x256x16xf32>
    %get3A_4 = vector.shape_cast %get3A_3 : vector<1x256x16xf32> to vector<256x16xf32>
    %get3A_5 = arith.constant 0 : index
    %get3A_6 = arith.constant 0 : index
    %get3A_7 = arith.constant 0 : index
    %get3A_8 = vector.load %arg3[%get3A_5, %get3A_6, %get3A_7] : memref<1x16x1024xf32, #tpu.memory_space<vmem>>, vector<1x16x1024xf32>
    %get3A_9 = vector.shape_cast %get3A_8 : vector<1x16x1024xf32> to vector<16x1024xf32>
    %dot_general3A = arith.constant dense<0.000000e+00> : vector<256x1024xf32>
    %dot_general3A_10 = tpu.matmul %get3A_4, %get3A_9, %dot_general3A {dimension_numbers = #tpu.dot_dimension_numbers<[1], [0], [0], [1], [0, 0, 1, 1], [], []>, precision = #tpu.contract_precision<fp32>, transpose_lhs_hint = false} : vector<256x16xf32>, vector<16x1024xf32>, vector<256x1024xf32> -> vector<256x1024xf32>
    %mul3A = arith.mulf %get3A_9, %get3A_9 : vector<16x1024xf32>
    %reduce_sum3A = arith.constant dense<0.000000e+00> : vector<1024xf32>
    %reduce_sum3A_11 = vector.multi_reduction <add>, %mul3A, %reduce_sum3A [0] : vector<16x1024xf32> to vector<1024xf32>
    %broadcast_in_dim3A = vector.shape_cast %reduce_sum3A_11 : vector<1024xf32> to vector<1x1024xf32>
    %iota3A = tpu.iota {dimensions = array<i32: 1>} : vector<256x1024xi32>
    %mul3A_12 = arith.constant 1.310720e+05 : f32
    %mul3A_13 = vector.broadcast %mul3A_12 : f32 to vector<1x1024xf32>
    %mul3A_14 = arith.mulf %broadcast_in_dim3A, %mul3A_13 : vector<1x1024xf32>
    %add3A_15 = arith.constant 3.933440e+05 : f32
    %add3A_16 = vector.broadcast %add3A_15 : f32 to vector<1x1024xf32>
    %add3A_17 = arith.addf %mul3A_14, %add3A_16 : vector<1x1024xf32>
    %mul3A_18 = arith.constant -2.621440e+05 : f32
    %mul3A_19 = vector.broadcast %mul3A_18 : f32 to vector<256x1024xf32>
    %mul3A_20 = arith.mulf %dot_general3A_10, %mul3A_19 : vector<256x1024xf32>
    %add3A_21 = vector.broadcast %add3A_17 : vector<1x1024xf32> to vector<256x1024xf32>
    %add3A_22 = arith.addf %mul3A_20, %add3A_21 : vector<256x1024xf32>
    %convert_element_type3A = arith.fptosi %add3A_22 : vector<256x1024xf32> to vector<256x1024xi32>
    %shift_left3A = arith.constant 10 : i32
    %shift_left3A_23 = vector.broadcast %shift_left3A : i32 to vector<256x1024xi32>
    %shift_left3A_24 = arith.shli %convert_element_type3A, %shift_left3A_23 : vector<256x1024xi32>
    %or3A = arith.ori %shift_left3A_24, %iota3A : vector<256x1024xi32>
    %reduce_min3A = arith.constant dense<2147483647> : vector<256xi32>
    %reduce_min3A_25 = vector.multi_reduction <minsi>, %or3A, %reduce_min3A [1] : vector<256x1024xi32> to vector<256xi32>
    %broadcast_in_dim3A_26 = vector.shape_cast %reduce_min3A_25 : vector<256xi32> to vector<256x1xi32>
    %eq3A = vector.broadcast %broadcast_in_dim3A_26 : vector<256x1xi32> to vector<256x1024xi32>
    %eq3A_27 = arith.cmpi eq, %or3A, %eq3A : vector<256x1024xi32>
    %jit3A = arith.constant 2147483647 : i32
    %broadcast_in_dim3A_28 = vector.broadcast %jit3A : i32 to vector<256x1024xi32>
    %select_n3A = arith.select %eq3A_27, %broadcast_in_dim3A_28, %or3A : vector<256x1024xi1>, vector<256x1024xi32>
    %and3A = arith.constant 1023 : i32
    %and3A_29 = vector.broadcast %and3A : i32 to vector<256x1xi32>
    %and3A_30 = arith.andi %broadcast_in_dim3A_26, %and3A_29 : vector<256x1xi32>
    %reduce_min3A_31 = arith.constant dense<2147483647> : vector<256xi32>
    %reduce_min3A_32 = vector.multi_reduction <minsi>, %select_n3A, %reduce_min3A_31 [1] : vector<256x1024xi32> to vector<256xi32>
    %broadcast_in_dim3A_33 = vector.shape_cast %reduce_min3A_32 : vector<256xi32> to vector<256x1xi32>
    %eq3A_34 = vector.broadcast %broadcast_in_dim3A_33 : vector<256x1xi32> to vector<256x1024xi32>
    %eq3A_35 = arith.cmpi eq, %select_n3A, %eq3A_34 : vector<256x1024xi32>
    %jit3A_36 = arith.constant 2147483647 : i32
    %broadcast_in_dim3A_37 = vector.broadcast %jit3A_36 : i32 to vector<256x1024xi32>
    %select_n3A_38 = arith.select %eq3A_35, %broadcast_in_dim3A_37, %select_n3A : vector<256x1024xi1>, vector<256x1024xi32>
    %and3A_39 = arith.constant 1023 : i32
    %and3A_40 = vector.broadcast %and3A_39 : i32 to vector<256x1xi32>
    %and3A_41 = arith.andi %broadcast_in_dim3A_33, %and3A_40 : vector<256x1xi32>
    %reduce_min3A_42 = arith.constant dense<2147483647> : vector<256xi32>
    %reduce_min3A_43 = vector.multi_reduction <minsi>, %select_n3A_38, %reduce_min3A_42 [1] : vector<256x1024xi32> to vector<256xi32>
    %broadcast_in_dim3A_44 = vector.shape_cast %reduce_min3A_43 : vector<256xi32> to vector<256x1xi32>
    %eq3A_45 = vector.broadcast %broadcast_in_dim3A_44 : vector<256x1xi32> to vector<256x1024xi32>
    %eq3A_46 = arith.cmpi eq, %select_n3A_38, %eq3A_45 : vector<256x1024xi32>
    %jit3A_47 = arith.constant 2147483647 : i32
    %broadcast_in_dim3A_48 = vector.broadcast %jit3A_47 : i32 to vector<256x1024xi32>
    %select_n3A_49 = arith.select %eq3A_46, %broadcast_in_dim3A_48, %select_n3A_38 : vector<256x1024xi1>, vector<256x1024xi32>
    %and3A_50 = arith.constant 1023 : i32
    %and3A_51 = vector.broadcast %and3A_50 : i32 to vector<256x1xi32>
    %and3A_52 = arith.andi %broadcast_in_dim3A_44, %and3A_51 : vector<256x1xi32>
    %reduce_min3A_53 = arith.constant dense<2147483647> : vector<256xi32>
    %reduce_min3A_54 = vector.multi_reduction <minsi>, %select_n3A_49, %reduce_min3A_53 [1] : vector<256x1024xi32> to vector<256xi32>
    %broadcast_in_dim3A_55 = vector.shape_cast %reduce_min3A_54 : vector<256xi32> to vector<256x1xi32>
    %eq3A_56 = vector.broadcast %broadcast_in_dim3A_55 : vector<256x1xi32> to vector<256x1024xi32>
    %eq3A_57 = arith.cmpi eq, %select_n3A_49, %eq3A_56 : vector<256x1024xi32>
    %jit3A_58 = arith.constant 2147483647 : i32
    %broadcast_in_dim3A_59 = vector.broadcast %jit3A_58 : i32 to vector<256x1024xi32>
    %select_n3A_60 = arith.select %eq3A_57, %broadcast_in_dim3A_59, %select_n3A_49 : vector<256x1024xi1>, vector<256x1024xi32>
    %and3A_61 = arith.constant 1023 : i32
    %and3A_62 = vector.broadcast %and3A_61 : i32 to vector<256x1xi32>
    %and3A_63 = arith.andi %broadcast_in_dim3A_55, %and3A_62 : vector<256x1xi32>
    %reduce_min3A_64 = arith.constant dense<2147483647> : vector<256xi32>
    %reduce_min3A_65 = vector.multi_reduction <minsi>, %select_n3A_60, %reduce_min3A_64 [1] : vector<256x1024xi32> to vector<256xi32>
    %broadcast_in_dim3A_66 = vector.shape_cast %reduce_min3A_65 : vector<256xi32> to vector<256x1xi32>
    %eq3A_67 = vector.broadcast %broadcast_in_dim3A_66 : vector<256x1xi32> to vector<256x1024xi32>
    %eq3A_68 = arith.cmpi eq, %select_n3A_60, %eq3A_67 : vector<256x1024xi32>
    %jit3A_69 = arith.constant 2147483647 : i32
    %broadcast_in_dim3A_70 = vector.broadcast %jit3A_69 : i32 to vector<256x1024xi32>
    %select_n3A_71 = arith.select %eq3A_68, %broadcast_in_dim3A_70, %select_n3A_60 : vector<256x1024xi1>, vector<256x1024xi32>
    %and3A_72 = arith.constant 1023 : i32
    %and3A_73 = vector.broadcast %and3A_72 : i32 to vector<256x1xi32>
    %and3A_74 = arith.andi %broadcast_in_dim3A_66, %and3A_73 : vector<256x1xi32>
    %reduce_min3A_75 = arith.constant dense<2147483647> : vector<256xi32>
    %reduce_min3A_76 = vector.multi_reduction <minsi>, %select_n3A_71, %reduce_min3A_75 [1] : vector<256x1024xi32> to vector<256xi32>
    %broadcast_in_dim3A_77 = vector.shape_cast %reduce_min3A_76 : vector<256xi32> to vector<256x1xi32>
    %eq3A_78 = vector.broadcast %broadcast_in_dim3A_77 : vector<256x1xi32> to vector<256x1024xi32>
    %eq3A_79 = arith.cmpi eq, %select_n3A_71, %eq3A_78 : vector<256x1024xi32>
    %jit3A_80 = arith.constant 2147483647 : i32
    %broadcast_in_dim3A_81 = vector.broadcast %jit3A_80 : i32 to vector<256x1024xi32>
    %select_n3A_82 = arith.select %eq3A_79, %broadcast_in_dim3A_81, %select_n3A_71 : vector<256x1024xi1>, vector<256x1024xi32>
    %and3A_83 = arith.constant 1023 : i32
    %and3A_84 = vector.broadcast %and3A_83 : i32 to vector<256x1xi32>
    %and3A_85 = arith.andi %broadcast_in_dim3A_77, %and3A_84 : vector<256x1xi32>
    %reduce_min3A_86 = arith.constant dense<2147483647> : vector<256xi32>
    %reduce_min3A_87 = vector.multi_reduction <minsi>, %select_n3A_82, %reduce_min3A_86 [1] : vector<256x1024xi32> to vector<256xi32>
    %broadcast_in_dim3A_88 = vector.shape_cast %reduce_min3A_87 : vector<256xi32> to vector<256x1xi32>
    %eq3A_89 = vector.broadcast %broadcast_in_dim3A_88 : vector<256x1xi32> to vector<256x1024xi32>
    %eq3A_90 = arith.cmpi eq, %select_n3A_82, %eq3A_89 : vector<256x1024xi32>
    %jit3A_91 = arith.constant 2147483647 : i32
    %broadcast_in_dim3A_92 = vector.broadcast %jit3A_91 : i32 to vector<256x1024xi32>
    %select_n3A_93 = arith.select %eq3A_90, %broadcast_in_dim3A_92, %select_n3A_82 : vector<256x1024xi1>, vector<256x1024xi32>
    %and3A_94 = arith.constant 1023 : i32
    %and3A_95 = vector.broadcast %and3A_94 : i32 to vector<256x1xi32>
    %and3A_96 = arith.andi %broadcast_in_dim3A_88, %and3A_95 : vector<256x1xi32>
    %reduce_min3A_97 = arith.constant dense<2147483647> : vector<256xi32>
    %reduce_min3A_98 = vector.multi_reduction <minsi>, %select_n3A_93, %reduce_min3A_97 [1] : vector<256x1024xi32> to vector<256xi32>
    %broadcast_in_dim3A_99 = vector.shape_cast %reduce_min3A_98 : vector<256xi32> to vector<256x1xi32>
    %eq3A_100 = vector.broadcast %broadcast_in_dim3A_99 : vector<256x1xi32> to vector<256x1024xi32>
    %eq3A_101 = arith.cmpi eq, %select_n3A_93, %eq3A_100 : vector<256x1024xi32>
    %jit3A_102 = arith.constant 2147483647 : i32
    %broadcast_in_dim3A_103 = vector.broadcast %jit3A_102 : i32 to vector<256x1024xi32>
    %select_n3A_104 = arith.select %eq3A_101, %broadcast_in_dim3A_103, %select_n3A_93 : vector<256x1024xi1>, vector<256x1024xi32>
    %and3A_105 = arith.constant 1023 : i32
    %and3A_106 = vector.broadcast %and3A_105 : i32 to vector<256x1xi32>
    %and3A_107 = arith.andi %broadcast_in_dim3A_99, %and3A_106 : vector<256x1xi32>
    %reduce_min3A_108 = arith.constant dense<2147483647> : vector<256xi32>
    %reduce_min3A_109 = vector.multi_reduction <minsi>, %select_n3A_104, %reduce_min3A_108 [1] : vector<256x1024xi32> to vector<256xi32>
    %broadcast_in_dim3A_110 = vector.shape_cast %reduce_min3A_109 : vector<256xi32> to vector<256x1xi32>
    %eq3A_111 = vector.broadcast %broadcast_in_dim3A_110 : vector<256x1xi32> to vector<256x1024xi32>
    %eq3A_112 = arith.cmpi eq, %select_n3A_104, %eq3A_111 : vector<256x1024xi32>
    %jit3A_113 = arith.constant 2147483647 : i32
    %broadcast_in_dim3A_114 = vector.broadcast %jit3A_113 : i32 to vector<256x1024xi32>
    %select_n3A_115 = arith.select %eq3A_112, %broadcast_in_dim3A_114, %select_n3A_104 : vector<256x1024xi1>, vector<256x1024xi32>
    %and3A_116 = arith.constant 1023 : i32
    %and3A_117 = vector.broadcast %and3A_116 : i32 to vector<256x1xi32>
    %and3A_118 = arith.andi %broadcast_in_dim3A_110, %and3A_117 : vector<256x1xi32>
    %reduce_min3A_119 = arith.constant dense<2147483647> : vector<256xi32>
    %reduce_min3A_120 = vector.multi_reduction <minsi>, %select_n3A_115, %reduce_min3A_119 [1] : vector<256x1024xi32> to vector<256xi32>
    %broadcast_in_dim3A_121 = vector.shape_cast %reduce_min3A_120 : vector<256xi32> to vector<256x1xi32>
    %eq3A_122 = vector.broadcast %broadcast_in_dim3A_121 : vector<256x1xi32> to vector<256x1024xi32>
    %eq3A_123 = arith.cmpi eq, %select_n3A_115, %eq3A_122 : vector<256x1024xi32>
    %jit3A_124 = arith.constant 2147483647 : i32
    %broadcast_in_dim3A_125 = vector.broadcast %jit3A_124 : i32 to vector<256x1024xi32>
    %select_n3A_126 = arith.select %eq3A_123, %broadcast_in_dim3A_125, %select_n3A_115 : vector<256x1024xi1>, vector<256x1024xi32>
    %and3A_127 = arith.constant 1023 : i32
    %and3A_128 = vector.broadcast %and3A_127 : i32 to vector<256x1xi32>
    %and3A_129 = arith.andi %broadcast_in_dim3A_121, %and3A_128 : vector<256x1xi32>
    %reduce_min3A_130 = arith.constant dense<2147483647> : vector<256xi32>
    %reduce_min3A_131 = vector.multi_reduction <minsi>, %select_n3A_126, %reduce_min3A_130 [1] : vector<256x1024xi32> to vector<256xi32>
    %broadcast_in_dim3A_132 = vector.shape_cast %reduce_min3A_131 : vector<256xi32> to vector<256x1xi32>
    %eq3A_133 = vector.broadcast %broadcast_in_dim3A_132 : vector<256x1xi32> to vector<256x1024xi32>
    %eq3A_134 = arith.cmpi eq, %select_n3A_126, %eq3A_133 : vector<256x1024xi32>
    %jit3A_135 = arith.constant 2147483647 : i32
    %broadcast_in_dim3A_136 = vector.broadcast %jit3A_135 : i32 to vector<256x1024xi32>
    %select_n3A_137 = arith.select %eq3A_134, %broadcast_in_dim3A_136, %select_n3A_126 : vector<256x1024xi1>, vector<256x1024xi32>
    %and3A_138 = arith.constant 1023 : i32
    %and3A_139 = vector.broadcast %and3A_138 : i32 to vector<256x1xi32>
    %and3A_140 = arith.andi %broadcast_in_dim3A_132, %and3A_139 : vector<256x1xi32>
    %reduce_min3A_141 = arith.constant dense<2147483647> : vector<256xi32>
    %reduce_min3A_142 = vector.multi_reduction <minsi>, %select_n3A_137, %reduce_min3A_141 [1] : vector<256x1024xi32> to vector<256xi32>
    %broadcast_in_dim3A_143 = vector.shape_cast %reduce_min3A_142 : vector<256xi32> to vector<256x1xi32>
    %eq3A_144 = vector.broadcast %broadcast_in_dim3A_143 : vector<256x1xi32> to vector<256x1024xi32>
    %eq3A_145 = arith.cmpi eq, %select_n3A_137, %eq3A_144 : vector<256x1024xi32>
    %jit3A_146 = arith.constant 2147483647 : i32
    %broadcast_in_dim3A_147 = vector.broadcast %jit3A_146 : i32 to vector<256x1024xi32>
    %select_n3A_148 = arith.select %eq3A_145, %broadcast_in_dim3A_147, %select_n3A_137 : vector<256x1024xi1>, vector<256x1024xi32>
    %and3A_149 = arith.constant 1023 : i32
    %and3A_150 = vector.broadcast %and3A_149 : i32 to vector<256x1xi32>
    %and3A_151 = arith.andi %broadcast_in_dim3A_143, %and3A_150 : vector<256x1xi32>
    %reduce_min3A_152 = arith.constant dense<2147483647> : vector<256xi32>
    %reduce_min3A_153 = vector.multi_reduction <minsi>, %select_n3A_148, %reduce_min3A_152 [1] : vector<256x1024xi32> to vector<256xi32>
    %broadcast_in_dim3A_154 = vector.shape_cast %reduce_min3A_153 : vector<256xi32> to vector<256x1xi32>
    %eq3A_155 = vector.broadcast %broadcast_in_dim3A_154 : vector<256x1xi32> to vector<256x1024xi32>
    %eq3A_156 = arith.cmpi eq, %select_n3A_148, %eq3A_155 : vector<256x1024xi32>
    %jit3A_157 = arith.constant 2147483647 : i32
    %broadcast_in_dim3A_158 = vector.broadcast %jit3A_157 : i32 to vector<256x1024xi32>
    %select_n3A_159 = arith.select %eq3A_156, %broadcast_in_dim3A_158, %select_n3A_148 : vector<256x1024xi1>, vector<256x1024xi32>
    %and3A_160 = arith.constant 1023 : i32
    %and3A_161 = vector.broadcast %and3A_160 : i32 to vector<256x1xi32>
    %and3A_162 = arith.andi %broadcast_in_dim3A_154, %and3A_161 : vector<256x1xi32>
    %reduce_min3A_163 = arith.constant dense<2147483647> : vector<256xi32>
    %reduce_min3A_164 = vector.multi_reduction <minsi>, %select_n3A_159, %reduce_min3A_163 [1] : vector<256x1024xi32> to vector<256xi32>
    %broadcast_in_dim3A_165 = vector.shape_cast %reduce_min3A_164 : vector<256xi32> to vector<256x1xi32>
    %eq3A_166 = vector.broadcast %broadcast_in_dim3A_165 : vector<256x1xi32> to vector<256x1024xi32>
    %eq3A_167 = arith.cmpi eq, %select_n3A_159, %eq3A_166 : vector<256x1024xi32>
    %jit3A_168 = arith.constant 2147483647 : i32
    %broadcast_in_dim3A_169 = vector.broadcast %jit3A_168 : i32 to vector<256x1024xi32>
    %select_n3A_170 = arith.select %eq3A_167, %broadcast_in_dim3A_169, %select_n3A_159 : vector<256x1024xi1>, vector<256x1024xi32>
    %and3A_171 = arith.constant 1023 : i32
    %and3A_172 = vector.broadcast %and3A_171 : i32 to vector<256x1xi32>
    %and3A_173 = arith.andi %broadcast_in_dim3A_165, %and3A_172 : vector<256x1xi32>
    %reduce_min3A_174 = arith.constant dense<2147483647> : vector<256xi32>
    %reduce_min3A_175 = vector.multi_reduction <minsi>, %select_n3A_170, %reduce_min3A_174 [1] : vector<256x1024xi32> to vector<256xi32>
    %broadcast_in_dim3A_176 = vector.shape_cast %reduce_min3A_175 : vector<256xi32> to vector<256x1xi32>
    %eq3A_177 = vector.broadcast %broadcast_in_dim3A_176 : vector<256x1xi32> to vector<256x1024xi32>
    %eq3A_178 = arith.cmpi eq, %select_n3A_170, %eq3A_177 : vector<256x1024xi32>
    %jit3A_179 = arith.constant 2147483647 : i32
    %broadcast_in_dim3A_180 = vector.broadcast %jit3A_179 : i32 to vector<256x1024xi32>
    %select_n3A_181 = arith.select %eq3A_178, %broadcast_in_dim3A_180, %select_n3A_170 : vector<256x1024xi1>, vector<256x1024xi32>
    %and3A_182 = arith.constant 1023 : i32
    %and3A_183 = vector.broadcast %and3A_182 : i32 to vector<256x1xi32>
    %and3A_184 = arith.andi %broadcast_in_dim3A_176, %and3A_183 : vector<256x1xi32>
    %reduce_min3A_185 = arith.constant dense<2147483647> : vector<256xi32>
    %reduce_min3A_186 = vector.multi_reduction <minsi>, %select_n3A_181, %reduce_min3A_185 [1] : vector<256x1024xi32> to vector<256xi32>
    %broadcast_in_dim3A_187 = vector.shape_cast %reduce_min3A_186 : vector<256xi32> to vector<256x1xi32>
    %and3A_188 = arith.constant 1023 : i32
    %and3A_189 = vector.broadcast %and3A_188 : i32 to vector<256x1xi32>
    %and3A_190 = arith.andi %broadcast_in_dim3A_187, %and3A_189 : vector<256x1xi32>
    %concatenate3A = tpu.concatenate %and3A_30, %and3A_41, %and3A_52, %and3A_63, %and3A_74, %and3A_85, %and3A_96, %and3A_107, %and3A_118, %and3A_129, %and3A_140, %and3A_151, %and3A_162, %and3A_173, %and3A_184, %and3A_190 in 1 : vector<256x1xi32>, vector<256x1xi32>, vector<256x1xi32>, vector<256x1xi32>, vector<256x1xi32>, vector<256x1xi32>, vector<256x1xi32>, vector<256x1xi32>, vector<256x1xi32>, vector<256x1xi32>, vector<256x1xi32>, vector<256x1xi32>, vector<256x1xi32>, vector<256x1xi32>, vector<256x1xi32>, vector<256x1xi32> -> vector<256x16xi32>
    %mul3A_191 = arith.constant 1024 : i32
    %mul3A_192 = arith.muli %add3A_0, %mul3A_191 : i32
    %add3A_193 = vector.broadcast %mul3A_192 : i32 to vector<256x16xi32>
    %add3A_194 = arith.addi %concatenate3A, %add3A_193 : vector<256x16xi32>
    %swap3A = arith.constant 0 : index
    %swap3A_195 = arith.constant 0 : index
    %swap3A_196 = arith.constant 0 : index
    %swap3A_197 = vector.load %arg4[%swap3A, %swap3A_195, %swap3A_196] : memref<1x256x16xi32, #tpu.memory_space<vmem>>, vector<1x256x16xi32>
    %swap3A_198 = vector.shape_cast %swap3A_197 : vector<1x256x16xi32> to vector<256x16xi32>
    %swap3A_199 = vector.shape_cast %add3A_194 : vector<256x16xi32> to vector<1x256x16xi32>
    tpu.vector_store %arg4[%swap3A, %swap3A_195, %swap3A_196], %swap3A_199 {strides = array<i32>} : memref<1x256x16xi32, #tpu.memory_space<vmem>>, vector<1x256x16xi32>,
    return
  }
  func.func @transform_0(%arg0: i32, %arg1: i32) -> (i32, i32, i32) {
    %c0_i32 = arith.constant 0 : i32
    %c0_i32_0 = arith.constant 0 : i32
    return %arg0, %arg1, %c0_i32 : i32, i32, i32
  }
  func.func @transform_1(%arg0: i32, %arg1: i32) -> (i32, i32, i32) {
    %c0_i32 = arith.constant 0 : i32
    %c0_i32_0 = arith.constant 0 : i32
    %c0_i32_1 = arith.constant 0 : i32
    return %arg0, %c0_i32, %c0_i32_0 : i32, i32, i32
  }
  func.func @transform_2(%arg0: i32, %arg1: i32) -> (i32, i32, i32) {
    %c0_i32 = arith.constant 0 : i32
    %c0_i32_0 = arith.constant 0 : i32
    return %arg0, %arg1, %c0_i32 : i32, i32, i32
  }
}

module attributes {stable_mosaic.version = 14 : i64} {
  func.func @_prep_body(%arg0: i32, %arg1: memref<1024x256xf32, #tpu.memory_space<vmem>>, %arg2: memref<1024x16xf32, #tpu.memory_space<vmem>>, %arg3: memref<256x512xbf16, #tpu.memory_space<vmem>>, %arg4: memref<1024x384xi32, #tpu.memory_space<vmem>>) attributes {dimension_semantics = [#tpu.dimension_semantics<arbitrary>], iteration_bounds = array<i64: 4>, scalar_prefetch = 0 : i64, scratch_operands = 0 : i64, tpu.core_type = #tpu.core_type<tc>, window_params = [{transform_indices = @transform_0, window_bounds = array<i64: 1024, 256>}, {transform_indices = @transform_1, window_bounds = array<i64: 1024, 16>}, {pipeline_mode = #tpu.pipeline_mode<synchronous>, transform_indices = @transform_2, window_bounds = array<i64: 256, 512>}, {transform_indices = @transform_3, window_bounds = array<i64: 1024, 384>}]} {
    %get3A = arith.constant 0 : index
    %get3A_0 = arith.constant 0 : index
    %get3A_1 = vector.load %arg1[%get3A, %get3A_0] : memref<1024x256xf32, #tpu.memory_space<vmem>>, vector<1024x256xf32>
    %convert_element_type3A = arith.truncf %get3A_1 : vector<1024x256xf32> to vector<1024x256xbf16>
    %get3A_2 = arith.constant 0 : index
    %get3A_3 = arith.constant 0 : index
    %get3A_4 = vector.load %arg3[%get3A_2, %get3A_3] : memref<256x512xbf16, #tpu.memory_space<vmem>>, vector<256x512xbf16>
    %dot_general3A = arith.constant dense<0.000000e+00> : vector<1024x512xf32>
    %dot_general3A_5 = tpu.matmul %convert_element_type3A, %get3A_4, %dot_general3A {dimension_numbers = #tpu.dot_dimension_numbers<[1], [0], [0], [1], [0, 0, 1, 1], [], []>, transpose_lhs_hint = false} : vector<1024x256xbf16>, vector<256x512xbf16>, vector<1024x512xf32> -> vector<1024x512xf32>
    %slice3A = vector.extract_strided_slice %dot_general3A_5 {offsets = [0, 0], sizes = [1024, 256], strides = [1, 1]} : vector<1024x512xf32> to vector<1024x256xf32>
    %bitcast_convert_type3A = tpu.bitcast %slice3A : vector<1024x256xf32> -> vector<1024x256xi32>
    %slice3A_6 = vector.extract_strided_slice %dot_general3A_5 {offsets = [0, 256], sizes = [1024, 256], strides = [1, 1]} : vector<1024x512xf32> to vector<1024x256xf32>
    %bitcast_convert_type3A_7 = tpu.bitcast %slice3A_6 : vector<1024x256xf32> -> vector<1024x256xi32>
    %and3A = arith.constant -65536 : i32
    %and3A_8 = vector.broadcast %and3A : i32 to vector<1024x256xi32>
    %and3A_9 = arith.andi %bitcast_convert_type3A_7, %and3A_8 : vector<1024x256xi32>
    %shift_right_logical3A = arith.constant 16 : i32
    %shift_right_logical3A_10 = vector.broadcast %shift_right_logical3A : i32 to vector<1024x256xi32>
    %shift_right_logical3A_11 = arith.shrui %bitcast_convert_type3A, %shift_right_logical3A_10 : vector<1024x256xi32>
    %or3A = arith.ori %and3A_9, %shift_right_logical3A_11 : vector<1024x256xi32>
    %swap3A = arith.constant 0 : index
    %swap3A_12 = arith.constant 0 : index
    %swap3A_13 = vector.load %arg4[%swap3A, %swap3A_12] : memref<1024x384xi32, #tpu.memory_space<vmem>>, vector<1024x256xi32>
    tpu.vector_store %arg4[%swap3A, %swap3A_12], %or3A {strides = array<i32>} : memref<1024x384xi32, #tpu.memory_space<vmem>>, vector<1024x256xi32>,
    %get3A_14 = arith.constant 0 : index
    %get3A_15 = arith.constant 0 : index
    %get3A_16 = vector.load %arg2[%get3A_14, %get3A_15] : memref<1024x16xf32, #tpu.memory_space<vmem>>, vector<1024x16xf32>
    %bitcast_convert_type3A_17 = tpu.bitcast %get3A_16 : vector<1024x16xf32> -> vector<1024x16xi32>
    %jit3A = arith.constant 0 : i32
    %pad3A = vector.broadcast %jit3A : i32 to vector<1024x112xi32>
    %pad3A_18 = tpu.concatenate %bitcast_convert_type3A_17, %pad3A in 1 : vector<1024x16xi32>, vector<1024x112xi32> -> vector<1024x128xi32>
    %swap3A_19 = arith.constant 0 : index
    %swap3A_20 = arith.constant 256 : index
    %swap3A_21 = vector.load %arg4[%swap3A_19, %swap3A_20] : memref<1024x384xi32, #tpu.memory_space<vmem>>, vector<1024x128xi32>
    tpu.vector_store %arg4[%swap3A_19, %swap3A_20], %pad3A_18 {strides = array<i32>} : memref<1024x384xi32, #tpu.memory_space<vmem>>, vector<1024x128xi32>,
    return
  }
  func.func @transform_0(%arg0: i32) -> (i32, i32) {
    %c0_i32 = arith.constant 0 : i32
    %c0_i32_0 = arith.constant 0 : i32
    return %arg0, %c0_i32 : i32, i32
  }
  func.func @transform_1(%arg0: i32) -> (i32, i32) {
    %c0_i32 = arith.constant 0 : i32
    %c0_i32_0 = arith.constant 0 : i32
    return %arg0, %c0_i32 : i32, i32
  }
  func.func @transform_2(%arg0: i32) -> (i32, i32) {
    %c0_i32 = arith.constant 0 : i32
    %c0_i32_0 = arith.constant 0 : i32
    %c0_i32_1 = arith.constant 0 : i32
    return %c0_i32, %c0_i32_0 : i32, i32
  }
  func.func @transform_3(%arg0: i32) -> (i32, i32) {
    %c0_i32 = arith.constant 0 : i32
    %c0_i32_0 = arith.constant 0 : i32
    return %arg0, %c0_i32 : i32, i32
  }
}

module attributes {stable_mosaic.version = 14 : i64} {
  func.func @_knn_body(%arg0: i32, %arg1: i32, %arg2: memref<1x256x16xf32, #tpu.memory_space<vmem>>, %arg3: memref<1x16x1024xf32, #tpu.memory_space<vmem>>, %arg4: memref<1x256x16xi32, #tpu.memory_space<vmem>>) attributes {dimension_semantics = [#tpu.dimension_semantics<arbitrary>, #tpu.dimension_semantics<arbitrary>], iteration_bounds = array<i64: 2, 4>, scalar_prefetch = 0 : i64, scratch_operands = 0 : i64, tpu.core_type = #tpu.core_type<tc>, window_params = [{transform_indices = @transform_0, window_bounds = array<i64: 1, 256, 16>}, {transform_indices = @transform_1, window_bounds = array<i64: 1, 16, 1024>}, {transform_indices = @transform_2, window_bounds = array<i64: 1, 256, 16>}]} {
    %add3A = arith.constant 0 : i32
    %add3A_0 = arith.addi %arg0, %add3A : i32
    %get3A = arith.constant 0 : index
    %get3A_1 = arith.constant 0 : index
    %get3A_2 = arith.constant 0 : index
    %get3A_3 = vector.load %arg2[%get3A, %get3A_1, %get3A_2] : memref<1x256x16xf32, #tpu.memory_space<vmem>>, vector<1x256x16xf32>
    %get3A_4 = vector.shape_cast %get3A_3 : vector<1x256x16xf32> to vector<256x16xf32>
    %get3A_5 = arith.constant 0 : index
    %get3A_6 = arith.constant 0 : index
    %get3A_7 = arith.constant 0 : index
    %get3A_8 = vector.load %arg3[%get3A_5, %get3A_6, %get3A_7] : memref<1x16x1024xf32, #tpu.memory_space<vmem>>, vector<1x16x1024xf32>
    %get3A_9 = vector.shape_cast %get3A_8 : vector<1x16x1024xf32> to vector<16x1024xf32>
    %dot_general3A = arith.constant dense<0.000000e+00> : vector<256x1024xf32>
    %dot_general3A_10 = tpu.matmul %get3A_4, %get3A_9, %dot_general3A {dimension_numbers = #tpu.dot_dimension_numbers<[1], [0], [0], [1], [0, 0, 1, 1], [], []>, precision = #tpu.contract_precision<fp32>, transpose_lhs_hint = false} : vector<256x16xf32>, vector<16x1024xf32>, vector<256x1024xf32> -> vector<256x1024xf32>
    %mul3A = arith.mulf %get3A_9, %get3A_9 : vector<16x1024xf32>
    %reduce_sum3A = arith.constant dense<0.000000e+00> : vector<1024xf32>
    %reduce_sum3A_11 = vector.multi_reduction <add>, %mul3A, %reduce_sum3A [0] : vector<16x1024xf32> to vector<1024xf32>
    %broadcast_in_dim3A = vector.shape_cast %reduce_sum3A_11 : vector<1024xf32> to vector<1x1024xf32>
    %iota3A = tpu.iota {dimensions = array<i32: 1>} : vector<256x1024xi32>
    %mul3A_12 = arith.constant 1.310720e+05 : f32
    %mul3A_13 = vector.broadcast %mul3A_12 : f32 to vector<1x1024xf32>
    %mul3A_14 = arith.mulf %broadcast_in_dim3A, %mul3A_13 : vector<1x1024xf32>
    %add3A_15 = arith.constant 3.933440e+05 : f32
    %add3A_16 = vector.broadcast %add3A_15 : f32 to vector<1x1024xf32>
    %add3A_17 = arith.addf %mul3A_14, %add3A_16 : vector<1x1024xf32>
    %mul3A_18 = arith.constant -2.621440e+05 : f32
    %mul3A_19 = vector.broadcast %mul3A_18 : f32 to vector<256x1024xf32>
    %mul3A_20 = arith.mulf %dot_general3A_10, %mul3A_19 : vector<256x1024xf32>
    %add3A_21 = vector.broadcast %add3A_17 : vector<1x1024xf32> to vector<256x1024xf32>
    %add3A_22 = arith.addf %mul3A_20, %add3A_21 : vector<256x1024xf32>
    %convert_element_type3A = arith.fptosi %add3A_22 : vector<256x1024xf32> to vector<256x1024xi32>
    %shift_left3A = arith.constant 10 : i32
    %shift_left3A_23 = vector.broadcast %shift_left3A : i32 to vector<256x1024xi32>
    %shift_left3A_24 = arith.shli %convert_element_type3A, %shift_left3A_23 : vector<256x1024xi32>
    %or3A = arith.ori %shift_left3A_24, %iota3A : vector<256x1024xi32>
    %reduce_min3A = arith.constant dense<2147483647> : vector<256xi32>
    %reduce_min3A_25 = vector.multi_reduction <minsi>, %or3A, %reduce_min3A [1] : vector<256x1024xi32> to vector<256xi32>
    %broadcast_in_dim3A_26 = vector.shape_cast %reduce_min3A_25 : vector<256xi32> to vector<256x1xi32>
    %eq3A = vector.broadcast %broadcast_in_dim3A_26 : vector<256x1xi32> to vector<256x1024xi32>
    %eq3A_27 = arith.cmpi eq, %or3A, %eq3A : vector<256x1024xi32>
    %jit3A = arith.constant 2147483647 : i32
    %broadcast_in_dim3A_28 = vector.broadcast %jit3A : i32 to vector<256x1024xi32>
    %select_n3A = arith.select %eq3A_27, %broadcast_in_dim3A_28, %or3A : vector<256x1024xi1>, vector<256x1024xi32>
    %and3A = arith.constant 1023 : i32
    %and3A_29 = vector.broadcast %and3A : i32 to vector<256x1xi32>
    %and3A_30 = arith.andi %broadcast_in_dim3A_26, %and3A_29 : vector<256x1xi32>
    %reduce_min3A_31 = arith.constant dense<2147483647> : vector<256xi32>
    %reduce_min3A_32 = vector.multi_reduction <minsi>, %select_n3A, %reduce_min3A_31 [1] : vector<256x1024xi32> to vector<256xi32>
    %broadcast_in_dim3A_33 = vector.shape_cast %reduce_min3A_32 : vector<256xi32> to vector<256x1xi32>
    %eq3A_34 = vector.broadcast %broadcast_in_dim3A_33 : vector<256x1xi32> to vector<256x1024xi32>
    %eq3A_35 = arith.cmpi eq, %select_n3A, %eq3A_34 : vector<256x1024xi32>
    %jit3A_36 = arith.constant 2147483647 : i32
    %broadcast_in_dim3A_37 = vector.broadcast %jit3A_36 : i32 to vector<256x1024xi32>
    %select_n3A_38 = arith.select %eq3A_35, %broadcast_in_dim3A_37, %select_n3A : vector<256x1024xi1>, vector<256x1024xi32>
    %and3A_39 = arith.constant 1023 : i32
    %and3A_40 = vector.broadcast %and3A_39 : i32 to vector<256x1xi32>
    %and3A_41 = arith.andi %broadcast_in_dim3A_33, %and3A_40 : vector<256x1xi32>
    %reduce_min3A_42 = arith.constant dense<2147483647> : vector<256xi32>
    %reduce_min3A_43 = vector.multi_reduction <minsi>, %select_n3A_38, %reduce_min3A_42 [1] : vector<256x1024xi32> to vector<256xi32>
    %broadcast_in_dim3A_44 = vector.shape_cast %reduce_min3A_43 : vector<256xi32> to vector<256x1xi32>
    %eq3A_45 = vector.broadcast %broadcast_in_dim3A_44 : vector<256x1xi32> to vector<256x1024xi32>
    %eq3A_46 = arith.cmpi eq, %select_n3A_38, %eq3A_45 : vector<256x1024xi32>
    %jit3A_47 = arith.constant 2147483647 : i32
    %broadcast_in_dim3A_48 = vector.broadcast %jit3A_47 : i32 to vector<256x1024xi32>
    %select_n3A_49 = arith.select %eq3A_46, %broadcast_in_dim3A_48, %select_n3A_38 : vector<256x1024xi1>, vector<256x1024xi32>
    %and3A_50 = arith.constant 1023 : i32
    %and3A_51 = vector.broadcast %and3A_50 : i32 to vector<256x1xi32>
    %and3A_52 = arith.andi %broadcast_in_dim3A_44, %and3A_51 : vector<256x1xi32>
    %reduce_min3A_53 = arith.constant dense<2147483647> : vector<256xi32>
    %reduce_min3A_54 = vector.multi_reduction <minsi>, %select_n3A_49, %reduce_min3A_53 [1] : vector<256x1024xi32> to vector<256xi32>
    %broadcast_in_dim3A_55 = vector.shape_cast %reduce_min3A_54 : vector<256xi32> to vector<256x1xi32>
    %eq3A_56 = vector.broadcast %broadcast_in_dim3A_55 : vector<256x1xi32> to vector<256x1024xi32>
    %eq3A_57 = arith.cmpi eq, %select_n3A_49, %eq3A_56 : vector<256x1024xi32>
    %jit3A_58 = arith.constant 2147483647 : i32
    %broadcast_in_dim3A_59 = vector.broadcast %jit3A_58 : i32 to vector<256x1024xi32>
    %select_n3A_60 = arith.select %eq3A_57, %broadcast_in_dim3A_59, %select_n3A_49 : vector<256x1024xi1>, vector<256x1024xi32>
    %and3A_61 = arith.constant 1023 : i32
    %and3A_62 = vector.broadcast %and3A_61 : i32 to vector<256x1xi32>
    %and3A_63 = arith.andi %broadcast_in_dim3A_55, %and3A_62 : vector<256x1xi32>
    %reduce_min3A_64 = arith.constant dense<2147483647> : vector<256xi32>
    %reduce_min3A_65 = vector.multi_reduction <minsi>, %select_n3A_60, %reduce_min3A_64 [1] : vector<256x1024xi32> to vector<256xi32>
    %broadcast_in_dim3A_66 = vector.shape_cast %reduce_min3A_65 : vector<256xi32> to vector<256x1xi32>
    %eq3A_67 = vector.broadcast %broadcast_in_dim3A_66 : vector<256x1xi32> to vector<256x1024xi32>
    %eq3A_68 = arith.cmpi eq, %select_n3A_60, %eq3A_67 : vector<256x1024xi32>
    %jit3A_69 = arith.constant 2147483647 : i32
    %broadcast_in_dim3A_70 = vector.broadcast %jit3A_69 : i32 to vector<256x1024xi32>
    %select_n3A_71 = arith.select %eq3A_68, %broadcast_in_dim3A_70, %select_n3A_60 : vector<256x1024xi1>, vector<256x1024xi32>
    %and3A_72 = arith.constant 1023 : i32
    %and3A_73 = vector.broadcast %and3A_72 : i32 to vector<256x1xi32>
    %and3A_74 = arith.andi %broadcast_in_dim3A_66, %and3A_73 : vector<256x1xi32>
    %reduce_min3A_75 = arith.constant dense<2147483647> : vector<256xi32>
    %reduce_min3A_76 = vector.multi_reduction <minsi>, %select_n3A_71, %reduce_min3A_75 [1] : vector<256x1024xi32> to vector<256xi32>
    %broadcast_in_dim3A_77 = vector.shape_cast %reduce_min3A_76 : vector<256xi32> to vector<256x1xi32>
    %eq3A_78 = vector.broadcast %broadcast_in_dim3A_77 : vector<256x1xi32> to vector<256x1024xi32>
    %eq3A_79 = arith.cmpi eq, %select_n3A_71, %eq3A_78 : vector<256x1024xi32>
    %jit3A_80 = arith.constant 2147483647 : i32
    %broadcast_in_dim3A_81 = vector.broadcast %jit3A_80 : i32 to vector<256x1024xi32>
    %select_n3A_82 = arith.select %eq3A_79, %broadcast_in_dim3A_81, %select_n3A_71 : vector<256x1024xi1>, vector<256x1024xi32>
    %and3A_83 = arith.constant 1023 : i32
    %and3A_84 = vector.broadcast %and3A_83 : i32 to vector<256x1xi32>
    %and3A_85 = arith.andi %broadcast_in_dim3A_77, %and3A_84 : vector<256x1xi32>
    %reduce_min3A_86 = arith.constant dense<2147483647> : vector<256xi32>
    %reduce_min3A_87 = vector.multi_reduction <minsi>, %select_n3A_82, %reduce_min3A_86 [1] : vector<256x1024xi32> to vector<256xi32>
    %broadcast_in_dim3A_88 = vector.shape_cast %reduce_min3A_87 : vector<256xi32> to vector<256x1xi32>
    %eq3A_89 = vector.broadcast %broadcast_in_dim3A_88 : vector<256x1xi32> to vector<256x1024xi32>
    %eq3A_90 = arith.cmpi eq, %select_n3A_82, %eq3A_89 : vector<256x1024xi32>
    %jit3A_91 = arith.constant 2147483647 : i32
    %broadcast_in_dim3A_92 = vector.broadcast %jit3A_91 : i32 to vector<256x1024xi32>
    %select_n3A_93 = arith.select %eq3A_90, %broadcast_in_dim3A_92, %select_n3A_82 : vector<256x1024xi1>, vector<256x1024xi32>
    %and3A_94 = arith.constant 1023 : i32
    %and3A_95 = vector.broadcast %and3A_94 : i32 to vector<256x1xi32>
    %and3A_96 = arith.andi %broadcast_in_dim3A_88, %and3A_95 : vector<256x1xi32>
    %reduce_min3A_97 = arith.constant dense<2147483647> : vector<256xi32>
    %reduce_min3A_98 = vector.multi_reduction <minsi>, %select_n3A_93, %reduce_min3A_97 [1] : vector<256x1024xi32> to vector<256xi32>
    %broadcast_in_dim3A_99 = vector.shape_cast %reduce_min3A_98 : vector<256xi32> to vector<256x1xi32>
    %eq3A_100 = vector.broadcast %broadcast_in_dim3A_99 : vector<256x1xi32> to vector<256x1024xi32>
    %eq3A_101 = arith.cmpi eq, %select_n3A_93, %eq3A_100 : vector<256x1024xi32>
    %jit3A_102 = arith.constant 2147483647 : i32
    %broadcast_in_dim3A_103 = vector.broadcast %jit3A_102 : i32 to vector<256x1024xi32>
    %select_n3A_104 = arith.select %eq3A_101, %broadcast_in_dim3A_103, %select_n3A_93 : vector<256x1024xi1>, vector<256x1024xi32>
    %and3A_105 = arith.constant 1023 : i32
    %and3A_106 = vector.broadcast %and3A_105 : i32 to vector<256x1xi32>
    %and3A_107 = arith.andi %broadcast_in_dim3A_99, %and3A_106 : vector<256x1xi32>
    %reduce_min3A_108 = arith.constant dense<2147483647> : vector<256xi32>
    %reduce_min3A_109 = vector.multi_reduction <minsi>, %select_n3A_104, %reduce_min3A_108 [1] : vector<256x1024xi32> to vector<256xi32>
    %broadcast_in_dim3A_110 = vector.shape_cast %reduce_min3A_109 : vector<256xi32> to vector<256x1xi32>
    %eq3A_111 = vector.broadcast %broadcast_in_dim3A_110 : vector<256x1xi32> to vector<256x1024xi32>
    %eq3A_112 = arith.cmpi eq, %select_n3A_104, %eq3A_111 : vector<256x1024xi32>
    %jit3A_113 = arith.constant 2147483647 : i32
    %broadcast_in_dim3A_114 = vector.broadcast %jit3A_113 : i32 to vector<256x1024xi32>
    %select_n3A_115 = arith.select %eq3A_112, %broadcast_in_dim3A_114, %select_n3A_104 : vector<256x1024xi1>, vector<256x1024xi32>
    %and3A_116 = arith.constant 1023 : i32
    %and3A_117 = vector.broadcast %and3A_116 : i32 to vector<256x1xi32>
    %and3A_118 = arith.andi %broadcast_in_dim3A_110, %and3A_117 : vector<256x1xi32>
    %reduce_min3A_119 = arith.constant dense<2147483647> : vector<256xi32>
    %reduce_min3A_120 = vector.multi_reduction <minsi>, %select_n3A_115, %reduce_min3A_119 [1] : vector<256x1024xi32> to vector<256xi32>
    %broadcast_in_dim3A_121 = vector.shape_cast %reduce_min3A_120 : vector<256xi32> to vector<256x1xi32>
    %eq3A_122 = vector.broadcast %broadcast_in_dim3A_121 : vector<256x1xi32> to vector<256x1024xi32>
    %eq3A_123 = arith.cmpi eq, %select_n3A_115, %eq3A_122 : vector<256x1024xi32>
    %jit3A_124 = arith.constant 2147483647 : i32
    %broadcast_in_dim3A_125 = vector.broadcast %jit3A_124 : i32 to vector<256x1024xi32>
    %select_n3A_126 = arith.select %eq3A_123, %broadcast_in_dim3A_125, %select_n3A_115 : vector<256x1024xi1>, vector<256x1024xi32>
    %and3A_127 = arith.constant 1023 : i32
    %and3A_128 = vector.broadcast %and3A_127 : i32 to vector<256x1xi32>
    %and3A_129 = arith.andi %broadcast_in_dim3A_121, %and3A_128 : vector<256x1xi32>
    %reduce_min3A_130 = arith.constant dense<2147483647> : vector<256xi32>
    %reduce_min3A_131 = vector.multi_reduction <minsi>, %select_n3A_126, %reduce_min3A_130 [1] : vector<256x1024xi32> to vector<256xi32>
    %broadcast_in_dim3A_132 = vector.shape_cast %reduce_min3A_131 : vector<256xi32> to vector<256x1xi32>
    %eq3A_133 = vector.broadcast %broadcast_in_dim3A_132 : vector<256x1xi32> to vector<256x1024xi32>
    %eq3A_134 = arith.cmpi eq, %select_n3A_126, %eq3A_133 : vector<256x1024xi32>
    %jit3A_135 = arith.constant 2147483647 : i32
    %broadcast_in_dim3A_136 = vector.broadcast %jit3A_135 : i32 to vector<256x1024xi32>
    %select_n3A_137 = arith.select %eq3A_134, %broadcast_in_dim3A_136, %select_n3A_126 : vector<256x1024xi1>, vector<256x1024xi32>
    %and3A_138 = arith.constant 1023 : i32
    %and3A_139 = vector.broadcast %and3A_138 : i32 to vector<256x1xi32>
    %and3A_140 = arith.andi %broadcast_in_dim3A_132, %and3A_139 : vector<256x1xi32>
    %reduce_min3A_141 = arith.constant dense<2147483647> : vector<256xi32>
    %reduce_min3A_142 = vector.multi_reduction <minsi>, %select_n3A_137, %reduce_min3A_141 [1] : vector<256x1024xi32> to vector<256xi32>
    %broadcast_in_dim3A_143 = vector.shape_cast %reduce_min3A_142 : vector<256xi32> to vector<256x1xi32>
    %eq3A_144 = vector.broadcast %broadcast_in_dim3A_143 : vector<256x1xi32> to vector<256x1024xi32>
    %eq3A_145 = arith.cmpi eq, %select_n3A_137, %eq3A_144 : vector<256x1024xi32>
    %jit3A_146 = arith.constant 2147483647 : i32
    %broadcast_in_dim3A_147 = vector.broadcast %jit3A_146 : i32 to vector<256x1024xi32>
    %select_n3A_148 = arith.select %eq3A_145, %broadcast_in_dim3A_147, %select_n3A_137 : vector<256x1024xi1>, vector<256x1024xi32>
    %and3A_149 = arith.constant 1023 : i32
    %and3A_150 = vector.broadcast %and3A_149 : i32 to vector<256x1xi32>
    %and3A_151 = arith.andi %broadcast_in_dim3A_143, %and3A_150 : vector<256x1xi32>
    %reduce_min3A_152 = arith.constant dense<2147483647> : vector<256xi32>
    %reduce_min3A_153 = vector.multi_reduction <minsi>, %select_n3A_148, %reduce_min3A_152 [1] : vector<256x1024xi32> to vector<256xi32>
    %broadcast_in_dim3A_154 = vector.shape_cast %reduce_min3A_153 : vector<256xi32> to vector<256x1xi32>
    %eq3A_155 = vector.broadcast %broadcast_in_dim3A_154 : vector<256x1xi32> to vector<256x1024xi32>
    %eq3A_156 = arith.cmpi eq, %select_n3A_148, %eq3A_155 : vector<256x1024xi32>
    %jit3A_157 = arith.constant 2147483647 : i32
    %broadcast_in_dim3A_158 = vector.broadcast %jit3A_157 : i32 to vector<256x1024xi32>
    %select_n3A_159 = arith.select %eq3A_156, %broadcast_in_dim3A_158, %select_n3A_148 : vector<256x1024xi1>, vector<256x1024xi32>
    %and3A_160 = arith.constant 1023 : i32
    %and3A_161 = vector.broadcast %and3A_160 : i32 to vector<256x1xi32>
    %and3A_162 = arith.andi %broadcast_in_dim3A_154, %and3A_161 : vector<256x1xi32>
    %reduce_min3A_163 = arith.constant dense<2147483647> : vector<256xi32>
    %reduce_min3A_164 = vector.multi_reduction <minsi>, %select_n3A_159, %reduce_min3A_163 [1] : vector<256x1024xi32> to vector<256xi32>
    %broadcast_in_dim3A_165 = vector.shape_cast %reduce_min3A_164 : vector<256xi32> to vector<256x1xi32>
    %eq3A_166 = vector.broadcast %broadcast_in_dim3A_165 : vector<256x1xi32> to vector<256x1024xi32>
    %eq3A_167 = arith.cmpi eq, %select_n3A_159, %eq3A_166 : vector<256x1024xi32>
    %jit3A_168 = arith.constant 2147483647 : i32
    %broadcast_in_dim3A_169 = vector.broadcast %jit3A_168 : i32 to vector<256x1024xi32>
    %select_n3A_170 = arith.select %eq3A_167, %broadcast_in_dim3A_169, %select_n3A_159 : vector<256x1024xi1>, vector<256x1024xi32>
    %and3A_171 = arith.constant 1023 : i32
    %and3A_172 = vector.broadcast %and3A_171 : i32 to vector<256x1xi32>
    %and3A_173 = arith.andi %broadcast_in_dim3A_165, %and3A_172 : vector<256x1xi32>
    %reduce_min3A_174 = arith.constant dense<2147483647> : vector<256xi32>
    %reduce_min3A_175 = vector.multi_reduction <minsi>, %select_n3A_170, %reduce_min3A_174 [1] : vector<256x1024xi32> to vector<256xi32>
    %broadcast_in_dim3A_176 = vector.shape_cast %reduce_min3A_175 : vector<256xi32> to vector<256x1xi32>
    %eq3A_177 = vector.broadcast %broadcast_in_dim3A_176 : vector<256x1xi32> to vector<256x1024xi32>
    %eq3A_178 = arith.cmpi eq, %select_n3A_170, %eq3A_177 : vector<256x1024xi32>
    %jit3A_179 = arith.constant 2147483647 : i32
    %broadcast_in_dim3A_180 = vector.broadcast %jit3A_179 : i32 to vector<256x1024xi32>
    %select_n3A_181 = arith.select %eq3A_178, %broadcast_in_dim3A_180, %select_n3A_170 : vector<256x1024xi1>, vector<256x1024xi32>
    %and3A_182 = arith.constant 1023 : i32
    %and3A_183 = vector.broadcast %and3A_182 : i32 to vector<256x1xi32>
    %and3A_184 = arith.andi %broadcast_in_dim3A_176, %and3A_183 : vector<256x1xi32>
    %reduce_min3A_185 = arith.constant dense<2147483647> : vector<256xi32>
    %reduce_min3A_186 = vector.multi_reduction <minsi>, %select_n3A_181, %reduce_min3A_185 [1] : vector<256x1024xi32> to vector<256xi32>
    %broadcast_in_dim3A_187 = vector.shape_cast %reduce_min3A_186 : vector<256xi32> to vector<256x1xi32>
    %and3A_188 = arith.constant 1023 : i32
    %and3A_189 = vector.broadcast %and3A_188 : i32 to vector<256x1xi32>
    %and3A_190 = arith.andi %broadcast_in_dim3A_187, %and3A_189 : vector<256x1xi32>
    %concatenate3A = tpu.concatenate %and3A_30, %and3A_41, %and3A_52, %and3A_63, %and3A_74, %and3A_85, %and3A_96, %and3A_107, %and3A_118, %and3A_129, %and3A_140, %and3A_151, %and3A_162, %and3A_173, %and3A_184, %and3A_190 in 1 : vector<256x1xi32>, vector<256x1xi32>, vector<256x1xi32>, vector<256x1xi32>, vector<256x1xi32>, vector<256x1xi32>, vector<256x1xi32>, vector<256x1xi32>, vector<256x1xi32>, vector<256x1xi32>, vector<256x1xi32>, vector<256x1xi32>, vector<256x1xi32>, vector<256x1xi32>, vector<256x1xi32>, vector<256x1xi32> -> vector<256x16xi32>
    %mul3A_191 = arith.constant 1024 : i32
    %mul3A_192 = arith.muli %add3A_0, %mul3A_191 : i32
    %add3A_193 = vector.broadcast %mul3A_192 : i32 to vector<256x16xi32>
    %add3A_194 = arith.addi %concatenate3A, %add3A_193 : vector<256x16xi32>
    %swap3A = arith.constant 0 : index
    %swap3A_195 = arith.constant 0 : index
    %swap3A_196 = arith.constant 0 : index
    %swap3A_197 = vector.load %arg4[%swap3A, %swap3A_195, %swap3A_196] : memref<1x256x16xi32, #tpu.memory_space<vmem>>, vector<1x256x16xi32>
    %swap3A_198 = vector.shape_cast %swap3A_197 : vector<1x256x16xi32> to vector<256x16xi32>
    %swap3A_199 = vector.shape_cast %add3A_194 : vector<256x16xi32> to vector<1x256x16xi32>
    tpu.vector_store %arg4[%swap3A, %swap3A_195, %swap3A_196], %swap3A_199 {strides = array<i32>} : memref<1x256x16xi32, #tpu.memory_space<vmem>>, vector<1x256x16xi32>,
    return
  }
  func.func @transform_0(%arg0: i32, %arg1: i32) -> (i32, i32, i32) {
    %c0_i32 = arith.constant 0 : i32
    %c0_i32_0 = arith.constant 0 : i32
    return %arg0, %arg1, %c0_i32 : i32, i32, i32
  }
  func.func @transform_1(%arg0: i32, %arg1: i32) -> (i32, i32, i32) {
    %c0_i32 = arith.constant 0 : i32
    %c0_i32_0 = arith.constant 0 : i32
    %c0_i32_1 = arith.constant 0 : i32
    return %arg0, %c0_i32, %c0_i32_0 : i32, i32, i32
  }
  func.func @transform_2(%arg0: i32, %arg1: i32) -> (i32, i32, i32) {
    %c0_i32 = arith.constant 0 : i32
    %c0_i32_0 = arith.constant 0 : i32
    return %arg0, %arg1, %c0_i32 : i32, i32, i32
  }
}

module attributes {stable_mosaic.version = 14 : i64} {
  func.func @_dense_body(%arg0: i32, %arg1: memref<128x256xf32, #tpu.memory_space<vmem>>, %arg2: memref<128x16xf32, #tpu.memory_space<vmem>>, %arg3: memref<2048x384xi32, #tpu.memory_space<vmem>>, %arg4: memref<256x256xbf16, #tpu.memory_space<vmem>>, %arg5: memref<16x256xbf16, #tpu.memory_space<vmem>>, %arg6: memref<1x256xf32, #tpu.memory_space<vmem>>, %arg7: memref<256x256xbf16, #tpu.memory_space<vmem>>, %arg8: memref<1x256xf32, #tpu.memory_space<vmem>>, %arg9: memref<256x256xbf16, #tpu.memory_space<vmem>>, %arg10: memref<1x256xf32, #tpu.memory_space<vmem>>, %arg11: memref<256x256xbf16, #tpu.memory_space<vmem>>, %arg12: memref<1x256xf32, #tpu.memory_space<vmem>>, %arg13: memref<256x256xbf16, #tpu.memory_space<vmem>>, %arg14: memref<1x256xf32, #tpu.memory_space<vmem>>, %arg15: memref<128x256xf32, #tpu.memory_space<vmem>>) attributes {dimension_semantics = [#tpu.dimension_semantics<arbitrary>], iteration_bounds = array<i64: 16>, scalar_prefetch = 0 : i64, scratch_operands = 0 : i64, tpu.core_type = #tpu.core_type<tc>, window_params = [{transform_indices = @transform_0, window_bounds = array<i64: 128, 256>}, {transform_indices = @transform_1, window_bounds = array<i64: 128, 16>}, {transform_indices = @transform_2, window_bounds = array<i64: 2048, 384>}, {pipeline_mode = #tpu.pipeline_mode<synchronous>, transform_indices = @transform_3, window_bounds = array<i64: 256, 256>}, {pipeline_mode = #tpu.pipeline_mode<synchronous>, transform_indices = @transform_4, window_bounds = array<i64: 16, 256>}, {pipeline_mode = #tpu.pipeline_mode<synchronous>, transform_indices = @transform_5, window_bounds = array<i64: 1, 256>}, {pipeline_mode = #tpu.pipeline_mode<synchronous>, transform_indices = @transform_6, window_bounds = array<i64: 256, 256>}, {pipeline_mode = #tpu.pipeline_mode<synchronous>, transform_indices = @transform_7, window_bounds = array<i64: 1, 256>}, {pipeline_mode = #tpu.pipeline_mode<synchronous>, transform_indices = @transform_8, window_bounds = array<i64: 256, 256>}, {pipeline_mode = #tpu.pipeline_mode<synchronous>, transform_indices = @transform_9, window_bounds = array<i64: 1, 256>}, {pipeline_mode = #tpu.pipeline_mode<synchronous>, transform_indices = @transform_10, window_bounds = array<i64: 256, 256>}, {pipeline_mode = #tpu.pipeline_mode<synchronous>, transform_indices = @transform_11, window_bounds = array<i64: 1, 256>}, {pipeline_mode = #tpu.pipeline_mode<synchronous>, transform_indices = @transform_12, window_bounds = array<i64: 256, 256>}, {pipeline_mode = #tpu.pipeline_mode<synchronous>, transform_indices = @transform_13, window_bounds = array<i64: 1, 256>}, {transform_indices = @transform_14, window_bounds = array<i64: 128, 256>}]} {
    %get3A = arith.constant 0 : index
    %get3A_0 = arith.constant 0 : index
    %get3A_1 = vector.load %arg1[%get3A, %get3A_0] : memref<128x256xf32, #tpu.memory_space<vmem>>, vector<128x256xf32>
    %get3A_2 = arith.constant 0 : index
    %get3A_3 = arith.constant 0 : index
    %get3A_4 = vector.load %arg4[%get3A_2, %get3A_3] : memref<256x256xbf16, #tpu.memory_space<vmem>>, vector<256x256xbf16>
    %convert_element_type3A = arith.truncf %get3A_1 : vector<128x256xf32> to vector<128x256xbf16>
    %dot_general3A = arith.constant dense<0.000000e+00> : vector<128x256xf32>
    %dot_general3A_5 = tpu.matmul %convert_element_type3A, %get3A_4, %dot_general3A {dimension_numbers = #tpu.dot_dimension_numbers<[1], [0], [0], [1], [0, 0, 1, 1], [], []>, transpose_lhs_hint = false} : vector<128x256xbf16>, vector<256x256xbf16>, vector<128x256xf32> -> vector<128x256xf32>
    %get3A_6 = arith.constant 0 : index
    %get3A_7 = arith.constant 0 : index
    %get3A_8 = vector.load %arg3[%get3A_6, %get3A_7] : memref<2048x384xi32, #tpu.memory_space<vmem>>, vector<2048x256xi32>
    %shift_left3A = arith.constant 16 : i32
    %shift_left3A_9 = vector.broadcast %shift_left3A : i32 to vector<2048x256xi32>
    %shift_left3A_10 = arith.shli %get3A_8, %shift_left3A_9 : vector<2048x256xi32>
    %bitcast_convert_type3A = tpu.bitcast %shift_left3A_10 : vector<2048x256xi32> -> vector<2048x256xf32>
    %and3A = arith.constant -65536 : i32
    %and3A_11 = vector.broadcast %and3A : i32 to vector<2048x256xi32>
    %and3A_12 = arith.andi %get3A_8, %and3A_11 : vector<2048x256xi32>
    %bitcast_convert_type3A_13 = tpu.bitcast %and3A_12 : vector<2048x256xi32> -> vector<2048x256xf32>
    %get3A_14 = arith.constant 0 : index
    %get3A_15 = arith.constant 256 : index
    %get3A_16 = vector.load %arg3[%get3A_14, %get3A_15] : memref<2048x384xi32, #tpu.memory_space<vmem>>, vector<2048x16xi32>
    %bitcast_convert_type3A_17 = tpu.bitcast %get3A_16 : vector<2048x16xi32> -> vector<2048x16xf32>
    %get3A_18 = arith.constant 0 : index
    %get3A_19 = arith.constant 0 : index
    %get3A_20 = vector.load %arg2[%get3A_18, %get3A_19] : memref<128x16xf32, #tpu.memory_space<vmem>>, vector<128x16xf32>
    %broadcast_in_dim3A = vector.shape_cast %get3A_20 : vector<128x16xf32> to vector<128x1x16xf32>
    %broadcast_in_dim3A_21 = vector.shape_cast %broadcast_in_dim3A : vector<128x1x16xf32> to vector<128x1x16xf32>
    %broadcast_in_dim3A_22 = vector.broadcast %broadcast_in_dim3A_21 : vector<128x1x16xf32> to vector<128x16x16xf32>
    %reshape3A = vector.shape_cast %broadcast_in_dim3A_22 : vector<128x16x16xf32> to vector<2048x16xf32>
    %sub3A = arith.subf %reshape3A, %bitcast_convert_type3A_17 : vector<2048x16xf32>
    %get3A_23 = arith.constant 0 : index
    %get3A_24 = arith.constant 0 : index
    %get3A_25 = vector.load %arg5[%get3A_23, %get3A_24] : memref<16x256xbf16, #tpu.memory_space<vmem>>, vector<16x256xbf16>
    %convert_element_type3A_26 = arith.truncf %sub3A : vector<2048x16xf32> to vector<2048x16xbf16>
    %dot_general3A_27 = arith.constant dense<0.000000e+00> : vector<2048x256xf32>
    %dot_general3A_28 = tpu.matmul %convert_element_type3A_26, %get3A_25, %dot_general3A_27 {dimension_numbers = #tpu.dot_dimension_numbers<[1], [0], [0], [1], [0, 0, 1, 1], [], []>, transpose_lhs_hint = false} : vector<2048x16xbf16>, vector<16x256xbf16>, vector<2048x256xf32> -> vector<2048x256xf32>
    %get3A_29 = arith.constant 0 : index
    %get3A_30 = arith.constant 0 : index
    %get3A_31 = vector.load %arg6[%get3A_29, %get3A_30] : memref<1x256xf32, #tpu.memory_space<vmem>>, vector<1x256xf32>
    %add3A = vector.broadcast %get3A_31 : vector<1x256xf32> to vector<2048x256xf32>
    %add3A_32 = arith.addf %dot_general3A_28, %add3A : vector<2048x256xf32>
    %max3A = arith.constant 0.000000e+00 : f32
    %max3A_33 = vector.broadcast %max3A : f32 to vector<2048x256xf32>
    %max3A_34 = arith.maximumf %add3A_32, %max3A_33 : vector<2048x256xf32>
    %get3A_35 = arith.constant 0 : index
    %get3A_36 = arith.constant 0 : index
    %get3A_37 = vector.load %arg7[%get3A_35, %get3A_36] : memref<256x256xbf16, #tpu.memory_space<vmem>>, vector<256x256xbf16>
    %convert_element_type3A_38 = arith.truncf %max3A_34 : vector<2048x256xf32> to vector<2048x256xbf16>
    %dot_general3A_39 = arith.constant dense<0.000000e+00> : vector<2048x256xf32>
    %dot_general3A_40 = tpu.matmul %convert_element_type3A_38, %get3A_37, %dot_general3A_39 {dimension_numbers = #tpu.dot_dimension_numbers<[1], [0], [0], [1], [0, 0, 1, 1], [], []>, transpose_lhs_hint = false} : vector<2048x256xbf16>, vector<256x256xbf16>, vector<2048x256xf32> -> vector<2048x256xf32>
    %get3A_41 = arith.constant 0 : index
    %get3A_42 = arith.constant 0 : index
    %get3A_43 = vector.load %arg8[%get3A_41, %get3A_42] : memref<1x256xf32, #tpu.memory_space<vmem>>, vector<1x256xf32>
    %add3A_44 = vector.broadcast %get3A_43 : vector<1x256xf32> to vector<2048x256xf32>
    %add3A_45 = arith.addf %dot_general3A_40, %add3A_44 : vector<2048x256xf32>
    %broadcast_in_dim3A_46 = vector.shape_cast %dot_general3A_5 : vector<128x256xf32> to vector<128x1x256xf32>
    %reshape3A_47 = vector.shape_cast %bitcast_convert_type3A : vector<2048x256xf32> to vector<128x16x256xf32>
    %sub3A_48 = vector.broadcast %broadcast_in_dim3A_46 : vector<128x1x256xf32> to vector<128x16x256xf32>
    %sub3A_49 = arith.subf %sub3A_48, %reshape3A_47 : vector<128x16x256xf32>
    %reshape3A_50 = vector.shape_cast %add3A_45 : vector<2048x256xf32> to vector<128x16x256xf32>
    %add3A_51 = arith.addf %sub3A_49, %reshape3A_50 : vector<128x16x256xf32>
    %reshape3A_52 = vector.shape_cast %add3A_51 : vector<128x16x256xf32> to vector<2048x256xf32>
    %get3A_53 = arith.constant 0 : index
    %get3A_54 = arith.constant 0 : index
    %get3A_55 = vector.load %arg9[%get3A_53, %get3A_54] : memref<256x256xbf16, #tpu.memory_space<vmem>>, vector<256x256xbf16>
    %convert_element_type3A_56 = arith.truncf %reshape3A_52 : vector<2048x256xf32> to vector<2048x256xbf16>
    %dot_general3A_57 = arith.constant dense<0.000000e+00> : vector<2048x256xf32>
    %dot_general3A_58 = tpu.matmul %convert_element_type3A_56, %get3A_55, %dot_general3A_57 {dimension_numbers = #tpu.dot_dimension_numbers<[1], [0], [0], [1], [0, 0, 1, 1], [], []>, transpose_lhs_hint = false} : vector<2048x256xbf16>, vector<256x256xbf16>, vector<2048x256xf32> -> vector<2048x256xf32>
    %get3A_59 = arith.constant 0 : index
    %get3A_60 = arith.constant 0 : index
    %get3A_61 = vector.load %arg10[%get3A_59, %get3A_60] : memref<1x256xf32, #tpu.memory_space<vmem>>, vector<1x256xf32>
    %add3A_62 = vector.broadcast %get3A_61 : vector<1x256xf32> to vector<2048x256xf32>
    %add3A_63 = arith.addf %dot_general3A_58, %add3A_62 : vector<2048x256xf32>
    %max3A_64 = arith.constant 0.000000e+00 : f32
    %max3A_65 = vector.broadcast %max3A_64 : f32 to vector<2048x256xf32>
    %max3A_66 = arith.maximumf %add3A_63, %max3A_65 : vector<2048x256xf32>
    %get3A_67 = arith.constant 0 : index
    %get3A_68 = arith.constant 0 : index
    %get3A_69 = vector.load %arg11[%get3A_67, %get3A_68] : memref<256x256xbf16, #tpu.memory_space<vmem>>, vector<256x256xbf16>
    %convert_element_type3A_70 = arith.truncf %max3A_66 : vector<2048x256xf32> to vector<2048x256xbf16>
    %dot_general3A_71 = arith.constant dense<0.000000e+00> : vector<2048x256xf32>
    %dot_general3A_72 = tpu.matmul %convert_element_type3A_70, %get3A_69, %dot_general3A_71 {dimension_numbers = #tpu.dot_dimension_numbers<[1], [0], [0], [1], [0, 0, 1, 1], [], []>, transpose_lhs_hint = false} : vector<2048x256xbf16>, vector<256x256xbf16>, vector<2048x256xf32> -> vector<2048x256xf32>
    %get3A_73 = arith.constant 0 : index
    %get3A_74 = arith.constant 0 : index
    %get3A_75 = vector.load %arg12[%get3A_73, %get3A_74] : memref<1x256xf32, #tpu.memory_space<vmem>>, vector<1x256xf32>
    %add3A_76 = vector.broadcast %get3A_75 : vector<1x256xf32> to vector<2048x256xf32>
    %add3A_77 = arith.addf %dot_general3A_72, %add3A_76 : vector<2048x256xf32>
    %reshape3A_78 = vector.shape_cast %add3A_77 : vector<2048x256xf32> to vector<128x16x256xf32>
    %exp3A = math.exp %reshape3A_78 : vector<128x16x256xf32>
    %reduce_sum3A = arith.constant dense<0.000000e+00> : vector<128x256xf32>
    %reduce_sum3A_79 = vector.multi_reduction <add>, %exp3A, %reduce_sum3A [1] : vector<128x16x256xf32> to vector<128x256xf32>
    %add3A_80 = arith.addf %bitcast_convert_type3A_13, %add3A_45 : vector<2048x256xf32>
    %reshape3A_81 = vector.shape_cast %add3A_80 : vector<2048x256xf32> to vector<128x16x256xf32>
    %mul3A = arith.mulf %exp3A, %reshape3A_81 : vector<128x16x256xf32>
    %reduce_sum3A_82 = arith.constant dense<0.000000e+00> : vector<128x256xf32>
    %reduce_sum3A_83 = vector.multi_reduction <add>, %mul3A, %reduce_sum3A_82 [1] : vector<128x16x256xf32> to vector<128x256xf32>
    %div3A = arith.divf %reduce_sum3A_83, %reduce_sum3A_79 : vector<128x256xf32>
    %get3A_84 = arith.constant 0 : index
    %get3A_85 = arith.constant 0 : index
    %get3A_86 = vector.load %arg13[%get3A_84, %get3A_85] : memref<256x256xbf16, #tpu.memory_space<vmem>>, vector<256x256xbf16>
    %convert_element_type3A_87 = arith.truncf %div3A : vector<128x256xf32> to vector<128x256xbf16>
    %dot_general3A_88 = arith.constant dense<0.000000e+00> : vector<128x256xf32>
    %dot_general3A_89 = tpu.matmul %convert_element_type3A_87, %get3A_86, %dot_general3A_88 {dimension_numbers = #tpu.dot_dimension_numbers<[1], [0], [0], [1], [0, 0, 1, 1], [], []>, transpose_lhs_hint = false} : vector<128x256xbf16>, vector<256x256xbf16>, vector<128x256xf32> -> vector<128x256xf32>
    %get3A_90 = arith.constant 0 : index
    %get3A_91 = arith.constant 0 : index
    %get3A_92 = vector.load %arg14[%get3A_90, %get3A_91] : memref<1x256xf32, #tpu.memory_space<vmem>>, vector<1x256xf32>
    %add3A_93 = vector.broadcast %get3A_92 : vector<1x256xf32> to vector<128x256xf32>
    %add3A_94 = arith.addf %dot_general3A_89, %add3A_93 : vector<128x256xf32>
    %add3A_95 = arith.addf %add3A_94, %get3A_1 : vector<128x256xf32>
    %swap3A = arith.constant 0 : index
    %swap3A_96 = arith.constant 0 : index
    %swap3A_97 = vector.load %arg15[%swap3A, %swap3A_96] : memref<128x256xf32, #tpu.memory_space<vmem>>, vector<128x256xf32>
    tpu.vector_store %arg15[%swap3A, %swap3A_96], %add3A_95 {strides = array<i32>} : memref<128x256xf32, #tpu.memory_space<vmem>>, vector<128x256xf32>,
    return
  }
  func.func @transform_0(%arg0: i32) -> (i32, i32) {
    %c0_i32 = arith.constant 0 : i32
    %c0_i32_0 = arith.constant 0 : i32
    return %arg0, %c0_i32 : i32, i32
  }
  func.func @transform_1(%arg0: i32) -> (i32, i32) {
    %c0_i32 = arith.constant 0 : i32
    %c0_i32_0 = arith.constant 0 : i32
    return %arg0, %c0_i32 : i32, i32
  }
  func.func @transform_2(%arg0: i32) -> (i32, i32) {
    %c0_i32 = arith.constant 0 : i32
    %c0_i32_0 = arith.constant 0 : i32
    return %arg0, %c0_i32 : i32, i32
  }
  func.func @transform_3(%arg0: i32) -> (i32, i32) {
    %c0_i32 = arith.constant 0 : i32
    %c0_i32_0 = arith.constant 0 : i32
    %c0_i32_1 = arith.constant 0 : i32
    return %c0_i32, %c0_i32_0 : i32, i32
  }
  func.func @transform_4(%arg0: i32) -> (i32, i32) {
    %c0_i32 = arith.constant 0 : i32
    %c0_i32_0 = arith.constant 0 : i32
    %c0_i32_1 = arith.constant 0 : i32
    return %c0_i32, %c0_i32_0 : i32, i32
  }
  func.func @transform_5(%arg0: i32) -> (i32, i32) {
    %c0_i32 = arith.constant 0 : i32
    %c0_i32_0 = arith.constant 0 : i32
    %c0_i32_1 = arith.constant 0 : i32
    return %c0_i32, %c0_i32_0 : i32, i32
  }
  func.func @transform_6(%arg0: i32) -> (i32, i32) {
    %c0_i32 = arith.constant 0 : i32
    %c0_i32_0 = arith.constant 0 : i32
    %c0_i32_1 = arith.constant 0 : i32
    return %c0_i32, %c0_i32_0 : i32, i32
  }
  func.func @transform_7(%arg0: i32) -> (i32, i32) {
    %c0_i32 = arith.constant 0 : i32
    %c0_i32_0 = arith.constant 0 : i32
    %c0_i32_1 = arith.constant 0 : i32
    return %c0_i32, %c0_i32_0 : i32, i32
  }
  func.func @transform_8(%arg0: i32) -> (i32, i32) {
    %c0_i32 = arith.constant 0 : i32
    %c0_i32_0 = arith.constant 0 : i32
    %c0_i32_1 = arith.constant 0 : i32
    return %c0_i32, %c0_i32_0 : i32, i32
  }
  func.func @transform_9(%arg0: i32) -> (i32, i32) {
    %c0_i32 = arith.constant 0 : i32
    %c0_i32_0 = arith.constant 0 : i32
    %c0_i32_1 = arith.constant 0 : i32
    return %c0_i32, %c0_i32_0 : i32, i32
  }
  func.func @transform_10(%arg0: i32) -> (i32, i32) {
    %c0_i32 = arith.constant 0 : i32
    %c0_i32_0 = arith.constant 0 : i32
    %c0_i32_1 = arith.constant 0 : i32
    return %c0_i32, %c0_i32_0 : i32, i32
  }
  func.func @transform_11(%arg0: i32) -> (i32, i32) {
    %c0_i32 = arith.constant 0 : i32
    %c0_i32_0 = arith.constant 0 : i32
    %c0_i32_1 = arith.constant 0 : i32
    return %c0_i32, %c0_i32_0 : i32, i32
  }
  func.func @transform_12(%arg0: i32) -> (i32, i32) {
    %c0_i32 = arith.constant 0 : i32
    %c0_i32_0 = arith.constant 0 : i32
    %c0_i32_1 = arith.constant 0 : i32
    return %c0_i32, %c0_i32_0 : i32, i32
  }
  func.func @transform_13(%arg0: i32) -> (i32, i32) {
    %c0_i32 = arith.constant 0 : i32
    %c0_i32_0 = arith.constant 0 : i32
    %c0_i32_1 = arith.constant 0 : i32
    return %c0_i32, %c0_i32_0 : i32, i32
  }
  func.func @transform_14(%arg0: i32) -> (i32, i32) {
    %c0_i32 = arith.constant 0 : i32
    %c0_i32_0 = arith.constant 0 : i32
    return %arg0, %c0_i32 : i32, i32
  }
}

</mosaic_0001>

<sc_bundles>
// kernel: kernel.12.cloned.1.call-start
scs
__scs_entry_jumppad:
0x0: {  	(pc) =	sbr.rel $0x88, $3  }
0x1: {  	(tag) =	ssettag $0x0;
	lr =	simm.s32 $0x1  }
0x2: {  	[smem:$0x3F92] =	sst lr;
	_ =	strace $0xD0000000  }
0x3: {  	_ = 	snop  }
0x4: {  	_ = 	snop  }
0x5: {  	_ = 	snop  }
0x6: {  	_ = 	snop  }
0x7: {  	_ = 	snop  }
__scs_overlays_trampoline_lowered:
0x8: {  	[smem:$0x3FA1] =	sst s0  }
0x9: {  	[smem:$0x3FA2] =	sst s1  }
0xa: {  	[smem:$0x3FA3] =	sst s2  }
0xb: {  	[smem:$0x3FA4] =	sst s3  }
0xc: {  	[smem:$0x3FA5] =	sst s4  }
0xd: {  	[smem:$0x3FA6] =	sst s5  }
0xe: {  	[smem:$0x3FA7] =	sst s6  }
0xf: {  	[smem:$0x3FA8] =	sst s7  }
0x10: {  	[smem:$0x3FA9] =	sst s8  }
0x11: {  	[smem:$0x3FAA] =	sst s9;
	s0 =	simm.s32 @!p0 $0x0  }
0x12: {  	s1 =	sld [smem:$0x3F90];
	s0 =	simm.s32 @p0 $0x1  }
0x13: {  	[smem:$0x3FAB] =	sst s0;
	s0 =	simm.s32 @!p1 $0x0  }
0x14: {  	s2 =	sld [smem:$0x3F8F];
	s0 =	simm.s32 @p1 $0x1  }
0x15: {  	[smem:$0x3FAC] =	sst s0;
	s0 =	simm.s32 @!p2 $0x0  }
0x16: {  	s3 =	sld [smem:$0x3FDB];
	s0 =	simm.s32 @p2 $0x1  }
0x17: {  	s4 =	simm.s32 $0x1BF5;
	[smem:$0x3FAE] =	sst s0  }
0x18: {  	s0 =	sld [smem:$0x3F91];
	_ =	swait.ge [sflag:s4], $0x0  }
0x19: {  	s7 =	sld [smem:$0x3F92]  }
0x1a: {  	s8 =	sadd.s32 $0xFFFFE003, lr  }
0x1b: {  	s9 =	sadd.s32 $0xFFFFFEF7, lr;
	s5 =	simm.s32 $0xFFFFFFFF;
	p2 =	slt.u32 s8, $0xFFFFF086  }
0x1c: {  	p1 =	slt.u32 s9, $0xF7A;
	s5 =	simm.s32 @!p2 $0x0  }
0x1d: {  	s5 =	simm.s32 @p1 $0x1;
	p0 =	seq.s32 s7, s2  }
0x1e: {  	s7 =	smul.u32 @!p0 $0xF7A, s2;
	p2 =	seq.s32 @!p0 s5, $0x0  }
0x1f: {  	s9 =	smul.u32 $0xF7A, s1;
	s8 =	simm.s32 @!p0 $0x1BF5;
	p2 =	por !p2, p0  }
0x20: {  	[sflag:s8] =	ssyncset.s32 @!p0 $0xFFFFF086;
	s6 =	sadd.s32 @!p0 s3, s7;
	s7 =	simm.s32 @!p0 $0x108  }
0x21: {  	s3 =	sadd.s32 s3, s9;
	s6 =	sadd.s32 @!p0 $0x88, s6;
	s7 =	simm.s32 @p2 $0x1082  }
0x22: {  	[simem:s7], [sflag:s8] =	dma.local @!p0 [hbm:s6], $0xF7A  }
0x23: {  	s9 =	sor.u32 $0xD0000000, s2;
	s6 =	simm.s32 $0x108;
	_ =	swait.ge @!p0 [sflag:s8], $0x0  }
0x24: {  	s3 =	sadd.s32 $0x88, s3;
	s6 =	simm.s32 @!p1 $0x1082;
	[sflag:s4] =	ssyncset.s32 $0xFFFFF086  }
0x25: {  	[simem:s6], [sflag:s4] =	dma.local [hbm:s3], $0xF7A  }
0x26: {  	[smem:$0x3F92] =	sst s1;
	(tag) =	ssettag s2;
	_ =	strace s9  }
0x27: {  	s1 =	sld [smem:$0x3FA2]  }
0x28: {  	s2 =	sld [smem:$0x3FA3]  }
0x29: {  	s4 =	sld [smem:$0x3FA5]  }
0x2a: {  	p0 =	seq.s32 s5, $0x0;
	s5 =	sld [smem:$0x3FA6]  }
0x2b: {  	s6 =	sld [smem:$0x3FA7]  }
0x2c: {  	s7 =	sld [smem:$0x3FA8]  }
0x2d: {  	s3 =	simm.s32 $0x108;
	s8 =	sld [smem:$0x3FA9]  }
0x2e: {  	s3 =	simm.s32 @!p0 $0x1082;
	s9 =	sld [smem:$0x3FAA]  }
0x2f: {  	lr =	sadd.s32 s0, s3;
	s0 =	sld [smem:$0x3FA1]  }
0x30: {  	s3 =	sld [smem:$0x3FA4]  }
0x31: {  	[smem:$0x3FAD] =	sst s10  }
0x32: {  	s10 =	sld [smem:$0x3FAB];
	_ =	sdelay $0x3  }
0x33: {  	p0 =	seq.s32 s10, $0x1;
	s10 =	sld [smem:$0x3FAD];
	_ =	sdelay $0x3  }
0x34: {  	[smem:$0x3FAD] =	sst s10  }
0x35: {  	s10 =	sld [smem:$0x3FAC];
	_ =	sdelay $0x3  }
0x36: {  	p1 =	seq.s32 s10, $0x1;
	s10 =	sld [smem:$0x3FAD];
	_ =	sdelay $0x3  }
0x37: {  	[smem:$0x3FAD] =	sst s10  }
0x38: {  	s10 =	sld [smem:$0x3FAE]  }
0x39: {  	_ = 	snop;
	(pc) =	sbr.ind lr, $3  }
0x3a: {  	_ = 	snop  }
0x3b: {  	_ = 	snop  }
0x3c: {  	p2 =	seq.s32 s10, $0x1;
	s10 =	sld [smem:$0x3FAD]  }
0x3d: {  	_ =	shalt  }
0x3e: {  	_ =	shalt  }
0x3f: {  	_ =	shalt  }
0x40: {  	_ =	shalt  }
0x41: {  	_ =	shalt  }
0x42: {  	_ =	shalt  }
0x43: {  	_ =	shalt  }
0x44: {  	_ =	shalt  }
0x45: {  	_ =	shalt  }
0x46: {  	_ =	shalt  }
0x47: {  	_ =	shalt  }
0x48: {  	_ =	shalt  }
0x49: {  	_ =	shalt  }
0x4a: {  	_ =	shalt  }
0x4b: {  	_ =	shalt  }
0x4c: {  	_ =	shalt  }
0x4d: {  	_ =	shalt  }
0x4e: {  	_ =	shalt  }
0x4f: {  	_ =	shalt  }
0x50: {  	_ =	shalt  }
0x51: {  	_ =	shalt  }
0x52: {  	_ =	shalt  }
0x53: {  	_ =	shalt  }
0x54: {  	_ =	shalt  }
0x55: {  	_ =	shalt  }
0x56: {  	_ =	shalt  }
0x57: {  	_ =	shalt  }
0x58: {  	_ =	shalt  }
0x59: {  	_ =	shalt  }
0x5a: {  	_ =	shalt  }
0x5b: {  	_ =	shalt  }
0x5c: {  	_ =	shalt  }
0x5d: {  	_ =	shalt  }
0x5e: {  	_ =	shalt  }
0x5f: {  	_ =	shalt  }
0x60: {  	_ =	shalt  }
0x61: {  	_ =	shalt  }
0x62: {  	_ =	shalt  }
0x63: {  	_ =	shalt  }
0x64: {  	_ =	shalt  }
0x65: {  	_ =	shalt  }
0x66: {  	_ =	shalt  }
0x67: {  	_ =	shalt  }
0x68: {  	_ =	shalt  }
0x69: {  	_ =	shalt  }
0x6a: {  	_ =	shalt  }
0x6b: {  	_ =	shalt  }
0x6c: {  	_ =	shalt  }
0x6d: {  	_ =	shalt  }
0x6e: {  	_ =	shalt  }
0x6f: {  	_ =	shalt  }
0x70: {  	_ =	shalt  }
0x71: {  	_ =	shalt  }
0x72: {  	_ =	shalt  }
0x73: {  	_ =	shalt  }
0x74: {  	_ =	shalt  }
0x75: {  	_ =	shalt  }
0x76: {  	_ =	shalt  }
0x77: {  	_ =	shalt  }
0x78: {  	_ =	shalt  }
0x79: {  	_ =	shalt  }
0x7a: {  	_ =	shalt  }
0x7b: {  	_ =	shalt  }
0x7c: {  	_ =	shalt  }
0x7d: {  	_ =	shalt  }
0x7e: {  	_ =	shalt  }
0x7f: {  	_ =	shalt  }
0x80: {  	_ =	shalt  }
0x81: {  	_ =	shalt  }
0x82: {  	_ =	shalt  }
0x83: {  	_ =	shalt  }
0x84: {  	_ =	shalt  }
0x85: {  	_ =	shalt  }
0x86: {  	_ =	shalt  }
0x87: {  	_ =	shalt  }
.Lfunc_end0:
.L_simem_size_0:
called_computation.1_lowered:
.L_overlay_start_0:
0x88: {  	s2 =	sld [smem:$0x3FD9]  }
0x89: {  	s3 =	sld [smem:$0x3FFE];
	_ =	sdelay $0x1  }
0x8a: {  	s1 =	srdreg.scid  }
0x8b: {  	s0 =	sand.u32 $0x1, s1  }
0x8c: {  	s17 =	sshll.u32 s0, $0xA;
	s2 =	sadd.s32 s3, s2  }
0x8d: {  	s2 =	sadd.s32 s2, s17  }
0x8e: {  	[smem:$0x3FB9] =	sst s2  }
0x8f: {  	_ = 	snop  }
0x90: {  	s2 =	sld [smem:$0x3FD0];
	(tm) =	ssettm $0x1  }
0x91: {  	s18 =	sld [smem:$0x3FFB];
	_ =	sdelay $0x3  }
0x92: {  	_ =	strace s18  }
0x93: {  	s3 =	sld [smem:$0x3FFC];
	_ =	sdelay $0x3  }
0x94: {  	_ =	strace s3  }
0x95: {  	s3 =	sld [smem:$0x3FFD];
	_ =	sdelay $0x3  }
0x96: {  	_ =	strace s3  }
0x97: {  	_ =	strace $0x8FFFFFFF  }
0x98: {  	s19 =	sld [smem:$0x3FDB];
	_ =	sdelay $0x1  }
0x99: {  	s4 =	simm.s32 $_scs_section_size  }
0x9a: {  	s5 =	simm.s32 $_size__tile_overlayer_lowered;
	s6 =	simm.s32 $_tile_overlayer_lowered  }
0x9b: {  	s22 =	simm.s32 $0x1BFF;
	s21 =	sshll.u32 s6, $0x1;
	s3 =	sadd.s32 s4, s19  }
0x9c: {  	s7 =	simm.s32 $0x0;
	s20 =	sshll.u32 s5, $0x1;
	s5 =	sadd.s32 s21, s3  }
0x9d: {  	[timem:s7], [sflag:s22] =	dma.local [hbm:s5], s20  }
0x9e: {  	_ =	swait.ge [sflag:s22], s20  }
0x9f: {  	s4 =	ssub.s32 $0x0, s20;
	[sflag:s22] =	ssyncset.done $0x0  }
0xa0: {  	[sflag:s22] =	ssyncadd.s32 s4;
	_ =	sdelay $0x1  }
0xa1: {  	s23 =	simm.s32 $0x1B8B  }
0xa2: {  	_ =	swait.ge [sflag:s23], $0x1  }
0xa3: {  	[sflag:s23] =	ssyncset.done $0x0  }
0xa4: {  	s25 =	simm.s32 $0x1B8E;
	s24 =	sld [smem:$0x3FFE];
	[sflag:s23] =	ssyncadd.s32 $0xFFFFFFFF  }
0xa5: {  	s26 =	simm.s32 $execute0_lowered;
	[smem:$0x3FD2] =	sst s25  }
0xa6: {  	s5 =	sshll.u32 s26, $0x1;
	_ =	strace $0x80000046;
	[dreg:$0x1] =	wrdreg $0xFFFFFFFF  }
0xa7: {  	s28 =	simm.s32 $_size_execute0_lowered;
	s3 =	sadd.s32 s3, s5;
	[dreg:$0x0] =	wrdreg $0x0  }
0xa8: {  	s5 =	sshll.u32 s28, $0x1;
	[dreg:$0x2] =	wrdreg s3  }
0xa9: {  	[dreg:$0x3] =	wrdreg s5  }
0xaa: {  	[dreg:$0x4] =	wrdreg $0xC0  }
0xab: {  	_ =	task [dreg:s7], $0x5FFFF  }
0xac: {  	[dreg:$0x1] =	wrdreg $0xFFFFFFFF  }
0xad: {  	[dreg:$0x0] =	wrdreg $0x60  }
0xae: {  	[dreg:$0x2] =	wrdreg s24  }
0xaf: {  	[dreg:$0x3] =	wrdreg s2  }
0xb0: {  	[dreg:$0x4] =	wrdreg $0xA  }
0xb1: {  	_ =	task.clear_ibuf [dreg:s7], $0x5FFFF;
	_ =	strace $0x90000046  }
0xb2: {  	s29 =	simm.s32 $0xA;
	_ =	strace $0x80000048  }
0xb3: {  	_ =	swait.ge [sflag:s29], $0x1  }
0xb4: {  	[sflag:s29] =	ssyncadd.s32 $0xFFFFFFFF  }
0xb5: {  	_ =	strace $0x90000048  }
0xb6: {  	_ =	sfence  }
0xb7: {  	s30 =	sld [smem:$0x0];
	_ =	sdelay $0x2  }
0xb8: {  	s31 =	sshll.u32 s1, $0xD;
	s1 =	sshrl.u32 s1, $0x2  }
0xb9: {  	s3 =	sand.u32 $0x4000, s31;
	s1 =	sadd.s32 s1, s30  }
0xba: {  	s0 =	sor.u32 s3, s0;
	s1 =	sshll.u32 s1, $0x11  }
0xbb: {  	s0 =	sor.u32 s1, s0  }
0xbc: {  	s0 =	sadd.s32 $0x8F2B, s0  }
0xbd: {  	[sflag:s0] =	ssyncadd.remote.s32 $0x1  }
0xbe: {  	_ =	sfence.sel $0xFFFF  }
0xbf: {  	[dreg:$0x0] =	wrdreg $0xFFFFFFFF;
	(pc) =	sbr.abs _section_cstart, $3  }
0xc0: {  	[dreg:$0x1] =	wrdreg $0xFFFFFFFF  }
0xc1: {  	_ =	task.clear_ibuf [dreg:s7], $0x2FFFF;
	_ =	strace $0x9FFFFFFF  }
0xc2: {  	(tm) =	ssettm $0x7FFFFFFF  }
0xc3: {  	_ =	shalt  }
tec
execute0_lowered:
.L_overlay_start_1:
0x0: {  	(tag) =	ssettag $0x1  }
0x1: {  	s0 =	srdreg.scid;
	s1 =	rddreg [dreg:$0x0]  }
0x2: {  	s2 =	stileid.u32;
	s4 =	rddreg [dreg:$0x1];
	s0 =	sand.u32 $0x1, s0  }
0x3: {  	s14 =	simm.s32 $0x1;
	s2 =	sshll.u32 s2, $0x8;
	s3 =	sshll.u32 s0, $0x7  }
0x4: {  	s6 =	sadd.s32 $0x32600, s1;
	s0 =	ssub.s32 $0x2, s0;
	s3 =	sor.u32 s3, s2  }
0x5: {  	s2 =	simm.s32 $0x0;
	s29 =	sshrl.u32 s0, $0x1;
	s5 =	smul.u32 $0x180, s3  }
0x6: {  	[smem:$0x7FF] =	sst s2;
	s7 =	smul.u32 $0xC00, s3;
	s3 =	sadd.s32 s4, s3  }
0x7: {  	_ =	strace $0x80000047;
	[dreg:$0x3] =	wrdreg s3;
	s5 =	sadd.s32 s6, s5  }
0x8: {  	s22 =	sshrl.u32 s7, $0x3;
	s21 =	sadd.s32 $0x1800, s5;
	[dreg:$0xb] =	wrdreg s5  }
0x9: {  	s23 =	sadd.s32 $0x3000, s5;
	s24 =	sadd.s32 s6, s22;
	[dreg:$0x4] =	wrdreg s21  }
0xa: {  	s4 =	sadd.s32 $0x2600, s1;
	[dreg:$0x5] =	wrdreg s23;
	s25 =	sadd.s32 $0x4800, s24  }
0xb: {  	s0 =	ssub.s32 s0, s29;
	s26 =	sadd.s32 $0x6000, s24;
	[dreg:$0x6] =	wrdreg s25  }
0xc: {  	s5 =	sadd.s32 $0x2700, s1;
	s28 =	sadd.s32 $0x7800, s24;
	[dreg:$0x7] =	wrdreg s26  }
0xd: {  	v2 =	vlaneseq.u32;
	s6 =	smax.u32 s0, $0x1;
	s30 =	sadd.s32 $0x9000, s24;
	[dreg:$0x8] =	wrdreg s28  }
0xe: {  	vm0 =	vmmov $0xffff;
	vm1 =	vmmov $0xff;
	v1 =	vshrl.u32 v2, $0x3;
	s31 =	sadd.s32 $0xA800, s24;
	s23 =	simm.s32 $0x2;
	[dreg:$0x9] =	wrdreg s30  }
0xf: {  	v0 =	vand.u32 $0x7, v2;
	v2 =	vor.u32 $0x8, v2;
	v1 =	vmul.u32 $0x8, v1;
	s24 =	simm.s32 $0x3;
	[dreg:$0xa] =	wrdreg s31;
	s25 =	simm.s32 $0x4  }
.LBB2_1:
0x10: {  	s26 =	rddreg [dreg:$0x3];
	s1 =	simm.s32 $0x5  }
0x11: {  	[tilespmem:s2], [sflag:$0x5] =	stream.linear.gather [hbm4b:s26+s2], $0x400, $0x38;
	[tilespmem:$0x18400] =	vst v63  }
0x12: {  	_ =	swait.ge [sflag:s1], $0x400  }
0x13: {  	[sflag:s1] =	ssyncset.done $0x0  }
0x14: {  	[sflag:s1] =	ssyncadd.s32 $0xFFFFFC00  }
0x15: {  	v3 =	vld [tilespmem:$0x0];
	_ =	sdelay $0x4  }
0x16: {  	v4 =	vshrl.u32 v3, $0x3  }
0x17: {  	v4 =	vmul.u32 $0x18, v4  }
0x18: {  	v3 =	vand.u32 $0x7, v3  }
0x19: {  	v3 =	vor.u32 v3, v4  }
0x1a: {  	v4 =	vperm.xlane v3, v0;
	_ =	sdelay $0x1  }
0x1b: {  	v4 =	vadd.s32 v1, v4;
	_ =	sdelay $0x1  }
0x1c: {  	v3 =	vperm.xlane v3, v2;
	_ =	sdelay $0x1  }
0x1d: {  	s0 =	simm.s32 $0x400;
	v3 =	vadd.s32 v1, v3  }
0x1e: {  	[tilespmem:s0], [sflag:$0x1] =	stream.indirect_vreg.gather [hbm4b:s4+s2], $0x80, v4, vm0, $0xb8;
	[tilespmem:$0x18400] =	vst v63  }
0x1f: {  	s1 =	simm.s32 $0xC00  }
0x20: {  	[tilespmem:s1], [sflag:$0x1] =	stream.indirect_vreg.gather [hbm4b:s5+s2], $0x80, v4, vm1, $0xb8;
	[tilespmem:$0x18400] =	vst v63  }
0x21: {  	s3 =	simm.s32 $0x1000  }
0x22: {  	[tilespmem:s3], [sflag:$0x1] =	stream.indirect_vreg.gather [hbm4b:s4+s2], $0x80, v3, vm0, $0xb8;
	[tilespmem:$0x18400] =	vst v63  }
0x23: {  	s7 =	simm.s32 $0x1800  }
0x24: {  	[tilespmem:s7], [sflag:$0x1] =	stream.indirect_vreg.gather [hbm4b:s5+s2], $0x80, v3, vm1, $0xb8;
	[tilespmem:$0x18400] =	vst v63  }
0x25: {  	v3 =	vld [tilespmem:$0x10];
	_ =	sdelay $0x4  }
0x26: {  	v57 =	vshrl.u32 v3, $0x3  }
0x27: {  	v4 =	vmul.u32 $0x18, v57  }
0x28: {  	v3 =	vand.u32 $0x7, v3  }
0x29: {  	v3 =	vor.u32 v3, v4  }
0x2a: {  	v4 =	vperm.xlane v3, v0;
	_ =	sdelay $0x1  }
0x2b: {  	v4 =	vadd.s32 v1, v4;
	_ =	sdelay $0x1  }
0x2c: {  	v3 =	vperm.xlane v3, v2;
	_ =	sdelay $0x1  }
0x2d: {  	s8 =	simm.s32 $0x1C00;
	v3 =	vadd.s32 v1, v3  }
0x2e: {  	[tilespmem:s8], [sflag:$0x1] =	stream.indirect_vreg.gather [hbm4b:s4+s2], $0x80, v4, vm0, $0xb8;
	[tilespmem:$0x18400] =	vst v63  }
0x2f: {  	s9 =	simm.s32 $0x2400  }
0x30: {  	[tilespmem:s9], [sflag:$0x1] =	stream.indirect_vreg.gather [hbm4b:s5+s2], $0x80, v4, vm1, $0xb8;
	[tilespmem:$0x18400] =	vst v63  }
0x31: {  	s10 =	simm.s32 $0x2800  }
0x32: {  	[tilespmem:s10], [sflag:$0x1] =	stream.indirect_vreg.gather [hbm4b:s4+s2], $0x80, v3, vm0, $0xb8;
	[tilespmem:$0x18400] =	vst v63  }
0x33: {  	s11 =	simm.s32 $0x3000  }
0x34: {  	[tilespmem:s11], [sflag:$0x1] =	stream.indirect_vreg.gather [hbm4b:s5+s2], $0x80, v3, vm1, $0xb8;
	[tilespmem:$0x18400] =	vst v63  }
0x35: {  	v3 =	vld [tilespmem:$0x20];
	_ =	sdelay $0x4  }
0x36: {  	v58 =	vshrl.u32 v3, $0x3  }
0x37: {  	v4 =	vmul.u32 $0x18, v58  }
0x38: {  	v3 =	vand.u32 $0x7, v3  }
0x39: {  	v3 =	vor.u32 v3, v4  }
0x3a: {  	v4 =	vperm.xlane v3, v0;
	_ =	sdelay $0x1  }
0x3b: {  	v4 =	vadd.s32 v1, v4;
	_ =	sdelay $0x1  }
0x3c: {  	v3 =	vperm.xlane v3, v2;
	_ =	sdelay $0x1  }
0x3d: {  	s13 =	simm.s32 $0x3400;
	v3 =	vadd.s32 v1, v3  }
0x3e: {  	[tilespmem:s13], [sflag:$0x1] =	stream.indirect_vreg.gather [hbm4b:s4+s2], $0x80, v4, vm0, $0xb8;
	[tilespmem:$0x18400] =	vst v63  }
0x3f: {  	s15 =	simm.s32 $0x3C00  }
0x40: {  	[tilespmem:s15], [sflag:$0x1] =	stream.indirect_vreg.gather [hbm4b:s5+s2], $0x80, v4, vm1, $0xb8;
	[tilespmem:$0x18400] =	vst v63  }
0x41: {  	s16 =	simm.s32 $0x4000  }
0x42: {  	[tilespmem:s16], [sflag:$0x1] =	stream.indirect_vreg.gather [hbm4b:s4+s2], $0x80, v3, vm0, $0xb8;
	[tilespmem:$0x18400] =	vst v63  }
0x43: {  	s17 =	simm.s32 $0x4800  }
0x44: {  	[tilespmem:s17], [sflag:$0x1] =	stream.indirect_vreg.gather [hbm4b:s5+s2], $0x80, v3, vm1, $0xb8;
	[tilespmem:$0x18400] =	vst v63  }
0x45: {  	v3 =	vld [tilespmem:$0x30];
	_ =	sdelay $0x4  }
0x46: {  	v59 =	vshrl.u32 v3, $0x3  }
0x47: {  	v4 =	vmul.u32 $0x18, v59  }
0x48: {  	v3 =	vand.u32 $0x7, v3  }
0x49: {  	v3 =	vor.u32 v3, v4  }
0x4a: {  	v4 =	vperm.xlane v3, v0;
	_ =	sdelay $0x1  }
0x4b: {  	v4 =	vadd.s32 v1, v4;
	_ =	sdelay $0x1  }
0x4c: {  	v3 =	vperm.xlane v3, v2;
	_ =	sdelay $0x1  }
0x4d: {  	s18 =	simm.s32 $0x4C00;
	v3 =	vadd.s32 v1, v3  }
0x4e: {  	[tilespmem:s18], [sflag:$0x1] =	stream.indirect_vreg.gather [hbm4b:s4+s2], $0x80, v4, vm0, $0xb8;
	[tilespmem:$0x18400] =	vst v63  }
0x4f: {  	s19 =	simm.s32 $0x5400  }
0x50: {  	[tilespmem:s19], [sflag:$0x1] =	stream.indirect_vreg.gather [hbm4b:s5+s2], $0x80, v4, vm1, $0xb8;
	[tilespmem:$0x18400] =	vst v63  }
0x51: {  	s20 =	simm.s32 $0x5800  }
0x52: {  	[tilespmem:s20], [sflag:$0x1] =	stream.indirect_vreg.gather [hbm4b:s4+s2], $0x80, v3, vm0, $0xb8;
	[tilespmem:$0x18400] =	vst v63  }
0x53: {  	s21 =	simm.s32 $0x6000  }
0x54: {  	[tilespmem:s21], [sflag:$0x1] =	stream.indirect_vreg.gather [hbm4b:s5+s2], $0x80, v3, vm1, $0xb8;
	[tilespmem:$0x18400] =	vst v63  }
0x55: {  	v3 =	vld [tilespmem:$0x40];
	_ =	sdelay $0x4  }
0x56: {  	v60 =	vshrl.u32 v3, $0x3  }
0x57: {  	v4 =	vmul.u32 $0x18, v60  }
0x58: {  	v3 =	vand.u32 $0x7, v3  }
0x59: {  	v3 =	vor.u32 v3, v4  }
0x5a: {  	v4 =	vperm.xlane v3, v0;
	_ =	sdelay $0x1  }
0x5b: {  	v4 =	vadd.s32 v1, v4;
	_ =	sdelay $0x1  }
0x5c: {  	v3 =	vperm.xlane v3, v2;
	_ =	sdelay $0x1  }
0x5d: {  	s22 =	simm.s32 $0x6400;
	v3 =	vadd.s32 v1, v3  }
0x5e: {  	[tilespmem:s22], [sflag:$0x1] =	stream.indirect_vreg.gather [hbm4b:s4+s2], $0x80, v4, vm0, $0xb8;
	[tilespmem:$0x18400] =	vst v63  }
0x5f: {  	s26 =	simm.s32 $0x6C00  }
0x60: {  	[tilespmem:s26], [sflag:$0x1] =	stream.indirect_vreg.gather [hbm4b:s5+s2], $0x80, v4, vm1, $0xb8;
	[tilespmem:$0x18400] =	vst v63  }
0x61: {  	s28 =	simm.s32 $0x7000  }
0x62: {  	[tilespmem:s28], [sflag:$0x1] =	stream.indirect_vreg.gather [hbm4b:s4+s2], $0x80, v3, vm0, $0xb8;
	[tilespmem:$0x18400] =	vst v63  }
0x63: {  	s29 =	simm.s32 $0x7800  }
0x64: {  	[tilespmem:s29], [sflag:$0x1] =	stream.indirect_vreg.gather [hbm4b:s5+s2], $0x80, v3, vm1, $0xb8;
	[tilespmem:$0x18400] =	vst v63  }
0x65: {  	v3 =	vld [tilespmem:$0x50];
	_ =	sdelay $0x4  }
0x66: {  	v61 =	vshrl.u32 v3, $0x3  }
0x67: {  	v4 =	vmul.u32 $0x18, v61  }
0x68: {  	v3 =	vand.u32 $0x7, v3  }
0x69: {  	v3 =	vor.u32 v3, v4  }
0x6a: {  	v4 =	vperm.xlane v3, v0;
	_ =	sdelay $0x1  }
0x6b: {  	v4 =	vadd.s32 v1, v4;
	_ =	sdelay $0x1  }
0x6c: {  	v3 =	vperm.xlane v3, v2;
	_ =	sdelay $0x1  }
0x6d: {  	s30 =	simm.s32 $0x7C00;
	v3 =	vadd.s32 v1, v3  }
0x6e: {  	[tilespmem:s30], [sflag:$0x1] =	stream.indirect_vreg.gather [hbm4b:s4+s2], $0x80, v4, vm0, $0xb8;
	[tilespmem:$0x18400] =	vst v63  }
0x6f: {  	s31 =	simm.s32 $0x8400  }
0x70: {  	[tilespmem:s31], [sflag:$0x1] =	stream.indirect_vreg.gather [hbm4b:s5+s2], $0x80, v4, vm1, $0xb8;
	[tilespmem:$0x18400] =	vst v63  }
0x71: {  	s3 =	simm.s32 $0x8800  }
0x72: {  	[tilespmem:s3], [sflag:$0x1] =	stream.indirect_vreg.gather [hbm4b:s4+s2], $0x80, v3, vm0, $0xb8;
	[tilespmem:$0x18400] =	vst v63  }
0x73: {  	s11 =	simm.s32 $0x9000  }
0x74: {  	[tilespmem:s11], [sflag:$0x1] =	stream.indirect_vreg.gather [hbm4b:s5+s2], $0x80, v3, vm1, $0xb8;
	[tilespmem:$0x18400] =	vst v63  }
0x75: {  	v3 =	vld [tilespmem:$0x60];
	_ =	sdelay $0x4  }
0x76: {  	v62 =	vshrl.u32 v3, $0x3  }
0x77: {  	v4 =	vmul.u32 $0x18, v62  }
0x78: {  	v3 =	vand.u32 $0x7, v3  }
0x79: {  	v3 =	vor.u32 v3, v4  }
0x7a: {  	v4 =	vperm.xlane v3, v0;
	_ =	sdelay $0x1  }
0x7b: {  	v4 =	vadd.s32 v1, v4;
	_ =	sdelay $0x1  }
0x7c: {  	v3 =	vperm.xlane v3, v2;
	_ =	sdelay $0x1  }
0x7d: {  	s13 =	simm.s32 $0x9400;
	v3 =	vadd.s32 v1, v3  }
0x7e: {  	[tilespmem:s13], [sflag:$0x1] =	stream.indirect_vreg.gather [hbm4b:s4+s2], $0x80, v4, vm0, $0xb8;
	[tilespmem:$0x18400] =	vst v63  }
0x7f: {  	s15 =	simm.s32 $0x9C00  }
0x80: {  	[tilespmem:s15], [sflag:$0x1] =	stream.indirect_vreg.gather [hbm4b:s5+s2], $0x80, v4, vm1, $0xb8;
	[tilespmem:$0x18400] =	vst v63  }
0x81: {  	s16 =	simm.s32 $0xA000  }
0x82: {  	[tilespmem:s16], [sflag:$0x1] =	stream.indirect_vreg.gather [hbm4b:s4+s2], $0x80, v3, vm0, $0xb8;
	[tilespmem:$0x18400] =	vst v63  }
0x83: {  	s17 =	simm.s32 $0xA800  }
0x84: {  	[tilespmem:s17], [sflag:$0x1] =	stream.indirect_vreg.gather [hbm4b:s5+s2], $0x80, v3, vm1, $0xb8;
	[tilespmem:$0x18400] =	vst v63  }
0x85: {  	v3 =	vld [tilespmem:$0x70];
	_ =	sdelay $0x4  }
0x86: {  	v63 =	vshrl.u32 v3, $0x3  }
0x87: {  	v4 =	vmul.u32 $0x18, v63  }
0x88: {  	v3 =	vand.u32 $0x7, v3  }
0x89: {  	v3 =	vor.u32 v3, v4  }
0x8a: {  	v4 =	vperm.xlane v3, v0;
	_ =	sdelay $0x1  }
0x8b: {  	v4 =	vadd.s32 v1, v4;
	_ =	sdelay $0x1  }
0x8c: {  	v3 =	vperm.xlane v3, v2;
	_ =	sdelay $0x1  }
0x8d: {  	s18 =	simm.s32 $0xAC00;
	v3 =	vadd.s32 v1, v3  }
0x8e: {  	[tilespmem:s18], [sflag:$0x1] =	stream.indirect_vreg.gather [hbm4b:s4+s2], $0x80, v4, vm0, $0xb8;
	[tilespmem:$0x18400] =	vst v63  }
0x8f: {  	s19 =	simm.s32 $0xB400  }
0x90: {  	[tilespmem:s19], [sflag:$0x1] =	stream.indirect_vreg.gather [hbm4b:s5+s2], $0x80, v4, vm1, $0xb8;
	[tilespmem:$0x18400] =	vst v63  }
0x91: {  	s20 =	simm.s32 $0xB800  }
0x92: {  	[tilespmem:s20], [sflag:$0x1] =	stream.indirect_vreg.gather [hbm4b:s4+s2], $0x80, v3, vm0, $0xb8;
	[tilespmem:$0x18400] =	vst v63  }
0x93: {  	s21 =	simm.s32 $0xC000  }
0x94: {  	[tilespmem:s21], [sflag:$0x1] =	stream.indirect_vreg.gather [hbm4b:s5+s2], $0x80, v3, vm1, $0xb8;
	[tilespmem:$0x18400] =	vst v63  }
0x95: {  	_ =	swait.ge [sflag:s14], $0xC000  }
0x96: {  	[sflag:s14] =	ssyncset.done $0x0  }
0x97: {  	s0 =	simm.s32 $0x400;
	s22 =	rddreg [dreg:$0xb];
	[sflag:s14] =	ssyncadd.s32 $0xFFFF4000  }
0x98: {  	[hbm4b:s22+s2] =	stream.linear.scatter [tilespmem:s0], [sflag:$0x3], $0xC000, $0x38;
	[tilespmem:$0x18400] =	vst v63  }
0x99: {  	v3 =	vld [tilespmem:$0x80];
	_ =	sdelay $0x4  }
0x9a: {  	v8 =	vshrl.u32 v3, $0x3  }
0x9b: {  	v4 =	vmul.u32 $0x18, v8  }
0x9c: {  	v3 =	vand.u32 $0x7, v3  }
0x9d: {  	v3 =	vor.u32 v3, v4  }
0x9e: {  	v4 =	vperm.xlane v3, v0;
	_ =	sdelay $0x1  }
0x9f: {  	v4 =	vadd.s32 v1, v4;
	_ =	sdelay $0x1  }
0xa0: {  	v3 =	vperm.xlane v3, v2;
	_ =	sdelay $0x1  }
0xa1: {  	s28 =	simm.s32 $0xC400;
	v3 =	vadd.s32 v1, v3  }
0xa2: {  	[tilespmem:s28], [sflag:$0x2] =	stream.indirect_vreg.gather [hbm4b:s4+s2], $0x80, v4, vm0, $0xb8;
	[tilespmem:$0x18400] =	vst v63  }
0xa3: {  	s29 =	simm.s32 $0xCC00  }
0xa4: {  	[tilespmem:s29], [sflag:$0x2] =	stream.indirect_vreg.gather [hbm4b:s5+s2], $0x80, v4, vm1, $0xb8;
	[tilespmem:$0x18400] =	vst v63  }
0xa5: {  	s30 =	simm.s32 $0xD000  }
0xa6: {  	[tilespmem:s30], [sflag:$0x2] =	stream.indirect_vreg.gather [hbm4b:s4+s2], $0x80, v3, vm0, $0xb8;
	[tilespmem:$0x18400] =	vst v63  }
0xa7: {  	s31 =	simm.s32 $0xD800  }
0xa8: {  	[tilespmem:s31], [sflag:$0x2] =	stream.indirect_vreg.gather [hbm4b:s5+s2], $0x80, v3, vm1, $0xb8;
	[tilespmem:$0x18400] =	vst v63  }
0xa9: {  	v3 =	vld [tilespmem:$0x90];
	_ =	sdelay $0x4  }
0xaa: {  	v9 =	vshrl.u32 v3, $0x3  }
0xab: {  	v4 =	vmul.u32 $0x18, v9  }
0xac: {  	v3 =	vand.u32 $0x7, v3  }
0xad: {  	v3 =	vor.u32 v3, v4  }
0xae: {  	v4 =	vperm.xlane v3, v0;
	_ =	sdelay $0x1  }
0xaf: {  	v4 =	vadd.s32 v1, v4;
	_ =	sdelay $0x1  }
0xb0: {  	v3 =	vperm.xlane v3, v2;
	_ =	sdelay $0x1  }
0xb1: {  	s3 =	simm.s32 $0xDC00;
	v3 =	vadd.s32 v1, v3  }
0xb2: {  	[tilespmem:s3], [sflag:$0x2] =	stream.indirect_vreg.gather [hbm4b:s4+s2], $0x80, v4, vm0, $0xb8;
	[tilespmem:$0x18400] =	vst v63  }
0xb3: {  	s13 =	simm.s32 $0xE400  }
0xb4: {  	[tilespmem:s13], [sflag:$0x2] =	stream.indirect_vreg.gather [hbm4b:s5+s2], $0x80, v4, vm1, $0xb8;
	[tilespmem:$0x18400] =	vst v63  }
0xb5: {  	s15 =	simm.s32 $0xE800  }
0xb6: {  	[tilespmem:s15], [sflag:$0x2] =	stream.indirect_vreg.gather [hbm4b:s4+s2], $0x80, v3, vm0, $0xb8;
	[tilespmem:$0x18400] =	vst v63  }
0xb7: {  	s16 =	simm.s32 $0xF000  }
0xb8: {  	[tilespmem:s16], [sflag:$0x2] =	stream.indirect_vreg.gather [hbm4b:s5+s2], $0x80, v3, vm1, $0xb8;
	[tilespmem:$0x18400] =	vst v63  }
0xb9: {  	v3 =	vld [tilespmem:$0xA0];
	_ =	sdelay $0x4  }
0xba: {  	v10 =	vshrl.u32 v3, $0x3  }
0xbb: {  	v4 =	vmul.u32 $0x18, v10  }
0xbc: {  	v3 =	vand.u32 $0x7, v3  }
0xbd: {  	v3 =	vor.u32 v3, v4  }
0xbe: {  	v4 =	vperm.xlane v3, v0;
	_ =	sdelay $0x1  }
0xbf: {  	v4 =	vadd.s32 v1, v4;
	_ =	sdelay $0x1  }
0xc0: {  	v3 =	vperm.xlane v3, v2;
	_ =	sdelay $0x1  }
0xc1: {  	s17 =	simm.s32 $0xF400;
	v3 =	vadd.s32 v1, v3  }
0xc2: {  	[tilespmem:s17], [sflag:$0x2] =	stream.indirect_vreg.gather [hbm4b:s4+s2], $0x80, v4, vm0, $0xb8;
	[tilespmem:$0x18400] =	vst v63  }
0xc3: {  	s18 =	simm.s32 $0xFC00  }
0xc4: {  	[tilespmem:s18], [sflag:$0x2] =	stream.indirect_vreg.gather [hbm4b:s5+s2], $0x80, v4, vm1, $0xb8;
	[tilespmem:$0x18400] =	vst v63  }
0xc5: {  	s19 =	simm.s32 $0x10000  }
0xc6: {  	[tilespmem:s19], [sflag:$0x2] =	stream.indirect_vreg.gather [hbm4b:s4+s2], $0x80, v3, vm0, $0xb8;
	[tilespmem:$0x18400] =	vst v63  }
0xc7: {  	s20 =	simm.s32 $0x10800  }
0xc8: {  	[tilespmem:s20], [sflag:$0x2] =	stream.indirect_vreg.gather [hbm4b:s5+s2], $0x80, v3, vm1, $0xb8;
	[tilespmem:$0x18400] =	vst v63  }
0xc9: {  	v3 =	vld [tilespmem:$0xB0];
	_ =	sdelay $0x4  }
0xca: {  	v11 =	vshrl.u32 v3, $0x3  }
0xcb: {  	v4 =	vmul.u32 $0x18, v11  }
0xcc: {  	v3 =	vand.u32 $0x7, v3  }
0xcd: {  	v3 =	vor.u32 v3, v4  }
0xce: {  	v4 =	vperm.xlane v3, v0;
	_ =	sdelay $0x1  }
0xcf: {  	v4 =	vadd.s32 v1, v4;
	_ =	sdelay $0x1  }
0xd0: {  	v3 =	vperm.xlane v3, v2;
	_ =	sdelay $0x1  }
0xd1: {  	s21 =	simm.s32 $0x10C00;
	v3 =	vadd.s32 v1, v3  }
0xd2: {  	[tilespmem:s21], [sflag:$0x2] =	stream.indirect_vreg.gather [hbm4b:s4+s2], $0x80, v4, vm0, $0xb8;
	[tilespmem:$0x18400] =	vst v63  }
0xd3: {  	s22 =	simm.s32 $0x11400  }
0xd4: {  	[tilespmem:s22], [sflag:$0x2] =	stream.indirect_vreg.gather [hbm4b:s5+s2], $0x80, v4, vm1, $0xb8;
	[tilespmem:$0x18400] =	vst v63  }
0xd5: {  	s28 =	simm.s32 $0x11800  }
0xd6: {  	[tilespmem:s28], [sflag:$0x2] =	stream.indirect_vreg.gather [hbm4b:s4+s2], $0x80, v3, vm0, $0xb8;
	[tilespmem:$0x18400] =	vst v63  }
0xd7: {  	s29 =	simm.s32 $0x12000  }
0xd8: {  	[tilespmem:s29], [sflag:$0x2] =	stream.indirect_vreg.gather [hbm4b:s5+s2], $0x80, v3, vm1, $0xb8;
	[tilespmem:$0x18400] =	vst v63  }
0xd9: {  	v3 =	vld [tilespmem:$0xC0];
	_ =	sdelay $0x4  }
0xda: {  	v12 =	vshrl.u32 v3, $0x3  }
0xdb: {  	v4 =	vmul.u32 $0x18, v12  }
0xdc: {  	v3 =	vand.u32 $0x7, v3  }
0xdd: {  	v3 =	vor.u32 v3, v4  }
0xde: {  	v4 =	vperm.xlane v3, v0;
	_ =	sdelay $0x1  }
0xdf: {  	v4 =	vadd.s32 v1, v4;
	_ =	sdelay $0x1  }
0xe0: {  	v3 =	vperm.xlane v3, v2;
	_ =	sdelay $0x1  }
0xe1: {  	s30 =	simm.s32 $0x12400;
	v3 =	vadd.s32 v1, v3  }
0xe2: {  	[tilespmem:s30], [sflag:$0x2] =	stream.indirect_vreg.gather [hbm4b:s4+s2], $0x80, v4, vm0, $0xb8;
	[tilespmem:$0x18400] =	vst v63  }
0xe3: {  	s31 =	simm.s32 $0x12C00  }
0xe4: {  	[tilespmem:s31], [sflag:$0x2] =	stream.indirect_vreg.gather [hbm4b:s5+s2], $0x80, v4, vm1, $0xb8;
	[tilespmem:$0x18400] =	vst v63  }
0xe5: {  	s3 =	simm.s32 $0x13000  }
0xe6: {  	[tilespmem:s3], [sflag:$0x2] =	stream.indirect_vreg.gather [hbm4b:s4+s2], $0x80, v3, vm0, $0xb8;
	[tilespmem:$0x18400] =	vst v63  }
0xe7: {  	s13 =	simm.s32 $0x13800  }
0xe8: {  	[tilespmem:s13], [sflag:$0x2] =	stream.indirect_vreg.gather [hbm4b:s5+s2], $0x80, v3, vm1, $0xb8;
	[tilespmem:$0x18400] =	vst v63  }
0xe9: {  	v3 =	vld [tilespmem:$0xD0];
	_ =	sdelay $0x4  }
0xea: {  	v13 =	vshrl.u32 v3, $0x3  }
0xeb: {  	v4 =	vmul.u32 $0x18, v13  }
0xec: {  	v3 =	vand.u32 $0x7, v3  }
0xed: {  	v3 =	vor.u32 v3, v4  }
0xee: {  	v4 =	vperm.xlane v3, v0;
	_ =	sdelay $0x1  }
0xef: {  	v4 =	vadd.s32 v1, v4;
	_ =	sdelay $0x1  }
0xf0: {  	v3 =	vperm.xlane v3, v2;
	_ =	sdelay $0x1  }
0xf1: {  	s15 =	simm.s32 $0x13C00;
	v3 =	vadd.s32 v1, v3  }
0xf2: {  	[tilespmem:s15], [sflag:$0x2] =	stream.indirect_vreg.gather [hbm4b:s4+s2], $0x80, v4, vm0, $0xb8;
	[tilespmem:$0x18400] =	vst v63  }
0xf3: {  	s16 =	simm.s32 $0x14400  }
0xf4: {  	[tilespmem:s16], [sflag:$0x2] =	stream.indirect_vreg.gather [hbm4b:s5+s2], $0x80, v4, vm1, $0xb8;
	[tilespmem:$0x18400] =	vst v63  }
0xf5: {  	s17 =	simm.s32 $0x14800  }
0xf6: {  	[tilespmem:s17], [sflag:$0x2] =	stream.indirect_vreg.gather [hbm4b:s4+s2], $0x80, v3, vm0, $0xb8;
	[tilespmem:$0x18400] =	vst v63  }
0xf7: {  	s18 =	simm.s32 $0x15000  }
0xf8: {  	[tilespmem:s18], [sflag:$0x2] =	stream.indirect_vreg.gather [hbm4b:s5+s2], $0x80, v3, vm1, $0xb8;
	[tilespmem:$0x18400] =	vst v63  }
0xf9: {  	v3 =	vld [tilespmem:$0xE0];
	_ =	sdelay $0x4  }
0xfa: {  	v14 =	vshrl.u32 v3, $0x3  }
0xfb: {  	v4 =	vmul.u32 $0x18, v14  }
0xfc: {  	v3 =	vand.u32 $0x7, v3  }
0xfd: {  	v3 =	vor.u32 v3, v4  }
0xfe: {  	v4 =	vperm.xlane v3, v0;
	_ =	sdelay $0x1  }
0xff: {  	v4 =	vadd.s32 v1, v4;
	_ =	sdelay $0x1  }
0x100: {  	v3 =	vperm.xlane v3, v2;
	_ =	sdelay $0x1  }
0x101: {  	s19 =	simm.s32 $0x15400;
	v3 =	vadd.s32 v1, v3  }
0x102: {  	[tilespmem:s19], [sflag:$0x2] =	stream.indirect_vreg.gather [hbm4b:s4+s2], $0x80, v4, vm0, $0xb8;
	[tilespmem:$0x18400] =	vst v63  }
0x103: {  	s20 =	simm.s32 $0x15C00  }
0x104: {  	[tilespmem:s20], [sflag:$0x2] =	stream.indirect_vreg.gather [hbm4b:s5+s2], $0x80, v4, vm1, $0xb8;
	[tilespmem:$0x18400] =	vst v63  }
0x105: {  	s21 =	simm.s32 $0x16000  }
0x106: {  	[tilespmem:s21], [sflag:$0x2] =	stream.indirect_vreg.gather [hbm4b:s4+s2], $0x80, v3, vm0, $0xb8;
	[tilespmem:$0x18400] =	vst v63  }
0x107: {  	s22 =	simm.s32 $0x16800  }
0x108: {  	[tilespmem:s22], [sflag:$0x2] =	stream.indirect_vreg.gather [hbm4b:s5+s2], $0x80, v3, vm1, $0xb8;
	[tilespmem:$0x18400] =	vst v63  }
0x109: {  	v3 =	vld [tilespmem:$0xF0];
	_ =	sdelay $0x4  }
0x10a: {  	v15 =	vshrl.u32 v3, $0x3  }
0x10b: {  	v4 =	vmul.u32 $0x18, v15  }
0x10c: {  	v3 =	vand.u32 $0x7, v3  }
0x10d: {  	v3 =	vor.u32 v3, v4  }
0x10e: {  	v4 =	vperm.xlane v3, v0;
	_ =	sdelay $0x1  }
0x10f: {  	v4 =	vadd.s32 v1, v4;
	_ =	sdelay $0x1  }
0x110: {  	v3 =	vperm.xlane v3, v2;
	_ =	sdelay $0x1  }
0x111: {  	s28 =	simm.s32 $0x16C00;
	v3 =	vadd.s32 v1, v3  }
0x112: {  	[tilespmem:s28], [sflag:$0x2] =	stream.indirect_vreg.gather [hbm4b:s4+s2], $0x80, v4, vm0, $0xb8;
	[tilespmem:$0x18400] =	vst v63  }
0x113: {  	s29 =	simm.s32 $0x17400  }
0x114: {  	[tilespmem:s29], [sflag:$0x2] =	stream.indirect_vreg.gather [hbm4b:s5+s2], $0x80, v4, vm1, $0xb8;
	[tilespmem:$0x18400] =	vst v63  }
0x115: {  	s30 =	simm.s32 $0x17800  }
0x116: {  	[tilespmem:s30], [sflag:$0x2] =	stream.indirect_vreg.gather [hbm4b:s4+s2], $0x80, v3, vm0, $0xb8;
	[tilespmem:$0x18400] =	vst v63  }
0x117: {  	s31 =	simm.s32 $0x18000  }
0x118: {  	[tilespmem:s31], [sflag:$0x2] =	stream.indirect_vreg.gather [hbm4b:s5+s2], $0x80, v3, vm1, $0xb8;
	[tilespmem:$0x18400] =	vst v63  }
0x119: {  	_ =	swait.ge [sflag:s23], $0xC000  }
0x11a: {  	[sflag:s23] =	ssyncset.done $0x0  }
0x11b: {  	s1 =	simm.s32 $0xC400;
	s3 =	rddreg [dreg:$0x4];
	[sflag:s23] =	ssyncadd.s32 $0xFFFF4000  }
0x11c: {  	[hbm4b:s3+s2] =	stream.linear.scatter [tilespmem:s1], [sflag:$0x4], $0xC000, $0x38;
	[tilespmem:$0x18400] =	vst v63  }
0x11d: {  	_ =	swait.ge [sflag:s24], $0xC000  }
0x11e: {  	[sflag:s24] =	ssyncset.done $0x0  }
0x11f: {  	[sflag:s24] =	ssyncadd.s32 $0xFFFF4000  }
0x120: {  	v3 =	vld [tilespmem:$0x100];
	_ =	sdelay $0x4  }
0x121: {  	v16 =	vshrl.u32 v3, $0x3  }
0x122: {  	v4 =	vmul.u32 $0x18, v16  }
0x123: {  	v3 =	vand.u32 $0x7, v3  }
0x124: {  	v3 =	vor.u32 v3, v4  }
0x125: {  	v4 =	vperm.xlane v3, v0;
	_ =	sdelay $0x1  }
0x126: {  	v4 =	vadd.s32 v1, v4;
	_ =	sdelay $0x1  }
0x127: {  	v3 =	vperm.xlane v3, v2;
	_ =	sdelay $0x1  }
0x128: {  	s0 =	simm.s32 $0x400;
	v3 =	vadd.s32 v1, v3  }
0x129: {  	[tilespmem:s0], [sflag:$0x1] =	stream.indirect_vreg.gather [hbm4b:s4+s2], $0x80, v4, vm0, $0xb8;
	[tilespmem:$0x18400] =	vst v63  }
0x12a: {  	s15 =	simm.s32 $0xC00  }
0x12b: {  	[tilespmem:s15], [sflag:$0x1] =	stream.indirect_vreg.gather [hbm4b:s5+s2], $0x80, v4, vm1, $0xb8;
	[tilespmem:$0x18400] =	vst v63  }
0x12c: {  	s13 =	simm.s32 $0x1000  }
0x12d: {  	[tilespmem:s13], [sflag:$0x1] =	stream.indirect_vreg.gather [hbm4b:s4+s2], $0x80, v3, vm0, $0xb8;
	[tilespmem:$0x18400] =	vst v63  }
0x12e: {  	s12 =	simm.s32 $0x1800  }
0x12f: {  	[tilespmem:s12], [sflag:$0x1] =	stream.indirect_vreg.gather [hbm4b:s5+s2], $0x80, v3, vm1, $0xb8;
	[tilespmem:$0x18400] =	vst v63  }
0x130: {  	v3 =	vld [tilespmem:$0x110];
	_ =	sdelay $0x4  }
0x131: {  	v17 =	vshrl.u32 v3, $0x3  }
0x132: {  	v4 =	vmul.u32 $0x18, v17  }
0x133: {  	v3 =	vand.u32 $0x7, v3  }
0x134: {  	v3 =	vor.u32 v3, v4  }
0x135: {  	v4 =	vperm.xlane v3, v0;
	_ =	sdelay $0x1  }
0x136: {  	v4 =	vadd.s32 v1, v4;
	_ =	sdelay $0x1  }
0x137: {  	v3 =	vperm.xlane v3, v2;
	_ =	sdelay $0x1  }
0x138: {  	s16 =	simm.s32 $0x1C00;
	v3 =	vadd.s32 v1, v3  }
0x139: {  	[tilespmem:s16], [sflag:$0x1] =	stream.indirect_vreg.gather [hbm4b:s4+s2], $0x80, v4, vm0, $0xb8;
	[tilespmem:$0x18400] =	vst v63  }
0x13a: {  	s17 =	simm.s32 $0x2400  }
0x13b: {  	[tilespmem:s17], [sflag:$0x1] =	stream.indirect_vreg.gather [hbm4b:s5+s2], $0x80, v4, vm1, $0xb8;
	[tilespmem:$0x18400] =	vst v63  }
0x13c: {  	s18 =	simm.s32 $0x2800  }
0x13d: {  	[tilespmem:s18], [sflag:$0x1] =	stream.indirect_vreg.gather [hbm4b:s4+s2], $0x80, v3, vm0, $0xb8;
	[tilespmem:$0x18400] =	vst v63  }
0x13e: {  	s7 =	simm.s32 $0x3000  }
0x13f: {  	[tilespmem:s7], [sflag:$0x1] =	stream.indirect_vreg.gather [hbm4b:s5+s2], $0x80, v3, vm1, $0xb8;
	[tilespmem:$0x18400] =	vst v63  }
0x140: {  	v3 =	vld [tilespmem:$0x120];
	_ =	sdelay $0x4  }
0x141: {  	v18 =	vshrl.u32 v3, $0x3  }
0x142: {  	v4 =	vmul.u32 $0x18, v18  }
0x143: {  	v3 =	vand.u32 $0x7, v3  }
0x144: {  	v3 =	vor.u32 v3, v4  }
0x145: {  	v4 =	vperm.xlane v3, v0;
	_ =	sdelay $0x1  }
0x146: {  	v4 =	vadd.s32 v1, v4;
	_ =	sdelay $0x1  }
0x147: {  	v3 =	vperm.xlane v3, v2;
	_ =	sdelay $0x1  }
0x148: {  	s19 =	simm.s32 $0x3400;
	v3 =	vadd.s32 v1, v3  }
0x149: {  	[tilespmem:s19], [sflag:$0x1] =	stream.indirect_vreg.gather [hbm4b:s4+s2], $0x80, v4, vm0, $0xb8;
	[tilespmem:$0x18400] =	vst v63  }
0x14a: {  	s20 =	simm.s32 $0x3C00  }
0x14b: {  	[tilespmem:s20], [sflag:$0x1] =	stream.indirect_vreg.gather [hbm4b:s5+s2], $0x80, v4, vm1, $0xb8;
	[tilespmem:$0x18400] =	vst v63  }
0x14c: {  	s21 =	simm.s32 $0x4000  }
0x14d: {  	[tilespmem:s21], [sflag:$0x1] =	stream.indirect_vreg.gather [hbm4b:s4+s2], $0x80, v3, vm0, $0xb8;
	[tilespmem:$0x18400] =	vst v63  }
0x14e: {  	s8 =	simm.s32 $0x4800  }
0x14f: {  	[tilespmem:s8], [sflag:$0x1] =	stream.indirect_vreg.gather [hbm4b:s5+s2], $0x80, v3, vm1, $0xb8;
	[tilespmem:$0x18400] =	vst v63  }
0x150: {  	v3 =	vld [tilespmem:$0x130];
	_ =	sdelay $0x4  }
0x151: {  	v19 =	vshrl.u32 v3, $0x3  }
0x152: {  	v4 =	vmul.u32 $0x18, v19  }
0x153: {  	v3 =	vand.u32 $0x7, v3  }
0x154: {  	v3 =	vor.u32 v3, v4  }
0x155: {  	v4 =	vperm.xlane v3, v0;
	_ =	sdelay $0x1  }
0x156: {  	v4 =	vadd.s32 v1, v4;
	_ =	sdelay $0x1  }
0x157: {  	v3 =	vperm.xlane v3, v2;
	_ =	sdelay $0x1  }
0x158: {  	s22 =	simm.s32 $0x4C00;
	v3 =	vadd.s32 v1, v3  }
0x159: {  	[tilespmem:s22], [sflag:$0x1] =	stream.indirect_vreg.gather [hbm4b:s4+s2], $0x80, v4, vm0, $0xb8;
	[tilespmem:$0x18400] =	vst v63  }
0x15a: {  	s28 =	simm.s32 $0x5400  }
0x15b: {  	[tilespmem:s28], [sflag:$0x1] =	stream.indirect_vreg.gather [hbm4b:s5+s2], $0x80, v4, vm1, $0xb8;
	[tilespmem:$0x18400] =	vst v63  }
0x15c: {  	s29 =	simm.s32 $0x5800  }
0x15d: {  	[tilespmem:s29], [sflag:$0x1] =	stream.indirect_vreg.gather [hbm4b:s4+s2], $0x80, v3, vm0, $0xb8;
	[tilespmem:$0x18400] =	vst v63  }
0x15e: {  	s9 =	simm.s32 $0x6000  }
0x15f: {  	[tilespmem:s9], [sflag:$0x1] =	stream.indirect_vreg.gather [hbm4b:s5+s2], $0x80, v3, vm1, $0xb8;
	[tilespmem:$0x18400] =	vst v63  }
0x160: {  	v3 =	vld [tilespmem:$0x140];
	_ =	sdelay $0x4  }
0x161: {  	v20 =	vshrl.u32 v3, $0x3  }
0x162: {  	v4 =	vmul.u32 $0x18, v20  }
0x163: {  	v3 =	vand.u32 $0x7, v3  }
0x164: {  	v3 =	vor.u32 v3, v4  }
0x165: {  	v4 =	vperm.xlane v3, v0;
	_ =	sdelay $0x1  }
0x166: {  	v4 =	vadd.s32 v1, v4;
	_ =	sdelay $0x1  }
0x167: {  	v3 =	vperm.xlane v3, v2;
	_ =	sdelay $0x1  }
0x168: {  	s30 =	simm.s32 $0x6400;
	v3 =	vadd.s32 v1, v3  }
0x169: {  	[tilespmem:s30], [sflag:$0x1] =	stream.indirect_vreg.gather [hbm4b:s4+s2], $0x80, v4, vm0, $0xb8;
	[tilespmem:$0x18400] =	vst v63  }
0x16a: {  	s31 =	simm.s32 $0x6C00  }
0x16b: {  	[tilespmem:s31], [sflag:$0x1] =	stream.indirect_vreg.gather [hbm4b:s5+s2], $0x80, v4, vm1, $0xb8;
	[tilespmem:$0x18400] =	vst v63  }
0x16c: {  	s12 =	simm.s32 $0x7000  }
0x16d: {  	[tilespmem:s12], [sflag:$0x1] =	stream.indirect_vreg.gather [hbm4b:s4+s2], $0x80, v3, vm0, $0xb8;
	[tilespmem:$0x18400] =	vst v63  }
0x16e: {  	s10 =	simm.s32 $0x7800  }
0x16f: {  	[tilespmem:s10], [sflag:$0x1] =	stream.indirect_vreg.gather [hbm4b:s5+s2], $0x80, v3, vm1, $0xb8;
	[tilespmem:$0x18400] =	vst v63  }
0x170: {  	v3 =	vld [tilespmem:$0x150];
	_ =	sdelay $0x4  }
0x171: {  	v21 =	vshrl.u32 v3, $0x3  }
0x172: {  	v4 =	vmul.u32 $0x18, v21  }
0x173: {  	v3 =	vand.u32 $0x7, v3  }
0x174: {  	v3 =	vor.u32 v3, v4  }
0x175: {  	v4 =	vperm.xlane v3, v0;
	_ =	sdelay $0x1  }
0x176: {  	v4 =	vadd.s32 v1, v4;
	_ =	sdelay $0x1  }
0x177: {  	v3 =	vperm.xlane v3, v2;
	_ =	sdelay $0x1  }
0x178: {  	s7 =	simm.s32 $0x7C00;
	v3 =	vadd.s32 v1, v3  }
0x179: {  	[tilespmem:s7], [sflag:$0x1] =	stream.indirect_vreg.gather [hbm4b:s4+s2], $0x80, v4, vm0, $0xb8;
	[tilespmem:$0x18400] =	vst v63  }
0x17a: {  	s8 =	simm.s32 $0x8400  }
0x17b: {  	[tilespmem:s8], [sflag:$0x1] =	stream.indirect_vreg.gather [hbm4b:s5+s2], $0x80, v4, vm1, $0xb8;
	[tilespmem:$0x18400] =	vst v63  }
0x17c: {  	s9 =	simm.s32 $0x8800  }
0x17d: {  	[tilespmem:s9], [sflag:$0x1] =	stream.indirect_vreg.gather [hbm4b:s4+s2], $0x80, v3, vm0, $0xb8;
	[tilespmem:$0x18400] =	vst v63  }
0x17e: {  	s11 =	simm.s32 $0x9000  }
0x17f: {  	[tilespmem:s11], [sflag:$0x1] =	stream.indirect_vreg.gather [hbm4b:s5+s2], $0x80, v3, vm1, $0xb8;
	[tilespmem:$0x18400] =	vst v63  }
0x180: {  	v3 =	vld [tilespmem:$0x160];
	_ =	sdelay $0x4  }
0x181: {  	v22 =	vshrl.u32 v3, $0x3  }
0x182: {  	v4 =	vmul.u32 $0x18, v22  }
0x183: {  	v3 =	vand.u32 $0x7, v3  }
0x184: {  	v3 =	vor.u32 v3, v4  }
0x185: {  	v4 =	vperm.xlane v3, v0;
	_ =	sdelay $0x1  }
0x186: {  	v4 =	vadd.s32 v1, v4;
	_ =	sdelay $0x1  }
0x187: {  	v3 =	vperm.xlane v3, v2;
	_ =	sdelay $0x1  }
0x188: {  	s10 =	simm.s32 $0x9400;
	v3 =	vadd.s32 v1, v3  }
0x189: {  	[tilespmem:s10], [sflag:$0x1] =	stream.indirect_vreg.gather [hbm4b:s4+s2], $0x80, v4, vm0, $0xb8;
	[tilespmem:$0x18400] =	vst v63  }
0x18a: {  	s11 =	simm.s32 $0x9C00  }
0x18b: {  	[tilespmem:s11], [sflag:$0x1] =	stream.indirect_vreg.gather [hbm4b:s5+s2], $0x80, v4, vm1, $0xb8;
	[tilespmem:$0x18400] =	vst v63  }
0x18c: {  	s12 =	simm.s32 $0xA000  }
0x18d: {  	[tilespmem:s12], [sflag:$0x1] =	stream.indirect_vreg.gather [hbm4b:s4+s2], $0x80, v3, vm0, $0xb8;
	[tilespmem:$0x18400] =	vst v63  }
0x18e: {  	s26 =	simm.s32 $0xA800  }
0x18f: {  	[tilespmem:s26], [sflag:$0x1] =	stream.indirect_vreg.gather [hbm4b:s5+s2], $0x80, v3, vm1, $0xb8;
	[tilespmem:$0x18400] =	vst v63  }
0x190: {  	v3 =	vld [tilespmem:$0x170];
	_ =	sdelay $0x4  }
0x191: {  	v23 =	vshrl.u32 v3, $0x3  }
0x192: {  	v4 =	vmul.u32 $0x18, v23  }
0x193: {  	v3 =	vand.u32 $0x7, v3  }
0x194: {  	v3 =	vor.u32 v3, v4  }
0x195: {  	v4 =	vperm.xlane v3, v0;
	_ =	sdelay $0x1  }
0x196: {  	v4 =	vadd.s32 v1, v4;
	_ =	sdelay $0x1  }
0x197: {  	v3 =	vperm.xlane v3, v2;
	_ =	sdelay $0x1  }
0x198: {  	s0 =	simm.s32 $0xAC00;
	v3 =	vadd.s32 v1, v3  }
0x199: {  	[tilespmem:s0], [sflag:$0x1] =	stream.indirect_vreg.gather [hbm4b:s4+s2], $0x80, v4, vm0, $0xb8;
	[tilespmem:$0x18400] =	vst v63  }
0x19a: {  	s26 =	simm.s32 $0xB400  }
0x19b: {  	[tilespmem:s26], [sflag:$0x1] =	stream.indirect_vreg.gather [hbm4b:s5+s2], $0x80, v4, vm1, $0xb8;
	[tilespmem:$0x18400] =	vst v63  }
0x19c: {  	s26 =	simm.s32 $0xB800  }
0x19d: {  	[tilespmem:s26], [sflag:$0x1] =	stream.indirect_vreg.gather [hbm4b:s4+s2], $0x80, v3, vm0, $0xb8;
	[tilespmem:$0x18400] =	vst v63  }
0x19e: {  	s26 =	simm.s32 $0xC000  }
0x19f: {  	[tilespmem:s26], [sflag:$0x1] =	stream.indirect_vreg.gather [hbm4b:s5+s2], $0x80, v3, vm1, $0xb8;
	[tilespmem:$0x18400] =	vst v63  }
0x1a0: {  	_ =	swait.ge [sflag:s14], $0xC000  }
0x1a1: {  	[sflag:s14] =	ssyncset.done $0x0  }
0x1a2: {  	s3 =	simm.s32 $0x400;
	s26 =	rddreg [dreg:$0x5];
	[sflag:s14] =	ssyncadd.s32 $0xFFFF4000  }
0x1a3: {  	[hbm4b:s26+s2] =	stream.linear.scatter [tilespmem:s3], [sflag:$0x3], $0xC000, $0x38;
	[tilespmem:$0x18400] =	vst v63  }
0x1a4: {  	_ =	swait.ge [sflag:s25], $0xC000  }
0x1a5: {  	[sflag:s25] =	ssyncset.done $0x0  }
0x1a6: {  	[sflag:s25] =	ssyncadd.s32 $0xFFFF4000  }
0x1a7: {  	v3 =	vld [tilespmem:$0x180];
	_ =	sdelay $0x4  }
0x1a8: {  	v24 =	vshrl.u32 v3, $0x3  }
0x1a9: {  	v4 =	vmul.u32 $0x18, v24  }
0x1aa: {  	v3 =	vand.u32 $0x7, v3  }
0x1ab: {  	v3 =	vor.u32 v3, v4  }
0x1ac: {  	v4 =	vperm.xlane v3, v0;
	_ =	sdelay $0x1  }
0x1ad: {  	v4 =	vadd.s32 v1, v4;
	_ =	sdelay $0x1  }
0x1ae: {  	v3 =	vperm.xlane v3, v2;
	_ =	sdelay $0x1  }
0x1af: {  	s1 =	simm.s32 $0xC400;
	v3 =	vadd.s32 v1, v3  }
0x1b0: {  	[tilespmem:s1], [sflag:$0x2] =	stream.indirect_vreg.gather [hbm4b:s4+s2], $0x80, v4, vm0, $0xb8;
	[tilespmem:$0x18400] =	vst v63  }
0x1b1: {  	s26 =	simm.s32 $0xCC00  }
0x1b2: {  	[tilespmem:s26], [sflag:$0x2] =	stream.indirect_vreg.gather [hbm4b:s5+s2], $0x80, v4, vm1, $0xb8;
	[tilespmem:$0x18400] =	vst v63  }
0x1b3: {  	s26 =	simm.s32 $0xD000  }
0x1b4: {  	[tilespmem:s26], [sflag:$0x2] =	stream.indirect_vreg.gather [hbm4b:s4+s2], $0x80, v3, vm0, $0xb8;
	[tilespmem:$0x18400] =	vst v63  }
0x1b5: {  	s26 =	simm.s32 $0xD800  }
0x1b6: {  	[tilespmem:s26], [sflag:$0x2] =	stream.indirect_vreg.gather [hbm4b:s5+s2], $0x80, v3, vm1, $0xb8;
	[tilespmem:$0x18400] =	vst v63  }
0x1b7: {  	v3 =	vld [tilespmem:$0x190];
	_ =	sdelay $0x4  }
0x1b8: {  	v25 =	vshrl.u32 v3, $0x3  }
0x1b9: {  	v4 =	vmul.u32 $0x18, v25  }
0x1ba: {  	v3 =	vand.u32 $0x7, v3  }
0x1bb: {  	v3 =	vor.u32 v3, v4  }
0x1bc: {  	v4 =	vperm.xlane v3, v0;
	_ =	sdelay $0x1  }
0x1bd: {  	v4 =	vadd.s32 v1, v4;
	_ =	sdelay $0x1  }
0x1be: {  	v3 =	vperm.xlane v3, v2;
	_ =	sdelay $0x1  }
0x1bf: {  	s26 =	simm.s32 $0xDC00;
	v3 =	vadd.s32 v1, v3  }
0x1c0: {  	[tilespmem:s26], [sflag:$0x2] =	stream.indirect_vreg.gather [hbm4b:s4+s2], $0x80, v4, vm0, $0xb8;
	[tilespmem:$0x18400] =	vst v63  }
0x1c1: {  	s26 =	simm.s32 $0xE400  }
0x1c2: {  	[tilespmem:s26], [sflag:$0x2] =	stream.indirect_vreg.gather [hbm4b:s5+s2], $0x80, v4, vm1, $0xb8;
	[tilespmem:$0x18400] =	vst v63  }
0x1c3: {  	s26 =	simm.s32 $0xE800  }
0x1c4: {  	[tilespmem:s26], [sflag:$0x2] =	stream.indirect_vreg.gather [hbm4b:s4+s2], $0x80, v3, vm0, $0xb8;
	[tilespmem:$0x18400] =	vst v63  }
0x1c5: {  	s26 =	simm.s32 $0xF000  }
0x1c6: {  	[tilespmem:s26], [sflag:$0x2] =	stream.indirect_vreg.gather [hbm4b:s5+s2], $0x80, v3, vm1, $0xb8;
	[tilespmem:$0x18400] =	vst v63  }
0x1c7: {  	v3 =	vld [tilespmem:$0x1A0];
	_ =	sdelay $0x4  }
0x1c8: {  	v26 =	vshrl.u32 v3, $0x3  }
0x1c9: {  	v4 =	vmul.u32 $0x18, v26  }
0x1ca: {  	v3 =	vand.u32 $0x7, v3  }
0x1cb: {  	v3 =	vor.u32 v3, v4  }
0x1cc: {  	v4 =	vperm.xlane v3, v0;
	_ =	sdelay $0x1  }
0x1cd: {  	v4 =	vadd.s32 v1, v4;
	_ =	sdelay $0x1  }
0x1ce: {  	v3 =	vperm.xlane v3, v2;
	_ =	sdelay $0x1  }
0x1cf: {  	s26 =	simm.s32 $0xF400;
	v3 =	vadd.s32 v1, v3  }
0x1d0: {  	[tilespmem:s26], [sflag:$0x2] =	stream.indirect_vreg.gather [hbm4b:s4+s2], $0x80, v4, vm0, $0xb8;
	[tilespmem:$0x18400] =	vst v63  }
0x1d1: {  	s26 =	simm.s32 $0xFC00  }
0x1d2: {  	[tilespmem:s26], [sflag:$0x2] =	stream.indirect_vreg.gather [hbm4b:s5+s2], $0x80, v4, vm1, $0xb8;
	[tilespmem:$0x18400] =	vst v63  }
0x1d3: {  	s26 =	simm.s32 $0x10000  }
0x1d4: {  	[tilespmem:s26], [sflag:$0x2] =	stream.indirect_vreg.gather [hbm4b:s4+s2], $0x80, v3, vm0, $0xb8;
	[tilespmem:$0x18400] =	vst v63  }
0x1d5: {  	s26 =	simm.s32 $0x10800  }
0x1d6: {  	[tilespmem:s26], [sflag:$0x2] =	stream.indirect_vreg.gather [hbm4b:s5+s2], $0x80, v3, vm1, $0xb8;
	[tilespmem:$0x18400] =	vst v63  }
0x1d7: {  	v3 =	vld [tilespmem:$0x1B0];
	_ =	sdelay $0x4  }
0x1d8: {  	v27 =	vshrl.u32 v3, $0x3  }
0x1d9: {  	v4 =	vmul.u32 $0x18, v27  }
0x1da: {  	v3 =	vand.u32 $0x7, v3  }
0x1db: {  	v3 =	vor.u32 v3, v4  }
0x1dc: {  	v4 =	vperm.xlane v3, v0;
	_ =	sdelay $0x1  }
0x1dd: {  	v4 =	vadd.s32 v1, v4;
	_ =	sdelay $0x1  }
0x1de: {  	v3 =	vperm.xlane v3, v2;
	_ =	sdelay $0x1  }
0x1df: {  	s26 =	simm.s32 $0x10C00;
	v3 =	vadd.s32 v1, v3  }
0x1e0: {  	[tilespmem:s26], [sflag:$0x2] =	stream.indirect_vreg.gather [hbm4b:s4+s2], $0x80, v4, vm0, $0xb8;
	[tilespmem:$0x18400] =	vst v63  }
0x1e1: {  	s26 =	simm.s32 $0x11400  }
0x1e2: {  	[tilespmem:s26], [sflag:$0x2] =	stream.indirect_vreg.gather [hbm4b:s5+s2], $0x80, v4, vm1, $0xb8;
	[tilespmem:$0x18400] =	vst v63  }
0x1e3: {  	s26 =	simm.s32 $0x11800  }
0x1e4: {  	[tilespmem:s26], [sflag:$0x2] =	stream.indirect_vreg.gather [hbm4b:s4+s2], $0x80, v3, vm0, $0xb8;
	[tilespmem:$0x18400] =	vst v63  }
0x1e5: {  	s26 =	simm.s32 $0x12000  }
0x1e6: {  	[tilespmem:s26], [sflag:$0x2] =	stream.indirect_vreg.gather [hbm4b:s5+s2], $0x80, v3, vm1, $0xb8;
	[tilespmem:$0x18400] =	vst v63  }
0x1e7: {  	v3 =	vld [tilespmem:$0x1C0];
	_ =	sdelay $0x4  }
0x1e8: {  	v28 =	vshrl.u32 v3, $0x3  }
0x1e9: {  	v4 =	vmul.u32 $0x18, v28  }
0x1ea: {  	v3 =	vand.u32 $0x7, v3  }
0x1eb: {  	v3 =	vor.u32 v3, v4  }
0x1ec: {  	v4 =	vperm.xlane v3, v0;
	_ =	sdelay $0x1  }
0x1ed: {  	v4 =	vadd.s32 v1, v4;
	_ =	sdelay $0x1  }
0x1ee: {  	v3 =	vperm.xlane v3, v2;
	_ =	sdelay $0x1  }
0x1ef: {  	s26 =	simm.s32 $0x12400;
	v3 =	vadd.s32 v1, v3  }
0x1f0: {  	[tilespmem:s26], [sflag:$0x2] =	stream.indirect_vreg.gather [hbm4b:s4+s2], $0x80, v4, vm0, $0xb8;
	[tilespmem:$0x18400] =	vst v63  }
0x1f1: {  	s26 =	simm.s32 $0x12C00  }
0x1f2: {  	[tilespmem:s26], [sflag:$0x2] =	stream.indirect_vreg.gather [hbm4b:s5+s2], $0x80, v4, vm1, $0xb8;
	[tilespmem:$0x18400] =	vst v63  }
0x1f3: {  	s26 =	simm.s32 $0x13000  }
0x1f4: {  	[tilespmem:s26], [sflag:$0x2] =	stream.indirect_vreg.gather [hbm4b:s4+s2], $0x80, v3, vm0, $0xb8;
	[tilespmem:$0x18400] =	vst v63  }
0x1f5: {  	s26 =	simm.s32 $0x13800  }
0x1f6: {  	[tilespmem:s26], [sflag:$0x2] =	stream.indirect_vreg.gather [hbm4b:s5+s2], $0x80, v3, vm1, $0xb8;
	[tilespmem:$0x18400] =	vst v63  }
0x1f7: {  	v3 =	vld [tilespmem:$0x1D0];
	_ =	sdelay $0x4  }
0x1f8: {  	v29 =	vshrl.u32 v3, $0x3  }
0x1f9: {  	v4 =	vmul.u32 $0x18, v29  }
0x1fa: {  	v3 =	vand.u32 $0x7, v3  }
0x1fb: {  	v3 =	vor.u32 v3, v4  }
0x1fc: {  	v4 =	vperm.xlane v3, v0;
	_ =	sdelay $0x1  }
0x1fd: {  	v4 =	vadd.s32 v1, v4;
	_ =	sdelay $0x1  }
0x1fe: {  	v3 =	vperm.xlane v3, v2;
	_ =	sdelay $0x1  }
0x1ff: {  	s26 =	simm.s32 $0x13C00;
	v3 =	vadd.s32 v1, v3  }
0x200: {  	[tilespmem:s26], [sflag:$0x2] =	stream.indirect_vreg.gather [hbm4b:s4+s2], $0x80, v4, vm0, $0xb8;
	[tilespmem:$0x18400] =	vst v63  }
0x201: {  	s26 =	simm.s32 $0x14400  }
0x202: {  	[tilespmem:s26], [sflag:$0x2] =	stream.indirect_vreg.gather [hbm4b:s5+s2], $0x80, v4, vm1, $0xb8;
	[tilespmem:$0x18400] =	vst v63  }
0x203: {  	s26 =	simm.s32 $0x14800  }
0x204: {  	[tilespmem:s26], [sflag:$0x2] =	stream.indirect_vreg.gather [hbm4b:s4+s2], $0x80, v3, vm0, $0xb8;
	[tilespmem:$0x18400] =	vst v63  }
0x205: {  	s26 =	simm.s32 $0x15000  }
0x206: {  	[tilespmem:s26], [sflag:$0x2] =	stream.indirect_vreg.gather [hbm4b:s5+s2], $0x80, v3, vm1, $0xb8;
	[tilespmem:$0x18400] =	vst v63  }
0x207: {  	v3 =	vld [tilespmem:$0x1E0];
	_ =	sdelay $0x4  }
0x208: {  	v30 =	vshrl.u32 v3, $0x3  }
0x209: {  	v4 =	vmul.u32 $0x18, v30  }
0x20a: {  	v3 =	vand.u32 $0x7, v3  }
0x20b: {  	v3 =	vor.u32 v3, v4  }
0x20c: {  	v4 =	vperm.xlane v3, v0;
	_ =	sdelay $0x1  }
0x20d: {  	v4 =	vadd.s32 v1, v4;
	_ =	sdelay $0x1  }
0x20e: {  	v3 =	vperm.xlane v3, v2;
	_ =	sdelay $0x1  }
0x20f: {  	s26 =	simm.s32 $0x15400;
	v3 =	vadd.s32 v1, v3  }
0x210: {  	[tilespmem:s26], [sflag:$0x2] =	stream.indirect_vreg.gather [hbm4b:s4+s2], $0x80, v4, vm0, $0xb8;
	[tilespmem:$0x18400] =	vst v63  }
0x211: {  	s26 =	simm.s32 $0x15C00  }
0x212: {  	[tilespmem:s26], [sflag:$0x2] =	stream.indirect_vreg.gather [hbm4b:s5+s2], $0x80, v4, vm1, $0xb8;
	[tilespmem:$0x18400] =	vst v63  }
0x213: {  	s26 =	simm.s32 $0x16000  }
0x214: {  	[tilespmem:s26], [sflag:$0x2] =	stream.indirect_vreg.gather [hbm4b:s4+s2], $0x80, v3, vm0, $0xb8;
	[tilespmem:$0x18400] =	vst v63  }
0x215: {  	s26 =	simm.s32 $0x16800  }
0x216: {  	[tilespmem:s26], [sflag:$0x2] =	stream.indirect_vreg.gather [hbm4b:s5+s2], $0x80, v3, vm1, $0xb8;
	[tilespmem:$0x18400] =	vst v63  }
0x217: {  	v3 =	vld [tilespmem:$0x1F0];
	_ =	sdelay $0x4  }
0x218: {  	v31 =	vshrl.u32 v3, $0x3  }
0x219: {  	v4 =	vmul.u32 $0x18, v31  }
0x21a: {  	v3 =	vand.u32 $0x7, v3  }
0x21b: {  	v3 =	vor.u32 v3, v4  }
0x21c: {  	v4 =	vperm.xlane v3, v0;
	_ =	sdelay $0x1  }
0x21d: {  	v4 =	vadd.s32 v1, v4;
	_ =	sdelay $0x1  }
0x21e: {  	v3 =	vperm.xlane v3, v2;
	_ =	sdelay $0x1  }
0x21f: {  	s26 =	simm.s32 $0x16C00;
	v3 =	vadd.s32 v1, v3  }
0x220: {  	[tilespmem:s26], [sflag:$0x2] =	stream.indirect_vreg.gather [hbm4b:s4+s2], $0x80, v4, vm0, $0xb8;
	[tilespmem:$0x18400] =	vst v63  }
0x221: {  	s26 =	simm.s32 $0x17400  }
0x222: {  	[tilespmem:s26], [sflag:$0x2] =	stream.indirect_vreg.gather [hbm4b:s5+s2], $0x80, v4, vm1, $0xb8;
	[tilespmem:$0x18400] =	vst v63  }
0x223: {  	s26 =	simm.s32 $0x17800  }
0x224: {  	[tilespmem:s26], [sflag:$0x2] =	stream.indirect_vreg.gather [hbm4b:s4+s2], $0x80, v3, vm0, $0xb8;
	[tilespmem:$0x18400] =	vst v63  }
0x225: {  	s26 =	simm.s32 $0x18000  }
0x226: {  	[tilespmem:s26], [sflag:$0x2] =	stream.indirect_vreg.gather [hbm4b:s5+s2], $0x80, v3, vm1, $0xb8;
	[tilespmem:$0x18400] =	vst v63  }
0x227: {  	_ =	swait.ge [sflag:s23], $0xC000  }
0x228: {  	[sflag:s23] =	ssyncset.done $0x0  }
0x229: {  	s1 =	simm.s32 $0xC400;
	s26 =	rddreg [dreg:$0x6];
	[sflag:s23] =	ssyncadd.s32 $0xFFFF4000  }
0x22a: {  	[hbm4b:s26+s2] =	stream.linear.scatter [tilespmem:s1], [sflag:$0x4], $0xC000, $0x38;
	[tilespmem:$0x18400] =	vst v63  }
0x22b: {  	_ =	swait.ge [sflag:s24], $0xC000  }
0x22c: {  	[sflag:s24] =	ssyncset.done $0x0  }
0x22d: {  	[sflag:s24] =	ssyncadd.s32 $0xFFFF4000  }
0x22e: {  	v3 =	vld [tilespmem:$0x200];
	_ =	sdelay $0x4  }
0x22f: {  	v32 =	vshrl.u32 v3, $0x3  }
0x230: {  	v4 =	vmul.u32 $0x18, v32  }
0x231: {  	v3 =	vand.u32 $0x7, v3  }
0x232: {  	v3 =	vor.u32 v3, v4  }
0x233: {  	v4 =	vperm.xlane v3, v0;
	_ =	sdelay $0x1  }
0x234: {  	v4 =	vadd.s32 v1, v4;
	_ =	sdelay $0x1  }
0x235: {  	v3 =	vperm.xlane v3, v2;
	_ =	sdelay $0x1  }
0x236: {  	v3 =	vadd.s32 v1, v3  }
0x237: {  	[tilespmem:s3], [sflag:$0x1] =	stream.indirect_vreg.gather [hbm4b:s4+s2], $0x80, v4, vm0, $0xb8;
	[tilespmem:$0x18400] =	vst v63  }
0x238: {  	_ = 	snop  }
0x239: {  	[tilespmem:s15], [sflag:$0x1] =	stream.indirect_vreg.gather [hbm4b:s5+s2], $0x80, v4, vm1, $0xb8;
	[tilespmem:$0x18400] =	vst v63  }
0x23a: {  	_ = 	snop  }
0x23b: {  	[tilespmem:s13], [sflag:$0x1] =	stream.indirect_vreg.gather [hbm4b:s4+s2], $0x80, v3, vm0, $0xb8;
	[tilespmem:$0x18400] =	vst v63  }
0x23c: {  	s15 =	simm.s32 $0x1800  }
0x23d: {  	[tilespmem:s15], [sflag:$0x1] =	stream.indirect_vreg.gather [hbm4b:s5+s2], $0x80, v3, vm1, $0xb8;
	[tilespmem:$0x18400] =	vst v63  }
0x23e: {  	v3 =	vld [tilespmem:$0x210];
	_ =	sdelay $0x4  }
0x23f: {  	v33 =	vshrl.u32 v3, $0x3  }
0x240: {  	v4 =	vmul.u32 $0x18, v33  }
0x241: {  	v3 =	vand.u32 $0x7, v3  }
0x242: {  	v3 =	vor.u32 v3, v4  }
0x243: {  	v4 =	vperm.xlane v3, v0;
	_ =	sdelay $0x1  }
0x244: {  	v4 =	vadd.s32 v1, v4;
	_ =	sdelay $0x1  }
0x245: {  	v3 =	vperm.xlane v3, v2;
	_ =	sdelay $0x1  }
0x246: {  	v3 =	vadd.s32 v1, v3  }
0x247: {  	[tilespmem:s16], [sflag:$0x1] =	stream.indirect_vreg.gather [hbm4b:s4+s2], $0x80, v4, vm0, $0xb8;
	[tilespmem:$0x18400] =	vst v63  }
0x248: {  	_ = 	snop  }
0x249: {  	[tilespmem:s17], [sflag:$0x1] =	stream.indirect_vreg.gather [hbm4b:s5+s2], $0x80, v4, vm1, $0xb8;
	[tilespmem:$0x18400] =	vst v63  }
0x24a: {  	_ = 	snop  }
0x24b: {  	[tilespmem:s18], [sflag:$0x1] =	stream.indirect_vreg.gather [hbm4b:s4+s2], $0x80, v3, vm0, $0xb8;
	[tilespmem:$0x18400] =	vst v63  }
0x24c: {  	s18 =	simm.s32 $0x3000  }
0x24d: {  	[tilespmem:s18], [sflag:$0x1] =	stream.indirect_vreg.gather [hbm4b:s5+s2], $0x80, v3, vm1, $0xb8;
	[tilespmem:$0x18400] =	vst v63  }
0x24e: {  	v3 =	vld [tilespmem:$0x220];
	_ =	sdelay $0x4  }
0x24f: {  	v34 =	vshrl.u32 v3, $0x3  }
0x250: {  	v4 =	vmul.u32 $0x18, v34  }
0x251: {  	v3 =	vand.u32 $0x7, v3  }
0x252: {  	v3 =	vor.u32 v3, v4  }
0x253: {  	v4 =	vperm.xlane v3, v0;
	_ =	sdelay $0x1  }
0x254: {  	v4 =	vadd.s32 v1, v4;
	_ =	sdelay $0x1  }
0x255: {  	v3 =	vperm.xlane v3, v2;
	_ =	sdelay $0x1  }
0x256: {  	v3 =	vadd.s32 v1, v3  }
0x257: {  	[tilespmem:s19], [sflag:$0x1] =	stream.indirect_vreg.gather [hbm4b:s4+s2], $0x80, v4, vm0, $0xb8;
	[tilespmem:$0x18400] =	vst v63  }
0x258: {  	_ = 	snop  }
0x259: {  	[tilespmem:s20], [sflag:$0x1] =	stream.indirect_vreg.gather [hbm4b:s5+s2], $0x80, v4, vm1, $0xb8;
	[tilespmem:$0x18400] =	vst v63  }
0x25a: {  	_ = 	snop  }
0x25b: {  	[tilespmem:s21], [sflag:$0x1] =	stream.indirect_vreg.gather [hbm4b:s4+s2], $0x80, v3, vm0, $0xb8;
	[tilespmem:$0x18400] =	vst v63  }
0x25c: {  	s26 =	simm.s32 $0x4800  }
0x25d: {  	[tilespmem:s26], [sflag:$0x1] =	stream.indirect_vreg.gather [hbm4b:s5+s2], $0x80, v3, vm1, $0xb8;
	[tilespmem:$0x18400] =	vst v63  }
0x25e: {  	v3 =	vld [tilespmem:$0x230];
	_ =	sdelay $0x4  }
0x25f: {  	v35 =	vshrl.u32 v3, $0x3  }
0x260: {  	v4 =	vmul.u32 $0x18, v35  }
0x261: {  	v3 =	vand.u32 $0x7, v3  }
0x262: {  	v3 =	vor.u32 v3, v4  }
0x263: {  	v4 =	vperm.xlane v3, v0;
	_ =	sdelay $0x1  }
0x264: {  	v4 =	vadd.s32 v1, v4;
	_ =	sdelay $0x1  }
0x265: {  	v3 =	vperm.xlane v3, v2;
	_ =	sdelay $0x1  }
0x266: {  	v3 =	vadd.s32 v1, v3  }
0x267: {  	[tilespmem:s22], [sflag:$0x1] =	stream.indirect_vreg.gather [hbm4b:s4+s2], $0x80, v4, vm0, $0xb8;
	[tilespmem:$0x18400] =	vst v63  }
0x268: {  	_ = 	snop  }
0x269: {  	[tilespmem:s28], [sflag:$0x1] =	stream.indirect_vreg.gather [hbm4b:s5+s2], $0x80, v4, vm1, $0xb8;
	[tilespmem:$0x18400] =	vst v63  }
0x26a: {  	_ = 	snop  }
0x26b: {  	[tilespmem:s29], [sflag:$0x1] =	stream.indirect_vreg.gather [hbm4b:s4+s2], $0x80, v3, vm0, $0xb8;
	[tilespmem:$0x18400] =	vst v63  }
0x26c: {  	s29 =	simm.s32 $0x6000  }
0x26d: {  	[tilespmem:s29], [sflag:$0x1] =	stream.indirect_vreg.gather [hbm4b:s5+s2], $0x80, v3, vm1, $0xb8;
	[tilespmem:$0x18400] =	vst v63  }
0x26e: {  	v3 =	vld [tilespmem:$0x240];
	_ =	sdelay $0x4  }
0x26f: {  	v36 =	vshrl.u32 v3, $0x3  }
0x270: {  	v4 =	vmul.u32 $0x18, v36  }
0x271: {  	v3 =	vand.u32 $0x7, v3  }
0x272: {  	v3 =	vor.u32 v3, v4  }
0x273: {  	v4 =	vperm.xlane v3, v0;
	_ =	sdelay $0x1  }
0x274: {  	v4 =	vadd.s32 v1, v4;
	_ =	sdelay $0x1  }
0x275: {  	v3 =	vperm.xlane v3, v2;
	_ =	sdelay $0x1  }
0x276: {  	v3 =	vadd.s32 v1, v3  }
0x277: {  	[tilespmem:s30], [sflag:$0x1] =	stream.indirect_vreg.gather [hbm4b:s4+s2], $0x80, v4, vm0, $0xb8;
	[tilespmem:$0x18400] =	vst v63  }
0x278: {  	_ = 	snop  }
0x279: {  	[tilespmem:s31], [sflag:$0x1] =	stream.indirect_vreg.gather [hbm4b:s5+s2], $0x80, v4, vm1, $0xb8;
	[tilespmem:$0x18400] =	vst v63  }
0x27a: {  	s3 =	simm.s32 $0x7000  }
0x27b: {  	[tilespmem:s3], [sflag:$0x1] =	stream.indirect_vreg.gather [hbm4b:s4+s2], $0x80, v3, vm0, $0xb8;
	[tilespmem:$0x18400] =	vst v63  }
0x27c: {  	s26 =	simm.s32 $0x7800  }
0x27d: {  	[tilespmem:s26], [sflag:$0x1] =	stream.indirect_vreg.gather [hbm4b:s5+s2], $0x80, v3, vm1, $0xb8;
	[tilespmem:$0x18400] =	vst v63  }
0x27e: {  	v3 =	vld [tilespmem:$0x250];
	_ =	sdelay $0x4  }
0x27f: {  	v37 =	vshrl.u32 v3, $0x3  }
0x280: {  	v4 =	vmul.u32 $0x18, v37  }
0x281: {  	v3 =	vand.u32 $0x7, v3  }
0x282: {  	v3 =	vor.u32 v3, v4  }
0x283: {  	v4 =	vperm.xlane v3, v0;
	_ =	sdelay $0x1  }
0x284: {  	v4 =	vadd.s32 v1, v4;
	_ =	sdelay $0x1  }
0x285: {  	v3 =	vperm.xlane v3, v2;
	_ =	sdelay $0x1  }
0x286: {  	v3 =	vadd.s32 v1, v3  }
0x287: {  	[tilespmem:s7], [sflag:$0x1] =	stream.indirect_vreg.gather [hbm4b:s4+s2], $0x80, v4, vm0, $0xb8;
	[tilespmem:$0x18400] =	vst v63  }
0x288: {  	_ = 	snop  }
0x289: {  	[tilespmem:s8], [sflag:$0x1] =	stream.indirect_vreg.gather [hbm4b:s5+s2], $0x80, v4, vm1, $0xb8;
	[tilespmem:$0x18400] =	vst v63  }
0x28a: {  	_ = 	snop  }
0x28b: {  	[tilespmem:s9], [sflag:$0x1] =	stream.indirect_vreg.gather [hbm4b:s4+s2], $0x80, v3, vm0, $0xb8;
	[tilespmem:$0x18400] =	vst v63  }
0x28c: {  	s31 =	simm.s32 $0x9000  }
0x28d: {  	[tilespmem:s31], [sflag:$0x1] =	stream.indirect_vreg.gather [hbm4b:s5+s2], $0x80, v3, vm1, $0xb8;
	[tilespmem:$0x18400] =	vst v63  }
0x28e: {  	v3 =	vld [tilespmem:$0x260];
	_ =	sdelay $0x4  }
0x28f: {  	v38 =	vshrl.u32 v3, $0x3  }
0x290: {  	v4 =	vmul.u32 $0x18, v38  }
0x291: {  	v3 =	vand.u32 $0x7, v3  }
0x292: {  	v3 =	vor.u32 v3, v4  }
0x293: {  	v4 =	vperm.xlane v3, v0;
	_ =	sdelay $0x1  }
0x294: {  	v4 =	vadd.s32 v1, v4;
	_ =	sdelay $0x1  }
0x295: {  	v3 =	vperm.xlane v3, v2;
	_ =	sdelay $0x1  }
0x296: {  	v3 =	vadd.s32 v1, v3  }
0x297: {  	[tilespmem:s10], [sflag:$0x1] =	stream.indirect_vreg.gather [hbm4b:s4+s2], $0x80, v4, vm0, $0xb8;
	[tilespmem:$0x18400] =	vst v63  }
0x298: {  	_ = 	snop  }
0x299: {  	[tilespmem:s11], [sflag:$0x1] =	stream.indirect_vreg.gather [hbm4b:s5+s2], $0x80, v4, vm1, $0xb8;
	[tilespmem:$0x18400] =	vst v63  }
0x29a: {  	_ = 	snop  }
0x29b: {  	[tilespmem:s12], [sflag:$0x1] =	stream.indirect_vreg.gather [hbm4b:s4+s2], $0x80, v3, vm0, $0xb8;
	[tilespmem:$0x18400] =	vst v63  }
0x29c: {  	s26 =	simm.s32 $0xA800  }
0x29d: {  	[tilespmem:s26], [sflag:$0x1] =	stream.indirect_vreg.gather [hbm4b:s5+s2], $0x80, v3, vm1, $0xb8;
	[tilespmem:$0x18400] =	vst v63  }
0x29e: {  	v3 =	vld [tilespmem:$0x270];
	_ =	sdelay $0x4  }
0x29f: {  	v39 =	vshrl.u32 v3, $0x3  }
0x2a0: {  	v4 =	vmul.u32 $0x18, v39  }
0x2a1: {  	v3 =	vand.u32 $0x7, v3  }
0x2a2: {  	v3 =	vor.u32 v3, v4  }
0x2a3: {  	v4 =	vperm.xlane v3, v0;
	_ =	sdelay $0x1  }
0x2a4: {  	v4 =	vadd.s32 v1, v4;
	_ =	sdelay $0x1  }
0x2a5: {  	v3 =	vperm.xlane v3, v2;
	_ =	sdelay $0x1  }
0x2a6: {  	v3 =	vadd.s32 v1, v3  }
0x2a7: {  	[tilespmem:s0], [sflag:$0x1] =	stream.indirect_vreg.gather [hbm4b:s4+s2], $0x80, v4, vm0, $0xb8;
	[tilespmem:$0x18400] =	vst v63  }
0x2a8: {  	s31 =	simm.s32 $0xB400  }
0x2a9: {  	[tilespmem:s31], [sflag:$0x1] =	stream.indirect_vreg.gather [hbm4b:s5+s2], $0x80, v4, vm1, $0xb8;
	[tilespmem:$0x18400] =	vst v63  }
0x2aa: {  	s31 =	simm.s32 $0xB800  }
0x2ab: {  	[tilespmem:s31], [sflag:$0x1] =	stream.indirect_vreg.gather [hbm4b:s4+s2], $0x80, v3, vm0, $0xb8;
	[tilespmem:$0x18400] =	vst v63  }
0x2ac: {  	s0 =	simm.s32 $0xC000  }
0x2ad: {  	[tilespmem:s0], [sflag:$0x1] =	stream.indirect_vreg.gather [hbm4b:s5+s2], $0x80, v3, vm1, $0xb8;
	[tilespmem:$0x18400] =	vst v63  }
0x2ae: {  	_ =	swait.ge [sflag:s14], $0xC000  }
0x2af: {  	[sflag:s14] =	ssyncset.done $0x0  }
0x2b0: {  	s0 =	simm.s32 $0x400;
	s1 =	rddreg [dreg:$0x7];
	[sflag:s14] =	ssyncadd.s32 $0xFFFF4000  }
0x2b1: {  	[hbm4b:s1+s2] =	stream.linear.scatter [tilespmem:s0], [sflag:$0x3], $0xC000, $0x38;
	[tilespmem:$0x18400] =	vst v63  }
0x2b2: {  	_ =	swait.ge [sflag:s25], $0xC000  }
0x2b3: {  	[sflag:s25] =	ssyncset.done $0x0  }
0x2b4: {  	[sflag:s25] =	ssyncadd.s32 $0xFFFF4000  }
0x2b5: {  	v3 =	vld [tilespmem:$0x280];
	_ =	sdelay $0x4  }
0x2b6: {  	v40 =	vshrl.u32 v3, $0x3  }
0x2b7: {  	v4 =	vmul.u32 $0x18, v40  }
0x2b8: {  	v3 =	vand.u32 $0x7, v3  }
0x2b9: {  	v3 =	vor.u32 v3, v4  }
0x2ba: {  	v4 =	vperm.xlane v3, v0;
	_ =	sdelay $0x1  }
0x2bb: {  	v4 =	vadd.s32 v1, v4;
	_ =	sdelay $0x1  }
0x2bc: {  	v3 =	vperm.xlane v3, v2;
	_ =	sdelay $0x1  }
0x2bd: {  	s1 =	simm.s32 $0xC400;
	v3 =	vadd.s32 v1, v3  }
0x2be: {  	[tilespmem:s1], [sflag:$0x2] =	stream.indirect_vreg.gather [hbm4b:s4+s2], $0x80, v4, vm0, $0xb8;
	[tilespmem:$0x18400] =	vst v63  }
0x2bf: {  	s26 =	simm.s32 $0xCC00  }
0x2c0: {  	[tilespmem:s26], [sflag:$0x2] =	stream.indirect_vreg.gather [hbm4b:s5+s2], $0x80, v4, vm1, $0xb8;
	[tilespmem:$0x18400] =	vst v63  }
0x2c1: {  	s26 =	simm.s32 $0xD000  }
0x2c2: {  	[tilespmem:s26], [sflag:$0x2] =	stream.indirect_vreg.gather [hbm4b:s4+s2], $0x80, v3, vm0, $0xb8;
	[tilespmem:$0x18400] =	vst v63  }
0x2c3: {  	s26 =	simm.s32 $0xD800  }
0x2c4: {  	[tilespmem:s26], [sflag:$0x2] =	stream.indirect_vreg.gather [hbm4b:s5+s2], $0x80, v3, vm1, $0xb8;
	[tilespmem:$0x18400] =	vst v63  }
0x2c5: {  	v3 =	vld [tilespmem:$0x290];
	_ =	sdelay $0x4  }
0x2c6: {  	v41 =	vshrl.u32 v3, $0x3  }
0x2c7: {  	v4 =	vmul.u32 $0x18, v41  }
0x2c8: {  	v3 =	vand.u32 $0x7, v3  }
0x2c9: {  	v3 =	vor.u32 v3, v4  }
0x2ca: {  	v4 =	vperm.xlane v3, v0;
	_ =	sdelay $0x1  }
0x2cb: {  	v4 =	vadd.s32 v1, v4;
	_ =	sdelay $0x1  }
0x2cc: {  	v3 =	vperm.xlane v3, v2;
	_ =	sdelay $0x1  }
0x2cd: {  	s26 =	simm.s32 $0xDC00;
	v3 =	vadd.s32 v1, v3  }
0x2ce: {  	[tilespmem:s26], [sflag:$0x2] =	stream.indirect_vreg.gather [hbm4b:s4+s2], $0x80, v4, vm0, $0xb8;
	[tilespmem:$0x18400] =	vst v63  }
0x2cf: {  	s26 =	simm.s32 $0xE400  }
0x2d0: {  	[tilespmem:s26], [sflag:$0x2] =	stream.indirect_vreg.gather [hbm4b:s5+s2], $0x80, v4, vm1, $0xb8;
	[tilespmem:$0x18400] =	vst v63  }
0x2d1: {  	s26 =	simm.s32 $0xE800  }
0x2d2: {  	[tilespmem:s26], [sflag:$0x2] =	stream.indirect_vreg.gather [hbm4b:s4+s2], $0x80, v3, vm0, $0xb8;
	[tilespmem:$0x18400] =	vst v63  }
0x2d3: {  	s26 =	simm.s32 $0xF000  }
0x2d4: {  	[tilespmem:s26], [sflag:$0x2] =	stream.indirect_vreg.gather [hbm4b:s5+s2], $0x80, v3, vm1, $0xb8;
	[tilespmem:$0x18400] =	vst v63  }
0x2d5: {  	v3 =	vld [tilespmem:$0x2A0];
	_ =	sdelay $0x4  }
0x2d6: {  	v42 =	vshrl.u32 v3, $0x3  }
0x2d7: {  	v4 =	vmul.u32 $0x18, v42  }
0x2d8: {  	v3 =	vand.u32 $0x7, v3  }
0x2d9: {  	v3 =	vor.u32 v3, v4  }
0x2da: {  	v4 =	vperm.xlane v3, v0;
	_ =	sdelay $0x1  }
0x2db: {  	v4 =	vadd.s32 v1, v4;
	_ =	sdelay $0x1  }
0x2dc: {  	v3 =	vperm.xlane v3, v2;
	_ =	sdelay $0x1  }
0x2dd: {  	s26 =	simm.s32 $0xF400;
	v3 =	vadd.s32 v1, v3  }
0x2de: {  	[tilespmem:s26], [sflag:$0x2] =	stream.indirect_vreg.gather [hbm4b:s4+s2], $0x80, v4, vm0, $0xb8;
	[tilespmem:$0x18400] =	vst v63  }
0x2df: {  	s26 =	simm.s32 $0xFC00  }
0x2e0: {  	[tilespmem:s26], [sflag:$0x2] =	stream.indirect_vreg.gather [hbm4b:s5+s2], $0x80, v4, vm1, $0xb8;
	[tilespmem:$0x18400] =	vst v63  }
0x2e1: {  	s26 =	simm.s32 $0x10000  }
0x2e2: {  	[tilespmem:s26], [sflag:$0x2] =	stream.indirect_vreg.gather [hbm4b:s4+s2], $0x80, v3, vm0, $0xb8;
	[tilespmem:$0x18400] =	vst v63  }
0x2e3: {  	s26 =	simm.s32 $0x10800  }
0x2e4: {  	[tilespmem:s26], [sflag:$0x2] =	stream.indirect_vreg.gather [hbm4b:s5+s2], $0x80, v3, vm1, $0xb8;
	[tilespmem:$0x18400] =	vst v63  }
0x2e5: {  	v3 =	vld [tilespmem:$0x2B0];
	_ =	sdelay $0x4  }
0x2e6: {  	v43 =	vshrl.u32 v3, $0x3  }
0x2e7: {  	v4 =	vmul.u32 $0x18, v43  }
0x2e8: {  	v3 =	vand.u32 $0x7, v3  }
0x2e9: {  	v3 =	vor.u32 v3, v4  }
0x2ea: {  	v4 =	vperm.xlane v3, v0;
	_ =	sdelay $0x1  }
0x2eb: {  	v4 =	vadd.s32 v1, v4;
	_ =	sdelay $0x1  }
0x2ec: {  	v3 =	vperm.xlane v3, v2;
	_ =	sdelay $0x1  }
0x2ed: {  	s26 =	simm.s32 $0x10C00;
	v3 =	vadd.s32 v1, v3  }
0x2ee: {  	[tilespmem:s26], [sflag:$0x2] =	stream.indirect_vreg.gather [hbm4b:s4+s2], $0x80, v4, vm0, $0xb8;
	[tilespmem:$0x18400] =	vst v63  }
0x2ef: {  	s26 =	simm.s32 $0x11400  }
0x2f0: {  	[tilespmem:s26], [sflag:$0x2] =	stream.indirect_vreg.gather [hbm4b:s5+s2], $0x80, v4, vm1, $0xb8;
	[tilespmem:$0x18400] =	vst v63  }
0x2f1: {  	s26 =	simm.s32 $0x11800  }
0x2f2: {  	[tilespmem:s26], [sflag:$0x2] =	stream.indirect_vreg.gather [hbm4b:s4+s2], $0x80, v3, vm0, $0xb8;
	[tilespmem:$0x18400] =	vst v63  }
0x2f3: {  	s26 =	simm.s32 $0x12000  }
0x2f4: {  	[tilespmem:s26], [sflag:$0x2] =	stream.indirect_vreg.gather [hbm4b:s5+s2], $0x80, v3, vm1, $0xb8;
	[tilespmem:$0x18400] =	vst v63  }
0x2f5: {  	v3 =	vld [tilespmem:$0x2C0];
	_ =	sdelay $0x4  }
0x2f6: {  	v44 =	vshrl.u32 v3, $0x3  }
0x2f7: {  	v4 =	vmul.u32 $0x18, v44  }
0x2f8: {  	v3 =	vand.u32 $0x7, v3  }
0x2f9: {  	v3 =	vor.u32 v3, v4  }
0x2fa: {  	v4 =	vperm.xlane v3, v0;
	_ =	sdelay $0x1  }
0x2fb: {  	v4 =	vadd.s32 v1, v4;
	_ =	sdelay $0x1  }
0x2fc: {  	v3 =	vperm.xlane v3, v2;
	_ =	sdelay $0x1  }
0x2fd: {  	s26 =	simm.s32 $0x12400;
	v3 =	vadd.s32 v1, v3  }
0x2fe: {  	[tilespmem:s26], [sflag:$0x2] =	stream.indirect_vreg.gather [hbm4b:s4+s2], $0x80, v4, vm0, $0xb8;
	[tilespmem:$0x18400] =	vst v63  }
0x2ff: {  	s26 =	simm.s32 $0x12C00  }
0x300: {  	[tilespmem:s26], [sflag:$0x2] =	stream.indirect_vreg.gather [hbm4b:s5+s2], $0x80, v4, vm1, $0xb8;
	[tilespmem:$0x18400] =	vst v63  }
0x301: {  	s26 =	simm.s32 $0x13000  }
0x302: {  	[tilespmem:s26], [sflag:$0x2] =	stream.indirect_vreg.gather [hbm4b:s4+s2], $0x80, v3, vm0, $0xb8;
	[tilespmem:$0x18400] =	vst v63  }
0x303: {  	s26 =	simm.s32 $0x13800  }
0x304: {  	[tilespmem:s26], [sflag:$0x2] =	stream.indirect_vreg.gather [hbm4b:s5+s2], $0x80, v3, vm1, $0xb8;
	[tilespmem:$0x18400] =	vst v63  }
0x305: {  	v3 =	vld [tilespmem:$0x2D0];
	_ =	sdelay $0x4  }
0x306: {  	v45 =	vshrl.u32 v3, $0x3  }
0x307: {  	v4 =	vmul.u32 $0x18, v45  }
0x308: {  	v3 =	vand.u32 $0x7, v3  }
0x309: {  	v3 =	vor.u32 v3, v4  }
0x30a: {  	v4 =	vperm.xlane v3, v0;
	_ =	sdelay $0x1  }
0x30b: {  	v4 =	vadd.s32 v1, v4;
	_ =	sdelay $0x1  }
0x30c: {  	v3 =	vperm.xlane v3, v2;
	_ =	sdelay $0x1  }
0x30d: {  	s26 =	simm.s32 $0x13C00;
	v3 =	vadd.s32 v1, v3  }
0x30e: {  	[tilespmem:s26], [sflag:$0x2] =	stream.indirect_vreg.gather [hbm4b:s4+s2], $0x80, v4, vm0, $0xb8;
	[tilespmem:$0x18400] =	vst v63  }
0x30f: {  	s26 =	simm.s32 $0x14400  }
0x310: {  	[tilespmem:s26], [sflag:$0x2] =	stream.indirect_vreg.gather [hbm4b:s5+s2], $0x80, v4, vm1, $0xb8;
	[tilespmem:$0x18400] =	vst v63  }
0x311: {  	s26 =	simm.s32 $0x14800  }
0x312: {  	[tilespmem:s26], [sflag:$0x2] =	stream.indirect_vreg.gather [hbm4b:s4+s2], $0x80, v3, vm0, $0xb8;
	[tilespmem:$0x18400] =	vst v63  }
0x313: {  	s26 =	simm.s32 $0x15000  }
0x314: {  	[tilespmem:s26], [sflag:$0x2] =	stream.indirect_vreg.gather [hbm4b:s5+s2], $0x80, v3, vm1, $0xb8;
	[tilespmem:$0x18400] =	vst v63  }
0x315: {  	v3 =	vld [tilespmem:$0x2E0];
	_ =	sdelay $0x4  }
0x316: {  	v46 =	vshrl.u32 v3, $0x3  }
0x317: {  	v4 =	vmul.u32 $0x18, v46  }
0x318: {  	v3 =	vand.u32 $0x7, v3  }
0x319: {  	v3 =	vor.u32 v3, v4  }
0x31a: {  	v4 =	vperm.xlane v3, v0;
	_ =	sdelay $0x1  }
0x31b: {  	v4 =	vadd.s32 v1, v4;
	_ =	sdelay $0x1  }
0x31c: {  	v3 =	vperm.xlane v3, v2;
	_ =	sdelay $0x1  }
0x31d: {  	s26 =	simm.s32 $0x15400;
	v3 =	vadd.s32 v1, v3  }
0x31e: {  	[tilespmem:s26], [sflag:$0x2] =	stream.indirect_vreg.gather [hbm4b:s4+s2], $0x80, v4, vm0, $0xb8;
	[tilespmem:$0x18400] =	vst v63  }
0x31f: {  	s26 =	simm.s32 $0x15C00  }
0x320: {  	[tilespmem:s26], [sflag:$0x2] =	stream.indirect_vreg.gather [hbm4b:s5+s2], $0x80, v4, vm1, $0xb8;
	[tilespmem:$0x18400] =	vst v63  }
0x321: {  	s26 =	simm.s32 $0x16000  }
0x322: {  	[tilespmem:s26], [sflag:$0x2] =	stream.indirect_vreg.gather [hbm4b:s4+s2], $0x80, v3, vm0, $0xb8;
	[tilespmem:$0x18400] =	vst v63  }
0x323: {  	s26 =	simm.s32 $0x16800  }
0x324: {  	[tilespmem:s26], [sflag:$0x2] =	stream.indirect_vreg.gather [hbm4b:s5+s2], $0x80, v3, vm1, $0xb8;
	[tilespmem:$0x18400] =	vst v63  }
0x325: {  	v3 =	vld [tilespmem:$0x2F0];
	_ =	sdelay $0x4  }
0x326: {  	v47 =	vshrl.u32 v3, $0x3  }
0x327: {  	v4 =	vmul.u32 $0x18, v47  }
0x328: {  	v3 =	vand.u32 $0x7, v3  }
0x329: {  	v3 =	vor.u32 v3, v4  }
0x32a: {  	v4 =	vperm.xlane v3, v0;
	_ =	sdelay $0x1  }
0x32b: {  	v4 =	vadd.s32 v1, v4;
	_ =	sdelay $0x1  }
0x32c: {  	v3 =	vperm.xlane v3, v2;
	_ =	sdelay $0x1  }
0x32d: {  	s26 =	simm.s32 $0x16C00;
	v3 =	vadd.s32 v1, v3  }
0x32e: {  	[tilespmem:s26], [sflag:$0x2] =	stream.indirect_vreg.gather [hbm4b:s4+s2], $0x80, v4, vm0, $0xb8;
	[tilespmem:$0x18400] =	vst v63  }
0x32f: {  	s26 =	simm.s32 $0x17400  }
0x330: {  	[tilespmem:s26], [sflag:$0x2] =	stream.indirect_vreg.gather [hbm4b:s5+s2], $0x80, v4, vm1, $0xb8;
	[tilespmem:$0x18400] =	vst v63  }
0x331: {  	s26 =	simm.s32 $0x17800  }
0x332: {  	[tilespmem:s26], [sflag:$0x2] =	stream.indirect_vreg.gather [hbm4b:s4+s2], $0x80, v3, vm0, $0xb8;
	[tilespmem:$0x18400] =	vst v63  }
0x333: {  	s26 =	simm.s32 $0x18000  }
0x334: {  	[tilespmem:s26], [sflag:$0x2] =	stream.indirect_vreg.gather [hbm4b:s5+s2], $0x80, v3, vm1, $0xb8;
	[tilespmem:$0x18400] =	vst v63  }
0x335: {  	_ =	swait.ge [sflag:s23], $0xC000  }
0x336: {  	[sflag:s23] =	ssyncset.done $0x0  }
0x337: {  	s26 =	rddreg [dreg:$0x8];
	[sflag:s23] =	ssyncadd.s32 $0xFFFF4000  }
0x338: {  	[hbm4b:s26+s2] =	stream.linear.scatter [tilespmem:s1], [sflag:$0x4], $0xC000, $0x38;
	[tilespmem:$0x18400] =	vst v63  }
0x339: {  	_ =	swait.ge [sflag:s24], $0xC000  }
0x33a: {  	[sflag:s24] =	ssyncset.done $0x0  }
0x33b: {  	[sflag:s24] =	ssyncadd.s32 $0xFFFF4000  }
0x33c: {  	v3 =	vld [tilespmem:$0x300];
	_ =	sdelay $0x4  }
0x33d: {  	v48 =	vshrl.u32 v3, $0x3  }
0x33e: {  	v4 =	vmul.u32 $0x18, v48  }
0x33f: {  	v3 =	vand.u32 $0x7, v3  }
0x340: {  	v3 =	vor.u32 v3, v4  }
0x341: {  	v4 =	vperm.xlane v3, v0;
	_ =	sdelay $0x1  }
0x342: {  	v4 =	vadd.s32 v1, v4;
	_ =	sdelay $0x1  }
0x343: {  	v3 =	vperm.xlane v3, v2;
	_ =	sdelay $0x1  }
0x344: {  	v3 =	vadd.s32 v1, v3  }
0x345: {  	[tilespmem:s0], [sflag:$0x1] =	stream.indirect_vreg.gather [hbm4b:s4+s2], $0x80, v4, vm0, $0xb8;
	[tilespmem:$0x18400] =	vst v63  }
0x346: {  	s26 =	simm.s32 $0xC00  }
0x347: {  	[tilespmem:s26], [sflag:$0x1] =	stream.indirect_vreg.gather [hbm4b:s5+s2], $0x80, v4, vm1, $0xb8;
	[tilespmem:$0x18400] =	vst v63  }
0x348: {  	s13 =	simm.s32 $0x1000  }
0x349: {  	[tilespmem:s13], [sflag:$0x1] =	stream.indirect_vreg.gather [hbm4b:s4+s2], $0x80, v3, vm0, $0xb8;
	[tilespmem:$0x18400] =	vst v63  }
0x34a: {  	s26 =	simm.s32 $0x1800  }
0x34b: {  	[tilespmem:s26], [sflag:$0x1] =	stream.indirect_vreg.gather [hbm4b:s5+s2], $0x80, v3, vm1, $0xb8;
	[tilespmem:$0x18400] =	vst v63  }
0x34c: {  	v3 =	vld [tilespmem:$0x310];
	_ =	sdelay $0x4  }
0x34d: {  	v49 =	vshrl.u32 v3, $0x3  }
0x34e: {  	v4 =	vmul.u32 $0x18, v49  }
0x34f: {  	v3 =	vand.u32 $0x7, v3  }
0x350: {  	v3 =	vor.u32 v3, v4  }
0x351: {  	v4 =	vperm.xlane v3, v0;
	_ =	sdelay $0x1  }
0x352: {  	v4 =	vadd.s32 v1, v4;
	_ =	sdelay $0x1  }
0x353: {  	v3 =	vperm.xlane v3, v2;
	_ =	sdelay $0x1  }
0x354: {  	s15 =	simm.s32 $0x1C00;
	v3 =	vadd.s32 v1, v3  }
0x355: {  	[tilespmem:s15], [sflag:$0x1] =	stream.indirect_vreg.gather [hbm4b:s4+s2], $0x80, v4, vm0, $0xb8;
	[tilespmem:$0x18400] =	vst v63  }
0x356: {  	s16 =	simm.s32 $0x2400  }
0x357: {  	[tilespmem:s16], [sflag:$0x1] =	stream.indirect_vreg.gather [hbm4b:s5+s2], $0x80, v4, vm1, $0xb8;
	[tilespmem:$0x18400] =	vst v63  }
0x358: {  	s17 =	simm.s32 $0x2800  }
0x359: {  	[tilespmem:s17], [sflag:$0x1] =	stream.indirect_vreg.gather [hbm4b:s4+s2], $0x80, v3, vm0, $0xb8;
	[tilespmem:$0x18400] =	vst v63  }
0x35a: {  	s17 =	simm.s32 $0x3000  }
0x35b: {  	[tilespmem:s17], [sflag:$0x1] =	stream.indirect_vreg.gather [hbm4b:s5+s2], $0x80, v3, vm1, $0xb8;
	[tilespmem:$0x18400] =	vst v63  }
0x35c: {  	v3 =	vld [tilespmem:$0x320];
	_ =	sdelay $0x4  }
0x35d: {  	v50 =	vshrl.u32 v3, $0x3  }
0x35e: {  	v4 =	vmul.u32 $0x18, v50  }
0x35f: {  	v3 =	vand.u32 $0x7, v3  }
0x360: {  	v3 =	vor.u32 v3, v4  }
0x361: {  	v4 =	vperm.xlane v3, v0;
	_ =	sdelay $0x1  }
0x362: {  	v4 =	vadd.s32 v1, v4;
	_ =	sdelay $0x1  }
0x363: {  	v3 =	vperm.xlane v3, v2;
	_ =	sdelay $0x1  }
0x364: {  	s18 =	simm.s32 $0x3400;
	v3 =	vadd.s32 v1, v3  }
0x365: {  	[tilespmem:s18], [sflag:$0x1] =	stream.indirect_vreg.gather [hbm4b:s4+s2], $0x80, v4, vm0, $0xb8;
	[tilespmem:$0x18400] =	vst v63  }
0x366: {  	s19 =	simm.s32 $0x3C00  }
0x367: {  	[tilespmem:s19], [sflag:$0x1] =	stream.indirect_vreg.gather [hbm4b:s5+s2], $0x80, v4, vm1, $0xb8;
	[tilespmem:$0x18400] =	vst v63  }
0x368: {  	s20 =	simm.s32 $0x4000  }
0x369: {  	[tilespmem:s20], [sflag:$0x1] =	stream.indirect_vreg.gather [hbm4b:s4+s2], $0x80, v3, vm0, $0xb8;
	[tilespmem:$0x18400] =	vst v63  }
0x36a: {  	s26 =	simm.s32 $0x4800  }
0x36b: {  	[tilespmem:s26], [sflag:$0x1] =	stream.indirect_vreg.gather [hbm4b:s5+s2], $0x80, v3, vm1, $0xb8;
	[tilespmem:$0x18400] =	vst v63  }
0x36c: {  	v3 =	vld [tilespmem:$0x330];
	_ =	sdelay $0x4  }
0x36d: {  	v51 =	vshrl.u32 v3, $0x3  }
0x36e: {  	v4 =	vmul.u32 $0x18, v51  }
0x36f: {  	v3 =	vand.u32 $0x7, v3  }
0x370: {  	v3 =	vor.u32 v3, v4  }
0x371: {  	v4 =	vperm.xlane v3, v0;
	_ =	sdelay $0x1  }
0x372: {  	v4 =	vadd.s32 v1, v4;
	_ =	sdelay $0x1  }
0x373: {  	v3 =	vperm.xlane v3, v2;
	_ =	sdelay $0x1  }
0x374: {  	s21 =	simm.s32 $0x4C00;
	v3 =	vadd.s32 v1, v3  }
0x375: {  	[tilespmem:s21], [sflag:$0x1] =	stream.indirect_vreg.gather [hbm4b:s4+s2], $0x80, v4, vm0, $0xb8;
	[tilespmem:$0x18400] =	vst v63  }
0x376: {  	s22 =	simm.s32 $0x5400  }
0x377: {  	[tilespmem:s22], [sflag:$0x1] =	stream.indirect_vreg.gather [hbm4b:s5+s2], $0x80, v4, vm1, $0xb8;
	[tilespmem:$0x18400] =	vst v63  }
0x378: {  	s28 =	simm.s32 $0x5800  }
0x379: {  	[tilespmem:s28], [sflag:$0x1] =	stream.indirect_vreg.gather [hbm4b:s4+s2], $0x80, v3, vm0, $0xb8;
	[tilespmem:$0x18400] =	vst v63  }
0x37a: {  	s28 =	simm.s32 $0x6000  }
0x37b: {  	[tilespmem:s28], [sflag:$0x1] =	stream.indirect_vreg.gather [hbm4b:s5+s2], $0x80, v3, vm1, $0xb8;
	[tilespmem:$0x18400] =	vst v63  }
0x37c: {  	v3 =	vld [tilespmem:$0x340];
	_ =	sdelay $0x4  }
0x37d: {  	v52 =	vshrl.u32 v3, $0x3  }
0x37e: {  	v4 =	vmul.u32 $0x18, v52  }
0x37f: {  	v3 =	vand.u32 $0x7, v3  }
0x380: {  	v3 =	vor.u32 v3, v4  }
0x381: {  	v4 =	vperm.xlane v3, v0;
	_ =	sdelay $0x1  }
0x382: {  	v4 =	vadd.s32 v1, v4;
	_ =	sdelay $0x1  }
0x383: {  	v3 =	vperm.xlane v3, v2;
	_ =	sdelay $0x1  }
0x384: {  	s29 =	simm.s32 $0x6400;
	v3 =	vadd.s32 v1, v3  }
0x385: {  	[tilespmem:s29], [sflag:$0x1] =	stream.indirect_vreg.gather [hbm4b:s4+s2], $0x80, v4, vm0, $0xb8;
	[tilespmem:$0x18400] =	vst v63  }
0x386: {  	s30 =	simm.s32 $0x6C00  }
0x387: {  	[tilespmem:s30], [sflag:$0x1] =	stream.indirect_vreg.gather [hbm4b:s5+s2], $0x80, v4, vm1, $0xb8;
	[tilespmem:$0x18400] =	vst v63  }
0x388: {  	s3 =	simm.s32 $0x7000  }
0x389: {  	[tilespmem:s3], [sflag:$0x1] =	stream.indirect_vreg.gather [hbm4b:s4+s2], $0x80, v3, vm0, $0xb8;
	[tilespmem:$0x18400] =	vst v63  }
0x38a: {  	s30 =	simm.s32 $0x7800  }
0x38b: {  	[tilespmem:s30], [sflag:$0x1] =	stream.indirect_vreg.gather [hbm4b:s5+s2], $0x80, v3, vm1, $0xb8;
	[tilespmem:$0x18400] =	vst v63  }
0x38c: {  	v3 =	vld [tilespmem:$0x350];
	_ =	sdelay $0x4  }
0x38d: {  	v53 =	vshrl.u32 v3, $0x3  }
0x38e: {  	v4 =	vmul.u32 $0x18, v53  }
0x38f: {  	v3 =	vand.u32 $0x7, v3  }
0x390: {  	v3 =	vor.u32 v3, v4  }
0x391: {  	v4 =	vperm.xlane v3, v0;
	_ =	sdelay $0x1  }
0x392: {  	v4 =	vadd.s32 v1, v4;
	_ =	sdelay $0x1  }
0x393: {  	v3 =	vperm.xlane v3, v2;
	_ =	sdelay $0x1  }
0x394: {  	s7 =	simm.s32 $0x7C00;
	v3 =	vadd.s32 v1, v3  }
0x395: {  	[tilespmem:s7], [sflag:$0x1] =	stream.indirect_vreg.gather [hbm4b:s4+s2], $0x80, v4, vm0, $0xb8;
	[tilespmem:$0x18400] =	vst v63  }
0x396: {  	s8 =	simm.s32 $0x8400  }
0x397: {  	[tilespmem:s8], [sflag:$0x1] =	stream.indirect_vreg.gather [hbm4b:s5+s2], $0x80, v4, vm1, $0xb8;
	[tilespmem:$0x18400] =	vst v63  }
0x398: {  	s9 =	simm.s32 $0x8800  }
0x399: {  	[tilespmem:s9], [sflag:$0x1] =	stream.indirect_vreg.gather [hbm4b:s4+s2], $0x80, v3, vm0, $0xb8;
	[tilespmem:$0x18400] =	vst v63  }
0x39a: {  	s9 =	simm.s32 $0x9000  }
0x39b: {  	[tilespmem:s9], [sflag:$0x1] =	stream.indirect_vreg.gather [hbm4b:s5+s2], $0x80, v3, vm1, $0xb8;
	[tilespmem:$0x18400] =	vst v63  }
0x39c: {  	v3 =	vld [tilespmem:$0x360];
	_ =	sdelay $0x4  }
0x39d: {  	v54 =	vshrl.u32 v3, $0x3  }
0x39e: {  	v4 =	vmul.u32 $0x18, v54  }
0x39f: {  	v3 =	vand.u32 $0x7, v3  }
0x3a0: {  	v3 =	vor.u32 v3, v4  }
0x3a1: {  	v4 =	vperm.xlane v3, v0;
	_ =	sdelay $0x1  }
0x3a2: {  	v4 =	vadd.s32 v1, v4;
	_ =	sdelay $0x1  }
0x3a3: {  	v3 =	vperm.xlane v3, v2;
	_ =	sdelay $0x1  }
0x3a4: {  	s10 =	simm.s32 $0x9400;
	v3 =	vadd.s32 v1, v3  }
0x3a5: {  	[tilespmem:s10], [sflag:$0x1] =	stream.indirect_vreg.gather [hbm4b:s4+s2], $0x80, v4, vm0, $0xb8;
	[tilespmem:$0x18400] =	vst v63  }
0x3a6: {  	s11 =	simm.s32 $0x9C00  }
0x3a7: {  	[tilespmem:s11], [sflag:$0x1] =	stream.indirect_vreg.gather [hbm4b:s5+s2], $0x80, v4, vm1, $0xb8;
	[tilespmem:$0x18400] =	vst v63  }
0x3a8: {  	s12 =	simm.s32 $0xA000  }
0x3a9: {  	[tilespmem:s12], [sflag:$0x1] =	stream.indirect_vreg.gather [hbm4b:s4+s2], $0x80, v3, vm0, $0xb8;
	[tilespmem:$0x18400] =	vst v63  }
0x3aa: {  	s11 =	simm.s32 $0xA800  }
0x3ab: {  	[tilespmem:s11], [sflag:$0x1] =	stream.indirect_vreg.gather [hbm4b:s5+s2], $0x80, v3, vm1, $0xb8;
	[tilespmem:$0x18400] =	vst v63  }
0x3ac: {  	v3 =	vld [tilespmem:$0x370];
	_ =	sdelay $0x4  }
0x3ad: {  	v55 =	vshrl.u32 v3, $0x3  }
0x3ae: {  	v4 =	vmul.u32 $0x18, v55  }
0x3af: {  	v3 =	vand.u32 $0x7, v3  }
0x3b0: {  	v3 =	vor.u32 v3, v4  }
0x3b1: {  	v4 =	vperm.xlane v3, v0;
	_ =	sdelay $0x1  }
0x3b2: {  	v4 =	vadd.s32 v1, v4;
	_ =	sdelay $0x1  }
0x3b3: {  	v3 =	vperm.xlane v3, v2;
	_ =	sdelay $0x1  }
0x3b4: {  	s12 =	simm.s32 $0xAC00;
	v3 =	vadd.s32 v1, v3  }
0x3b5: {  	[tilespmem:s12], [sflag:$0x1] =	stream.indirect_vreg.gather [hbm4b:s4+s2], $0x80, v4, vm0, $0xb8;
	[tilespmem:$0x18400] =	vst v63  }
0x3b6: {  	s13 =	simm.s32 $0xB400  }
0x3b7: {  	[tilespmem:s13], [sflag:$0x1] =	stream.indirect_vreg.gather [hbm4b:s5+s2], $0x80, v4, vm1, $0xb8;
	[tilespmem:$0x18400] =	vst v63  }
0x3b8: {  	_ = 	snop  }
0x3b9: {  	[tilespmem:s31], [sflag:$0x1] =	stream.indirect_vreg.gather [hbm4b:s4+s2], $0x80, v3, vm0, $0xb8;
	[tilespmem:$0x18400] =	vst v63  }
0x3ba: {  	s15 =	simm.s32 $0xC000  }
0x3bb: {  	[tilespmem:s15], [sflag:$0x1] =	stream.indirect_vreg.gather [hbm4b:s5+s2], $0x80, v3, vm1, $0xb8;
	[tilespmem:$0x18400] =	vst v63  }
0x3bc: {  	_ =	swait.ge [sflag:s14], $0xC000  }
0x3bd: {  	[sflag:s14] =	ssyncset.done $0x0  }
0x3be: {  	s0 =	simm.s32 $0x400;
	s16 =	rddreg [dreg:$0x9];
	[sflag:s14] =	ssyncadd.s32 $0xFFFF4000  }
0x3bf: {  	[hbm4b:s16+s2] =	stream.linear.scatter [tilespmem:s0], [sflag:$0x3], $0xC000, $0x38;
	[tilespmem:$0x18400] =	vst v63  }
0x3c0: {  	_ =	swait.ge [sflag:s25], $0xC000  }
0x3c1: {  	[sflag:s25] =	ssyncset.done $0x0  }
0x3c2: {  	[sflag:s25] =	ssyncadd.s32 $0xFFFF4000  }
0x3c3: {  	v3 =	vld [tilespmem:$0x380];
	_ =	sdelay $0x4  }
0x3c4: {  	v56 =	vshrl.u32 v3, $0x3  }
0x3c5: {  	v4 =	vmul.u32 $0x18, v56  }
0x3c6: {  	v3 =	vand.u32 $0x7, v3  }
0x3c7: {  	v3 =	vor.u32 v3, v4  }
0x3c8: {  	v4 =	vperm.xlane v3, v0;
	_ =	sdelay $0x1  }
0x3c9: {  	v4 =	vadd.s32 v1, v4;
	_ =	sdelay $0x1  }
0x3ca: {  	v3 =	vperm.xlane v3, v2;
	_ =	sdelay $0x1  }
0x3cb: {  	s1 =	simm.s32 $0xC400;
	v3 =	vadd.s32 v1, v3  }
0x3cc: {  	[tilespmem:s1], [sflag:$0x2] =	stream.indirect_vreg.gather [hbm4b:s4+s2], $0x80, v4, vm0, $0xb8;
	[tilespmem:$0x18400] =	vst v63  }
0x3cd: {  	s17 =	simm.s32 $0xCC00  }
0x3ce: {  	[tilespmem:s17], [sflag:$0x2] =	stream.indirect_vreg.gather [hbm4b:s5+s2], $0x80, v4, vm1, $0xb8;
	[tilespmem:$0x18400] =	vst v63  }
0x3cf: {  	s18 =	simm.s32 $0xD000  }
0x3d0: {  	[tilespmem:s18], [sflag:$0x2] =	stream.indirect_vreg.gather [hbm4b:s4+s2], $0x80, v3, vm0, $0xb8;
	[tilespmem:$0x18400] =	vst v63  }
0x3d1: {  	s19 =	simm.s32 $0xD800  }
0x3d2: {  	[tilespmem:s19], [sflag:$0x2] =	stream.indirect_vreg.gather [hbm4b:s5+s2], $0x80, v3, vm1, $0xb8;
	[tilespmem:$0x18400] =	vst v63  }
0x3d3: {  	v3 =	vld [tilespmem:$0x390];
	_ =	sdelay $0x4  }
0x3d4: {  	v57 =	vshrl.u32 v3, $0x3  }
0x3d5: {  	v4 =	vmul.u32 $0x18, v57  }
0x3d6: {  	v3 =	vand.u32 $0x7, v3  }
0x3d7: {  	v3 =	vor.u32 v3, v4  }
0x3d8: {  	v4 =	vperm.xlane v3, v0;
	_ =	sdelay $0x1  }
0x3d9: {  	v4 =	vadd.s32 v1, v4;
	_ =	sdelay $0x1  }
0x3da: {  	v3 =	vperm.xlane v3, v2;
	_ =	sdelay $0x1  }
0x3db: {  	s20 =	simm.s32 $0xDC00;
	v3 =	vadd.s32 v1, v3  }
0x3dc: {  	[tilespmem:s20], [sflag:$0x2] =	stream.indirect_vreg.gather [hbm4b:s4+s2], $0x80, v4, vm0, $0xb8;
	[tilespmem:$0x18400] =	vst v63  }
0x3dd: {  	s21 =	simm.s32 $0xE400  }
0x3de: {  	[tilespmem:s21], [sflag:$0x2] =	stream.indirect_vreg.gather [hbm4b:s5+s2], $0x80, v4, vm1, $0xb8;
	[tilespmem:$0x18400] =	vst v63  }
0x3df: {  	s22 =	simm.s32 $0xE800  }
0x3e0: {  	[tilespmem:s22], [sflag:$0x2] =	stream.indirect_vreg.gather [hbm4b:s4+s2], $0x80, v3, vm0, $0xb8;
	[tilespmem:$0x18400] =	vst v63  }
0x3e1: {  	s26 =	simm.s32 $0xF000  }
0x3e2: {  	[tilespmem:s26], [sflag:$0x2] =	stream.indirect_vreg.gather [hbm4b:s5+s2], $0x80, v3, vm1, $0xb8;
	[tilespmem:$0x18400] =	vst v63  }
0x3e3: {  	v3 =	vld [tilespmem:$0x3A0];
	_ =	sdelay $0x4  }
0x3e4: {  	v58 =	vshrl.u32 v3, $0x3  }
0x3e5: {  	v4 =	vmul.u32 $0x18, v58  }
0x3e6: {  	v3 =	vand.u32 $0x7, v3  }
0x3e7: {  	v3 =	vor.u32 v3, v4  }
0x3e8: {  	v4 =	vperm.xlane v3, v0;
	_ =	sdelay $0x1  }
0x3e9: {  	v4 =	vadd.s32 v1, v4;
	_ =	sdelay $0x1  }
0x3ea: {  	v3 =	vperm.xlane v3, v2;
	_ =	sdelay $0x1  }
0x3eb: {  	s28 =	simm.s32 $0xF400;
	v3 =	vadd.s32 v1, v3  }
0x3ec: {  	[tilespmem:s28], [sflag:$0x2] =	stream.indirect_vreg.gather [hbm4b:s4+s2], $0x80, v4, vm0, $0xb8;
	[tilespmem:$0x18400] =	vst v63  }
0x3ed: {  	s29 =	simm.s32 $0xFC00  }
0x3ee: {  	[tilespmem:s29], [sflag:$0x2] =	stream.indirect_vreg.gather [hbm4b:s5+s2], $0x80, v4, vm1, $0xb8;
	[tilespmem:$0x18400] =	vst v63  }
0x3ef: {  	s30 =	simm.s32 $0x10000  }
0x3f0: {  	[tilespmem:s30], [sflag:$0x2] =	stream.indirect_vreg.gather [hbm4b:s4+s2], $0x80, v3, vm0, $0xb8;
	[tilespmem:$0x18400] =	vst v63  }
0x3f1: {  	s31 =	simm.s32 $0x10800  }
0x3f2: {  	[tilespmem:s31], [sflag:$0x2] =	stream.indirect_vreg.gather [hbm4b:s5+s2], $0x80, v3, vm1, $0xb8;
	[tilespmem:$0x18400] =	vst v63  }
0x3f3: {  	v3 =	vld [tilespmem:$0x3B0];
	_ =	sdelay $0x4  }
0x3f4: {  	v59 =	vshrl.u32 v3, $0x3  }
0x3f5: {  	v4 =	vmul.u32 $0x18, v59  }
0x3f6: {  	v3 =	vand.u32 $0x7, v3  }
0x3f7: {  	v3 =	vor.u32 v3, v4  }
0x3f8: {  	v4 =	vperm.xlane v3, v0;
	_ =	sdelay $0x1  }
0x3f9: {  	v4 =	vadd.s32 v1, v4;
	_ =	sdelay $0x1  }
0x3fa: {  	v3 =	vperm.xlane v3, v2;
	_ =	sdelay $0x1  }
0x3fb: {  	s3 =	simm.s32 $0x10C00;
	v3 =	vadd.s32 v1, v3  }
0x3fc: {  	[tilespmem:s3], [sflag:$0x2] =	stream.indirect_vreg.gather [hbm4b:s4+s2], $0x80, v4, vm0, $0xb8;
	[tilespmem:$0x18400] =	vst v63  }
0x3fd: {  	s7 =	simm.s32 $0x11400  }
0x3fe: {  	[tilespmem:s7], [sflag:$0x2] =	stream.indirect_vreg.gather [hbm4b:s5+s2], $0x80, v4, vm1, $0xb8;
	[tilespmem:$0x18400] =	vst v63  }
0x3ff: {  	s8 =	simm.s32 $0x11800  }
0x400: {  	[tilespmem:s8], [sflag:$0x2] =	stream.indirect_vreg.gather [hbm4b:s4+s2], $0x80, v3, vm0, $0xb8;
	[tilespmem:$0x18400] =	vst v63  }
0x401: {  	s9 =	simm.s32 $0x12000  }
0x402: {  	[tilespmem:s9], [sflag:$0x2] =	stream.indirect_vreg.gather [hbm4b:s5+s2], $0x80, v3, vm1, $0xb8;
	[tilespmem:$0x18400] =	vst v63  }
0x403: {  	v3 =	vld [tilespmem:$0x3C0];
	_ =	sdelay $0x4  }
0x404: {  	v60 =	vshrl.u32 v3, $0x3  }
0x405: {  	v4 =	vmul.u32 $0x18, v60  }
0x406: {  	v3 =	vand.u32 $0x7, v3  }
0x407: {  	v3 =	vor.u32 v3, v4  }
0x408: {  	v4 =	vperm.xlane v3, v0;
	_ =	sdelay $0x1  }
0x409: {  	v4 =	vadd.s32 v1, v4;
	_ =	sdelay $0x1  }
0x40a: {  	v3 =	vperm.xlane v3, v2;
	_ =	sdelay $0x1  }
0x40b: {  	s10 =	simm.s32 $0x12400;
	v3 =	vadd.s32 v1, v3  }
0x40c: {  	[tilespmem:s10], [sflag:$0x2] =	stream.indirect_vreg.gather [hbm4b:s4+s2], $0x80, v4, vm0, $0xb8;
	[tilespmem:$0x18400] =	vst v63  }
0x40d: {  	s11 =	simm.s32 $0x12C00  }
0x40e: {  	[tilespmem:s11], [sflag:$0x2] =	stream.indirect_vreg.gather [hbm4b:s5+s2], $0x80, v4, vm1, $0xb8;
	[tilespmem:$0x18400] =	vst v63  }
0x40f: {  	s12 =	simm.s32 $0x13000  }
0x410: {  	[tilespmem:s12], [sflag:$0x2] =	stream.indirect_vreg.gather [hbm4b:s4+s2], $0x80, v3, vm0, $0xb8;
	[tilespmem:$0x18400] =	vst v63  }
0x411: {  	s13 =	simm.s32 $0x13800  }
0x412: {  	[tilespmem:s13], [sflag:$0x2] =	stream.indirect_vreg.gather [hbm4b:s5+s2], $0x80, v3, vm1, $0xb8;
	[tilespmem:$0x18400] =	vst v63  }
0x413: {  	v3 =	vld [tilespmem:$0x3D0];
	_ =	sdelay $0x4  }
0x414: {  	v61 =	vshrl.u32 v3, $0x3  }
0x415: {  	v4 =	vmul.u32 $0x18, v61  }
0x416: {  	v3 =	vand.u32 $0x7, v3  }
0x417: {  	v3 =	vor.u32 v3, v4  }
0x418: {  	v4 =	vperm.xlane v3, v0;
	_ =	sdelay $0x1  }
0x419: {  	v4 =	vadd.s32 v1, v4;
	_ =	sdelay $0x1  }
0x41a: {  	v3 =	vperm.xlane v3, v2;
	_ =	sdelay $0x1  }
0x41b: {  	s15 =	simm.s32 $0x13C00;
	v3 =	vadd.s32 v1, v3  }
0x41c: {  	[tilespmem:s15], [sflag:$0x2] =	stream.indirect_vreg.gather [hbm4b:s4+s2], $0x80, v4, vm0, $0xb8;
	[tilespmem:$0x18400] =	vst v63  }
0x41d: {  	s16 =	simm.s32 $0x14400  }
0x41e: {  	[tilespmem:s16], [sflag:$0x2] =	stream.indirect_vreg.gather [hbm4b:s5+s2], $0x80, v4, vm1, $0xb8;
	[tilespmem:$0x18400] =	vst v63  }
0x41f: {  	s17 =	simm.s32 $0x14800  }
0x420: {  	[tilespmem:s17], [sflag:$0x2] =	stream.indirect_vreg.gather [hbm4b:s4+s2], $0x80, v3, vm0, $0xb8;
	[tilespmem:$0x18400] =	vst v63  }
0x421: {  	s18 =	simm.s32 $0x15000  }
0x422: {  	[tilespmem:s18], [sflag:$0x2] =	stream.indirect_vreg.gather [hbm4b:s5+s2], $0x80, v3, vm1, $0xb8;
	[tilespmem:$0x18400] =	vst v63  }
0x423: {  	v3 =	vld [tilespmem:$0x3E0];
	_ =	sdelay $0x4  }
0x424: {  	v62 =	vshrl.u32 v3, $0x3  }
0x425: {  	v4 =	vmul.u32 $0x18, v62  }
0x426: {  	v3 =	vand.u32 $0x7, v3  }
0x427: {  	v3 =	vor.u32 v3, v4  }
0x428: {  	v4 =	vperm.xlane v3, v0;
	_ =	sdelay $0x1  }
0x429: {  	v4 =	vadd.s32 v1, v4;
	_ =	sdelay $0x1  }
0x42a: {  	v3 =	vperm.xlane v3, v2;
	_ =	sdelay $0x1  }
0x42b: {  	s19 =	simm.s32 $0x15400;
	v3 =	vadd.s32 v1, v3  }
0x42c: {  	[tilespmem:s19], [sflag:$0x2] =	stream.indirect_vreg.gather [hbm4b:s4+s2], $0x80, v4, vm0, $0xb8;
	[tilespmem:$0x18400] =	vst v63  }
0x42d: {  	s20 =	simm.s32 $0x15C00  }
0x42e: {  	[tilespmem:s20], [sflag:$0x2] =	stream.indirect_vreg.gather [hbm4b:s5+s2], $0x80, v4, vm1, $0xb8;
	[tilespmem:$0x18400] =	vst v63  }
0x42f: {  	s21 =	simm.s32 $0x16000  }
0x430: {  	[tilespmem:s21], [sflag:$0x2] =	stream.indirect_vreg.gather [hbm4b:s4+s2], $0x80, v3, vm0, $0xb8;
	[tilespmem:$0x18400] =	vst v63  }
0x431: {  	s22 =	simm.s32 $0x16800  }
0x432: {  	[tilespmem:s22], [sflag:$0x2] =	stream.indirect_vreg.gather [hbm4b:s5+s2], $0x80, v3, vm1, $0xb8;
	[tilespmem:$0x18400] =	vst v63  }
0x433: {  	v3 =	vld [tilespmem:$0x3F0];
	_ =	sdelay $0x4  }
0x434: {  	v63 =	vshrl.u32 v3, $0x3  }
0x435: {  	v4 =	vmul.u32 $0x18, v63  }
0x436: {  	v3 =	vand.u32 $0x7, v3  }
0x437: {  	v3 =	vor.u32 v3, v4  }
0x438: {  	v4 =	vperm.xlane v3, v0;
	_ =	sdelay $0x1  }
0x439: {  	v4 =	vadd.s32 v1, v4;
	_ =	sdelay $0x1  }
0x43a: {  	v3 =	vperm.xlane v3, v2;
	_ =	sdelay $0x1  }
0x43b: {  	s26 =	simm.s32 $0x16C00;
	v3 =	vadd.s32 v1, v3  }
0x43c: {  	[tilespmem:s26], [sflag:$0x2] =	stream.indirect_vreg.gather [hbm4b:s4+s2], $0x80, v4, vm0, $0xb8;
	[tilespmem:$0x18400] =	vst v63  }
0x43d: {  	s28 =	simm.s32 $0x17400  }
0x43e: {  	[tilespmem:s28], [sflag:$0x2] =	stream.indirect_vreg.gather [hbm4b:s5+s2], $0x80, v4, vm1, $0xb8;
	[tilespmem:$0x18400] =	vst v63  }
0x43f: {  	s29 =	simm.s32 $0x17800  }
0x440: {  	[tilespmem:s29], [sflag:$0x2] =	stream.indirect_vreg.gather [hbm4b:s4+s2], $0x80, v3, vm0, $0xb8;
	[tilespmem:$0x18400] =	vst v63  }
0x441: {  	s30 =	simm.s32 $0x18000  }
0x442: {  	[tilespmem:s30], [sflag:$0x2] =	stream.indirect_vreg.gather [hbm4b:s5+s2], $0x80, v3, vm1, $0xb8;
	[tilespmem:$0x18400] =	vst v63  }
0x443: {  	_ =	swait.ge [sflag:s23], $0xC000  }
0x444: {  	[sflag:s23] =	ssyncset.done $0x0  }
0x445: {  	s31 =	rddreg [dreg:$0xa];
	[sflag:s23] =	ssyncadd.s32 $0xFFFF4000  }
0x446: {  	[hbm4b:s31+s2] =	stream.linear.scatter [tilespmem:s1], [sflag:$0x4], $0xC000, $0x38;
	[tilespmem:$0x18400] =	vst v63  }
0x447: {  	p0 =	sne.s32 s6, $0x1;
	_ =	swait.ge [sflag:s24], $0xC000  }
.Ltmp0:
0x448: {  	[sflag:s24] =	ssyncset.done $0x0;
	(pc) =	sbr.rel @p0 .LBB2_1-.Ltmp0, $4  }
0x449: {  	[sflag:s24] =	ssyncadd.s32 $0xFFFF4000  }
0x44a: {  	_ =	swait.ge [sflag:s25], $0xC000  }
0x44b: {  	[sflag:s25] =	ssyncset.done $0x0  }
0x44c: {  	s6 =	sadd.s32 $0xFFFFFFFF, s6;
	[sflag:s25] =	ssyncadd.s32 $0xFFFF4000  }
0x44d: {  	_ =	sfence.sel $0x180000  }
0x44e: {  	[bflag:$0x0] =	sbarrier.arrive $0xFFFF  }
0x44f: {  	_ =	strace $0x90000047  }
0x450: {  	s0 =	stileid.u32;
	[bflag:$0x2] =	sbarrier.arrive $0xFFFF  }
0x451: {  	p0 =	sne.s32 s0, $0x0;
	s0 =	rddreg [dreg:$0x2]  }
0x452: {  	s0 =	sadd.s32 @!p0 $0x100000, s0  }
0x453: {  	[sflag:s0] =	ssyncadd.tile.s32 @!p0 $0x1;
	_ =	shalt  }
.Lfunc_end2:
_tile_overlayer_lowered:
.L_overlay_start_2:
0x454: {  	(tag) =	ssettag $0x2  }
0x455: {  	s0 =	rddreg [dreg:$0x0];
	s2 =	stileid.u32  }
0x456: {  	s1 =	rddreg [dreg:$0x1];
	p0 =	sne.s32 s2, $0x0  }
0x457: {  	s3 =	rddreg [dreg:$0x2];
	[bflag:$0x3] =	sbarrier.arrive $0xFFFF;
	s2 =	simm.s32 @!p0 $0x1C05  }
0x458: {  	[timem:s3], [sflag:s2] =	dma.local @!p0 [hbm:s0], s1  }
0x459: {  	s0 =	simm.s32 @!p0 $0x5  }
0x45a: {  	_ =	swait.ge @!p0 [sflag:s0], s1  }
0x45b: {  	s1 =	ssub.s32 @!p0 $0x0, s1;
	[sflag:s0] =	ssyncset.done @!p0 $0x0  }
0x45c: {  	[sflag:s0] =	ssyncadd.s32 @!p0 s1  }
0x45d: {  	[bflag:$0x3] =	sbarrier.arrive $0xFFFF  }
0x45e: {  	_ =	shalt  }

// kernel: kernel.9.cloned.1.call-start
scs
__scs_entry_jumppad:
0x0: {  	(pc) =	sbr.rel $0x88, $3  }
0x1: {  	(tag) =	ssettag $0x0;
	lr =	simm.s32 $0x1  }
0x2: {  	[smem:$0x3F92] =	sst lr;
	_ =	strace $0xD0000000  }
0x3: {  	_ = 	snop  }
0x4: {  	_ = 	snop  }
0x5: {  	_ = 	snop  }
0x6: {  	_ = 	snop  }
0x7: {  	_ = 	snop  }
__scs_overlays_trampoline_lowered:
0x8: {  	[smem:$0x3FA1] =	sst s0  }
0x9: {  	[smem:$0x3FA2] =	sst s1  }
0xa: {  	[smem:$0x3FA3] =	sst s2  }
0xb: {  	[smem:$0x3FA4] =	sst s3  }
0xc: {  	[smem:$0x3FA5] =	sst s4  }
0xd: {  	[smem:$0x3FA6] =	sst s5  }
0xe: {  	[smem:$0x3FA7] =	sst s6  }
0xf: {  	[smem:$0x3FA8] =	sst s7  }
0x10: {  	[smem:$0x3FA9] =	sst s8  }
0x11: {  	[smem:$0x3FAA] =	sst s9;
	s0 =	simm.s32 @!p0 $0x0  }
0x12: {  	s1 =	sld [smem:$0x3F90];
	s0 =	simm.s32 @p0 $0x1  }
0x13: {  	[smem:$0x3FAB] =	sst s0;
	s0 =	simm.s32 @!p1 $0x0  }
0x14: {  	s2 =	sld [smem:$0x3F8F];
	s0 =	simm.s32 @p1 $0x1  }
0x15: {  	[smem:$0x3FAC] =	sst s0;
	s0 =	simm.s32 @!p2 $0x0  }
0x16: {  	s3 =	sld [smem:$0x3FDB];
	s0 =	simm.s32 @p2 $0x1  }
0x17: {  	s4 =	simm.s32 $0x1BF5;
	[smem:$0x3FAE] =	sst s0  }
0x18: {  	s0 =	sld [smem:$0x3F91];
	_ =	swait.ge [sflag:s4], $0x0  }
0x19: {  	s7 =	sld [smem:$0x3F92]  }
0x1a: {  	s8 =	sadd.s32 $0xFFFFE003, lr  }
0x1b: {  	s9 =	sadd.s32 $0xFFFFFEF7, lr;
	s5 =	simm.s32 $0xFFFFFFFF;
	p2 =	slt.u32 s8, $0xFFFFF086  }
0x1c: {  	p1 =	slt.u32 s9, $0xF7A;
	s5 =	simm.s32 @!p2 $0x0  }
0x1d: {  	s5 =	simm.s32 @p1 $0x1;
	p0 =	seq.s32 s7, s2  }
0x1e: {  	s7 =	smul.u32 @!p0 $0xF7A, s2;
	p2 =	seq.s32 @!p0 s5, $0x0  }
0x1f: {  	s9 =	smul.u32 $0xF7A, s1;
	s8 =	simm.s32 @!p0 $0x1BF5;
	p2 =	por !p2, p0  }
0x20: {  	[sflag:s8] =	ssyncset.s32 @!p0 $0xFFFFF086;
	s6 =	sadd.s32 @!p0 s3, s7;
	s7 =	simm.s32 @!p0 $0x108  }
0x21: {  	s3 =	sadd.s32 s3, s9;
	s6 =	sadd.s32 @!p0 $0x88, s6;
	s7 =	simm.s32 @p2 $0x1082  }
0x22: {  	[simem:s7], [sflag:s8] =	dma.local @!p0 [hbm:s6], $0xF7A  }
0x23: {  	s9 =	sor.u32 $0xD0000000, s2;
	s6 =	simm.s32 $0x108;
	_ =	swait.ge @!p0 [sflag:s8], $0x0  }
0x24: {  	s3 =	sadd.s32 $0x88, s3;
	s6 =	simm.s32 @!p1 $0x1082;
	[sflag:s4] =	ssyncset.s32 $0xFFFFF086  }
0x25: {  	[simem:s6], [sflag:s4] =	dma.local [hbm:s3], $0xF7A  }
0x26: {  	[smem:$0x3F92] =	sst s1;
	(tag) =	ssettag s2;
	_ =	strace s9  }
0x27: {  	s1 =	sld [smem:$0x3FA2]  }
0x28: {  	s2 =	sld [smem:$0x3FA3]  }
0x29: {  	s4 =	sld [smem:$0x3FA5]  }
0x2a: {  	p0 =	seq.s32 s5, $0x0;
	s5 =	sld [smem:$0x3FA6]  }
0x2b: {  	s6 =	sld [smem:$0x3FA7]  }
0x2c: {  	s7 =	sld [smem:$0x3FA8]  }
0x2d: {  	s3 =	simm.s32 $0x108;
	s8 =	sld [smem:$0x3FA9]  }
0x2e: {  	s3 =	simm.s32 @!p0 $0x1082;
	s9 =	sld [smem:$0x3FAA]  }
0x2f: {  	lr =	sadd.s32 s0, s3;
	s0 =	sld [smem:$0x3FA1]  }
0x30: {  	s3 =	sld [smem:$0x3FA4]  }
0x31: {  	[smem:$0x3FAD] =	sst s10  }
0x32: {  	s10 =	sld [smem:$0x3FAB];
	_ =	sdelay $0x3  }
0x33: {  	p0 =	seq.s32 s10, $0x1;
	s10 =	sld [smem:$0x3FAD];
	_ =	sdelay $0x3  }
0x34: {  	[smem:$0x3FAD] =	sst s10  }
0x35: {  	s10 =	sld [smem:$0x3FAC];
	_ =	sdelay $0x3  }
0x36: {  	p1 =	seq.s32 s10, $0x1;
	s10 =	sld [smem:$0x3FAD];
	_ =	sdelay $0x3  }
0x37: {  	[smem:$0x3FAD] =	sst s10  }
0x38: {  	s10 =	sld [smem:$0x3FAE]  }
0x39: {  	_ = 	snop;
	(pc) =	sbr.ind lr, $3  }
0x3a: {  	_ = 	snop  }
0x3b: {  	_ = 	snop  }
0x3c: {  	p2 =	seq.s32 s10, $0x1;
	s10 =	sld [smem:$0x3FAD]  }
0x3d: {  	_ =	shalt  }
0x3e: {  	_ =	shalt  }
0x3f: {  	_ =	shalt  }
0x40: {  	_ =	shalt  }
0x41: {  	_ =	shalt  }
0x42: {  	_ =	shalt  }
0x43: {  	_ =	shalt  }
0x44: {  	_ =	shalt  }
0x45: {  	_ =	shalt  }
0x46: {  	_ =	shalt  }
0x47: {  	_ =	shalt  }
0x48: {  	_ =	shalt  }
0x49: {  	_ =	shalt  }
0x4a: {  	_ =	shalt  }
0x4b: {  	_ =	shalt  }
0x4c: {  	_ =	shalt  }
0x4d: {  	_ =	shalt  }
0x4e: {  	_ =	shalt  }
0x4f: {  	_ =	shalt  }
0x50: {  	_ =	shalt  }
0x51: {  	_ =	shalt  }
0x52: {  	_ =	shalt  }
0x53: {  	_ =	shalt  }
0x54: {  	_ =	shalt  }
0x55: {  	_ =	shalt  }
0x56: {  	_ =	shalt  }
0x57: {  	_ =	shalt  }
0x58: {  	_ =	shalt  }
0x59: {  	_ =	shalt  }
0x5a: {  	_ =	shalt  }
0x5b: {  	_ =	shalt  }
0x5c: {  	_ =	shalt  }
0x5d: {  	_ =	shalt  }
0x5e: {  	_ =	shalt  }
0x5f: {  	_ =	shalt  }
0x60: {  	_ =	shalt  }
0x61: {  	_ =	shalt  }
0x62: {  	_ =	shalt  }
0x63: {  	_ =	shalt  }
0x64: {  	_ =	shalt  }
0x65: {  	_ =	shalt  }
0x66: {  	_ =	shalt  }
0x67: {  	_ =	shalt  }
0x68: {  	_ =	shalt  }
0x69: {  	_ =	shalt  }
0x6a: {  	_ =	shalt  }
0x6b: {  	_ =	shalt  }
0x6c: {  	_ =	shalt  }
0x6d: {  	_ =	shalt  }
0x6e: {  	_ =	shalt  }
0x6f: {  	_ =	shalt  }
0x70: {  	_ =	shalt  }
0x71: {  	_ =	shalt  }
0x72: {  	_ =	shalt  }
0x73: {  	_ =	shalt  }
0x74: {  	_ =	shalt  }
0x75: {  	_ =	shalt  }
0x76: {  	_ =	shalt  }
0x77: {  	_ =	shalt  }
0x78: {  	_ =	shalt  }
0x79: {  	_ =	shalt  }
0x7a: {  	_ =	shalt  }
0x7b: {  	_ =	shalt  }
0x7c: {  	_ =	shalt  }
0x7d: {  	_ =	shalt  }
0x7e: {  	_ =	shalt  }
0x7f: {  	_ =	shalt  }
0x80: {  	_ =	shalt  }
0x81: {  	_ =	shalt  }
0x82: {  	_ =	shalt  }
0x83: {  	_ =	shalt  }
0x84: {  	_ =	shalt  }
0x85: {  	_ =	shalt  }
0x86: {  	_ =	shalt  }
0x87: {  	_ =	shalt  }
.Lfunc_end0:
.L_simem_size_0:
called_computation_lowered:
.L_overlay_start_0:
0x88: {  	s2 =	sld [smem:$0x3FD9]  }
0x89: {  	s3 =	sld [smem:$0x3FFE];
	_ =	sdelay $0x1  }
0x8a: {  	s1 =	srdreg.scid  }
0x8b: {  	s0 =	sand.u32 $0x1, s1  }
0x8c: {  	s17 =	sshll.u32 s0, $0xA;
	s2 =	sadd.s32 s3, s2  }
0x8d: {  	s2 =	sadd.s32 s2, s17  }
0x8e: {  	[smem:$0x3FB9] =	sst s2  }
0x8f: {  	_ = 	snop  }
0x90: {  	(tm) =	ssettm $0x1  }
0x91: {  	s18 =	sld [smem:$0x3FFB];
	_ =	sdelay $0x3  }
0x92: {  	_ =	strace s18  }
0x93: {  	s2 =	sld [smem:$0x3FFC];
	_ =	sdelay $0x3  }
0x94: {  	_ =	strace s2  }
0x95: {  	s2 =	sld [smem:$0x3FFD];
	_ =	sdelay $0x3  }
0x96: {  	_ =	strace s2  }
0x97: {  	_ =	strace $0x8FFFFFFF  }
0x98: {  	s19 =	sld [smem:$0x3FDB];
	_ =	sdelay $0x1  }
0x99: {  	s20 =	simm.s32 $_scs_section_size  }
0x9a: {  	s4 =	simm.s32 $_size__tile_overlayer_lowered;
	s5 =	simm.s32 $_tile_overlayer_lowered  }
0x9b: {  	s6 =	simm.s32 $0x1BFF;
	s21 =	sshll.u32 s5, $0x1;
	s3 =	sadd.s32 s20, s19  }
0x9c: {  	s22 =	simm.s32 $0x0;
	s4 =	sshll.u32 s4, $0x1;
	s5 =	sadd.s32 s21, s3  }
0x9d: {  	[timem:s22], [sflag:s6] =	dma.local [hbm:s5], s4  }
0x9e: {  	_ =	swait.ge [sflag:s6], s4  }
0x9f: {  	s4 =	ssub.s32 $0x0, s4;
	[sflag:s6] =	ssyncset.done $0x0  }
0xa0: {  	[sflag:s6] =	ssyncadd.s32 s4;
	_ =	sdelay $0x1  }
0xa1: {  	s23 =	simm.s32 $0x1B8B  }
0xa2: {  	_ =	swait.ge [sflag:s23], $0x1  }
0xa3: {  	[sflag:s23] =	ssyncset.done $0x0  }
0xa4: {  	[sflag:s23] =	ssyncadd.s32 $0xFFFFFFFF  }
0xa5: {  	s4 =	sld [smem:$0x0]  }
0xa6: {  	s5 =	sand.u32 $0xFFFFFFFE, s1  }
0xa7: {  	p0 =	sne.s32 s1, s5  }
0xa8: {  	s5 =	sshll.u32 @p0 s5, $0xE  }
0xa9: {  	s5 =	sadd.s32 @p0 $0x11B8D, s5;
	s6 =	sshll.u32 @p0 s4, $0x11  }
0xaa: {  	s5 =	sor.u32 @p0 s6, s5  }
0xab: {  	[sflag:s5] =	ssyncadd.remote.s32 @p0 $0x1;
	_ =	sdelay $0x1  }
0xac: {  	s5 =	simm.s32 @p0 $0x1B8D  }
0xad: {  	_ =	swait.eq @p0 [sflag:s5], $0x1  }
0xae: {  	[sflag:s5] =	ssyncadd.s32 @p0 $0xFFFFFFFF  }
0xaf: {  	s6 =	sshll.u32 @!p0 s1, $0xE  }
0xb0: {  	s6 =	sor.u32 @!p0 $0x4000, s6;
	s5 =	simm.s32 @!p0 $0x1B8D  }
0xb1: {  	s4 =	sshll.u32 @!p0 s4, $0x11;
	s6 =	sadd.s32 @!p0 $0x11B8D, s6;
	_ =	swait.eq @!p0 [sflag:s5], $0x1  }
0xb2: {  	s4 =	sor.u32 @!p0 s4, s6;
	[sflag:s5] =	ssyncadd.s32 @!p0 $0xFFFFFFFF  }
0xb3: {  	s25 =	simm.s32 $0x1B8E;
	s24 =	sld [smem:$0x3FFE];
	[sflag:s4] =	ssyncadd.remote.s32 @!p0 $0x1  }
0xb4: {  	s26 =	simm.s32 $execute0_lowered;
	[smem:$0x3FD2] =	sst s25  }
0xb5: {  	s5 =	sshll.u32 s26, $0x1;
	_ =	strace $0x80000049;
	[dreg:$0x1] =	wrdreg $0xFFFFFFFF  }
0xb6: {  	s28 =	simm.s32 $_size_execute0_lowered;
	s3 =	sadd.s32 s3, s5;
	[dreg:$0x0] =	wrdreg $0x0  }
0xb7: {  	s5 =	sshll.u32 s28, $0x1;
	[dreg:$0x2] =	wrdreg s3  }
0xb8: {  	[dreg:$0x3] =	wrdreg s5  }
0xb9: {  	[dreg:$0x4] =	wrdreg $0xC0  }
0xba: {  	_ =	task [dreg:s22], $0x5FFFF  }
0xbb: {  	[dreg:$0x1] =	wrdreg $0xFFFFFFFF  }
0xbc: {  	[dreg:$0x0] =	wrdreg $0x60  }
0xbd: {  	[dreg:$0x2] =	wrdreg s24  }
0xbe: {  	[dreg:$0x3] =	wrdreg $0x9  }
0xbf: {  	_ =	task.clear_ibuf [dreg:s22], $0x4FFFF;
	_ =	strace $0x90000049  }
0xc0: {  	s29 =	simm.s32 $0x9;
	_ =	strace $0x8000004B  }
0xc1: {  	_ =	swait.ge [sflag:s29], $0x1  }
0xc2: {  	[sflag:s29] =	ssyncadd.s32 $0xFFFFFFFF  }
0xc3: {  	_ =	strace $0x9000004B  }
0xc4: {  	_ =	sfence  }
0xc5: {  	s30 =	sld [smem:$0x0];
	_ =	sdelay $0x2  }
0xc6: {  	s31 =	sshll.u32 s1, $0xD;
	s1 =	sshrl.u32 s1, $0x2  }
0xc7: {  	s4 =	sand.u32 $0x4000, s31;
	s1 =	sadd.s32 s1, s30  }
0xc8: {  	s0 =	sor.u32 s4, s0;
	s1 =	sshll.u32 s1, $0x11  }
0xc9: {  	s0 =	sor.u32 s1, s0  }
0xca: {  	s0 =	sadd.s32 $0x8F2B, s0  }
0xcb: {  	[sflag:s0] =	ssyncadd.remote.s32 $0x1  }
0xcc: {  	_ =	sfence.sel $0xFFFF  }
0xcd: {  	[dreg:$0x0] =	wrdreg $0xFFFFFFFF;
	(pc) =	sbr.abs _section_cstart, $3  }
0xce: {  	[dreg:$0x1] =	wrdreg $0xFFFFFFFF  }
0xcf: {  	_ =	task.clear_ibuf [dreg:s22], $0x2FFFF;
	_ =	strace $0x9FFFFFFF  }
0xd0: {  	(tm) =	ssettm $0x7FFFFFFF  }
0xd1: {  	_ =	shalt  }
tec
execute0_lowered:
.L_overlay_start_1:
0x0: {  	(tag) =	ssettag $0x1  }
0x1: {  	s0 =	srdreg.scid;
	s2 =	stileid.u32  }
0x2: {  	s1 =	rddreg [dreg:$0x0];
	s14 =	simm.s32 $0x1;
	s0 =	sand.u32 $0x1, s0  }
0x3: {  	s23 =	simm.s32 $0x2;
	s3 =	sshll.u32 s2, $0x8;
	s4 =	sshll.u32 s0, $0x7  }
0x4: {  	s24 =	simm.s32 $0x3;
	s2 =	simm.s32 $0x0;
	s3 =	sor.u32 s4, s3  }
0x5: {  	s6 =	sadd.s32 $0x1B3600, s1;
	s4 =	smul.u32 $0x180, s3;
	s5 =	sadd.s32 s3, s1  }
0x6: {  	[smem:$0x7FF] =	sst s2;
	s3 =	smul.u32 $0xC00, s3;
	s5 =	sadd.s32 $0x1B2600, s5  }
0x7: {  	_ =	strace $0x8000004A;
	s7 =	sadd.s32 s6, s4;
	[dreg:$0x2] =	wrdreg s5  }
0x8: {  	s3 =	sshrl.u32 s3, $0x3;
	s4 =	sadd.s32 $0x1800, s7;
	[dreg:$0xa] =	wrdreg s7  }
0x9: {  	s25 =	sadd.s32 $0x3000, s7;
	s3 =	sadd.s32 s6, s3;
	[dreg:$0x3] =	wrdreg s4  }
0xa: {  	s0 =	ssub.s32 $0x2, s0;
	[dreg:$0x4] =	wrdreg s25;
	s26 =	sadd.s32 $0x4800, s3  }
0xb: {  	s30 =	sshrl.u32 s0, $0x1;
	s28 =	sadd.s32 $0x6000, s3;
	[dreg:$0x5] =	wrdreg s26  }
0xc: {  	s0 =	ssub.s32 s0, s30;
	s29 =	sadd.s32 $0x7800, s3;
	[dreg:$0x6] =	wrdreg s28  }
0xd: {  	v2 =	vlaneseq.u32;
	s5 =	sadd.s32 $0x2700, s1;
	s31 =	sadd.s32 $0x9000, s3;
	[dreg:$0x7] =	wrdreg s29  }
0xe: {  	vm0 =	vmmov $0xffff;
	vm1 =	vmmov $0xff;
	v1 =	vshrl.u32 v2, $0x3;
	s6 =	smax.u32 s0, $0x1;
	s3 =	sadd.s32 $0xA800, s3;
	[dreg:$0x8] =	wrdreg s31  }
0xf: {  	v0 =	vand.u32 $0x7, v2;
	v2 =	vor.u32 $0x8, v2;
	v1 =	vmul.u32 $0x8, v1;
	s4 =	sadd.s32 $0x2600, s1;
	s25 =	simm.s32 $0x4;
	[dreg:$0x9] =	wrdreg s3  }
.LBB2_1:
0x10: {  	s26 =	rddreg [dreg:$0x2];
	s1 =	simm.s32 $0x5  }
0x11: {  	[tilespmem:s2], [sflag:$0x5] =	stream.linear.gather [hbm4b:s26+s2], $0x400, $0x38;
	[tilespmem:$0x18400] =	vst v63  }
0x12: {  	_ =	swait.ge [sflag:s1], $0x400  }
0x13: {  	[sflag:s1] =	ssyncset.done $0x0  }
0x14: {  	[sflag:s1] =	ssyncadd.s32 $0xFFFFFC00  }
0x15: {  	v3 =	vld [tilespmem:$0x0];
	_ =	sdelay $0x4  }
0x16: {  	v4 =	vshrl.u32 v3, $0x3  }
0x17: {  	v4 =	vmul.u32 $0x18, v4  }
0x18: {  	v3 =	vand.u32 $0x7, v3  }
0x19: {  	v3 =	vor.u32 v3, v4  }
0x1a: {  	v4 =	vperm.xlane v3, v0;
	_ =	sdelay $0x1  }
0x1b: {  	v4 =	vadd.s32 v1, v4;
	_ =	sdelay $0x1  }
0x1c: {  	v3 =	vperm.xlane v3, v2;
	_ =	sdelay $0x1  }
0x1d: {  	s0 =	simm.s32 $0x400;
	v3 =	vadd.s32 v1, v3  }
0x1e: {  	[tilespmem:s0], [sflag:$0x1] =	stream.indirect_vreg.gather [hbm4b:s4+s2], $0x80, v4, vm0, $0xb8;
	[tilespmem:$0x18400] =	vst v63  }
0x1f: {  	s1 =	simm.s32 $0xC00  }
0x20: {  	[tilespmem:s1], [sflag:$0x1] =	stream.indirect_vreg.gather [hbm4b:s5+s2], $0x80, v4, vm1, $0xb8;
	[tilespmem:$0x18400] =	vst v63  }
0x21: {  	s3 =	simm.s32 $0x1000  }
0x22: {  	[tilespmem:s3], [sflag:$0x1] =	stream.indirect_vreg.gather [hbm4b:s4+s2], $0x80, v3, vm0, $0xb8;
	[tilespmem:$0x18400] =	vst v63  }
0x23: {  	s7 =	simm.s32 $0x1800  }
0x24: {  	[tilespmem:s7], [sflag:$0x1] =	stream.indirect_vreg.gather [hbm4b:s5+s2], $0x80, v3, vm1, $0xb8;
	[tilespmem:$0x18400] =	vst v63  }
0x25: {  	v3 =	vld [tilespmem:$0x10];
	_ =	sdelay $0x4  }
0x26: {  	v57 =	vshrl.u32 v3, $0x3  }
0x27: {  	v4 =	vmul.u32 $0x18, v57  }
0x28: {  	v3 =	vand.u32 $0x7, v3  }
0x29: {  	v3 =	vor.u32 v3, v4  }
0x2a: {  	v4 =	vperm.xlane v3, v0;
	_ =	sdelay $0x1  }
0x2b: {  	v4 =	vadd.s32 v1, v4;
	_ =	sdelay $0x1  }
0x2c: {  	v3 =	vperm.xlane v3, v2;
	_ =	sdelay $0x1  }
0x2d: {  	s8 =	simm.s32 $0x1C00;
	v3 =	vadd.s32 v1, v3  }
0x2e: {  	[tilespmem:s8], [sflag:$0x1] =	stream.indirect_vreg.gather [hbm4b:s4+s2], $0x80, v4, vm0, $0xb8;
	[tilespmem:$0x18400] =	vst v63  }
0x2f: {  	s9 =	simm.s32 $0x2400  }
0x30: {  	[tilespmem:s9], [sflag:$0x1] =	stream.indirect_vreg.gather [hbm4b:s5+s2], $0x80, v4, vm1, $0xb8;
	[tilespmem:$0x18400] =	vst v63  }
0x31: {  	s10 =	simm.s32 $0x2800  }
0x32: {  	[tilespmem:s10], [sflag:$0x1] =	stream.indirect_vreg.gather [hbm4b:s4+s2], $0x80, v3, vm0, $0xb8;
	[tilespmem:$0x18400] =	vst v63  }
0x33: {  	s11 =	simm.s32 $0x3000  }
0x34: {  	[tilespmem:s11], [sflag:$0x1] =	stream.indirect_vreg.gather [hbm4b:s5+s2], $0x80, v3, vm1, $0xb8;
	[tilespmem:$0x18400] =	vst v63  }
0x35: {  	v3 =	vld [tilespmem:$0x20];
	_ =	sdelay $0x4  }
0x36: {  	v58 =	vshrl.u32 v3, $0x3  }
0x37: {  	v4 =	vmul.u32 $0x18, v58  }
0x38: {  	v3 =	vand.u32 $0x7, v3  }
0x39: {  	v3 =	vor.u32 v3, v4  }
0x3a: {  	v4 =	vperm.xlane v3, v0;
	_ =	sdelay $0x1  }
0x3b: {  	v4 =	vadd.s32 v1, v4;
	_ =	sdelay $0x1  }
0x3c: {  	v3 =	vperm.xlane v3, v2;
	_ =	sdelay $0x1  }
0x3d: {  	s13 =	simm.s32 $0x3400;
	v3 =	vadd.s32 v1, v3  }
0x3e: {  	[tilespmem:s13], [sflag:$0x1] =	stream.indirect_vreg.gather [hbm4b:s4+s2], $0x80, v4, vm0, $0xb8;
	[tilespmem:$0x18400] =	vst v63  }
0x3f: {  	s15 =	simm.s32 $0x3C00  }
0x40: {  	[tilespmem:s15], [sflag:$0x1] =	stream.indirect_vreg.gather [hbm4b:s5+s2], $0x80, v4, vm1, $0xb8;
	[tilespmem:$0x18400] =	vst v63  }
0x41: {  	s16 =	simm.s32 $0x4000  }
0x42: {  	[tilespmem:s16], [sflag:$0x1] =	stream.indirect_vreg.gather [hbm4b:s4+s2], $0x80, v3, vm0, $0xb8;
	[tilespmem:$0x18400] =	vst v63  }
0x43: {  	s17 =	simm.s32 $0x4800  }
0x44: {  	[tilespmem:s17], [sflag:$0x1] =	stream.indirect_vreg.gather [hbm4b:s5+s2], $0x80, v3, vm1, $0xb8;
	[tilespmem:$0x18400] =	vst v63  }
0x45: {  	v3 =	vld [tilespmem:$0x30];
	_ =	sdelay $0x4  }
0x46: {  	v59 =	vshrl.u32 v3, $0x3  }
0x47: {  	v4 =	vmul.u32 $0x18, v59  }
0x48: {  	v3 =	vand.u32 $0x7, v3  }
0x49: {  	v3 =	vor.u32 v3, v4  }
0x4a: {  	v4 =	vperm.xlane v3, v0;
	_ =	sdelay $0x1  }
0x4b: {  	v4 =	vadd.s32 v1, v4;
	_ =	sdelay $0x1  }
0x4c: {  	v3 =	vperm.xlane v3, v2;
	_ =	sdelay $0x1  }
0x4d: {  	s18 =	simm.s32 $0x4C00;
	v3 =	vadd.s32 v1, v3  }
0x4e: {  	[tilespmem:s18], [sflag:$0x1] =	stream.indirect_vreg.gather [hbm4b:s4+s2], $0x80, v4, vm0, $0xb8;
	[tilespmem:$0x18400] =	vst v63  }
0x4f: {  	s19 =	simm.s32 $0x5400  }
0x50: {  	[tilespmem:s19], [sflag:$0x1] =	stream.indirect_vreg.gather [hbm4b:s5+s2], $0x80, v4, vm1, $0xb8;
	[tilespmem:$0x18400] =	vst v63  }
0x51: {  	s20 =	simm.s32 $0x5800  }
0x52: {  	[tilespmem:s20], [sflag:$0x1] =	stream.indirect_vreg.gather [hbm4b:s4+s2], $0x80, v3, vm0, $0xb8;
	[tilespmem:$0x18400] =	vst v63  }
0x53: {  	s21 =	simm.s32 $0x6000  }
0x54: {  	[tilespmem:s21], [sflag:$0x1] =	stream.indirect_vreg.gather [hbm4b:s5+s2], $0x80, v3, vm1, $0xb8;
	[tilespmem:$0x18400] =	vst v63  }
0x55: {  	v3 =	vld [tilespmem:$0x40];
	_ =	sdelay $0x4  }
0x56: {  	v60 =	vshrl.u32 v3, $0x3  }
0x57: {  	v4 =	vmul.u32 $0x18, v60  }
0x58: {  	v3 =	vand.u32 $0x7, v3  }
0x59: {  	v3 =	vor.u32 v3, v4  }
0x5a: {  	v4 =	vperm.xlane v3, v0;
	_ =	sdelay $0x1  }
0x5b: {  	v4 =	vadd.s32 v1, v4;
	_ =	sdelay $0x1  }
0x5c: {  	v3 =	vperm.xlane v3, v2;
	_ =	sdelay $0x1  }
0x5d: {  	s22 =	simm.s32 $0x6400;
	v3 =	vadd.s32 v1, v3  }
0x5e: {  	[tilespmem:s22], [sflag:$0x1] =	stream.indirect_vreg.gather [hbm4b:s4+s2], $0x80, v4, vm0, $0xb8;
	[tilespmem:$0x18400] =	vst v63  }
0x5f: {  	s26 =	simm.s32 $0x6C00  }
0x60: {  	[tilespmem:s26], [sflag:$0x1] =	stream.indirect_vreg.gather [hbm4b:s5+s2], $0x80, v4, vm1, $0xb8;
	[tilespmem:$0x18400] =	vst v63  }
0x61: {  	s28 =	simm.s32 $0x7000  }
0x62: {  	[tilespmem:s28], [sflag:$0x1] =	stream.indirect_vreg.gather [hbm4b:s4+s2], $0x80, v3, vm0, $0xb8;
	[tilespmem:$0x18400] =	vst v63  }
0x63: {  	s29 =	simm.s32 $0x7800  }
0x64: {  	[tilespmem:s29], [sflag:$0x1] =	stream.indirect_vreg.gather [hbm4b:s5+s2], $0x80, v3, vm1, $0xb8;
	[tilespmem:$0x18400] =	vst v63  }
0x65: {  	v3 =	vld [tilespmem:$0x50];
	_ =	sdelay $0x4  }
0x66: {  	v61 =	vshrl.u32 v3, $0x3  }
0x67: {  	v4 =	vmul.u32 $0x18, v61  }
0x68: {  	v3 =	vand.u32 $0x7, v3  }
0x69: {  	v3 =	vor.u32 v3, v4  }
0x6a: {  	v4 =	vperm.xlane v3, v0;
	_ =	sdelay $0x1  }
0x6b: {  	v4 =	vadd.s32 v1, v4;
	_ =	sdelay $0x1  }
0x6c: {  	v3 =	vperm.xlane v3, v2;
	_ =	sdelay $0x1  }
0x6d: {  	s30 =	simm.s32 $0x7C00;
	v3 =	vadd.s32 v1, v3  }
0x6e: {  	[tilespmem:s30], [sflag:$0x1] =	stream.indirect_vreg.gather [hbm4b:s4+s2], $0x80, v4, vm0, $0xb8;
	[tilespmem:$0x18400] =	vst v63  }
0x6f: {  	s31 =	simm.s32 $0x8400  }
0x70: {  	[tilespmem:s31], [sflag:$0x1] =	stream.indirect_vreg.gather [hbm4b:s5+s2], $0x80, v4, vm1, $0xb8;
	[tilespmem:$0x18400] =	vst v63  }
0x71: {  	s3 =	simm.s32 $0x8800  }
0x72: {  	[tilespmem:s3], [sflag:$0x1] =	stream.indirect_vreg.gather [hbm4b:s4+s2], $0x80, v3, vm0, $0xb8;
	[tilespmem:$0x18400] =	vst v63  }
0x73: {  	s11 =	simm.s32 $0x9000  }
0x74: {  	[tilespmem:s11], [sflag:$0x1] =	stream.indirect_vreg.gather [hbm4b:s5+s2], $0x80, v3, vm1, $0xb8;
	[tilespmem:$0x18400] =	vst v63  }
0x75: {  	v3 =	vld [tilespmem:$0x60];
	_ =	sdelay $0x4  }
0x76: {  	v62 =	vshrl.u32 v3, $0x3  }
0x77: {  	v4 =	vmul.u32 $0x18, v62  }
0x78: {  	v3 =	vand.u32 $0x7, v3  }
0x79: {  	v3 =	vor.u32 v3, v4  }
0x7a: {  	v4 =	vperm.xlane v3, v0;
	_ =	sdelay $0x1  }
0x7b: {  	v4 =	vadd.s32 v1, v4;
	_ =	sdelay $0x1  }
0x7c: {  	v3 =	vperm.xlane v3, v2;
	_ =	sdelay $0x1  }
0x7d: {  	s13 =	simm.s32 $0x9400;
	v3 =	vadd.s32 v1, v3  }
0x7e: {  	[tilespmem:s13], [sflag:$0x1] =	stream.indirect_vreg.gather [hbm4b:s4+s2], $0x80, v4, vm0, $0xb8;
	[tilespmem:$0x18400] =	vst v63  }
0x7f: {  	s15 =	simm.s32 $0x9C00  }
0x80: {  	[tilespmem:s15], [sflag:$0x1] =	stream.indirect_vreg.gather [hbm4b:s5+s2], $0x80, v4, vm1, $0xb8;
	[tilespmem:$0x18400] =	vst v63  }
0x81: {  	s16 =	simm.s32 $0xA000  }
0x82: {  	[tilespmem:s16], [sflag:$0x1] =	stream.indirect_vreg.gather [hbm4b:s4+s2], $0x80, v3, vm0, $0xb8;
	[tilespmem:$0x18400] =	vst v63  }
0x83: {  	s17 =	simm.s32 $0xA800  }
0x84: {  	[tilespmem:s17], [sflag:$0x1] =	stream.indirect_vreg.gather [hbm4b:s5+s2], $0x80, v3, vm1, $0xb8;
	[tilespmem:$0x18400] =	vst v63  }
0x85: {  	v3 =	vld [tilespmem:$0x70];
	_ =	sdelay $0x4  }
0x86: {  	v63 =	vshrl.u32 v3, $0x3  }
0x87: {  	v4 =	vmul.u32 $0x18, v63  }
0x88: {  	v3 =	vand.u32 $0x7, v3  }
0x89: {  	v3 =	vor.u32 v3, v4  }
0x8a: {  	v4 =	vperm.xlane v3, v0;
	_ =	sdelay $0x1  }
0x8b: {  	v4 =	vadd.s32 v1, v4;
	_ =	sdelay $0x1  }
0x8c: {  	v3 =	vperm.xlane v3, v2;
	_ =	sdelay $0x1  }
0x8d: {  	s18 =	simm.s32 $0xAC00;
	v3 =	vadd.s32 v1, v3  }
0x8e: {  	[tilespmem:s18], [sflag:$0x1] =	stream.indirect_vreg.gather [hbm4b:s4+s2], $0x80, v4, vm0, $0xb8;
	[tilespmem:$0x18400] =	vst v63  }
0x8f: {  	s19 =	simm.s32 $0xB400  }
0x90: {  	[tilespmem:s19], [sflag:$0x1] =	stream.indirect_vreg.gather [hbm4b:s5+s2], $0x80, v4, vm1, $0xb8;
	[tilespmem:$0x18400] =	vst v63  }
0x91: {  	s20 =	simm.s32 $0xB800  }
0x92: {  	[tilespmem:s20], [sflag:$0x1] =	stream.indirect_vreg.gather [hbm4b:s4+s2], $0x80, v3, vm0, $0xb8;
	[tilespmem:$0x18400] =	vst v63  }
0x93: {  	s21 =	simm.s32 $0xC000  }
0x94: {  	[tilespmem:s21], [sflag:$0x1] =	stream.indirect_vreg.gather [hbm4b:s5+s2], $0x80, v3, vm1, $0xb8;
	[tilespmem:$0x18400] =	vst v63  }
0x95: {  	_ =	swait.ge [sflag:s14], $0xC000  }
0x96: {  	[sflag:s14] =	ssyncset.done $0x0  }
0x97: {  	s0 =	simm.s32 $0x400;
	s22 =	rddreg [dreg:$0xa];
	[sflag:s14] =	ssyncadd.s32 $0xFFFF4000  }
0x98: {  	[hbm4b:s22+s2] =	stream.linear.scatter [tilespmem:s0], [sflag:$0x3], $0xC000, $0x38;
	[tilespmem:$0x18400] =	vst v63  }
0x99: {  	v3 =	vld [tilespmem:$0x80];
	_ =	sdelay $0x4  }
0x9a: {  	v8 =	vshrl.u32 v3, $0x3  }
0x9b: {  	v4 =	vmul.u32 $0x18, v8  }
0x9c: {  	v3 =	vand.u32 $0x7, v3  }
0x9d: {  	v3 =	vor.u32 v3, v4  }
0x9e: {  	v4 =	vperm.xlane v3, v0;
	_ =	sdelay $0x1  }
0x9f: {  	v4 =	vadd.s32 v1, v4;
	_ =	sdelay $0x1  }
0xa0: {  	v3 =	vperm.xlane v3, v2;
	_ =	sdelay $0x1  }
0xa1: {  	s28 =	simm.s32 $0xC400;
	v3 =	vadd.s32 v1, v3  }
0xa2: {  	[tilespmem:s28], [sflag:$0x2] =	stream.indirect_vreg.gather [hbm4b:s4+s2], $0x80, v4, vm0, $0xb8;
	[tilespmem:$0x18400] =	vst v63  }
0xa3: {  	s29 =	simm.s32 $0xCC00  }
0xa4: {  	[tilespmem:s29], [sflag:$0x2] =	stream.indirect_vreg.gather [hbm4b:s5+s2], $0x80, v4, vm1, $0xb8;
	[tilespmem:$0x18400] =	vst v63  }
0xa5: {  	s30 =	simm.s32 $0xD000  }
0xa6: {  	[tilespmem:s30], [sflag:$0x2] =	stream.indirect_vreg.gather [hbm4b:s4+s2], $0x80, v3, vm0, $0xb8;
	[tilespmem:$0x18400] =	vst v63  }
0xa7: {  	s31 =	simm.s32 $0xD800  }
0xa8: {  	[tilespmem:s31], [sflag:$0x2] =	stream.indirect_vreg.gather [hbm4b:s5+s2], $0x80, v3, vm1, $0xb8;
	[tilespmem:$0x18400] =	vst v63  }
0xa9: {  	v3 =	vld [tilespmem:$0x90];
	_ =	sdelay $0x4  }
0xaa: {  	v9 =	vshrl.u32 v3, $0x3  }
0xab: {  	v4 =	vmul.u32 $0x18, v9  }
0xac: {  	v3 =	vand.u32 $0x7, v3  }
0xad: {  	v3 =	vor.u32 v3, v4  }
0xae: {  	v4 =	vperm.xlane v3, v0;
	_ =	sdelay $0x1  }
0xaf: {  	v4 =	vadd.s32 v1, v4;
	_ =	sdelay $0x1  }
0xb0: {  	v3 =	vperm.xlane v3, v2;
	_ =	sdelay $0x1  }
0xb1: {  	s3 =	simm.s32 $0xDC00;
	v3 =	vadd.s32 v1, v3  }
0xb2: {  	[tilespmem:s3], [sflag:$0x2] =	stream.indirect_vreg.gather [hbm4b:s4+s2], $0x80, v4, vm0, $0xb8;
	[tilespmem:$0x18400] =	vst v63  }
0xb3: {  	s13 =	simm.s32 $0xE400  }
0xb4: {  	[tilespmem:s13], [sflag:$0x2] =	stream.indirect_vreg.gather [hbm4b:s5+s2], $0x80, v4, vm1, $0xb8;
	[tilespmem:$0x18400] =	vst v63  }
0xb5: {  	s15 =	simm.s32 $0xE800  }
0xb6: {  	[tilespmem:s15], [sflag:$0x2] =	stream.indirect_vreg.gather [hbm4b:s4+s2], $0x80, v3, vm0, $0xb8;
	[tilespmem:$0x18400] =	vst v63  }
0xb7: {  	s16 =	simm.s32 $0xF000  }
0xb8: {  	[tilespmem:s16], [sflag:$0x2] =	stream.indirect_vreg.gather [hbm4b:s5+s2], $0x80, v3, vm1, $0xb8;
	[tilespmem:$0x18400] =	vst v63  }
0xb9: {  	v3 =	vld [tilespmem:$0xA0];
	_ =	sdelay $0x4  }
0xba: {  	v10 =	vshrl.u32 v3, $0x3  }
0xbb: {  	v4 =	vmul.u32 $0x18, v10  }
0xbc: {  	v3 =	vand.u32 $0x7, v3  }
0xbd: {  	v3 =	vor.u32 v3, v4  }
0xbe: {  	v4 =	vperm.xlane v3, v0;
	_ =	sdelay $0x1  }
0xbf: {  	v4 =	vadd.s32 v1, v4;
	_ =	sdelay $0x1  }
0xc0: {  	v3 =	vperm.xlane v3, v2;
	_ =	sdelay $0x1  }
0xc1: {  	s17 =	simm.s32 $0xF400;
	v3 =	vadd.s32 v1, v3  }
0xc2: {  	[tilespmem:s17], [sflag:$0x2] =	stream.indirect_vreg.gather [hbm4b:s4+s2], $0x80, v4, vm0, $0xb8;
	[tilespmem:$0x18400] =	vst v63  }
0xc3: {  	s18 =	simm.s32 $0xFC00  }
0xc4: {  	[tilespmem:s18], [sflag:$0x2] =	stream.indirect_vreg.gather [hbm4b:s5+s2], $0x80, v4, vm1, $0xb8;
	[tilespmem:$0x18400] =	vst v63  }
0xc5: {  	s19 =	simm.s32 $0x10000  }
0xc6: {  	[tilespmem:s19], [sflag:$0x2] =	stream.indirect_vreg.gather [hbm4b:s4+s2], $0x80, v3, vm0, $0xb8;
	[tilespmem:$0x18400] =	vst v63  }
0xc7: {  	s20 =	simm.s32 $0x10800  }
0xc8: {  	[tilespmem:s20], [sflag:$0x2] =	stream.indirect_vreg.gather [hbm4b:s5+s2], $0x80, v3, vm1, $0xb8;
	[tilespmem:$0x18400] =	vst v63  }
0xc9: {  	v3 =	vld [tilespmem:$0xB0];
	_ =	sdelay $0x4  }
0xca: {  	v11 =	vshrl.u32 v3, $0x3  }
0xcb: {  	v4 =	vmul.u32 $0x18, v11  }
0xcc: {  	v3 =	vand.u32 $0x7, v3  }
0xcd: {  	v3 =	vor.u32 v3, v4  }
0xce: {  	v4 =	vperm.xlane v3, v0;
	_ =	sdelay $0x1  }
0xcf: {  	v4 =	vadd.s32 v1, v4;
	_ =	sdelay $0x1  }
0xd0: {  	v3 =	vperm.xlane v3, v2;
	_ =	sdelay $0x1  }
0xd1: {  	s21 =	simm.s32 $0x10C00;
	v3 =	vadd.s32 v1, v3  }
0xd2: {  	[tilespmem:s21], [sflag:$0x2] =	stream.indirect_vreg.gather [hbm4b:s4+s2], $0x80, v4, vm0, $0xb8;
	[tilespmem:$0x18400] =	vst v63  }
0xd3: {  	s22 =	simm.s32 $0x11400  }
0xd4: {  	[tilespmem:s22], [sflag:$0x2] =	stream.indirect_vreg.gather [hbm4b:s5+s2], $0x80, v4, vm1, $0xb8;
	[tilespmem:$0x18400] =	vst v63  }
0xd5: {  	s28 =	simm.s32 $0x11800  }
0xd6: {  	[tilespmem:s28], [sflag:$0x2] =	stream.indirect_vreg.gather [hbm4b:s4+s2], $0x80, v3, vm0, $0xb8;
	[tilespmem:$0x18400] =	vst v63  }
0xd7: {  	s29 =	simm.s32 $0x12000  }
0xd8: {  	[tilespmem:s29], [sflag:$0x2] =	stream.indirect_vreg.gather [hbm4b:s5+s2], $0x80, v3, vm1, $0xb8;
	[tilespmem:$0x18400] =	vst v63  }
0xd9: {  	v3 =	vld [tilespmem:$0xC0];
	_ =	sdelay $0x4  }
0xda: {  	v12 =	vshrl.u32 v3, $0x3  }
0xdb: {  	v4 =	vmul.u32 $0x18, v12  }
0xdc: {  	v3 =	vand.u32 $0x7, v3  }
0xdd: {  	v3 =	vor.u32 v3, v4  }
0xde: {  	v4 =	vperm.xlane v3, v0;
	_ =	sdelay $0x1  }
0xdf: {  	v4 =	vadd.s32 v1, v4;
	_ =	sdelay $0x1  }
0xe0: {  	v3 =	vperm.xlane v3, v2;
	_ =	sdelay $0x1  }
0xe1: {  	s30 =	simm.s32 $0x12400;
	v3 =	vadd.s32 v1, v3  }
0xe2: {  	[tilespmem:s30], [sflag:$0x2] =	stream.indirect_vreg.gather [hbm4b:s4+s2], $0x80, v4, vm0, $0xb8;
	[tilespmem:$0x18400] =	vst v63  }
0xe3: {  	s31 =	simm.s32 $0x12C00  }
0xe4: {  	[tilespmem:s31], [sflag:$0x2] =	stream.indirect_vreg.gather [hbm4b:s5+s2], $0x80, v4, vm1, $0xb8;
	[tilespmem:$0x18400] =	vst v63  }
0xe5: {  	s3 =	simm.s32 $0x13000  }
0xe6: {  	[tilespmem:s3], [sflag:$0x2] =	stream.indirect_vreg.gather [hbm4b:s4+s2], $0x80, v3, vm0, $0xb8;
	[tilespmem:$0x18400] =	vst v63  }
0xe7: {  	s13 =	simm.s32 $0x13800  }
0xe8: {  	[tilespmem:s13], [sflag:$0x2] =	stream.indirect_vreg.gather [hbm4b:s5+s2], $0x80, v3, vm1, $0xb8;
	[tilespmem:$0x18400] =	vst v63  }
0xe9: {  	v3 =	vld [tilespmem:$0xD0];
	_ =	sdelay $0x4  }
0xea: {  	v13 =	vshrl.u32 v3, $0x3  }
0xeb: {  	v4 =	vmul.u32 $0x18, v13  }
0xec: {  	v3 =	vand.u32 $0x7, v3  }
0xed: {  	v3 =	vor.u32 v3, v4  }
0xee: {  	v4 =	vperm.xlane v3, v0;
	_ =	sdelay $0x1  }
0xef: {  	v4 =	vadd.s32 v1, v4;
	_ =	sdelay $0x1  }
0xf0: {  	v3 =	vperm.xlane v3, v2;
	_ =	sdelay $0x1  }
0xf1: {  	s15 =	simm.s32 $0x13C00;
	v3 =	vadd.s32 v1, v3  }
0xf2: {  	[tilespmem:s15], [sflag:$0x2] =	stream.indirect_vreg.gather [hbm4b:s4+s2], $0x80, v4, vm0, $0xb8;
	[tilespmem:$0x18400] =	vst v63  }
0xf3: {  	s16 =	simm.s32 $0x14400  }
0xf4: {  	[tilespmem:s16], [sflag:$0x2] =	stream.indirect_vreg.gather [hbm4b:s5+s2], $0x80, v4, vm1, $0xb8;
	[tilespmem:$0x18400] =	vst v63  }
0xf5: {  	s17 =	simm.s32 $0x14800  }
0xf6: {  	[tilespmem:s17], [sflag:$0x2] =	stream.indirect_vreg.gather [hbm4b:s4+s2], $0x80, v3, vm0, $0xb8;
	[tilespmem:$0x18400] =	vst v63  }
0xf7: {  	s18 =	simm.s32 $0x15000  }
0xf8: {  	[tilespmem:s18], [sflag:$0x2] =	stream.indirect_vreg.gather [hbm4b:s5+s2], $0x80, v3, vm1, $0xb8;
	[tilespmem:$0x18400] =	vst v63  }
0xf9: {  	v3 =	vld [tilespmem:$0xE0];
	_ =	sdelay $0x4  }
0xfa: {  	v14 =	vshrl.u32 v3, $0x3  }
0xfb: {  	v4 =	vmul.u32 $0x18, v14  }
0xfc: {  	v3 =	vand.u32 $0x7, v3  }
0xfd: {  	v3 =	vor.u32 v3, v4  }
0xfe: {  	v4 =	vperm.xlane v3, v0;
	_ =	sdelay $0x1  }
0xff: {  	v4 =	vadd.s32 v1, v4;
	_ =	sdelay $0x1  }
0x100: {  	v3 =	vperm.xlane v3, v2;
	_ =	sdelay $0x1  }
0x101: {  	s19 =	simm.s32 $0x15400;
	v3 =	vadd.s32 v1, v3  }
0x102: {  	[tilespmem:s19], [sflag:$0x2] =	stream.indirect_vreg.gather [hbm4b:s4+s2], $0x80, v4, vm0, $0xb8;
	[tilespmem:$0x18400] =	vst v63  }
0x103: {  	s20 =	simm.s32 $0x15C00  }
0x104: {  	[tilespmem:s20], [sflag:$0x2] =	stream.indirect_vreg.gather [hbm4b:s5+s2], $0x80, v4, vm1, $0xb8;
	[tilespmem:$0x18400] =	vst v63  }
0x105: {  	s21 =	simm.s32 $0x16000  }
0x106: {  	[tilespmem:s21], [sflag:$0x2] =	stream.indirect_vreg.gather [hbm4b:s4+s2], $0x80, v3, vm0, $0xb8;
	[tilespmem:$0x18400] =	vst v63  }
0x107: {  	s22 =	simm.s32 $0x16800  }
0x108: {  	[tilespmem:s22], [sflag:$0x2] =	stream.indirect_vreg.gather [hbm4b:s5+s2], $0x80, v3, vm1, $0xb8;
	[tilespmem:$0x18400] =	vst v63  }
0x109: {  	v3 =	vld [tilespmem:$0xF0];
	_ =	sdelay $0x4  }
0x10a: {  	v15 =	vshrl.u32 v3, $0x3  }
0x10b: {  	v4 =	vmul.u32 $0x18, v15  }
0x10c: {  	v3 =	vand.u32 $0x7, v3  }
0x10d: {  	v3 =	vor.u32 v3, v4  }
0x10e: {  	v4 =	vperm.xlane v3, v0;
	_ =	sdelay $0x1  }
0x10f: {  	v4 =	vadd.s32 v1, v4;
	_ =	sdelay $0x1  }
0x110: {  	v3 =	vperm.xlane v3, v2;
	_ =	sdelay $0x1  }
0x111: {  	s28 =	simm.s32 $0x16C00;
	v3 =	vadd.s32 v1, v3  }
0x112: {  	[tilespmem:s28], [sflag:$0x2] =	stream.indirect_vreg.gather [hbm4b:s4+s2], $0x80, v4, vm0, $0xb8;
	[tilespmem:$0x18400] =	vst v63  }
0x113: {  	s29 =	simm.s32 $0x17400  }
0x114: {  	[tilespmem:s29], [sflag:$0x2] =	stream.indirect_vreg.gather [hbm4b:s5+s2], $0x80, v4, vm1, $0xb8;
	[tilespmem:$0x18400] =	vst v63  }
0x115: {  	s30 =	simm.s32 $0x17800  }
0x116: {  	[tilespmem:s30], [sflag:$0x2] =	stream.indirect_vreg.gather [hbm4b:s4+s2], $0x80, v3, vm0, $0xb8;
	[tilespmem:$0x18400] =	vst v63  }
0x117: {  	s31 =	simm.s32 $0x18000  }
0x118: {  	[tilespmem:s31], [sflag:$0x2] =	stream.indirect_vreg.gather [hbm4b:s5+s2], $0x80, v3, vm1, $0xb8;
	[tilespmem:$0x18400] =	vst v63  }
0x119: {  	_ =	swait.ge [sflag:s23], $0xC000  }
0x11a: {  	[sflag:s23] =	ssyncset.done $0x0  }
0x11b: {  	s1 =	simm.s32 $0xC400;
	s3 =	rddreg [dreg:$0x3];
	[sflag:s23] =	ssyncadd.s32 $0xFFFF4000  }
0x11c: {  	[hbm4b:s3+s2] =	stream.linear.scatter [tilespmem:s1], [sflag:$0x4], $0xC000, $0x38;
	[tilespmem:$0x18400] =	vst v63  }
0x11d: {  	_ =	swait.ge [sflag:s24], $0xC000  }
0x11e: {  	[sflag:s24] =	ssyncset.done $0x0  }
0x11f: {  	[sflag:s24] =	ssyncadd.s32 $0xFFFF4000  }
0x120: {  	v3 =	vld [tilespmem:$0x100];
	_ =	sdelay $0x4  }
0x121: {  	v16 =	vshrl.u32 v3, $0x3  }
0x122: {  	v4 =	vmul.u32 $0x18, v16  }
0x123: {  	v3 =	vand.u32 $0x7, v3  }
0x124: {  	v3 =	vor.u32 v3, v4  }
0x125: {  	v4 =	vperm.xlane v3, v0;
	_ =	sdelay $0x1  }
0x126: {  	v4 =	vadd.s32 v1, v4;
	_ =	sdelay $0x1  }
0x127: {  	v3 =	vperm.xlane v3, v2;
	_ =	sdelay $0x1  }
0x128: {  	s0 =	simm.s32 $0x400;
	v3 =	vadd.s32 v1, v3  }
0x129: {  	[tilespmem:s0], [sflag:$0x1] =	stream.indirect_vreg.gather [hbm4b:s4+s2], $0x80, v4, vm0, $0xb8;
	[tilespmem:$0x18400] =	vst v63  }
0x12a: {  	s15 =	simm.s32 $0xC00  }
0x12b: {  	[tilespmem:s15], [sflag:$0x1] =	stream.indirect_vreg.gather [hbm4b:s5+s2], $0x80, v4, vm1, $0xb8;
	[tilespmem:$0x18400] =	vst v63  }
0x12c: {  	s13 =	simm.s32 $0x1000  }
0x12d: {  	[tilespmem:s13], [sflag:$0x1] =	stream.indirect_vreg.gather [hbm4b:s4+s2], $0x80, v3, vm0, $0xb8;
	[tilespmem:$0x18400] =	vst v63  }
0x12e: {  	s12 =	simm.s32 $0x1800  }
0x12f: {  	[tilespmem:s12], [sflag:$0x1] =	stream.indirect_vreg.gather [hbm4b:s5+s2], $0x80, v3, vm1, $0xb8;
	[tilespmem:$0x18400] =	vst v63  }
0x130: {  	v3 =	vld [tilespmem:$0x110];
	_ =	sdelay $0x4  }
0x131: {  	v17 =	vshrl.u32 v3, $0x3  }
0x132: {  	v4 =	vmul.u32 $0x18, v17  }
0x133: {  	v3 =	vand.u32 $0x7, v3  }
0x134: {  	v3 =	vor.u32 v3, v4  }
0x135: {  	v4 =	vperm.xlane v3, v0;
	_ =	sdelay $0x1  }
0x136: {  	v4 =	vadd.s32 v1, v4;
	_ =	sdelay $0x1  }
0x137: {  	v3 =	vperm.xlane v3, v2;
	_ =	sdelay $0x1  }
0x138: {  	s16 =	simm.s32 $0x1C00;
	v3 =	vadd.s32 v1, v3  }
0x139: {  	[tilespmem:s16], [sflag:$0x1] =	stream.indirect_vreg.gather [hbm4b:s4+s2], $0x80, v4, vm0, $0xb8;
	[tilespmem:$0x18400] =	vst v63  }
0x13a: {  	s17 =	simm.s32 $0x2400  }
0x13b: {  	[tilespmem:s17], [sflag:$0x1] =	stream.indirect_vreg.gather [hbm4b:s5+s2], $0x80, v4, vm1, $0xb8;
	[tilespmem:$0x18400] =	vst v63  }
0x13c: {  	s18 =	simm.s32 $0x2800  }
0x13d: {  	[tilespmem:s18], [sflag:$0x1] =	stream.indirect_vreg.gather [hbm4b:s4+s2], $0x80, v3, vm0, $0xb8;
	[tilespmem:$0x18400] =	vst v63  }
0x13e: {  	s7 =	simm.s32 $0x3000  }
0x13f: {  	[tilespmem:s7], [sflag:$0x1] =	stream.indirect_vreg.gather [hbm4b:s5+s2], $0x80, v3, vm1, $0xb8;
	[tilespmem:$0x18400] =	vst v63  }
0x140: {  	v3 =	vld [tilespmem:$0x120];
	_ =	sdelay $0x4  }
0x141: {  	v18 =	vshrl.u32 v3, $0x3  }
0x142: {  	v4 =	vmul.u32 $0x18, v18  }
0x143: {  	v3 =	vand.u32 $0x7, v3  }
0x144: {  	v3 =	vor.u32 v3, v4  }
0x145: {  	v4 =	vperm.xlane v3, v0;
	_ =	sdelay $0x1  }
0x146: {  	v4 =	vadd.s32 v1, v4;
	_ =	sdelay $0x1  }
0x147: {  	v3 =	vperm.xlane v3, v2;
	_ =	sdelay $0x1  }
0x148: {  	s19 =	simm.s32 $0x3400;
	v3 =	vadd.s32 v1, v3  }
0x149: {  	[tilespmem:s19], [sflag:$0x1] =	stream.indirect_vreg.gather [hbm4b:s4+s2], $0x80, v4, vm0, $0xb8;
	[tilespmem:$0x18400] =	vst v63  }
0x14a: {  	s20 =	simm.s32 $0x3C00  }
0x14b: {  	[tilespmem:s20], [sflag:$0x1] =	stream.indirect_vreg.gather [hbm4b:s5+s2], $0x80, v4, vm1, $0xb8;
	[tilespmem:$0x18400] =	vst v63  }
0x14c: {  	s21 =	simm.s32 $0x4000  }
0x14d: {  	[tilespmem:s21], [sflag:$0x1] =	stream.indirect_vreg.gather [hbm4b:s4+s2], $0x80, v3, vm0, $0xb8;
	[tilespmem:$0x18400] =	vst v63  }
0x14e: {  	s8 =	simm.s32 $0x4800  }
0x14f: {  	[tilespmem:s8], [sflag:$0x1] =	stream.indirect_vreg.gather [hbm4b:s5+s2], $0x80, v3, vm1, $0xb8;
	[tilespmem:$0x18400] =	vst v63  }
0x150: {  	v3 =	vld [tilespmem:$0x130];
	_ =	sdelay $0x4  }
0x151: {  	v19 =	vshrl.u32 v3, $0x3  }
0x152: {  	v4 =	vmul.u32 $0x18, v19  }
0x153: {  	v3 =	vand.u32 $0x7, v3  }
0x154: {  	v3 =	vor.u32 v3, v4  }
0x155: {  	v4 =	vperm.xlane v3, v0;
	_ =	sdelay $0x1  }
0x156: {  	v4 =	vadd.s32 v1, v4;
	_ =	sdelay $0x1  }
0x157: {  	v3 =	vperm.xlane v3, v2;
	_ =	sdelay $0x1  }
0x158: {  	s22 =	simm.s32 $0x4C00;
	v3 =	vadd.s32 v1, v3  }
0x159: {  	[tilespmem:s22], [sflag:$0x1] =	stream.indirect_vreg.gather [hbm4b:s4+s2], $0x80, v4, vm0, $0xb8;
	[tilespmem:$0x18400] =	vst v63  }
0x15a: {  	s28 =	simm.s32 $0x5400  }
0x15b: {  	[tilespmem:s28], [sflag:$0x1] =	stream.indirect_vreg.gather [hbm4b:s5+s2], $0x80, v4, vm1, $0xb8;
	[tilespmem:$0x18400] =	vst v63  }
0x15c: {  	s29 =	simm.s32 $0x5800  }
0x15d: {  	[tilespmem:s29], [sflag:$0x1] =	stream.indirect_vreg.gather [hbm4b:s4+s2], $0x80, v3, vm0, $0xb8;
	[tilespmem:$0x18400] =	vst v63  }
0x15e: {  	s9 =	simm.s32 $0x6000  }
0x15f: {  	[tilespmem:s9], [sflag:$0x1] =	stream.indirect_vreg.gather [hbm4b:s5+s2], $0x80, v3, vm1, $0xb8;
	[tilespmem:$0x18400] =	vst v63  }
0x160: {  	v3 =	vld [tilespmem:$0x140];
	_ =	sdelay $0x4  }
0x161: {  	v20 =	vshrl.u32 v3, $0x3  }
0x162: {  	v4 =	vmul.u32 $0x18, v20  }
0x163: {  	v3 =	vand.u32 $0x7, v3  }
0x164: {  	v3 =	vor.u32 v3, v4  }
0x165: {  	v4 =	vperm.xlane v3, v0;
	_ =	sdelay $0x1  }
0x166: {  	v4 =	vadd.s32 v1, v4;
	_ =	sdelay $0x1  }
0x167: {  	v3 =	vperm.xlane v3, v2;
	_ =	sdelay $0x1  }
0x168: {  	s30 =	simm.s32 $0x6400;
	v3 =	vadd.s32 v1, v3  }
0x169: {  	[tilespmem:s30], [sflag:$0x1] =	stream.indirect_vreg.gather [hbm4b:s4+s2], $0x80, v4, vm0, $0xb8;
	[tilespmem:$0x18400] =	vst v63  }
0x16a: {  	s31 =	simm.s32 $0x6C00  }
0x16b: {  	[tilespmem:s31], [sflag:$0x1] =	stream.indirect_vreg.gather [hbm4b:s5+s2], $0x80, v4, vm1, $0xb8;
	[tilespmem:$0x18400] =	vst v63  }
0x16c: {  	s12 =	simm.s32 $0x7000  }
0x16d: {  	[tilespmem:s12], [sflag:$0x1] =	stream.indirect_vreg.gather [hbm4b:s4+s2], $0x80, v3, vm0, $0xb8;
	[tilespmem:$0x18400] =	vst v63  }
0x16e: {  	s10 =	simm.s32 $0x7800  }
0x16f: {  	[tilespmem:s10], [sflag:$0x1] =	stream.indirect_vreg.gather [hbm4b:s5+s2], $0x80, v3, vm1, $0xb8;
	[tilespmem:$0x18400] =	vst v63  }
0x170: {  	v3 =	vld [tilespmem:$0x150];
	_ =	sdelay $0x4  }
0x171: {  	v21 =	vshrl.u32 v3, $0x3  }
0x172: {  	v4 =	vmul.u32 $0x18, v21  }
0x173: {  	v3 =	vand.u32 $0x7, v3  }
0x174: {  	v3 =	vor.u32 v3, v4  }
0x175: {  	v4 =	vperm.xlane v3, v0;
	_ =	sdelay $0x1  }
0x176: {  	v4 =	vadd.s32 v1, v4;
	_ =	sdelay $0x1  }
0x177: {  	v3 =	vperm.xlane v3, v2;
	_ =	sdelay $0x1  }
0x178: {  	s7 =	simm.s32 $0x7C00;
	v3 =	vadd.s32 v1, v3  }
0x179: {  	[tilespmem:s7], [sflag:$0x1] =	stream.indirect_vreg.gather [hbm4b:s4+s2], $0x80, v4, vm0, $0xb8;
	[tilespmem:$0x18400] =	vst v63  }
0x17a: {  	s8 =	simm.s32 $0x8400  }
0x17b: {  	[tilespmem:s8], [sflag:$0x1] =	stream.indirect_vreg.gather [hbm4b:s5+s2], $0x80, v4, vm1, $0xb8;
	[tilespmem:$0x18400] =	vst v63  }
0x17c: {  	s9 =	simm.s32 $0x8800  }
0x17d: {  	[tilespmem:s9], [sflag:$0x1] =	stream.indirect_vreg.gather [hbm4b:s4+s2], $0x80, v3, vm0, $0xb8;
	[tilespmem:$0x18400] =	vst v63  }
0x17e: {  	s11 =	simm.s32 $0x9000  }
0x17f: {  	[tilespmem:s11], [sflag:$0x1] =	stream.indirect_vreg.gather [hbm4b:s5+s2], $0x80, v3, vm1, $0xb8;
	[tilespmem:$0x18400] =	vst v63  }
0x180: {  	v3 =	vld [tilespmem:$0x160];
	_ =	sdelay $0x4  }
0x181: {  	v22 =	vshrl.u32 v3, $0x3  }
0x182: {  	v4 =	vmul.u32 $0x18, v22  }
0x183: {  	v3 =	vand.u32 $0x7, v3  }
0x184: {  	v3 =	vor.u32 v3, v4  }
0x185: {  	v4 =	vperm.xlane v3, v0;
	_ =	sdelay $0x1  }
0x186: {  	v4 =	vadd.s32 v1, v4;
	_ =	sdelay $0x1  }
0x187: {  	v3 =	vperm.xlane v3, v2;
	_ =	sdelay $0x1  }
0x188: {  	s10 =	simm.s32 $0x9400;
	v3 =	vadd.s32 v1, v3  }
0x189: {  	[tilespmem:s10], [sflag:$0x1] =	stream.indirect_vreg.gather [hbm4b:s4+s2], $0x80, v4, vm0, $0xb8;
	[tilespmem:$0x18400] =	vst v63  }
0x18a: {  	s11 =	simm.s32 $0x9C00  }
0x18b: {  	[tilespmem:s11], [sflag:$0x1] =	stream.indirect_vreg.gather [hbm4b:s5+s2], $0x80, v4, vm1, $0xb8;
	[tilespmem:$0x18400] =	vst v63  }
0x18c: {  	s12 =	simm.s32 $0xA000  }
0x18d: {  	[tilespmem:s12], [sflag:$0x1] =	stream.indirect_vreg.gather [hbm4b:s4+s2], $0x80, v3, vm0, $0xb8;
	[tilespmem:$0x18400] =	vst v63  }
0x18e: {  	s26 =	simm.s32 $0xA800  }
0x18f: {  	[tilespmem:s26], [sflag:$0x1] =	stream.indirect_vreg.gather [hbm4b:s5+s2], $0x80, v3, vm1, $0xb8;
	[tilespmem:$0x18400] =	vst v63  }
0x190: {  	v3 =	vld [tilespmem:$0x170];
	_ =	sdelay $0x4  }
0x191: {  	v23 =	vshrl.u32 v3, $0x3  }
0x192: {  	v4 =	vmul.u32 $0x18, v23  }
0x193: {  	v3 =	vand.u32 $0x7, v3  }
0x194: {  	v3 =	vor.u32 v3, v4  }
0x195: {  	v4 =	vperm.xlane v3, v0;
	_ =	sdelay $0x1  }
0x196: {  	v4 =	vadd.s32 v1, v4;
	_ =	sdelay $0x1  }
0x197: {  	v3 =	vperm.xlane v3, v2;
	_ =	sdelay $0x1  }
0x198: {  	s0 =	simm.s32 $0xAC00;
	v3 =	vadd.s32 v1, v3  }
0x199: {  	[tilespmem:s0], [sflag:$0x1] =	stream.indirect_vreg.gather [hbm4b:s4+s2], $0x80, v4, vm0, $0xb8;
	[tilespmem:$0x18400] =	vst v63  }
0x19a: {  	s26 =	simm.s32 $0xB400  }
0x19b: {  	[tilespmem:s26], [sflag:$0x1] =	stream.indirect_vreg.gather [hbm4b:s5+s2], $0x80, v4, vm1, $0xb8;
	[tilespmem:$0x18400] =	vst v63  }
0x19c: {  	s26 =	simm.s32 $0xB800  }
0x19d: {  	[tilespmem:s26], [sflag:$0x1] =	stream.indirect_vreg.gather [hbm4b:s4+s2], $0x80, v3, vm0, $0xb8;
	[tilespmem:$0x18400] =	vst v63  }
0x19e: {  	s26 =	simm.s32 $0xC000  }
0x19f: {  	[tilespmem:s26], [sflag:$0x1] =	stream.indirect_vreg.gather [hbm4b:s5+s2], $0x80, v3, vm1, $0xb8;
	[tilespmem:$0x18400] =	vst v63  }
0x1a0: {  	_ =	swait.ge [sflag:s14], $0xC000  }
0x1a1: {  	[sflag:s14] =	ssyncset.done $0x0  }
0x1a2: {  	s3 =	simm.s32 $0x400;
	s26 =	rddreg [dreg:$0x4];
	[sflag:s14] =	ssyncadd.s32 $0xFFFF4000  }
0x1a3: {  	[hbm4b:s26+s2] =	stream.linear.scatter [tilespmem:s3], [sflag:$0x3], $0xC000, $0x38;
	[tilespmem:$0x18400] =	vst v63  }
0x1a4: {  	_ =	swait.ge [sflag:s25], $0xC000  }
0x1a5: {  	[sflag:s25] =	ssyncset.done $0x0  }
0x1a6: {  	[sflag:s25] =	ssyncadd.s32 $0xFFFF4000  }
0x1a7: {  	v3 =	vld [tilespmem:$0x180];
	_ =	sdelay $0x4  }
0x1a8: {  	v24 =	vshrl.u32 v3, $0x3  }
0x1a9: {  	v4 =	vmul.u32 $0x18, v24  }
0x1aa: {  	v3 =	vand.u32 $0x7, v3  }
0x1ab: {  	v3 =	vor.u32 v3, v4  }
0x1ac: {  	v4 =	vperm.xlane v3, v0;
	_ =	sdelay $0x1  }
0x1ad: {  	v4 =	vadd.s32 v1, v4;
	_ =	sdelay $0x1  }
0x1ae: {  	v3 =	vperm.xlane v3, v2;
	_ =	sdelay $0x1  }
0x1af: {  	s1 =	simm.s32 $0xC400;
	v3 =	vadd.s32 v1, v3  }
0x1b0: {  	[tilespmem:s1], [sflag:$0x2] =	stream.indirect_vreg.gather [hbm4b:s4+s2], $0x80, v4, vm0, $0xb8;
	[tilespmem:$0x18400] =	vst v63  }
0x1b1: {  	s26 =	simm.s32 $0xCC00  }
0x1b2: {  	[tilespmem:s26], [sflag:$0x2] =	stream.indirect_vreg.gather [hbm4b:s5+s2], $0x80, v4, vm1, $0xb8;
	[tilespmem:$0x18400] =	vst v63  }
0x1b3: {  	s26 =	simm.s32 $0xD000  }
0x1b4: {  	[tilespmem:s26], [sflag:$0x2] =	stream.indirect_vreg.gather [hbm4b:s4+s2], $0x80, v3, vm0, $0xb8;
	[tilespmem:$0x18400] =	vst v63  }
0x1b5: {  	s26 =	simm.s32 $0xD800  }
0x1b6: {  	[tilespmem:s26], [sflag:$0x2] =	stream.indirect_vreg.gather [hbm4b:s5+s2], $0x80, v3, vm1, $0xb8;
	[tilespmem:$0x18400] =	vst v63  }
0x1b7: {  	v3 =	vld [tilespmem:$0x190];
	_ =	sdelay $0x4  }
0x1b8: {  	v25 =	vshrl.u32 v3, $0x3  }
0x1b9: {  	v4 =	vmul.u32 $0x18, v25  }
0x1ba: {  	v3 =	vand.u32 $0x7, v3  }
0x1bb: {  	v3 =	vor.u32 v3, v4  }
0x1bc: {  	v4 =	vperm.xlane v3, v0;
	_ =	sdelay $0x1  }
0x1bd: {  	v4 =	vadd.s32 v1, v4;
	_ =	sdelay $0x1  }
0x1be: {  	v3 =	vperm.xlane v3, v2;
	_ =	sdelay $0x1  }
0x1bf: {  	s26 =	simm.s32 $0xDC00;
	v3 =	vadd.s32 v1, v3  }
0x1c0: {  	[tilespmem:s26], [sflag:$0x2] =	stream.indirect_vreg.gather [hbm4b:s4+s2], $0x80, v4, vm0, $0xb8;
	[tilespmem:$0x18400] =	vst v63  }
0x1c1: {  	s26 =	simm.s32 $0xE400  }
0x1c2: {  	[tilespmem:s26], [sflag:$0x2] =	stream.indirect_vreg.gather [hbm4b:s5+s2], $0x80, v4, vm1, $0xb8;
	[tilespmem:$0x18400] =	vst v63  }
0x1c3: {  	s26 =	simm.s32 $0xE800  }
0x1c4: {  	[tilespmem:s26], [sflag:$0x2] =	stream.indirect_vreg.gather [hbm4b:s4+s2], $0x80, v3, vm0, $0xb8;
	[tilespmem:$0x18400] =	vst v63  }
0x1c5: {  	s26 =	simm.s32 $0xF000  }
0x1c6: {  	[tilespmem:s26], [sflag:$0x2] =	stream.indirect_vreg.gather [hbm4b:s5+s2], $0x80, v3, vm1, $0xb8;
	[tilespmem:$0x18400] =	vst v63  }
0x1c7: {  	v3 =	vld [tilespmem:$0x1A0];
	_ =	sdelay $0x4  }
0x1c8: {  	v26 =	vshrl.u32 v3, $0x3  }
0x1c9: {  	v4 =	vmul.u32 $0x18, v26  }
0x1ca: {  	v3 =	vand.u32 $0x7, v3  }
0x1cb: {  	v3 =	vor.u32 v3, v4  }
0x1cc: {  	v4 =	vperm.xlane v3, v0;
	_ =	sdelay $0x1  }
0x1cd: {  	v4 =	vadd.s32 v1, v4;
	_ =	sdelay $0x1  }
0x1ce: {  	v3 =	vperm.xlane v3, v2;
	_ =	sdelay $0x1  }
0x1cf: {  	s26 =	simm.s32 $0xF400;
	v3 =	vadd.s32 v1, v3  }
0x1d0: {  	[tilespmem:s26], [sflag:$0x2] =	stream.indirect_vreg.gather [hbm4b:s4+s2], $0x80, v4, vm0, $0xb8;
	[tilespmem:$0x18400] =	vst v63  }
0x1d1: {  	s26 =	simm.s32 $0xFC00  }
0x1d2: {  	[tilespmem:s26], [sflag:$0x2] =	stream.indirect_vreg.gather [hbm4b:s5+s2], $0x80, v4, vm1, $0xb8;
	[tilespmem:$0x18400] =	vst v63  }
0x1d3: {  	s26 =	simm.s32 $0x10000  }
0x1d4: {  	[tilespmem:s26], [sflag:$0x2] =	stream.indirect_vreg.gather [hbm4b:s4+s2], $0x80, v3, vm0, $0xb8;
	[tilespmem:$0x18400] =	vst v63  }
0x1d5: {  	s26 =	simm.s32 $0x10800  }
0x1d6: {  	[tilespmem:s26], [sflag:$0x2] =	stream.indirect_vreg.gather [hbm4b:s5+s2], $0x80, v3, vm1, $0xb8;
	[tilespmem:$0x18400] =	vst v63  }
0x1d7: {  	v3 =	vld [tilespmem:$0x1B0];
	_ =	sdelay $0x4  }
0x1d8: {  	v27 =	vshrl.u32 v3, $0x3  }
0x1d9: {  	v4 =	vmul.u32 $0x18, v27  }
0x1da: {  	v3 =	vand.u32 $0x7, v3  }
0x1db: {  	v3 =	vor.u32 v3, v4  }
0x1dc: {  	v4 =	vperm.xlane v3, v0;
	_ =	sdelay $0x1  }
0x1dd: {  	v4 =	vadd.s32 v1, v4;
	_ =	sdelay $0x1  }
0x1de: {  	v3 =	vperm.xlane v3, v2;
	_ =	sdelay $0x1  }
0x1df: {  	s26 =	simm.s32 $0x10C00;
	v3 =	vadd.s32 v1, v3  }
0x1e0: {  	[tilespmem:s26], [sflag:$0x2] =	stream.indirect_vreg.gather [hbm4b:s4+s2], $0x80, v4, vm0, $0xb8;
	[tilespmem:$0x18400] =	vst v63  }
0x1e1: {  	s26 =	simm.s32 $0x11400  }
0x1e2: {  	[tilespmem:s26], [sflag:$0x2] =	stream.indirect_vreg.gather [hbm4b:s5+s2], $0x80, v4, vm1, $0xb8;
	[tilespmem:$0x18400] =	vst v63  }
0x1e3: {  	s26 =	simm.s32 $0x11800  }
0x1e4: {  	[tilespmem:s26], [sflag:$0x2] =	stream.indirect_vreg.gather [hbm4b:s4+s2], $0x80, v3, vm0, $0xb8;
	[tilespmem:$0x18400] =	vst v63  }
0x1e5: {  	s26 =	simm.s32 $0x12000  }
0x1e6: {  	[tilespmem:s26], [sflag:$0x2] =	stream.indirect_vreg.gather [hbm4b:s5+s2], $0x80, v3, vm1, $0xb8;
	[tilespmem:$0x18400] =	vst v63  }
0x1e7: {  	v3 =	vld [tilespmem:$0x1C0];
	_ =	sdelay $0x4  }
0x1e8: {  	v28 =	vshrl.u32 v3, $0x3  }
0x1e9: {  	v4 =	vmul.u32 $0x18, v28  }
0x1ea: {  	v3 =	vand.u32 $0x7, v3  }
0x1eb: {  	v3 =	vor.u32 v3, v4  }
0x1ec: {  	v4 =	vperm.xlane v3, v0;
	_ =	sdelay $0x1  }
0x1ed: {  	v4 =	vadd.s32 v1, v4;
	_ =	sdelay $0x1  }
0x1ee: {  	v3 =	vperm.xlane v3, v2;
	_ =	sdelay $0x1  }
0x1ef: {  	s26 =	simm.s32 $0x12400;
	v3 =	vadd.s32 v1, v3  }
0x1f0: {  	[tilespmem:s26], [sflag:$0x2] =	stream.indirect_vreg.gather [hbm4b:s4+s2], $0x80, v4, vm0, $0xb8;
	[tilespmem:$0x18400] =	vst v63  }
0x1f1: {  	s26 =	simm.s32 $0x12C00  }
0x1f2: {  	[tilespmem:s26], [sflag:$0x2] =	stream.indirect_vreg.gather [hbm4b:s5+s2], $0x80, v4, vm1, $0xb8;
	[tilespmem:$0x18400] =	vst v63  }
0x1f3: {  	s26 =	simm.s32 $0x13000  }
0x1f4: {  	[tilespmem:s26], [sflag:$0x2] =	stream.indirect_vreg.gather [hbm4b:s4+s2], $0x80, v3, vm0, $0xb8;
	[tilespmem:$0x18400] =	vst v63  }
0x1f5: {  	s26 =	simm.s32 $0x13800  }
0x1f6: {  	[tilespmem:s26], [sflag:$0x2] =	stream.indirect_vreg.gather [hbm4b:s5+s2], $0x80, v3, vm1, $0xb8;
	[tilespmem:$0x18400] =	vst v63  }
0x1f7: {  	v3 =	vld [tilespmem:$0x1D0];
	_ =	sdelay $0x4  }
0x1f8: {  	v29 =	vshrl.u32 v3, $0x3  }
0x1f9: {  	v4 =	vmul.u32 $0x18, v29  }
0x1fa: {  	v3 =	vand.u32 $0x7, v3  }
0x1fb: {  	v3 =	vor.u32 v3, v4  }
0x1fc: {  	v4 =	vperm.xlane v3, v0;
	_ =	sdelay $0x1  }
0x1fd: {  	v4 =	vadd.s32 v1, v4;
	_ =	sdelay $0x1  }
0x1fe: {  	v3 =	vperm.xlane v3, v2;
	_ =	sdelay $0x1  }
0x1ff: {  	s26 =	simm.s32 $0x13C00;
	v3 =	vadd.s32 v1, v3  }
0x200: {  	[tilespmem:s26], [sflag:$0x2] =	stream.indirect_vreg.gather [hbm4b:s4+s2], $0x80, v4, vm0, $0xb8;
	[tilespmem:$0x18400] =	vst v63  }
0x201: {  	s26 =	simm.s32 $0x14400  }
0x202: {  	[tilespmem:s26], [sflag:$0x2] =	stream.indirect_vreg.gather [hbm4b:s5+s2], $0x80, v4, vm1, $0xb8;
	[tilespmem:$0x18400] =	vst v63  }
0x203: {  	s26 =	simm.s32 $0x14800  }
0x204: {  	[tilespmem:s26], [sflag:$0x2] =	stream.indirect_vreg.gather [hbm4b:s4+s2], $0x80, v3, vm0, $0xb8;
	[tilespmem:$0x18400] =	vst v63  }
0x205: {  	s26 =	simm.s32 $0x15000  }
0x206: {  	[tilespmem:s26], [sflag:$0x2] =	stream.indirect_vreg.gather [hbm4b:s5+s2], $0x80, v3, vm1, $0xb8;
	[tilespmem:$0x18400] =	vst v63  }
0x207: {  	v3 =	vld [tilespmem:$0x1E0];
	_ =	sdelay $0x4  }
0x208: {  	v30 =	vshrl.u32 v3, $0x3  }
0x209: {  	v4 =	vmul.u32 $0x18, v30  }
0x20a: {  	v3 =	vand.u32 $0x7, v3  }
0x20b: {  	v3 =	vor.u32 v3, v4  }
0x20c: {  	v4 =	vperm.xlane v3, v0;
	_ =	sdelay $0x1  }
0x20d: {  	v4 =	vadd.s32 v1, v4;
	_ =	sdelay $0x1  }
0x20e: {  	v3 =	vperm.xlane v3, v2;
	_ =	sdelay $0x1  }
0x20f: {  	s26 =	simm.s32 $0x15400;
	v3 =	vadd.s32 v1, v3  }
0x210: {  	[tilespmem:s26], [sflag:$0x2] =	stream.indirect_vreg.gather [hbm4b:s4+s2], $0x80, v4, vm0, $0xb8;
	[tilespmem:$0x18400] =	vst v63  }
0x211: {  	s26 =	simm.s32 $0x15C00  }
0x212: {  	[tilespmem:s26], [sflag:$0x2] =	stream.indirect_vreg.gather [hbm4b:s5+s2], $0x80, v4, vm1, $0xb8;
	[tilespmem:$0x18400] =	vst v63  }
0x213: {  	s26 =	simm.s32 $0x16000  }
0x214: {  	[tilespmem:s26], [sflag:$0x2] =	stream.indirect_vreg.gather [hbm4b:s4+s2], $0x80, v3, vm0, $0xb8;
	[tilespmem:$0x18400] =	vst v63  }
0x215: {  	s26 =	simm.s32 $0x16800  }
0x216: {  	[tilespmem:s26], [sflag:$0x2] =	stream.indirect_vreg.gather [hbm4b:s5+s2], $0x80, v3, vm1, $0xb8;
	[tilespmem:$0x18400] =	vst v63  }
0x217: {  	v3 =	vld [tilespmem:$0x1F0];
	_ =	sdelay $0x4  }
0x218: {  	v31 =	vshrl.u32 v3, $0x3  }
0x219: {  	v4 =	vmul.u32 $0x18, v31  }
0x21a: {  	v3 =	vand.u32 $0x7, v3  }
0x21b: {  	v3 =	vor.u32 v3, v4  }
0x21c: {  	v4 =	vperm.xlane v3, v0;
	_ =	sdelay $0x1  }
0x21d: {  	v4 =	vadd.s32 v1, v4;
	_ =	sdelay $0x1  }
0x21e: {  	v3 =	vperm.xlane v3, v2;
	_ =	sdelay $0x1  }
0x21f: {  	s26 =	simm.s32 $0x16C00;
	v3 =	vadd.s32 v1, v3  }
0x220: {  	[tilespmem:s26], [sflag:$0x2] =	stream.indirect_vreg.gather [hbm4b:s4+s2], $0x80, v4, vm0, $0xb8;
	[tilespmem:$0x18400] =	vst v63  }
0x221: {  	s26 =	simm.s32 $0x17400  }
0x222: {  	[tilespmem:s26], [sflag:$0x2] =	stream.indirect_vreg.gather [hbm4b:s5+s2], $0x80, v4, vm1, $0xb8;
	[tilespmem:$0x18400] =	vst v63  }
0x223: {  	s26 =	simm.s32 $0x17800  }
0x224: {  	[tilespmem:s26], [sflag:$0x2] =	stream.indirect_vreg.gather [hbm4b:s4+s2], $0x80, v3, vm0, $0xb8;
	[tilespmem:$0x18400] =	vst v63  }
0x225: {  	s26 =	simm.s32 $0x18000  }
0x226: {  	[tilespmem:s26], [sflag:$0x2] =	stream.indirect_vreg.gather [hbm4b:s5+s2], $0x80, v3, vm1, $0xb8;
	[tilespmem:$0x18400] =	vst v63  }
0x227: {  	_ =	swait.ge [sflag:s23], $0xC000  }
0x228: {  	[sflag:s23] =	ssyncset.done $0x0  }
0x229: {  	s1 =	simm.s32 $0xC400;
	s26 =	rddreg [dreg:$0x5];
	[sflag:s23] =	ssyncadd.s32 $0xFFFF4000  }
0x22a: {  	[hbm4b:s26+s2] =	stream.linear.scatter [tilespmem:s1], [sflag:$0x4], $0xC000, $0x38;
	[tilespmem:$0x18400] =	vst v63  }
0x22b: {  	_ =	swait.ge [sflag:s24], $0xC000  }
0x22c: {  	[sflag:s24] =	ssyncset.done $0x0  }
0x22d: {  	[sflag:s24] =	ssyncadd.s32 $0xFFFF4000  }
0x22e: {  	v3 =	vld [tilespmem:$0x200];
	_ =	sdelay $0x4  }
0x22f: {  	v32 =	vshrl.u32 v3, $0x3  }
0x230: {  	v4 =	vmul.u32 $0x18, v32  }
0x231: {  	v3 =	vand.u32 $0x7, v3  }
0x232: {  	v3 =	vor.u32 v3, v4  }
0x233: {  	v4 =	vperm.xlane v3, v0;
	_ =	sdelay $0x1  }
0x234: {  	v4 =	vadd.s32 v1, v4;
	_ =	sdelay $0x1  }
0x235: {  	v3 =	vperm.xlane v3, v2;
	_ =	sdelay $0x1  }
0x236: {  	v3 =	vadd.s32 v1, v3  }
0x237: {  	[tilespmem:s3], [sflag:$0x1] =	stream.indirect_vreg.gather [hbm4b:s4+s2], $0x80, v4, vm0, $0xb8;
	[tilespmem:$0x18400] =	vst v63  }
0x238: {  	_ = 	snop  }
0x239: {  	[tilespmem:s15], [sflag:$0x1] =	stream.indirect_vreg.gather [hbm4b:s5+s2], $0x80, v4, vm1, $0xb8;
	[tilespmem:$0x18400] =	vst v63  }
0x23a: {  	_ = 	snop  }
0x23b: {  	[tilespmem:s13], [sflag:$0x1] =	stream.indirect_vreg.gather [hbm4b:s4+s2], $0x80, v3, vm0, $0xb8;
	[tilespmem:$0x18400] =	vst v63  }
0x23c: {  	s15 =	simm.s32 $0x1800  }
0x23d: {  	[tilespmem:s15], [sflag:$0x1] =	stream.indirect_vreg.gather [hbm4b:s5+s2], $0x80, v3, vm1, $0xb8;
	[tilespmem:$0x18400] =	vst v63  }
0x23e: {  	v3 =	vld [tilespmem:$0x210];
	_ =	sdelay $0x4  }
0x23f: {  	v33 =	vshrl.u32 v3, $0x3  }
0x240: {  	v4 =	vmul.u32 $0x18, v33  }
0x241: {  	v3 =	vand.u32 $0x7, v3  }
0x242: {  	v3 =	vor.u32 v3, v4  }
0x243: {  	v4 =	vperm.xlane v3, v0;
	_ =	sdelay $0x1  }
0x244: {  	v4 =	vadd.s32 v1, v4;
	_ =	sdelay $0x1  }
0x245: {  	v3 =	vperm.xlane v3, v2;
	_ =	sdelay $0x1  }
0x246: {  	v3 =	vadd.s32 v1, v3  }
0x247: {  	[tilespmem:s16], [sflag:$0x1] =	stream.indirect_vreg.gather [hbm4b:s4+s2], $0x80, v4, vm0, $0xb8;
	[tilespmem:$0x18400] =	vst v63  }
0x248: {  	_ = 	snop  }
0x249: {  	[tilespmem:s17], [sflag:$0x1] =	stream.indirect_vreg.gather [hbm4b:s5+s2], $0x80, v4, vm1, $0xb8;
	[tilespmem:$0x18400] =	vst v63  }
0x24a: {  	_ = 	snop  }
0x24b: {  	[tilespmem:s18], [sflag:$0x1] =	stream.indirect_vreg.gather [hbm4b:s4+s2], $0x80, v3, vm0, $0xb8;
	[tilespmem:$0x18400] =	vst v63  }
0x24c: {  	s18 =	simm.s32 $0x3000  }
0x24d: {  	[tilespmem:s18], [sflag:$0x1] =	stream.indirect_vreg.gather [hbm4b:s5+s2], $0x80, v3, vm1, $0xb8;
	[tilespmem:$0x18400] =	vst v63  }
0x24e: {  	v3 =	vld [tilespmem:$0x220];
	_ =	sdelay $0x4  }
0x24f: {  	v34 =	vshrl.u32 v3, $0x3  }
0x250: {  	v4 =	vmul.u32 $0x18, v34  }
0x251: {  	v3 =	vand.u32 $0x7, v3  }
0x252: {  	v3 =	vor.u32 v3, v4  }
0x253: {  	v4 =	vperm.xlane v3, v0;
	_ =	sdelay $0x1  }
0x254: {  	v4 =	vadd.s32 v1, v4;
	_ =	sdelay $0x1  }
0x255: {  	v3 =	vperm.xlane v3, v2;
	_ =	sdelay $0x1  }
0x256: {  	v3 =	vadd.s32 v1, v3  }
0x257: {  	[tilespmem:s19], [sflag:$0x1] =	stream.indirect_vreg.gather [hbm4b:s4+s2], $0x80, v4, vm0, $0xb8;
	[tilespmem:$0x18400] =	vst v63  }
0x258: {  	_ = 	snop  }
0x259: {  	[tilespmem:s20], [sflag:$0x1] =	stream.indirect_vreg.gather [hbm4b:s5+s2], $0x80, v4, vm1, $0xb8;
	[tilespmem:$0x18400] =	vst v63  }
0x25a: {  	_ = 	snop  }
0x25b: {  	[tilespmem:s21], [sflag:$0x1] =	stream.indirect_vreg.gather [hbm4b:s4+s2], $0x80, v3, vm0, $0xb8;
	[tilespmem:$0x18400] =	vst v63  }
0x25c: {  	s26 =	simm.s32 $0x4800  }
0x25d: {  	[tilespmem:s26], [sflag:$0x1] =	stream.indirect_vreg.gather [hbm4b:s5+s2], $0x80, v3, vm1, $0xb8;
	[tilespmem:$0x18400] =	vst v63  }
0x25e: {  	v3 =	vld [tilespmem:$0x230];
	_ =	sdelay $0x4  }
0x25f: {  	v35 =	vshrl.u32 v3, $0x3  }
0x260: {  	v4 =	vmul.u32 $0x18, v35  }
0x261: {  	v3 =	vand.u32 $0x7, v3  }
0x262: {  	v3 =	vor.u32 v3, v4  }
0x263: {  	v4 =	vperm.xlane v3, v0;
	_ =	sdelay $0x1  }
0x264: {  	v4 =	vadd.s32 v1, v4;
	_ =	sdelay $0x1  }
0x265: {  	v3 =	vperm.xlane v3, v2;
	_ =	sdelay $0x1  }
0x266: {  	v3 =	vadd.s32 v1, v3  }
0x267: {  	[tilespmem:s22], [sflag:$0x1] =	stream.indirect_vreg.gather [hbm4b:s4+s2], $0x80, v4, vm0, $0xb8;
	[tilespmem:$0x18400] =	vst v63  }
0x268: {  	_ = 	snop  }
0x269: {  	[tilespmem:s28], [sflag:$0x1] =	stream.indirect_vreg.gather [hbm4b:s5+s2], $0x80, v4, vm1, $0xb8;
	[tilespmem:$0x18400] =	vst v63  }
0x26a: {  	_ = 	snop  }
0x26b: {  	[tilespmem:s29], [sflag:$0x1] =	stream.indirect_vreg.gather [hbm4b:s4+s2], $0x80, v3, vm0, $0xb8;
	[tilespmem:$0x18400] =	vst v63  }
0x26c: {  	s29 =	simm.s32 $0x6000  }
0x26d: {  	[tilespmem:s29], [sflag:$0x1] =	stream.indirect_vreg.gather [hbm4b:s5+s2], $0x80, v3, vm1, $0xb8;
	[tilespmem:$0x18400] =	vst v63  }
0x26e: {  	v3 =	vld [tilespmem:$0x240];
	_ =	sdelay $0x4  }
0x26f: {  	v36 =	vshrl.u32 v3, $0x3  }
0x270: {  	v4 =	vmul.u32 $0x18, v36  }
0x271: {  	v3 =	vand.u32 $0x7, v3  }
0x272: {  	v3 =	vor.u32 v3, v4  }
0x273: {  	v4 =	vperm.xlane v3, v0;
	_ =	sdelay $0x1  }
0x274: {  	v4 =	vadd.s32 v1, v4;
	_ =	sdelay $0x1  }
0x275: {  	v3 =	vperm.xlane v3, v2;
	_ =	sdelay $0x1  }
0x276: {  	v3 =	vadd.s32 v1, v3  }
0x277: {  	[tilespmem:s30], [sflag:$0x1] =	stream.indirect_vreg.gather [hbm4b:s4+s2], $0x80, v4, vm0, $0xb8;
	[tilespmem:$0x18400] =	vst v63  }
0x278: {  	_ = 	snop  }
0x279: {  	[tilespmem:s31], [sflag:$0x1] =	stream.indirect_vreg.gather [hbm4b:s5+s2], $0x80, v4, vm1, $0xb8;
	[tilespmem:$0x18400] =	vst v63  }
0x27a: {  	s3 =	simm.s32 $0x7000  }
0x27b: {  	[tilespmem:s3], [sflag:$0x1] =	stream.indirect_vreg.gather [hbm4b:s4+s2], $0x80, v3, vm0, $0xb8;
	[tilespmem:$0x18400] =	vst v63  }
0x27c: {  	s26 =	simm.s32 $0x7800  }
0x27d: {  	[tilespmem:s26], [sflag:$0x1] =	stream.indirect_vreg.gather [hbm4b:s5+s2], $0x80, v3, vm1, $0xb8;
	[tilespmem:$0x18400] =	vst v63  }
0x27e: {  	v3 =	vld [tilespmem:$0x250];
	_ =	sdelay $0x4  }
0x27f: {  	v37 =	vshrl.u32 v3, $0x3  }
0x280: {  	v4 =	vmul.u32 $0x18, v37  }
0x281: {  	v3 =	vand.u32 $0x7, v3  }
0x282: {  	v3 =	vor.u32 v3, v4  }
0x283: {  	v4 =	vperm.xlane v3, v0;
	_ =	sdelay $0x1  }
0x284: {  	v4 =	vadd.s32 v1, v4;
	_ =	sdelay $0x1  }
0x285: {  	v3 =	vperm.xlane v3, v2;
	_ =	sdelay $0x1  }
0x286: {  	v3 =	vadd.s32 v1, v3  }
0x287: {  	[tilespmem:s7], [sflag:$0x1] =	stream.indirect_vreg.gather [hbm4b:s4+s2], $0x80, v4, vm0, $0xb8;
	[tilespmem:$0x18400] =	vst v63  }
0x288: {  	_ = 	snop  }
0x289: {  	[tilespmem:s8], [sflag:$0x1] =	stream.indirect_vreg.gather [hbm4b:s5+s2], $0x80, v4, vm1, $0xb8;
	[tilespmem:$0x18400] =	vst v63  }
0x28a: {  	_ = 	snop  }
0x28b: {  	[tilespmem:s9], [sflag:$0x1] =	stream.indirect_vreg.gather [hbm4b:s4+s2], $0x80, v3, vm0, $0xb8;
	[tilespmem:$0x18400] =	vst v63  }
0x28c: {  	s31 =	simm.s32 $0x9000  }
0x28d: {  	[tilespmem:s31], [sflag:$0x1] =	stream.indirect_vreg.gather [hbm4b:s5+s2], $0x80, v3, vm1, $0xb8;
	[tilespmem:$0x18400] =	vst v63  }
0x28e: {  	v3 =	vld [tilespmem:$0x260];
	_ =	sdelay $0x4  }
0x28f: {  	v38 =	vshrl.u32 v3, $0x3  }
0x290: {  	v4 =	vmul.u32 $0x18, v38  }
0x291: {  	v3 =	vand.u32 $0x7, v3  }
0x292: {  	v3 =	vor.u32 v3, v4  }
0x293: {  	v4 =	vperm.xlane v3, v0;
	_ =	sdelay $0x1  }
0x294: {  	v4 =	vadd.s32 v1, v4;
	_ =	sdelay $0x1  }
0x295: {  	v3 =	vperm.xlane v3, v2;
	_ =	sdelay $0x1  }
0x296: {  	v3 =	vadd.s32 v1, v3  }
0x297: {  	[tilespmem:s10], [sflag:$0x1] =	stream.indirect_vreg.gather [hbm4b:s4+s2], $0x80, v4, vm0, $0xb8;
	[tilespmem:$0x18400] =	vst v63  }
0x298: {  	_ = 	snop  }
0x299: {  	[tilespmem:s11], [sflag:$0x1] =	stream.indirect_vreg.gather [hbm4b:s5+s2], $0x80, v4, vm1, $0xb8;
	[tilespmem:$0x18400] =	vst v63  }
0x29a: {  	_ = 	snop  }
0x29b: {  	[tilespmem:s12], [sflag:$0x1] =	stream.indirect_vreg.gather [hbm4b:s4+s2], $0x80, v3, vm0, $0xb8;
	[tilespmem:$0x18400] =	vst v63  }
0x29c: {  	s26 =	simm.s32 $0xA800  }
0x29d: {  	[tilespmem:s26], [sflag:$0x1] =	stream.indirect_vreg.gather [hbm4b:s5+s2], $0x80, v3, vm1, $0xb8;
	[tilespmem:$0x18400] =	vst v63  }
0x29e: {  	v3 =	vld [tilespmem:$0x270];
	_ =	sdelay $0x4  }
0x29f: {  	v39 =	vshrl.u32 v3, $0x3  }
0x2a0: {  	v4 =	vmul.u32 $0x18, v39  }
0x2a1: {  	v3 =	vand.u32 $0x7, v3  }
0x2a2: {  	v3 =	vor.u32 v3, v4  }
0x2a3: {  	v4 =	vperm.xlane v3, v0;
	_ =	sdelay $0x1  }
0x2a4: {  	v4 =	vadd.s32 v1, v4;
	_ =	sdelay $0x1  }
0x2a5: {  	v3 =	vperm.xlane v3, v2;
	_ =	sdelay $0x1  }
0x2a6: {  	v3 =	vadd.s32 v1, v3  }
0x2a7: {  	[tilespmem:s0], [sflag:$0x1] =	stream.indirect_vreg.gather [hbm4b:s4+s2], $0x80, v4, vm0, $0xb8;
	[tilespmem:$0x18400] =	vst v63  }
0x2a8: {  	s31 =	simm.s32 $0xB400  }
0x2a9: {  	[tilespmem:s31], [sflag:$0x1] =	stream.indirect_vreg.gather [hbm4b:s5+s2], $0x80, v4, vm1, $0xb8;
	[tilespmem:$0x18400] =	vst v63  }
0x2aa: {  	s31 =	simm.s32 $0xB800  }
0x2ab: {  	[tilespmem:s31], [sflag:$0x1] =	stream.indirect_vreg.gather [hbm4b:s4+s2], $0x80, v3, vm0, $0xb8;
	[tilespmem:$0x18400] =	vst v63  }
0x2ac: {  	s0 =	simm.s32 $0xC000  }
0x2ad: {  	[tilespmem:s0], [sflag:$0x1] =	stream.indirect_vreg.gather [hbm4b:s5+s2], $0x80, v3, vm1, $0xb8;
	[tilespmem:$0x18400] =	vst v63  }
0x2ae: {  	_ =	swait.ge [sflag:s14], $0xC000  }
0x2af: {  	[sflag:s14] =	ssyncset.done $0x0  }
0x2b0: {  	s0 =	simm.s32 $0x400;
	s1 =	rddreg [dreg:$0x6];
	[sflag:s14] =	ssyncadd.s32 $0xFFFF4000  }
0x2b1: {  	[hbm4b:s1+s2] =	stream.linear.scatter [tilespmem:s0], [sflag:$0x3], $0xC000, $0x38;
	[tilespmem:$0x18400] =	vst v63  }
0x2b2: {  	_ =	swait.ge [sflag:s25], $0xC000  }
0x2b3: {  	[sflag:s25] =	ssyncset.done $0x0  }
0x2b4: {  	[sflag:s25] =	ssyncadd.s32 $0xFFFF4000  }
0x2b5: {  	v3 =	vld [tilespmem:$0x280];
	_ =	sdelay $0x4  }
0x2b6: {  	v40 =	vshrl.u32 v3, $0x3  }
0x2b7: {  	v4 =	vmul.u32 $0x18, v40  }
0x2b8: {  	v3 =	vand.u32 $0x7, v3  }
0x2b9: {  	v3 =	vor.u32 v3, v4  }
0x2ba: {  	v4 =	vperm.xlane v3, v0;
	_ =	sdelay $0x1  }
0x2bb: {  	v4 =	vadd.s32 v1, v4;
	_ =	sdelay $0x1  }
0x2bc: {  	v3 =	vperm.xlane v3, v2;
	_ =	sdelay $0x1  }
0x2bd: {  	s1 =	simm.s32 $0xC400;
	v3 =	vadd.s32 v1, v3  }
0x2be: {  	[tilespmem:s1], [sflag:$0x2] =	stream.indirect_vreg.gather [hbm4b:s4+s2], $0x80, v4, vm0, $0xb8;
	[tilespmem:$0x18400] =	vst v63  }
0x2bf: {  	s26 =	simm.s32 $0xCC00  }
0x2c0: {  	[tilespmem:s26], [sflag:$0x2] =	stream.indirect_vreg.gather [hbm4b:s5+s2], $0x80, v4, vm1, $0xb8;
	[tilespmem:$0x18400] =	vst v63  }
0x2c1: {  	s26 =	simm.s32 $0xD000  }
0x2c2: {  	[tilespmem:s26], [sflag:$0x2] =	stream.indirect_vreg.gather [hbm4b:s4+s2], $0x80, v3, vm0, $0xb8;
	[tilespmem:$0x18400] =	vst v63  }
0x2c3: {  	s26 =	simm.s32 $0xD800  }
0x2c4: {  	[tilespmem:s26], [sflag:$0x2] =	stream.indirect_vreg.gather [hbm4b:s5+s2], $0x80, v3, vm1, $0xb8;
	[tilespmem:$0x18400] =	vst v63  }
0x2c5: {  	v3 =	vld [tilespmem:$0x290];
	_ =	sdelay $0x4  }
0x2c6: {  	v41 =	vshrl.u32 v3, $0x3  }
0x2c7: {  	v4 =	vmul.u32 $0x18, v41  }
0x2c8: {  	v3 =	vand.u32 $0x7, v3  }
0x2c9: {  	v3 =	vor.u32 v3, v4  }
0x2ca: {  	v4 =	vperm.xlane v3, v0;
	_ =	sdelay $0x1  }
0x2cb: {  	v4 =	vadd.s32 v1, v4;
	_ =	sdelay $0x1  }
0x2cc: {  	v3 =	vperm.xlane v3, v2;
	_ =	sdelay $0x1  }
0x2cd: {  	s26 =	simm.s32 $0xDC00;
	v3 =	vadd.s32 v1, v3  }
0x2ce: {  	[tilespmem:s26], [sflag:$0x2] =	stream.indirect_vreg.gather [hbm4b:s4+s2], $0x80, v4, vm0, $0xb8;
	[tilespmem:$0x18400] =	vst v63  }
0x2cf: {  	s26 =	simm.s32 $0xE400  }
0x2d0: {  	[tilespmem:s26], [sflag:$0x2] =	stream.indirect_vreg.gather [hbm4b:s5+s2], $0x80, v4, vm1, $0xb8;
	[tilespmem:$0x18400] =	vst v63  }
0x2d1: {  	s26 =	simm.s32 $0xE800  }
0x2d2: {  	[tilespmem:s26], [sflag:$0x2] =	stream.indirect_vreg.gather [hbm4b:s4+s2], $0x80, v3, vm0, $0xb8;
	[tilespmem:$0x18400] =	vst v63  }
0x2d3: {  	s26 =	simm.s32 $0xF000  }
0x2d4: {  	[tilespmem:s26], [sflag:$0x2] =	stream.indirect_vreg.gather [hbm4b:s5+s2], $0x80, v3, vm1, $0xb8;
	[tilespmem:$0x18400] =	vst v63  }
0x2d5: {  	v3 =	vld [tilespmem:$0x2A0];
	_ =	sdelay $0x4  }
0x2d6: {  	v42 =	vshrl.u32 v3, $0x3  }
0x2d7: {  	v4 =	vmul.u32 $0x18, v42  }
0x2d8: {  	v3 =	vand.u32 $0x7, v3  }
0x2d9: {  	v3 =	vor.u32 v3, v4  }
0x2da: {  	v4 =	vperm.xlane v3, v0;
	_ =	sdelay $0x1  }
0x2db: {  	v4 =	vadd.s32 v1, v4;
	_ =	sdelay $0x1  }
0x2dc: {  	v3 =	vperm.xlane v3, v2;
	_ =	sdelay $0x1  }
0x2dd: {  	s26 =	simm.s32 $0xF400;
	v3 =	vadd.s32 v1, v3  }
0x2de: {  	[tilespmem:s26], [sflag:$0x2] =	stream.indirect_vreg.gather [hbm4b:s4+s2], $0x80, v4, vm0, $0xb8;
	[tilespmem:$0x18400] =	vst v63  }
0x2df: {  	s26 =	simm.s32 $0xFC00  }
0x2e0: {  	[tilespmem:s26], [sflag:$0x2] =	stream.indirect_vreg.gather [hbm4b:s5+s2], $0x80, v4, vm1, $0xb8;
	[tilespmem:$0x18400] =	vst v63  }
0x2e1: {  	s26 =	simm.s32 $0x10000  }
0x2e2: {  	[tilespmem:s26], [sflag:$0x2] =	stream.indirect_vreg.gather [hbm4b:s4+s2], $0x80, v3, vm0, $0xb8;
	[tilespmem:$0x18400] =	vst v63  }
0x2e3: {  	s26 =	simm.s32 $0x10800  }
0x2e4: {  	[tilespmem:s26], [sflag:$0x2] =	stream.indirect_vreg.gather [hbm4b:s5+s2], $0x80, v3, vm1, $0xb8;
	[tilespmem:$0x18400] =	vst v63  }
0x2e5: {  	v3 =	vld [tilespmem:$0x2B0];
	_ =	sdelay $0x4  }
0x2e6: {  	v43 =	vshrl.u32 v3, $0x3  }
0x2e7: {  	v4 =	vmul.u32 $0x18, v43  }
0x2e8: {  	v3 =	vand.u32 $0x7, v3  }
0x2e9: {  	v3 =	vor.u32 v3, v4  }
0x2ea: {  	v4 =	vperm.xlane v3, v0;
	_ =	sdelay $0x1  }
0x2eb: {  	v4 =	vadd.s32 v1, v4;
	_ =	sdelay $0x1  }
0x2ec: {  	v3 =	vperm.xlane v3, v2;
	_ =	sdelay $0x1  }
0x2ed: {  	s26 =	simm.s32 $0x10C00;
	v3 =	vadd.s32 v1, v3  }
0x2ee: {  	[tilespmem:s26], [sflag:$0x2] =	stream.indirect_vreg.gather [hbm4b:s4+s2], $0x80, v4, vm0, $0xb8;
	[tilespmem:$0x18400] =	vst v63  }
0x2ef: {  	s26 =	simm.s32 $0x11400  }
0x2f0: {  	[tilespmem:s26], [sflag:$0x2] =	stream.indirect_vreg.gather [hbm4b:s5+s2], $0x80, v4, vm1, $0xb8;
	[tilespmem:$0x18400] =	vst v63  }
0x2f1: {  	s26 =	simm.s32 $0x11800  }
0x2f2: {  	[tilespmem:s26], [sflag:$0x2] =	stream.indirect_vreg.gather [hbm4b:s4+s2], $0x80, v3, vm0, $0xb8;
	[tilespmem:$0x18400] =	vst v63  }
0x2f3: {  	s26 =	simm.s32 $0x12000  }
0x2f4: {  	[tilespmem:s26], [sflag:$0x2] =	stream.indirect_vreg.gather [hbm4b:s5+s2], $0x80, v3, vm1, $0xb8;
	[tilespmem:$0x18400] =	vst v63  }
0x2f5: {  	v3 =	vld [tilespmem:$0x2C0];
	_ =	sdelay $0x4  }
0x2f6: {  	v44 =	vshrl.u32 v3, $0x3  }
0x2f7: {  	v4 =	vmul.u32 $0x18, v44  }
0x2f8: {  	v3 =	vand.u32 $0x7, v3  }
0x2f9: {  	v3 =	vor.u32 v3, v4  }
0x2fa: {  	v4 =	vperm.xlane v3, v0;
	_ =	sdelay $0x1  }
0x2fb: {  	v4 =	vadd.s32 v1, v4;
	_ =	sdelay $0x1  }
0x2fc: {  	v3 =	vperm.xlane v3, v2;
	_ =	sdelay $0x1  }
0x2fd: {  	s26 =	simm.s32 $0x12400;
	v3 =	vadd.s32 v1, v3  }
0x2fe: {  	[tilespmem:s26], [sflag:$0x2] =	stream.indirect_vreg.gather [hbm4b:s4+s2], $0x80, v4, vm0, $0xb8;
	[tilespmem:$0x18400] =	vst v63  }
0x2ff: {  	s26 =	simm.s32 $0x12C00  }
0x300: {  	[tilespmem:s26], [sflag:$0x2] =	stream.indirect_vreg.gather [hbm4b:s5+s2], $0x80, v4, vm1, $0xb8;
	[tilespmem:$0x18400] =	vst v63  }
0x301: {  	s26 =	simm.s32 $0x13000  }
0x302: {  	[tilespmem:s26], [sflag:$0x2] =	stream.indirect_vreg.gather [hbm4b:s4+s2], $0x80, v3, vm0, $0xb8;
	[tilespmem:$0x18400] =	vst v63  }
0x303: {  	s26 =	simm.s32 $0x13800  }
0x304: {  	[tilespmem:s26], [sflag:$0x2] =	stream.indirect_vreg.gather [hbm4b:s5+s2], $0x80, v3, vm1, $0xb8;
	[tilespmem:$0x18400] =	vst v63  }
0x305: {  	v3 =	vld [tilespmem:$0x2D0];
	_ =	sdelay $0x4  }
0x306: {  	v45 =	vshrl.u32 v3, $0x3  }
0x307: {  	v4 =	vmul.u32 $0x18, v45  }
0x308: {  	v3 =	vand.u32 $0x7, v3  }
0x309: {  	v3 =	vor.u32 v3, v4  }
0x30a: {  	v4 =	vperm.xlane v3, v0;
	_ =	sdelay $0x1  }
0x30b: {  	v4 =	vadd.s32 v1, v4;
	_ =	sdelay $0x1  }
0x30c: {  	v3 =	vperm.xlane v3, v2;
	_ =	sdelay $0x1  }
0x30d: {  	s26 =	simm.s32 $0x13C00;
	v3 =	vadd.s32 v1, v3  }
0x30e: {  	[tilespmem:s26], [sflag:$0x2] =	stream.indirect_vreg.gather [hbm4b:s4+s2], $0x80, v4, vm0, $0xb8;
	[tilespmem:$0x18400] =	vst v63  }
0x30f: {  	s26 =	simm.s32 $0x14400  }
0x310: {  	[tilespmem:s26], [sflag:$0x2] =	stream.indirect_vreg.gather [hbm4b:s5+s2], $0x80, v4, vm1, $0xb8;
	[tilespmem:$0x18400] =	vst v63  }
0x311: {  	s26 =	simm.s32 $0x14800  }
0x312: {  	[tilespmem:s26], [sflag:$0x2] =	stream.indirect_vreg.gather [hbm4b:s4+s2], $0x80, v3, vm0, $0xb8;
	[tilespmem:$0x18400] =	vst v63  }
0x313: {  	s26 =	simm.s32 $0x15000  }
0x314: {  	[tilespmem:s26], [sflag:$0x2] =	stream.indirect_vreg.gather [hbm4b:s5+s2], $0x80, v3, vm1, $0xb8;
	[tilespmem:$0x18400] =	vst v63  }
0x315: {  	v3 =	vld [tilespmem:$0x2E0];
	_ =	sdelay $0x4  }
0x316: {  	v46 =	vshrl.u32 v3, $0x3  }
0x317: {  	v4 =	vmul.u32 $0x18, v46  }
0x318: {  	v3 =	vand.u32 $0x7, v3  }
0x319: {  	v3 =	vor.u32 v3, v4  }
0x31a: {  	v4 =	vperm.xlane v3, v0;
	_ =	sdelay $0x1  }
0x31b: {  	v4 =	vadd.s32 v1, v4;
	_ =	sdelay $0x1  }
0x31c: {  	v3 =	vperm.xlane v3, v2;
	_ =	sdelay $0x1  }
0x31d: {  	s26 =	simm.s32 $0x15400;
	v3 =	vadd.s32 v1, v3  }
0x31e: {  	[tilespmem:s26], [sflag:$0x2] =	stream.indirect_vreg.gather [hbm4b:s4+s2], $0x80, v4, vm0, $0xb8;
	[tilespmem:$0x18400] =	vst v63  }
0x31f: {  	s26 =	simm.s32 $0x15C00  }
0x320: {  	[tilespmem:s26], [sflag:$0x2] =	stream.indirect_vreg.gather [hbm4b:s5+s2], $0x80, v4, vm1, $0xb8;
	[tilespmem:$0x18400] =	vst v63  }
0x321: {  	s26 =	simm.s32 $0x16000  }
0x322: {  	[tilespmem:s26], [sflag:$0x2] =	stream.indirect_vreg.gather [hbm4b:s4+s2], $0x80, v3, vm0, $0xb8;
	[tilespmem:$0x18400] =	vst v63  }
0x323: {  	s26 =	simm.s32 $0x16800  }
0x324: {  	[tilespmem:s26], [sflag:$0x2] =	stream.indirect_vreg.gather [hbm4b:s5+s2], $0x80, v3, vm1, $0xb8;
	[tilespmem:$0x18400] =	vst v63  }
0x325: {  	v3 =	vld [tilespmem:$0x2F0];
	_ =	sdelay $0x4  }
0x326: {  	v47 =	vshrl.u32 v3, $0x3  }
0x327: {  	v4 =	vmul.u32 $0x18, v47  }
0x328: {  	v3 =	vand.u32 $0x7, v3  }
0x329: {  	v3 =	vor.u32 v3, v4  }
0x32a: {  	v4 =	vperm.xlane v3, v0;
	_ =	sdelay $0x1  }
0x32b: {  	v4 =	vadd.s32 v1, v4;
	_ =	sdelay $0x1  }
0x32c: {  	v3 =	vperm.xlane v3, v2;
	_ =	sdelay $0x1  }
0x32d: {  	s26 =	simm.s32 $0x16C00;
	v3 =	vadd.s32 v1, v3  }
0x32e: {  	[tilespmem:s26], [sflag:$0x2] =	stream.indirect_vreg.gather [hbm4b:s4+s2], $0x80, v4, vm0, $0xb8;
	[tilespmem:$0x18400] =	vst v63  }
0x32f: {  	s26 =	simm.s32 $0x17400  }
0x330: {  	[tilespmem:s26], [sflag:$0x2] =	stream.indirect_vreg.gather [hbm4b:s5+s2], $0x80, v4, vm1, $0xb8;
	[tilespmem:$0x18400] =	vst v63  }
0x331: {  	s26 =	simm.s32 $0x17800  }
0x332: {  	[tilespmem:s26], [sflag:$0x2] =	stream.indirect_vreg.gather [hbm4b:s4+s2], $0x80, v3, vm0, $0xb8;
	[tilespmem:$0x18400] =	vst v63  }
0x333: {  	s26 =	simm.s32 $0x18000  }
0x334: {  	[tilespmem:s26], [sflag:$0x2] =	stream.indirect_vreg.gather [hbm4b:s5+s2], $0x80, v3, vm1, $0xb8;
	[tilespmem:$0x18400] =	vst v63  }
0x335: {  	_ =	swait.ge [sflag:s23], $0xC000  }
0x336: {  	[sflag:s23] =	ssyncset.done $0x0  }
0x337: {  	s26 =	rddreg [dreg:$0x7];
	[sflag:s23] =	ssyncadd.s32 $0xFFFF4000  }
0x338: {  	[hbm4b:s26+s2] =	stream.linear.scatter [tilespmem:s1], [sflag:$0x4], $0xC000, $0x38;
	[tilespmem:$0x18400] =	vst v63  }
0x339: {  	_ =	swait.ge [sflag:s24], $0xC000  }
0x33a: {  	[sflag:s24] =	ssyncset.done $0x0  }
0x33b: {  	[sflag:s24] =	ssyncadd.s32 $0xFFFF4000  }
0x33c: {  	v3 =	vld [tilespmem:$0x300];
	_ =	sdelay $0x4  }
0x33d: {  	v48 =	vshrl.u32 v3, $0x3  }
0x33e: {  	v4 =	vmul.u32 $0x18, v48  }
0x33f: {  	v3 =	vand.u32 $0x7, v3  }
0x340: {  	v3 =	vor.u32 v3, v4  }
0x341: {  	v4 =	vperm.xlane v3, v0;
	_ =	sdelay $0x1  }
0x342: {  	v4 =	vadd.s32 v1, v4;
	_ =	sdelay $0x1  }
0x343: {  	v3 =	vperm.xlane v3, v2;
	_ =	sdelay $0x1  }
0x344: {  	v3 =	vadd.s32 v1, v3  }
0x345: {  	[tilespmem:s0], [sflag:$0x1] =	stream.indirect_vreg.gather [hbm4b:s4+s2], $0x80, v4, vm0, $0xb8;
	[tilespmem:$0x18400] =	vst v63  }
0x346: {  	s26 =	simm.s32 $0xC00  }
0x347: {  	[tilespmem:s26], [sflag:$0x1] =	stream.indirect_vreg.gather [hbm4b:s5+s2], $0x80, v4, vm1, $0xb8;
	[tilespmem:$0x18400] =	vst v63  }
0x348: {  	s13 =	simm.s32 $0x1000  }
0x349: {  	[tilespmem:s13], [sflag:$0x1] =	stream.indirect_vreg.gather [hbm4b:s4+s2], $0x80, v3, vm0, $0xb8;
	[tilespmem:$0x18400] =	vst v63  }
0x34a: {  	s26 =	simm.s32 $0x1800  }
0x34b: {  	[tilespmem:s26], [sflag:$0x1] =	stream.indirect_vreg.gather [hbm4b:s5+s2], $0x80, v3, vm1, $0xb8;
	[tilespmem:$0x18400] =	vst v63  }
0x34c: {  	v3 =	vld [tilespmem:$0x310];
	_ =	sdelay $0x4  }
0x34d: {  	v49 =	vshrl.u32 v3, $0x3  }
0x34e: {  	v4 =	vmul.u32 $0x18, v49  }
0x34f: {  	v3 =	vand.u32 $0x7, v3  }
0x350: {  	v3 =	vor.u32 v3, v4  }
0x351: {  	v4 =	vperm.xlane v3, v0;
	_ =	sdelay $0x1  }
0x352: {  	v4 =	vadd.s32 v1, v4;
	_ =	sdelay $0x1  }
0x353: {  	v3 =	vperm.xlane v3, v2;
	_ =	sdelay $0x1  }
0x354: {  	s15 =	simm.s32 $0x1C00;
	v3 =	vadd.s32 v1, v3  }
0x355: {  	[tilespmem:s15], [sflag:$0x1] =	stream.indirect_vreg.gather [hbm4b:s4+s2], $0x80, v4, vm0, $0xb8;
	[tilespmem:$0x18400] =	vst v63  }
0x356: {  	s16 =	simm.s32 $0x2400  }
0x357: {  	[tilespmem:s16], [sflag:$0x1] =	stream.indirect_vreg.gather [hbm4b:s5+s2], $0x80, v4, vm1, $0xb8;
	[tilespmem:$0x18400] =	vst v63  }
0x358: {  	s17 =	simm.s32 $0x2800  }
0x359: {  	[tilespmem:s17], [sflag:$0x1] =	stream.indirect_vreg.gather [hbm4b:s4+s2], $0x80, v3, vm0, $0xb8;
	[tilespmem:$0x18400] =	vst v63  }
0x35a: {  	s17 =	simm.s32 $0x3000  }
0x35b: {  	[tilespmem:s17], [sflag:$0x1] =	stream.indirect_vreg.gather [hbm4b:s5+s2], $0x80, v3, vm1, $0xb8;
	[tilespmem:$0x18400] =	vst v63  }
0x35c: {  	v3 =	vld [tilespmem:$0x320];
	_ =	sdelay $0x4  }
0x35d: {  	v50 =	vshrl.u32 v3, $0x3  }
0x35e: {  	v4 =	vmul.u32 $0x18, v50  }
0x35f: {  	v3 =	vand.u32 $0x7, v3  }
0x360: {  	v3 =	vor.u32 v3, v4  }
0x361: {  	v4 =	vperm.xlane v3, v0;
	_ =	sdelay $0x1  }
0x362: {  	v4 =	vadd.s32 v1, v4;
	_ =	sdelay $0x1  }
0x363: {  	v3 =	vperm.xlane v3, v2;
	_ =	sdelay $0x1  }
0x364: {  	s18 =	simm.s32 $0x3400;
	v3 =	vadd.s32 v1, v3  }
0x365: {  	[tilespmem:s18], [sflag:$0x1] =	stream.indirect_vreg.gather [hbm4b:s4+s2], $0x80, v4, vm0, $0xb8;
	[tilespmem:$0x18400] =	vst v63  }
0x366: {  	s19 =	simm.s32 $0x3C00  }
0x367: {  	[tilespmem:s19], [sflag:$0x1] =	stream.indirect_vreg.gather [hbm4b:s5+s2], $0x80, v4, vm1, $0xb8;
	[tilespmem:$0x18400] =	vst v63  }
0x368: {  	s20 =	simm.s32 $0x4000  }
0x369: {  	[tilespmem:s20], [sflag:$0x1] =	stream.indirect_vreg.gather [hbm4b:s4+s2], $0x80, v3, vm0, $0xb8;
	[tilespmem:$0x18400] =	vst v63  }
0x36a: {  	s26 =	simm.s32 $0x4800  }
0x36b: {  	[tilespmem:s26], [sflag:$0x1] =	stream.indirect_vreg.gather [hbm4b:s5+s2], $0x80, v3, vm1, $0xb8;
	[tilespmem:$0x18400] =	vst v63  }
0x36c: {  	v3 =	vld [tilespmem:$0x330];
	_ =	sdelay $0x4  }
0x36d: {  	v51 =	vshrl.u32 v3, $0x3  }
0x36e: {  	v4 =	vmul.u32 $0x18, v51  }
0x36f: {  	v3 =	vand.u32 $0x7, v3  }
0x370: {  	v3 =	vor.u32 v3, v4  }
0x371: {  	v4 =	vperm.xlane v3, v0;
	_ =	sdelay $0x1  }
0x372: {  	v4 =	vadd.s32 v1, v4;
	_ =	sdelay $0x1  }
0x373: {  	v3 =	vperm.xlane v3, v2;
	_ =	sdelay $0x1  }
0x374: {  	s21 =	simm.s32 $0x4C00;
	v3 =	vadd.s32 v1, v3  }
0x375: {  	[tilespmem:s21], [sflag:$0x1] =	stream.indirect_vreg.gather [hbm4b:s4+s2], $0x80, v4, vm0, $0xb8;
	[tilespmem:$0x18400] =	vst v63  }
0x376: {  	s22 =	simm.s32 $0x5400  }
0x377: {  	[tilespmem:s22], [sflag:$0x1] =	stream.indirect_vreg.gather [hbm4b:s5+s2], $0x80, v4, vm1, $0xb8;
	[tilespmem:$0x18400] =	vst v63  }
0x378: {  	s28 =	simm.s32 $0x5800  }
0x379: {  	[tilespmem:s28], [sflag:$0x1] =	stream.indirect_vreg.gather [hbm4b:s4+s2], $0x80, v3, vm0, $0xb8;
	[tilespmem:$0x18400] =	vst v63  }
0x37a: {  	s28 =	simm.s32 $0x6000  }
0x37b: {  	[tilespmem:s28], [sflag:$0x1] =	stream.indirect_vreg.gather [hbm4b:s5+s2], $0x80, v3, vm1, $0xb8;
	[tilespmem:$0x18400] =	vst v63  }
0x37c: {  	v3 =	vld [tilespmem:$0x340];
	_ =	sdelay $0x4  }
0x37d: {  	v52 =	vshrl.u32 v3, $0x3  }
0x37e: {  	v4 =	vmul.u32 $0x18, v52  }
0x37f: {  	v3 =	vand.u32 $0x7, v3  }
0x380: {  	v3 =	vor.u32 v3, v4  }
0x381: {  	v4 =	vperm.xlane v3, v0;
	_ =	sdelay $0x1  }
0x382: {  	v4 =	vadd.s32 v1, v4;
	_ =	sdelay $0x1  }
0x383: {  	v3 =	vperm.xlane v3, v2;
	_ =	sdelay $0x1  }
0x384: {  	s29 =	simm.s32 $0x6400;
	v3 =	vadd.s32 v1, v3  }
0x385: {  	[tilespmem:s29], [sflag:$0x1] =	stream.indirect_vreg.gather [hbm4b:s4+s2], $0x80, v4, vm0, $0xb8;
	[tilespmem:$0x18400] =	vst v63  }
0x386: {  	s30 =	simm.s32 $0x6C00  }
0x387: {  	[tilespmem:s30], [sflag:$0x1] =	stream.indirect_vreg.gather [hbm4b:s5+s2], $0x80, v4, vm1, $0xb8;
	[tilespmem:$0x18400] =	vst v63  }
0x388: {  	s3 =	simm.s32 $0x7000  }
0x389: {  	[tilespmem:s3], [sflag:$0x1] =	stream.indirect_vreg.gather [hbm4b:s4+s2], $0x80, v3, vm0, $0xb8;
	[tilespmem:$0x18400] =	vst v63  }
0x38a: {  	s30 =	simm.s32 $0x7800  }
0x38b: {  	[tilespmem:s30], [sflag:$0x1] =	stream.indirect_vreg.gather [hbm4b:s5+s2], $0x80, v3, vm1, $0xb8;
	[tilespmem:$0x18400] =	vst v63  }
0x38c: {  	v3 =	vld [tilespmem:$0x350];
	_ =	sdelay $0x4  }
0x38d: {  	v53 =	vshrl.u32 v3, $0x3  }
0x38e: {  	v4 =	vmul.u32 $0x18, v53  }
0x38f: {  	v3 =	vand.u32 $0x7, v3  }
0x390: {  	v3 =	vor.u32 v3, v4  }
0x391: {  	v4 =	vperm.xlane v3, v0;
	_ =	sdelay $0x1  }
0x392: {  	v4 =	vadd.s32 v1, v4;
	_ =	sdelay $0x1  }
0x393: {  	v3 =	vperm.xlane v3, v2;
	_ =	sdelay $0x1  }
0x394: {  	s7 =	simm.s32 $0x7C00;
	v3 =	vadd.s32 v1, v3  }
0x395: {  	[tilespmem:s7], [sflag:$0x1] =	stream.indirect_vreg.gather [hbm4b:s4+s2], $0x80, v4, vm0, $0xb8;
	[tilespmem:$0x18400] =	vst v63  }
0x396: {  	s8 =	simm.s32 $0x8400  }
0x397: {  	[tilespmem:s8], [sflag:$0x1] =	stream.indirect_vreg.gather [hbm4b:s5+s2], $0x80, v4, vm1, $0xb8;
	[tilespmem:$0x18400] =	vst v63  }
0x398: {  	s9 =	simm.s32 $0x8800  }
0x399: {  	[tilespmem:s9], [sflag:$0x1] =	stream.indirect_vreg.gather [hbm4b:s4+s2], $0x80, v3, vm0, $0xb8;
	[tilespmem:$0x18400] =	vst v63  }
0x39a: {  	s9 =	simm.s32 $0x9000  }
0x39b: {  	[tilespmem:s9], [sflag:$0x1] =	stream.indirect_vreg.gather [hbm4b:s5+s2], $0x80, v3, vm1, $0xb8;
	[tilespmem:$0x18400] =	vst v63  }
0x39c: {  	v3 =	vld [tilespmem:$0x360];
	_ =	sdelay $0x4  }
0x39d: {  	v54 =	vshrl.u32 v3, $0x3  }
0x39e: {  	v4 =	vmul.u32 $0x18, v54  }
0x39f: {  	v3 =	vand.u32 $0x7, v3  }
0x3a0: {  	v3 =	vor.u32 v3, v4  }
0x3a1: {  	v4 =	vperm.xlane v3, v0;
	_ =	sdelay $0x1  }
0x3a2: {  	v4 =	vadd.s32 v1, v4;
	_ =	sdelay $0x1  }
0x3a3: {  	v3 =	vperm.xlane v3, v2;
	_ =	sdelay $0x1  }
0x3a4: {  	s10 =	simm.s32 $0x9400;
	v3 =	vadd.s32 v1, v3  }
0x3a5: {  	[tilespmem:s10], [sflag:$0x1] =	stream.indirect_vreg.gather [hbm4b:s4+s2], $0x80, v4, vm0, $0xb8;
	[tilespmem:$0x18400] =	vst v63  }
0x3a6: {  	s11 =	simm.s32 $0x9C00  }
0x3a7: {  	[tilespmem:s11], [sflag:$0x1] =	stream.indirect_vreg.gather [hbm4b:s5+s2], $0x80, v4, vm1, $0xb8;
	[tilespmem:$0x18400] =	vst v63  }
0x3a8: {  	s12 =	simm.s32 $0xA000  }
0x3a9: {  	[tilespmem:s12], [sflag:$0x1] =	stream.indirect_vreg.gather [hbm4b:s4+s2], $0x80, v3, vm0, $0xb8;
	[tilespmem:$0x18400] =	vst v63  }
0x3aa: {  	s11 =	simm.s32 $0xA800  }
0x3ab: {  	[tilespmem:s11], [sflag:$0x1] =	stream.indirect_vreg.gather [hbm4b:s5+s2], $0x80, v3, vm1, $0xb8;
	[tilespmem:$0x18400] =	vst v63  }
0x3ac: {  	v3 =	vld [tilespmem:$0x370];
	_ =	sdelay $0x4  }
0x3ad: {  	v55 =	vshrl.u32 v3, $0x3  }
0x3ae: {  	v4 =	vmul.u32 $0x18, v55  }
0x3af: {  	v3 =	vand.u32 $0x7, v3  }
0x3b0: {  	v3 =	vor.u32 v3, v4  }
0x3b1: {  	v4 =	vperm.xlane v3, v0;
	_ =	sdelay $0x1  }
0x3b2: {  	v4 =	vadd.s32 v1, v4;
	_ =	sdelay $0x1  }
0x3b3: {  	v3 =	vperm.xlane v3, v2;
	_ =	sdelay $0x1  }
0x3b4: {  	s12 =	simm.s32 $0xAC00;
	v3 =	vadd.s32 v1, v3  }
0x3b5: {  	[tilespmem:s12], [sflag:$0x1] =	stream.indirect_vreg.gather [hbm4b:s4+s2], $0x80, v4, vm0, $0xb8;
	[tilespmem:$0x18400] =	vst v63  }
0x3b6: {  	s13 =	simm.s32 $0xB400  }
0x3b7: {  	[tilespmem:s13], [sflag:$0x1] =	stream.indirect_vreg.gather [hbm4b:s5+s2], $0x80, v4, vm1, $0xb8;
	[tilespmem:$0x18400] =	vst v63  }
0x3b8: {  	_ = 	snop  }
0x3b9: {  	[tilespmem:s31], [sflag:$0x1] =	stream.indirect_vreg.gather [hbm4b:s4+s2], $0x80, v3, vm0, $0xb8;
	[tilespmem:$0x18400] =	vst v63  }
0x3ba: {  	s15 =	simm.s32 $0xC000  }
0x3bb: {  	[tilespmem:s15], [sflag:$0x1] =	stream.indirect_vreg.gather [hbm4b:s5+s2], $0x80, v3, vm1, $0xb8;
	[tilespmem:$0x18400] =	vst v63  }
0x3bc: {  	_ =	swait.ge [sflag:s14], $0xC000  }
0x3bd: {  	[sflag:s14] =	ssyncset.done $0x0  }
0x3be: {  	s0 =	simm.s32 $0x400;
	s16 =	rddreg [dreg:$0x8];
	[sflag:s14] =	ssyncadd.s32 $0xFFFF4000  }
0x3bf: {  	[hbm4b:s16+s2] =	stream.linear.scatter [tilespmem:s0], [sflag:$0x3], $0xC000, $0x38;
	[tilespmem:$0x18400] =	vst v63  }
0x3c0: {  	_ =	swait.ge [sflag:s25], $0xC000  }
0x3c1: {  	[sflag:s25] =	ssyncset.done $0x0  }
0x3c2: {  	[sflag:s25] =	ssyncadd.s32 $0xFFFF4000  }
0x3c3: {  	v3 =	vld [tilespmem:$0x380];
	_ =	sdelay $0x4  }
0x3c4: {  	v56 =	vshrl.u32 v3, $0x3  }
0x3c5: {  	v4 =	vmul.u32 $0x18, v56  }
0x3c6: {  	v3 =	vand.u32 $0x7, v3  }
0x3c7: {  	v3 =	vor.u32 v3, v4  }
0x3c8: {  	v4 =	vperm.xlane v3, v0;
	_ =	sdelay $0x1  }
0x3c9: {  	v4 =	vadd.s32 v1, v4;
	_ =	sdelay $0x1  }
0x3ca: {  	v3 =	vperm.xlane v3, v2;
	_ =	sdelay $0x1  }
0x3cb: {  	s1 =	simm.s32 $0xC400;
	v3 =	vadd.s32 v1, v3  }
0x3cc: {  	[tilespmem:s1], [sflag:$0x2] =	stream.indirect_vreg.gather [hbm4b:s4+s2], $0x80, v4, vm0, $0xb8;
	[tilespmem:$0x18400] =	vst v63  }
0x3cd: {  	s17 =	simm.s32 $0xCC00  }
0x3ce: {  	[tilespmem:s17], [sflag:$0x2] =	stream.indirect_vreg.gather [hbm4b:s5+s2], $0x80, v4, vm1, $0xb8;
	[tilespmem:$0x18400] =	vst v63  }
0x3cf: {  	s18 =	simm.s32 $0xD000  }
0x3d0: {  	[tilespmem:s18], [sflag:$0x2] =	stream.indirect_vreg.gather [hbm4b:s4+s2], $0x80, v3, vm0, $0xb8;
	[tilespmem:$0x18400] =	vst v63  }
0x3d1: {  	s19 =	simm.s32 $0xD800  }
0x3d2: {  	[tilespmem:s19], [sflag:$0x2] =	stream.indirect_vreg.gather [hbm4b:s5+s2], $0x80, v3, vm1, $0xb8;
	[tilespmem:$0x18400] =	vst v63  }
0x3d3: {  	v3 =	vld [tilespmem:$0x390];
	_ =	sdelay $0x4  }
0x3d4: {  	v57 =	vshrl.u32 v3, $0x3  }
0x3d5: {  	v4 =	vmul.u32 $0x18, v57  }
0x3d6: {  	v3 =	vand.u32 $0x7, v3  }
0x3d7: {  	v3 =	vor.u32 v3, v4  }
0x3d8: {  	v4 =	vperm.xlane v3, v0;
	_ =	sdelay $0x1  }
0x3d9: {  	v4 =	vadd.s32 v1, v4;
	_ =	sdelay $0x1  }
0x3da: {  	v3 =	vperm.xlane v3, v2;
	_ =	sdelay $0x1  }
0x3db: {  	s20 =	simm.s32 $0xDC00;
	v3 =	vadd.s32 v1, v3  }
0x3dc: {  	[tilespmem:s20], [sflag:$0x2] =	stream.indirect_vreg.gather [hbm4b:s4+s2], $0x80, v4, vm0, $0xb8;
	[tilespmem:$0x18400] =	vst v63  }
0x3dd: {  	s21 =	simm.s32 $0xE400  }
0x3de: {  	[tilespmem:s21], [sflag:$0x2] =	stream.indirect_vreg.gather [hbm4b:s5+s2], $0x80, v4, vm1, $0xb8;
	[tilespmem:$0x18400] =	vst v63  }
0x3df: {  	s22 =	simm.s32 $0xE800  }
0x3e0: {  	[tilespmem:s22], [sflag:$0x2] =	stream.indirect_vreg.gather [hbm4b:s4+s2], $0x80, v3, vm0, $0xb8;
	[tilespmem:$0x18400] =	vst v63  }
0x3e1: {  	s26 =	simm.s32 $0xF000  }
0x3e2: {  	[tilespmem:s26], [sflag:$0x2] =	stream.indirect_vreg.gather [hbm4b:s5+s2], $0x80, v3, vm1, $0xb8;
	[tilespmem:$0x18400] =	vst v63  }
0x3e3: {  	v3 =	vld [tilespmem:$0x3A0];
	_ =	sdelay $0x4  }
0x3e4: {  	v58 =	vshrl.u32 v3, $0x3  }
0x3e5: {  	v4 =	vmul.u32 $0x18, v58  }
0x3e6: {  	v3 =	vand.u32 $0x7, v3  }
0x3e7: {  	v3 =	vor.u32 v3, v4  }
0x3e8: {  	v4 =	vperm.xlane v3, v0;
	_ =	sdelay $0x1  }
0x3e9: {  	v4 =	vadd.s32 v1, v4;
	_ =	sdelay $0x1  }
0x3ea: {  	v3 =	vperm.xlane v3, v2;
	_ =	sdelay $0x1  }
0x3eb: {  	s28 =	simm.s32 $0xF400;
	v3 =	vadd.s32 v1, v3  }
0x3ec: {  	[tilespmem:s28], [sflag:$0x2] =	stream.indirect_vreg.gather [hbm4b:s4+s2], $0x80, v4, vm0, $0xb8;
	[tilespmem:$0x18400] =	vst v63  }
0x3ed: {  	s29 =	simm.s32 $0xFC00  }
0x3ee: {  	[tilespmem:s29], [sflag:$0x2] =	stream.indirect_vreg.gather [hbm4b:s5+s2], $0x80, v4, vm1, $0xb8;
	[tilespmem:$0x18400] =	vst v63  }
0x3ef: {  	s30 =	simm.s32 $0x10000  }
0x3f0: {  	[tilespmem:s30], [sflag:$0x2] =	stream.indirect_vreg.gather [hbm4b:s4+s2], $0x80, v3, vm0, $0xb8;
	[tilespmem:$0x18400] =	vst v63  }
0x3f1: {  	s31 =	simm.s32 $0x10800  }
0x3f2: {  	[tilespmem:s31], [sflag:$0x2] =	stream.indirect_vreg.gather [hbm4b:s5+s2], $0x80, v3, vm1, $0xb8;
	[tilespmem:$0x18400] =	vst v63  }
0x3f3: {  	v3 =	vld [tilespmem:$0x3B0];
	_ =	sdelay $0x4  }
0x3f4: {  	v59 =	vshrl.u32 v3, $0x3  }
0x3f5: {  	v4 =	vmul.u32 $0x18, v59  }
0x3f6: {  	v3 =	vand.u32 $0x7, v3  }
0x3f7: {  	v3 =	vor.u32 v3, v4  }
0x3f8: {  	v4 =	vperm.xlane v3, v0;
	_ =	sdelay $0x1  }
0x3f9: {  	v4 =	vadd.s32 v1, v4;
	_ =	sdelay $0x1  }
0x3fa: {  	v3 =	vperm.xlane v3, v2;
	_ =	sdelay $0x1  }
0x3fb: {  	s3 =	simm.s32 $0x10C00;
	v3 =	vadd.s32 v1, v3  }
0x3fc: {  	[tilespmem:s3], [sflag:$0x2] =	stream.indirect_vreg.gather [hbm4b:s4+s2], $0x80, v4, vm0, $0xb8;
	[tilespmem:$0x18400] =	vst v63  }
0x3fd: {  	s7 =	simm.s32 $0x11400  }
0x3fe: {  	[tilespmem:s7], [sflag:$0x2] =	stream.indirect_vreg.gather [hbm4b:s5+s2], $0x80, v4, vm1, $0xb8;
	[tilespmem:$0x18400] =	vst v63  }
0x3ff: {  	s8 =	simm.s32 $0x11800  }
0x400: {  	[tilespmem:s8], [sflag:$0x2] =	stream.indirect_vreg.gather [hbm4b:s4+s2], $0x80, v3, vm0, $0xb8;
	[tilespmem:$0x18400] =	vst v63  }
0x401: {  	s9 =	simm.s32 $0x12000  }
0x402: {  	[tilespmem:s9], [sflag:$0x2] =	stream.indirect_vreg.gather [hbm4b:s5+s2], $0x80, v3, vm1, $0xb8;
	[tilespmem:$0x18400] =	vst v63  }
0x403: {  	v3 =	vld [tilespmem:$0x3C0];
	_ =	sdelay $0x4  }
0x404: {  	v60 =	vshrl.u32 v3, $0x3  }
0x405: {  	v4 =	vmul.u32 $0x18, v60  }
0x406: {  	v3 =	vand.u32 $0x7, v3  }
0x407: {  	v3 =	vor.u32 v3, v4  }
0x408: {  	v4 =	vperm.xlane v3, v0;
	_ =	sdelay $0x1  }
0x409: {  	v4 =	vadd.s32 v1, v4;
	_ =	sdelay $0x1  }
0x40a: {  	v3 =	vperm.xlane v3, v2;
	_ =	sdelay $0x1  }
0x40b: {  	s10 =	simm.s32 $0x12400;
	v3 =	vadd.s32 v1, v3  }
0x40c: {  	[tilespmem:s10], [sflag:$0x2] =	stream.indirect_vreg.gather [hbm4b:s4+s2], $0x80, v4, vm0, $0xb8;
	[tilespmem:$0x18400] =	vst v63  }
0x40d: {  	s11 =	simm.s32 $0x12C00  }
0x40e: {  	[tilespmem:s11], [sflag:$0x2] =	stream.indirect_vreg.gather [hbm4b:s5+s2], $0x80, v4, vm1, $0xb8;
	[tilespmem:$0x18400] =	vst v63  }
0x40f: {  	s12 =	simm.s32 $0x13000  }
0x410: {  	[tilespmem:s12], [sflag:$0x2] =	stream.indirect_vreg.gather [hbm4b:s4+s2], $0x80, v3, vm0, $0xb8;
	[tilespmem:$0x18400] =	vst v63  }
0x411: {  	s13 =	simm.s32 $0x13800  }
0x412: {  	[tilespmem:s13], [sflag:$0x2] =	stream.indirect_vreg.gather [hbm4b:s5+s2], $0x80, v3, vm1, $0xb8;
	[tilespmem:$0x18400] =	vst v63  }
0x413: {  	v3 =	vld [tilespmem:$0x3D0];
	_ =	sdelay $0x4  }
0x414: {  	v61 =	vshrl.u32 v3, $0x3  }
0x415: {  	v4 =	vmul.u32 $0x18, v61  }
0x416: {  	v3 =	vand.u32 $0x7, v3  }
0x417: {  	v3 =	vor.u32 v3, v4  }
0x418: {  	v4 =	vperm.xlane v3, v0;
	_ =	sdelay $0x1  }
0x419: {  	v4 =	vadd.s32 v1, v4;
	_ =	sdelay $0x1  }
0x41a: {  	v3 =	vperm.xlane v3, v2;
	_ =	sdelay $0x1  }
0x41b: {  	s15 =	simm.s32 $0x13C00;
	v3 =	vadd.s32 v1, v3  }
0x41c: {  	[tilespmem:s15], [sflag:$0x2] =	stream.indirect_vreg.gather [hbm4b:s4+s2], $0x80, v4, vm0, $0xb8;
	[tilespmem:$0x18400] =	vst v63  }
0x41d: {  	s16 =	simm.s32 $0x14400  }
0x41e: {  	[tilespmem:s16], [sflag:$0x2] =	stream.indirect_vreg.gather [hbm4b:s5+s2], $0x80, v4, vm1, $0xb8;
	[tilespmem:$0x18400] =	vst v63  }
0x41f: {  	s17 =	simm.s32 $0x14800  }
0x420: {  	[tilespmem:s17], [sflag:$0x2] =	stream.indirect_vreg.gather [hbm4b:s4+s2], $0x80, v3, vm0, $0xb8;
	[tilespmem:$0x18400] =	vst v63  }
0x421: {  	s18 =	simm.s32 $0x15000  }
0x422: {  	[tilespmem:s18], [sflag:$0x2] =	stream.indirect_vreg.gather [hbm4b:s5+s2], $0x80, v3, vm1, $0xb8;
	[tilespmem:$0x18400] =	vst v63  }
0x423: {  	v3 =	vld [tilespmem:$0x3E0];
	_ =	sdelay $0x4  }
0x424: {  	v62 =	vshrl.u32 v3, $0x3  }
0x425: {  	v4 =	vmul.u32 $0x18, v62  }
0x426: {  	v3 =	vand.u32 $0x7, v3  }
0x427: {  	v3 =	vor.u32 v3, v4  }
0x428: {  	v4 =	vperm.xlane v3, v0;
	_ =	sdelay $0x1  }
0x429: {  	v4 =	vadd.s32 v1, v4;
	_ =	sdelay $0x1  }
0x42a: {  	v3 =	vperm.xlane v3, v2;
	_ =	sdelay $0x1  }
0x42b: {  	s19 =	simm.s32 $0x15400;
	v3 =	vadd.s32 v1, v3  }
0x42c: {  	[tilespmem:s19], [sflag:$0x2] =	stream.indirect_vreg.gather [hbm4b:s4+s2], $0x80, v4, vm0, $0xb8;
	[tilespmem:$0x18400] =	vst v63  }
0x42d: {  	s20 =	simm.s32 $0x15C00  }
0x42e: {  	[tilespmem:s20], [sflag:$0x2] =	stream.indirect_vreg.gather [hbm4b:s5+s2], $0x80, v4, vm1, $0xb8;
	[tilespmem:$0x18400] =	vst v63  }
0x42f: {  	s21 =	simm.s32 $0x16000  }
0x430: {  	[tilespmem:s21], [sflag:$0x2] =	stream.indirect_vreg.gather [hbm4b:s4+s2], $0x80, v3, vm0, $0xb8;
	[tilespmem:$0x18400] =	vst v63  }
0x431: {  	s22 =	simm.s32 $0x16800  }
0x432: {  	[tilespmem:s22], [sflag:$0x2] =	stream.indirect_vreg.gather [hbm4b:s5+s2], $0x80, v3, vm1, $0xb8;
	[tilespmem:$0x18400] =	vst v63  }
0x433: {  	v3 =	vld [tilespmem:$0x3F0];
	_ =	sdelay $0x4  }
0x434: {  	v63 =	vshrl.u32 v3, $0x3  }
0x435: {  	v4 =	vmul.u32 $0x18, v63  }
0x436: {  	v3 =	vand.u32 $0x7, v3  }
0x437: {  	v3 =	vor.u32 v3, v4  }
0x438: {  	v4 =	vperm.xlane v3, v0;
	_ =	sdelay $0x1  }
0x439: {  	v4 =	vadd.s32 v1, v4;
	_ =	sdelay $0x1  }
0x43a: {  	v3 =	vperm.xlane v3, v2;
	_ =	sdelay $0x1  }
0x43b: {  	s26 =	simm.s32 $0x16C00;
	v3 =	vadd.s32 v1, v3  }
0x43c: {  	[tilespmem:s26], [sflag:$0x2] =	stream.indirect_vreg.gather [hbm4b:s4+s2], $0x80, v4, vm0, $0xb8;
	[tilespmem:$0x18400] =	vst v63  }
0x43d: {  	s28 =	simm.s32 $0x17400  }
0x43e: {  	[tilespmem:s28], [sflag:$0x2] =	stream.indirect_vreg.gather [hbm4b:s5+s2], $0x80, v4, vm1, $0xb8;
	[tilespmem:$0x18400] =	vst v63  }
0x43f: {  	s29 =	simm.s32 $0x17800  }
0x440: {  	[tilespmem:s29], [sflag:$0x2] =	stream.indirect_vreg.gather [hbm4b:s4+s2], $0x80, v3, vm0, $0xb8;
	[tilespmem:$0x18400] =	vst v63  }
0x441: {  	s30 =	simm.s32 $0x18000  }
0x442: {  	[tilespmem:s30], [sflag:$0x2] =	stream.indirect_vreg.gather [hbm4b:s5+s2], $0x80, v3, vm1, $0xb8;
	[tilespmem:$0x18400] =	vst v63  }
0x443: {  	_ =	swait.ge [sflag:s23], $0xC000  }
0x444: {  	[sflag:s23] =	ssyncset.done $0x0  }
0x445: {  	s31 =	rddreg [dreg:$0x9];
	[sflag:s23] =	ssyncadd.s32 $0xFFFF4000  }
0x446: {  	[hbm4b:s31+s2] =	stream.linear.scatter [tilespmem:s1], [sflag:$0x4], $0xC000, $0x38;
	[tilespmem:$0x18400] =	vst v63  }
0x447: {  	p0 =	sne.s32 s6, $0x1;
	_ =	swait.ge [sflag:s24], $0xC000  }
.Ltmp0:
0x448: {  	[sflag:s24] =	ssyncset.done $0x0;
	(pc) =	sbr.rel @p0 .LBB2_1-.Ltmp0, $4  }
0x449: {  	[sflag:s24] =	ssyncadd.s32 $0xFFFF4000  }
0x44a: {  	_ =	swait.ge [sflag:s25], $0xC000  }
0x44b: {  	[sflag:s25] =	ssyncset.done $0x0  }
0x44c: {  	s6 =	sadd.s32 $0xFFFFFFFF, s6;
	[sflag:s25] =	ssyncadd.s32 $0xFFFF4000  }
0x44d: {  	_ =	sfence.sel $0x180000  }
0x44e: {  	[bflag:$0x0] =	sbarrier.arrive $0xFFFF  }
0x44f: {  	_ =	strace $0x9000004A  }
0x450: {  	s0 =	stileid.u32;
	[bflag:$0x2] =	sbarrier.arrive $0xFFFF  }
0x451: {  	p0 =	sne.s32 s0, $0x0;
	s0 =	rddreg [dreg:$0x1]  }
0x452: {  	s0 =	sadd.s32 @!p0 $0x100000, s0  }
0x453: {  	[sflag:s0] =	ssyncadd.tile.s32 @!p0 $0x1;
	_ =	shalt  }
.Lfunc_end2:
_tile_overlayer_lowered:
.L_overlay_start_2:
0x454: {  	(tag) =	ssettag $0x2  }
0x455: {  	s0 =	rddreg [dreg:$0x0];
	s2 =	stileid.u32  }
0x456: {  	s1 =	rddreg [dreg:$0x1];
	p0 =	sne.s32 s2, $0x0  }
0x457: {  	s3 =	rddreg [dreg:$0x2];
	[bflag:$0x3] =	sbarrier.arrive $0xFFFF;
	s2 =	simm.s32 @!p0 $0x1C05  }
0x458: {  	[timem:s3], [sflag:s2] =	dma.local @!p0 [hbm:s0], s1  }
0x459: {  	s0 =	simm.s32 @!p0 $0x5  }
0x45a: {  	_ =	swait.ge @!p0 [sflag:s0], s1  }
0x45b: {  	s1 =	ssub.s32 @!p0 $0x0, s1;
	[sflag:s0] =	ssyncset.done @!p0 $0x0  }
0x45c: {  	[sflag:s0] =	ssyncadd.s32 @!p0 s1  }
0x45d: {  	[bflag:$0x3] =	sbarrier.arrive $0xFFFF  }
0x45e: {  	_ =	shalt  }

</sc_bundles>
